<compile_context>
chip_gen: v7x
topology: tpu7x:2x2x1
jax: 0.10.2.dev20260603
libtpu: 0.0.44.dev20260713+nightly
codegen_flags: <defaults>
</compile_context>

<pallas_src>
import functools

import jax
import jax.numpy as jnp
import numpy as np
from jax import lax
from jax.experimental import pallas as pl
from jax.experimental.pallas import tpu as pltpu
from jax.experimental.pallas import tpu_sc as plsc

B, N, C = 4, 8192, 768
HID = 128
NUM_KEEP = 5734

NC, NS = 2, 16
NW = NC * NS
KPAD = 5760
PER_W = (B * KPAD) // NW
GCHUNK = 48
NGC = PER_W // GCHUNK
SCHUNK = PER_W // 16

_MININT = np.int32(-2**31)
_BITVALS = [np.int32(np.uint32(1 << i)) for i in range(31, -1, -1)]



def _scores_body(tok_ref, w1t_ref, b1_ref, w2t_ref, b2_ref, out_ref):
    x = tok_ref[...]
    h = jnp.dot(x, w1t_ref[...], preferred_element_type=jnp.float32)
    h = h + b1_ref[...]
    h = 0.5 * h * (1.0 + lax.erf(h * np.float32(0.7071067811865476)))
    s = jnp.dot(h, w2t_ref[...], preferred_element_type=jnp.float32)
    s = s + b2_ref[...]
    out_ref[...] = s.reshape(out_ref.shape)


def _scores(tokens_flat, W1, b1, W2, b2):
    blk = 4096
    grid = (tokens_flat.shape[0] // blk,)
    return pl.pallas_call(
        _scores_body,
        grid=grid,
        in_specs=[
            pl.BlockSpec((blk, C), lambda i: (i, 0)),
            pl.BlockSpec((C, HID), lambda i: (0, 0)),
            pl.BlockSpec((1, HID), lambda i: (0, 0)),
            pl.BlockSpec((HID, 1), lambda i: (0, 0)),
            pl.BlockSpec((1, 1), lambda i: (0, 0)),
        ],
        out_specs=pl.BlockSpec((blk // 128, 128), lambda i: (i, 0)),
        out_shape=jax.ShapeDtypeStruct((256, 128), jnp.float32),
    )(tokens_flat, W1.T, b1.reshape(1, HID), W2.T, b2.reshape(1, 1))



def _cumsum_2d(m):
    hi = lax.broadcasted_iota(jnp.int32, (128, 128), 0)
    wi = lax.broadcasted_iota(jnp.int32, (128, 128), 1)
    upper = (hi <= wi).astype(jnp.float32)
    incl_row = jnp.dot(m, upper, precision=lax.Precision.HIGHEST,
                       preferred_element_type=jnp.float32)
    rowtot = jnp.broadcast_to(incl_row[:, 127:128], (64, 128))
    ri = lax.broadcasted_iota(jnp.int32, (64, 64), 0)
    ci = lax.broadcasted_iota(jnp.int32, (64, 64), 1)
    strict = (ci < ri).astype(jnp.float32)
    rowoff = jnp.dot(strict, rowtot, precision=lax.Precision.HIGHEST,
                     preferred_element_type=jnp.float32)
    return incl_row + rowoff


def _select_body(s_ref, cum_ref):
    s = s_ref[...]
    bits = lax.bitcast_convert_type(s, jnp.int32)
    key = bits ^ (lax.shift_right_arithmetic(bits, 31) & np.int32(0x7FFFFFFF))
    for b in range(B):
        w = key[b * 64:(b + 1) * 64, :]
        t_u = jnp.int32(0)
        for bv in _BITVALS:
            cand_u = t_u | bv
            cand_s = cand_u ^ _MININT
            cnt = jnp.sum((w >= cand_s).astype(jnp.int32))
            t_u = jnp.where(cnt >= NUM_KEEP, cand_u, t_u)
        t_s = t_u ^ _MININT
        gt = (w > t_s)
        eq = (w == t_s)
        cnt_gt = jnp.sum(gt.astype(jnp.int32))
        r = (NUM_KEEP - cnt_gt).astype(jnp.float32)
        eq_f = eq.astype(jnp.float32)
        tie_exc = _cumsum_2d(eq_f) - eq_f
        mask = jnp.logical_or(gt, jnp.logical_and(eq, tie_exc < r))
        cum = _cumsum_2d(mask.astype(jnp.float32))
        cum_ref[b * 64:(b + 1) * 64, :] = cum.astype(jnp.int32)


def _select(scores_2d):
    return pl.pallas_call(
        _select_body,
        in_specs=[pl.BlockSpec((256, 128), lambda: (0, 0))],
        out_specs=pl.BlockSpec((256, 128), lambda: (0, 0)),
        out_shape=jax.ShapeDtypeStruct((256, 128), jnp.int32),
    )(scores_2d)



def _sc_body(cum_hbm, tok_hbm, rows_out, idx_out,
             cum_v, idx_v, gidx_v, oidx_v, rows_v, rows_v2,
             gsem, gsem2, ssem, ssem2):
    wid = lax.axis_index("s") * NC + lax.axis_index("c")
    b = wid // 8
    j = wid % 8
    pbase = j * PER_W
    rbase = jnp.where(j == 7, NUM_KEEP - PER_W, pbase)
    pltpu.sync_copy(cum_hbm.at[pl.ds(pl.multiple_of(b * N, 8), N)], cum_v)

    def make_search(base, out_ref, off):
        def search(ci, _):
            target = base + ci * 16 + lax.iota(jnp.int32, 16) + 1
            lb = jnp.zeros((16,), jnp.int32)
            for step in (4096, 2048, 1024, 512, 256, 128, 64, 32, 16, 8, 4,
                         2, 1):
                probe = lb + (step - 1)
                v = plsc.load_gather(cum_v, [probe])
                lb = lb + jnp.where(v < target, step, 0)
            out_ref[pl.ds(ci * 16, 16)] = lb + off
            return 0
        return search

    lax.fori_loop(0, SCHUNK, make_search(pbase, idx_v, 0), 0)
    pltpu.sync_copy(idx_v, idx_out.at[pl.ds(pl.multiple_of(wid * PER_W, 8),
                                            PER_W)])

    @pl.when(j < 7)
    def _():
        def cp(ci, _):
            gidx_v[pl.ds(ci * 16, 16)] = idx_v[pl.ds(ci * 16, 16)] + b * N
            return 0
        lax.fori_loop(0, SCHUNK, cp, 0)

    @pl.when(j == 7)
    def _():
        lax.fori_loop(0, SCHUNK,
                      make_search(NUM_KEEP - PER_W, gidx_v, b * N), 0)

    slab = rows_out.at[b]
    for c in range(NGC):
        for t in range(GCHUNK // 16):
            oidx_v[c, pl.ds(t * 16, 16)] = (
                rbase + c * GCHUNK + t * 16 + lax.iota(jnp.int32, 16))

    bufs = (rows_v, rows_v2)
    gsems = (gsem, gsem2)
    ssems = (ssem, ssem2)

    def fire_g(c):
        idx_slice = gidx_v.at[pl.ds(c * GCHUNK, GCHUNK)]
        return pltpu.async_copy(tok_hbm.at[idx_slice], bufs[c % 2],
                                gsems[c % 2])

    def fire_s(c):
        return pltpu.async_copy(bufs[c % 2], slab.at[oidx_v.at[c]],
                                ssems[c % 2])

    hg = [None] * NGC
    hs = [None] * NGC
    hg[0] = fire_g(0)
    for c in range(NGC):
        hg[c].wait()
        if c + 1 < NGC:
            if c >= 1:
                hs[c - 1].wait()
            hg[c + 1] = fire_g(c + 1)
        hs[c] = fire_s(c)
    hs[NGC - 2].wait()
    hs[NGC - 1].wait()


def _sc_gather(cum_flat, tokens_flat):
    mesh = plsc.VectorSubcoreMesh(core_axis_name="c", subcore_axis_name="s",
                                  num_cores=NC, num_subcores=NS)
    f = pl.kernel(
        _sc_body,
        out_type=(
            jax.ShapeDtypeStruct((B, NUM_KEEP, C), jnp.float32),
            jax.ShapeDtypeStruct((B * KPAD,), jnp.int32),
        ),
        mesh=mesh,
        compiler_params=pltpu.CompilerParams(needs_layout_passes=False),
        scratch_types=[
            pltpu.VMEM((N,), jnp.int32),
            pltpu.VMEM((PER_W,), jnp.int32),
            pltpu.VMEM((PER_W,), jnp.int32),
            pltpu.VMEM((NGC, GCHUNK), jnp.int32),
            pltpu.VMEM((GCHUNK, C), jnp.float32),
            pltpu.VMEM((GCHUNK, C), jnp.float32),
            pltpu.SemaphoreType.DMA,
            pltpu.SemaphoreType.DMA,
            pltpu.SemaphoreType.DMA,
            pltpu.SemaphoreType.DMA,
        ],
    )
    return f(cum_flat, tokens_flat)



def kernel(tokens, spatial_shape, W1, b1, W2, b2):
    tokens_flat = tokens.reshape(B * N, C)
    scores = _scores(tokens_flat, W1, b1, W2, b2)
    cum = _select(scores)
    rows, idx = _sc_gather(cum.reshape(B * N), tokens_flat)
    top_idx = idx.reshape(B, KPAD)[:, :NUM_KEEP]
    return rows, top_idx

# --- scband reference (transcript-rebuilt; emitter-appended) ---
"""Pipeline reference for scband-token-pruner-87582973100606 (READ-ONLY COPY).

The authoritative reference and input builder live on the scoring server;
editing this copy changes nothing except your own understanding.
"""

import jax, jax.numpy as jnp
import numpy as np

B, N, C = 4, 8192, 768
HID = 128
KEEP_RATIO = 0.7
MIN_TOKENS = 100
NUM_KEEP = max(MIN_TOKENS, int(N * KEEP_RATIO))  # 5734


def setup_inputs(seed: int = 0) -> dict:
    key = jax.random.key(seed)
    ks = jax.random.split(key, 4)
    tokens = jax.random.normal(ks[0], (B, N, C), dtype=jnp.float32)
    spatial_shape = jnp.array([64, 128], dtype=jnp.int32)  # (H, W); unused by forward math
    # LearnableImportancePredictor params (torch Linear: y = x @ W.T + b)
    limit1 = float(np.sqrt(6.0 / (C + HID)))
    W1 = jax.random.uniform(ks[1], (HID, C), minval=-limit1, maxval=limit1, dtype=jnp.float32)
    b1 = jnp.zeros((HID,), dtype=jnp.float32)
    limit2 = float(np.sqrt(6.0 / (HID + 1)))
    W2 = jax.random.uniform(ks[2], (1, HID), minval=-limit2, maxval=limit2, dtype=jnp.float32)
    b2 = jnp.zeros((1,), dtype=jnp.float32)
    return {"tokens": tokens, "spatial_shape": spatial_shape, "W1": W1, "b1": b1, "W2": W2, "b2": b2}


def reference(tokens, spatial_shape, W1, b1, W2, b2):
    # importance predictor (eval mode: dropout is identity); torch nn.GELU default = exact erf
    h = jnp.dot(tokens, W1.T) + b1
    h = jax.nn.gelu(h, approximate=False)
    importance_scores = (jnp.dot(h, W2.T) + b2)[..., 0]  # [B, N]
    # adaptive=True: softmax then topk (softmax is monotone, indices match scores topk)
    importance_probs = jax.nn.softmax(importance_scores, axis=-1)
    _, top_indices = jax.lax.top_k(importance_probs, NUM_KEEP)
    top_indices_sorted = jnp.sort(top_indices, axis=-1)  # [B, NUM_KEEP]
    pruned_tokens = jnp.take_along_axis(tokens, top_indices_sorted[..., None], axis=1)  # [B, NUM_KEEP, C]
    return pruned_tokens, top_indices_sorted

if __name__ == "__main__":
    import jax
    _d = setup_inputs()
    print(jax.jit(kernel)(*tuple(_d.values())))

</pallas_src>

<mosaic_0001>
#map = affine_map<(d0, d1) -> (0)>
#map1 = affine_map<(d0, d1) -> (0, 0)>
#map2 = affine_map<(d0, d1) -> (0, 0, 0)>
module attributes {stable_mosaic.version = 14 : i64} {
  func.func @_sc_body(%arg0: i32, %arg1: i32, %arg2: memref<32768xi32, #tpu.memory_space<hbm>>, %arg3: memref<32768x768xf32, #tpu.memory_space<hbm>>, %arg4: memref<4x5734x768xf32, #tpu.memory_space<hbm>>, %arg5: memref<23040xi32, #tpu.memory_space<hbm>>, %arg6: memref<8192xi32, #tpu.memory_space<vmem>>, %arg7: memref<720xi32, #tpu.memory_space<vmem>>, %arg8: memref<720xi32, #tpu.memory_space<vmem>>, %arg9: memref<15x48xi32, #tpu.memory_space<vmem>>, %arg10: memref<48x768xf32, #tpu.memory_space<vmem>>, %arg11: memref<48x768xf32, #tpu.memory_space<vmem>>, %arg12: memref<!tpu.dma_semaphore, #tpu.memory_space<semaphore_mem>>, %arg13: memref<!tpu.dma_semaphore, #tpu.memory_space<semaphore_mem>>, %arg14: memref<!tpu.dma_semaphore, #tpu.memory_space<semaphore_mem>>, %arg15: memref<!tpu.dma_semaphore, #tpu.memory_space<semaphore_mem>>) attributes {dimension_semantics = [#tpu.dimension_semantics<core_parallel>, #tpu.dimension_semantics<subcore_parallel>], iteration_bounds = array<i64: 2, 16>, scalar_prefetch = 0 : i64, scratch_operands = 10 : i64, tpu.core_type = #tpu.core_type<sc_vector_subcore>, window_params = [{transform_indices = #map}, {transform_indices = #map1}, {transform_indices = #map2}, {transform_indices = #map}]} {
    %mul3A = arith.constant 2 : i32
    %mul3A_0 = arith.muli %arg1, %mul3A : i32
    %add3A = arith.addi %mul3A_0, %arg0 : i32
    %jit3A = arith.constant 8 : i32
    %div3A = arith.divsi %add3A, %jit3A : i32
    %sign3A = arith.constant 0 : i32
    %sign3A_1 = arith.cmpi sgt, %add3A, %sign3A : i32
    %sign3A_2 = arith.extui %sign3A_1 : i1 to i32
    %sign3A_3 = arith.constant 0 : i32
    %sign3A_4 = arith.cmpi slt, %add3A, %sign3A_3 : i32
    %sign3A_5 = arith.extui %sign3A_4 : i1 to i32
    %sign3A_6 = arith.subi %sign3A_2, %sign3A_5 : i32
    %sign3A_7 = arith.constant 0 : i32
    %sign3A_8 = arith.cmpi sgt, %jit3A, %sign3A_7 : i32
    %sign3A_9 = arith.extui %sign3A_8 : i1 to i32
    %sign3A_10 = arith.constant 0 : i32
    %sign3A_11 = arith.cmpi slt, %jit3A, %sign3A_10 : i32
    %sign3A_12 = arith.extui %sign3A_11 : i1 to i32
    %sign3A_13 = arith.subi %sign3A_9, %sign3A_12 : i32
    %ne3A = arith.cmpi ne, %sign3A_6, %sign3A_13 : i32
    %rem3A = arith.remsi %add3A, %jit3A : i32
    %ne3A_14 = arith.constant 0 : i32
    %ne3A_15 = arith.cmpi ne, %rem3A, %ne3A_14 : i32
    %and3A = arith.andi %ne3A, %ne3A_15 : i1
    %sub3A = arith.constant 1 : i32
    %sub3A_16 = arith.subi %div3A, %sub3A : i32
    %select_n3A = arith.select %and3A, %sub3A_16, %div3A : i32
    %jit3A_17 = arith.constant 8 : i32
    %eq3A = arith.constant 0 : i32
    %eq3A_18 = arith.cmpi eq, %jit3A_17, %eq3A : i32
    %jit3A_19 = arith.constant 1 : i32
    %select_n3A_20 = arith.select %eq3A_18, %jit3A_19, %jit3A_17 : i32
    %rem3A_21 = arith.remsi %add3A, %select_n3A_20 : i32
    %ne3A_22 = arith.constant 0 : i32
    %ne3A_23 = arith.cmpi ne, %rem3A_21, %ne3A_22 : i32
    %lt3A = arith.constant 0 : i32
    %lt3A_24 = arith.cmpi slt, %rem3A_21, %lt3A : i32
    %lt3A_25 = arith.constant 0 : i32
    %lt3A_26 = arith.cmpi slt, %select_n3A_20, %lt3A_25 : i32
    %ne3A_27 = arith.xori %lt3A_24, %lt3A_26 : i1
    %and3A_28 = arith.andi %ne3A_27, %ne3A_23 : i1
    %add3A_29 = arith.addi %rem3A_21, %select_n3A_20 : i32
    %select_n3A_30 = arith.select %and3A_28, %add3A_29, %rem3A_21 : i32
    %mul3A_31 = arith.constant 720 : i32
    %mul3A_32 = arith.muli %select_n3A_30, %mul3A_31 : i32
    %eq3A_33 = arith.constant 7 : i32
    %eq3A_34 = arith.cmpi eq, %select_n3A_30, %eq3A_33 : i32
    %jit3A_35 = arith.constant 5014 : i32
    %select_n3A_36 = arith.select %eq3A_34, %jit3A_35, %mul3A_32 : i32
    %mul3A_37 = arith.constant 8192 : i32
    %mul3A_38 = arith.muli %select_n3A, %mul3A_37 : i32
    %multiple_of3A = tpu.assume_multiple %mul3A_38, 8 : i32
    "tpu.region"() ({
      %run_scoped3A = tpu.sem_alloc : memref<!tpu.dma_semaphore, #tpu.memory_space<semaphore_mem>>
      %dma_start3A_1027 = tpu.memref_slice %arg2[%multiple_of3A] : memref<32768xi32, #tpu.memory_space<hbm>> -> memref<8192xi32, #tpu.memory_space<hbm>>
      %dma_start3A_1028 = tpu.memref_slice %arg2[%multiple_of3A] : memref<32768xi32, #tpu.memory_space<hbm>> -> memref<8192xi32, #tpu.memory_space<hbm>>
      tpu.enqueue_dma source(%dma_start3A_1028 : memref<8192xi32, #tpu.memory_space<hbm>>) target(%arg6 : memref<8192xi32, #tpu.memory_space<vmem>>) target_semaphore(%run_scoped3A : memref<!tpu.dma_semaphore, #tpu.memory_space<semaphore_mem>>)
      %dma_wait3A_1029 = tpu.memref_slice %arg2[%multiple_of3A] : memref<32768xi32, #tpu.memory_space<hbm>> -> memref<8192xi32, #tpu.memory_space<hbm>>
      %dma_wait3A_1030 = tpu.memref_slice %arg2[%multiple_of3A] : memref<32768xi32, #tpu.memory_space<hbm>> -> memref<8192xi32, #tpu.memory_space<hbm>>
      tpu.wait_dma2 semaphore(%run_scoped3A : memref<!tpu.dma_semaphore, #tpu.memory_space<semaphore_mem>>) src(%dma_wait3A_1030 : memref<8192xi32, #tpu.memory_space<hbm>>) dst(%arg6 : memref<8192xi32, #tpu.memory_space<vmem>>)
      tpu.yield
    }) : () -> ()
    %scan3A = arith.constant 0 : i32
    %scan3A_39 = arith.constant 0 : i32
    %scan3A_40 = arith.constant 45 : i32
    %scan3A_41 = arith.addi %scan3A_39, %scan3A_40 : i32
    %scan3A_42 = arith.constant 1 : i32
    %scan3A_43 = scf.for %scan3A_1027 = %scan3A_39 to %scan3A_41 step %scan3A_42 iter_args(%scan3A_1028 = %scan3A) -> (i32)  : i32 {
      %mul3A_1029 = arith.constant 16 : i32
      %mul3A_1030 = arith.muli %scan3A_1027, %mul3A_1029 : i32
      %add3A_1031 = arith.addi %mul3A_32, %mul3A_1030 : i32
      %iota3A_1032 = tpu.iota {dimensions = array<i32: 0>} : vector<16xi32>
      %add3A_1033 = vector.broadcast %add3A_1031 : i32 to vector<16xi32>
      %add3A_1034 = arith.addi %add3A_1033, %iota3A_1032 : vector<16xi32>
      %add3A_1035 = arith.constant 1 : i32
      %add3A_1036 = vector.broadcast %add3A_1035 : i32 to vector<16xi32>
      %add3A_1037 = arith.addi %add3A_1034, %add3A_1036 : vector<16xi32>
      %broadcast_in_dim3A = arith.constant 0 : i32
      %broadcast_in_dim3A_1038 = vector.broadcast %broadcast_in_dim3A : i32 to vector<16xi32>
      %add3A_1039 = arith.constant 4095 : i32
      %add3A_1040 = vector.broadcast %add3A_1039 : i32 to vector<16xi32>
      %add3A_1041 = arith.addi %broadcast_in_dim3A_1038, %add3A_1040 : vector<16xi32>
      %gather3A = tpu.vector_load_idx %arg6[%add3A_1041] : memref<8192xi32, #tpu.memory_space<vmem>>[vector<16xi32>], vector<16xi32>,
      %lt3A_1042 = arith.cmpi slt, %gather3A, %add3A_1037 : vector<16xi32>
      %jit3A_1043 = arith.constant 4096 : i32
      %jit3A_1044 = arith.constant 0 : i32
      %broadcast_in_dim3A_1045 = vector.broadcast %jit3A_1043 : i32 to vector<16xi32>
      %broadcast_in_dim3A_1046 = vector.broadcast %jit3A_1044 : i32 to vector<16xi32>
      %select_n3A_1047 = arith.select %lt3A_1042, %broadcast_in_dim3A_1045, %broadcast_in_dim3A_1046 : vector<16xi1>, vector<16xi32>
      %add3A_1048 = arith.addi %broadcast_in_dim3A_1038, %select_n3A_1047 : vector<16xi32>
      %add3A_1049 = arith.constant 2047 : i32
      %add3A_1050 = vector.broadcast %add3A_1049 : i32 to vector<16xi32>
      %add3A_1051 = arith.addi %add3A_1048, %add3A_1050 : vector<16xi32>
      %gather3A_1052 = tpu.vector_load_idx %arg6[%add3A_1051] : memref<8192xi32, #tpu.memory_space<vmem>>[vector<16xi32>], vector<16xi32>,
      %lt3A_1053 = arith.cmpi slt, %gather3A_1052, %add3A_1037 : vector<16xi32>
      %jit3A_1054 = arith.constant 2048 : i32
      %jit3A_1055 = arith.constant 0 : i32
      %broadcast_in_dim3A_1056 = vector.broadcast %jit3A_1054 : i32 to vector<16xi32>
      %broadcast_in_dim3A_1057 = vector.broadcast %jit3A_1055 : i32 to vector<16xi32>
      %select_n3A_1058 = arith.select %lt3A_1053, %broadcast_in_dim3A_1056, %broadcast_in_dim3A_1057 : vector<16xi1>, vector<16xi32>
      %add3A_1059 = arith.addi %add3A_1048, %select_n3A_1058 : vector<16xi32>
      %add3A_1060 = arith.constant 1023 : i32
      %add3A_1061 = vector.broadcast %add3A_1060 : i32 to vector<16xi32>
      %add3A_1062 = arith.addi %add3A_1059, %add3A_1061 : vector<16xi32>
      %gather3A_1063 = tpu.vector_load_idx %arg6[%add3A_1062] : memref<8192xi32, #tpu.memory_space<vmem>>[vector<16xi32>], vector<16xi32>,
      %lt3A_1064 = arith.cmpi slt, %gather3A_1063, %add3A_1037 : vector<16xi32>
      %jit3A_1065 = arith.constant 1024 : i32
      %jit3A_1066 = arith.constant 0 : i32
      %broadcast_in_dim3A_1067 = vector.broadcast %jit3A_1065 : i32 to vector<16xi32>
      %broadcast_in_dim3A_1068 = vector.broadcast %jit3A_1066 : i32 to vector<16xi32>
      %select_n3A_1069 = arith.select %lt3A_1064, %broadcast_in_dim3A_1067, %broadcast_in_dim3A_1068 : vector<16xi1>, vector<16xi32>
      %add3A_1070 = arith.addi %add3A_1059, %select_n3A_1069 : vector<16xi32>
      %add3A_1071 = arith.constant 511 : i32
      %add3A_1072 = vector.broadcast %add3A_1071 : i32 to vector<16xi32>
      %add3A_1073 = arith.addi %add3A_1070, %add3A_1072 : vector<16xi32>
      %gather3A_1074 = tpu.vector_load_idx %arg6[%add3A_1073] : memref<8192xi32, #tpu.memory_space<vmem>>[vector<16xi32>], vector<16xi32>,
      %lt3A_1075 = arith.cmpi slt, %gather3A_1074, %add3A_1037 : vector<16xi32>
      %jit3A_1076 = arith.constant 512 : i32
      %jit3A_1077 = arith.constant 0 : i32
      %broadcast_in_dim3A_1078 = vector.broadcast %jit3A_1076 : i32 to vector<16xi32>
      %broadcast_in_dim3A_1079 = vector.broadcast %jit3A_1077 : i32 to vector<16xi32>
      %select_n3A_1080 = arith.select %lt3A_1075, %broadcast_in_dim3A_1078, %broadcast_in_dim3A_1079 : vector<16xi1>, vector<16xi32>
      %add3A_1081 = arith.addi %add3A_1070, %select_n3A_1080 : vector<16xi32>
      %add3A_1082 = arith.constant 255 : i32
      %add3A_1083 = vector.broadcast %add3A_1082 : i32 to vector<16xi32>
      %add3A_1084 = arith.addi %add3A_1081, %add3A_1083 : vector<16xi32>
      %gather3A_1085 = tpu.vector_load_idx %arg6[%add3A_1084] : memref<8192xi32, #tpu.memory_space<vmem>>[vector<16xi32>], vector<16xi32>,
      %lt3A_1086 = arith.cmpi slt, %gather3A_1085, %add3A_1037 : vector<16xi32>
      %jit3A_1087 = arith.constant 256 : i32
      %jit3A_1088 = arith.constant 0 : i32
      %broadcast_in_dim3A_1089 = vector.broadcast %jit3A_1087 : i32 to vector<16xi32>
      %broadcast_in_dim3A_1090 = vector.broadcast %jit3A_1088 : i32 to vector<16xi32>
      %select_n3A_1091 = arith.select %lt3A_1086, %broadcast_in_dim3A_1089, %broadcast_in_dim3A_1090 : vector<16xi1>, vector<16xi32>
      %add3A_1092 = arith.addi %add3A_1081, %select_n3A_1091 : vector<16xi32>
      %add3A_1093 = arith.constant 127 : i32
      %add3A_1094 = vector.broadcast %add3A_1093 : i32 to vector<16xi32>
      %add3A_1095 = arith.addi %add3A_1092, %add3A_1094 : vector<16xi32>
      %gather3A_1096 = tpu.vector_load_idx %arg6[%add3A_1095] : memref<8192xi32, #tpu.memory_space<vmem>>[vector<16xi32>], vector<16xi32>,
      %lt3A_1097 = arith.cmpi slt, %gather3A_1096, %add3A_1037 : vector<16xi32>
      %jit3A_1098 = arith.constant 128 : i32
      %jit3A_1099 = arith.constant 0 : i32
      %broadcast_in_dim3A_1100 = vector.broadcast %jit3A_1098 : i32 to vector<16xi32>
      %broadcast_in_dim3A_1101 = vector.broadcast %jit3A_1099 : i32 to vector<16xi32>
      %select_n3A_1102 = arith.select %lt3A_1097, %broadcast_in_dim3A_1100, %broadcast_in_dim3A_1101 : vector<16xi1>, vector<16xi32>
      %add3A_1103 = arith.addi %add3A_1092, %select_n3A_1102 : vector<16xi32>
      %add3A_1104 = arith.constant 63 : i32
      %add3A_1105 = vector.broadcast %add3A_1104 : i32 to vector<16xi32>
      %add3A_1106 = arith.addi %add3A_1103, %add3A_1105 : vector<16xi32>
      %gather3A_1107 = tpu.vector_load_idx %arg6[%add3A_1106] : memref<8192xi32, #tpu.memory_space<vmem>>[vector<16xi32>], vector<16xi32>,
      %lt3A_1108 = arith.cmpi slt, %gather3A_1107, %add3A_1037 : vector<16xi32>
      %jit3A_1109 = arith.constant 64 : i32
      %jit3A_1110 = arith.constant 0 : i32
      %broadcast_in_dim3A_1111 = vector.broadcast %jit3A_1109 : i32 to vector<16xi32>
      %broadcast_in_dim3A_1112 = vector.broadcast %jit3A_1110 : i32 to vector<16xi32>
      %select_n3A_1113 = arith.select %lt3A_1108, %broadcast_in_dim3A_1111, %broadcast_in_dim3A_1112 : vector<16xi1>, vector<16xi32>
      %add3A_1114 = arith.addi %add3A_1103, %select_n3A_1113 : vector<16xi32>
      %add3A_1115 = arith.constant 31 : i32
      %add3A_1116 = vector.broadcast %add3A_1115 : i32 to vector<16xi32>
      %add3A_1117 = arith.addi %add3A_1114, %add3A_1116 : vector<16xi32>
      %gather3A_1118 = tpu.vector_load_idx %arg6[%add3A_1117] : memref<8192xi32, #tpu.memory_space<vmem>>[vector<16xi32>], vector<16xi32>,
      %lt3A_1119 = arith.cmpi slt, %gather3A_1118, %add3A_1037 : vector<16xi32>
      %jit3A_1120 = arith.constant 32 : i32
      %jit3A_1121 = arith.constant 0 : i32
      %broadcast_in_dim3A_1122 = vector.broadcast %jit3A_1120 : i32 to vector<16xi32>
      %broadcast_in_dim3A_1123 = vector.broadcast %jit3A_1121 : i32 to vector<16xi32>
      %select_n3A_1124 = arith.select %lt3A_1119, %broadcast_in_dim3A_1122, %broadcast_in_dim3A_1123 : vector<16xi1>, vector<16xi32>
      %add3A_1125 = arith.addi %add3A_1114, %select_n3A_1124 : vector<16xi32>
      %add3A_1126 = arith.constant 15 : i32
      %add3A_1127 = vector.broadcast %add3A_1126 : i32 to vector<16xi32>
      %add3A_1128 = arith.addi %add3A_1125, %add3A_1127 : vector<16xi32>
      %gather3A_1129 = tpu.vector_load_idx %arg6[%add3A_1128] : memref<8192xi32, #tpu.memory_space<vmem>>[vector<16xi32>], vector<16xi32>,
      %lt3A_1130 = arith.cmpi slt, %gather3A_1129, %add3A_1037 : vector<16xi32>
      %jit3A_1131 = arith.constant 16 : i32
      %jit3A_1132 = arith.constant 0 : i32
      %broadcast_in_dim3A_1133 = vector.broadcast %jit3A_1131 : i32 to vector<16xi32>
      %broadcast_in_dim3A_1134 = vector.broadcast %jit3A_1132 : i32 to vector<16xi32>
      %select_n3A_1135 = arith.select %lt3A_1130, %broadcast_in_dim3A_1133, %broadcast_in_dim3A_1134 : vector<16xi1>, vector<16xi32>
      %add3A_1136 = arith.addi %add3A_1125, %select_n3A_1135 : vector<16xi32>
      %add3A_1137 = arith.constant 7 : i32
      %add3A_1138 = vector.broadcast %add3A_1137 : i32 to vector<16xi32>
      %add3A_1139 = arith.addi %add3A_1136, %add3A_1138 : vector<16xi32>
      %gather3A_1140 = tpu.vector_load_idx %arg6[%add3A_1139] : memref<8192xi32, #tpu.memory_space<vmem>>[vector<16xi32>], vector<16xi32>,
      %lt3A_1141 = arith.cmpi slt, %gather3A_1140, %add3A_1037 : vector<16xi32>
      %jit3A_1142 = arith.constant 8 : i32
      %jit3A_1143 = arith.constant 0 : i32
      %broadcast_in_dim3A_1144 = vector.broadcast %jit3A_1142 : i32 to vector<16xi32>
      %broadcast_in_dim3A_1145 = vector.broadcast %jit3A_1143 : i32 to vector<16xi32>
      %select_n3A_1146 = arith.select %lt3A_1141, %broadcast_in_dim3A_1144, %broadcast_in_dim3A_1145 : vector<16xi1>, vector<16xi32>
      %add3A_1147 = arith.addi %add3A_1136, %select_n3A_1146 : vector<16xi32>
      %add3A_1148 = arith.constant 3 : i32
      %add3A_1149 = vector.broadcast %add3A_1148 : i32 to vector<16xi32>
      %add3A_1150 = arith.addi %add3A_1147, %add3A_1149 : vector<16xi32>
      %gather3A_1151 = tpu.vector_load_idx %arg6[%add3A_1150] : memref<8192xi32, #tpu.memory_space<vmem>>[vector<16xi32>], vector<16xi32>,
      %lt3A_1152 = arith.cmpi slt, %gather3A_1151, %add3A_1037 : vector<16xi32>
      %jit3A_1153 = arith.constant 4 : i32
      %jit3A_1154 = arith.constant 0 : i32
      %broadcast_in_dim3A_1155 = vector.broadcast %jit3A_1153 : i32 to vector<16xi32>
      %broadcast_in_dim3A_1156 = vector.broadcast %jit3A_1154 : i32 to vector<16xi32>
      %select_n3A_1157 = arith.select %lt3A_1152, %broadcast_in_dim3A_1155, %broadcast_in_dim3A_1156 : vector<16xi1>, vector<16xi32>
      %add3A_1158 = arith.addi %add3A_1147, %select_n3A_1157 : vector<16xi32>
      %add3A_1159 = arith.constant 1 : i32
      %add3A_1160 = vector.broadcast %add3A_1159 : i32 to vector<16xi32>
      %add3A_1161 = arith.addi %add3A_1158, %add3A_1160 : vector<16xi32>
      %gather3A_1162 = tpu.vector_load_idx %arg6[%add3A_1161] : memref<8192xi32, #tpu.memory_space<vmem>>[vector<16xi32>], vector<16xi32>,
      %lt3A_1163 = arith.cmpi slt, %gather3A_1162, %add3A_1037 : vector<16xi32>
      %jit3A_1164 = arith.constant 2 : i32
      %jit3A_1165 = arith.constant 0 : i32
      %broadcast_in_dim3A_1166 = vector.broadcast %jit3A_1164 : i32 to vector<16xi32>
      %broadcast_in_dim3A_1167 = vector.broadcast %jit3A_1165 : i32 to vector<16xi32>
      %select_n3A_1168 = arith.select %lt3A_1163, %broadcast_in_dim3A_1166, %broadcast_in_dim3A_1167 : vector<16xi1>, vector<16xi32>
      %add3A_1169 = arith.addi %add3A_1158, %select_n3A_1168 : vector<16xi32>
      %add3A_1170 = arith.constant 0 : i32
      %add3A_1171 = vector.broadcast %add3A_1170 : i32 to vector<16xi32>
      %add3A_1172 = arith.addi %add3A_1169, %add3A_1171 : vector<16xi32>
      %gather3A_1173 = tpu.vector_load_idx %arg6[%add3A_1172] : memref<8192xi32, #tpu.memory_space<vmem>>[vector<16xi32>], vector<16xi32>,
      %lt3A_1174 = arith.cmpi slt, %gather3A_1173, %add3A_1037 : vector<16xi32>
      %jit3A_1175 = arith.constant 1 : i32
      %jit3A_1176 = arith.constant 0 : i32
      %broadcast_in_dim3A_1177 = vector.broadcast %jit3A_1175 : i32 to vector<16xi32>
      %broadcast_in_dim3A_1178 = vector.broadcast %jit3A_1176 : i32 to vector<16xi32>
      %select_n3A_1179 = arith.select %lt3A_1174, %broadcast_in_dim3A_1177, %broadcast_in_dim3A_1178 : vector<16xi1>, vector<16xi32>
      %add3A_1180 = arith.addi %add3A_1169, %select_n3A_1179 : vector<16xi32>
      %add3A_1181 = arith.constant 0 : i32
      %add3A_1182 = vector.broadcast %add3A_1181 : i32 to vector<16xi32>
      %add3A_1183 = arith.addi %add3A_1180, %add3A_1182 : vector<16xi32>
      %mul3A_1184 = arith.constant 16 : i32
      %mul3A_1185 = arith.muli %scan3A_1027, %mul3A_1184 : i32
      %swap3A_1186 = arith.index_cast %mul3A_1185 : i32 to index
      %swap3A_1187 = tpu.vector_load %arg7[%swap3A_1186] {strides = array<i32>} : memref<720xi32, #tpu.memory_space<vmem>>, vector<16xi32>,
      tpu.vector_store %arg7[%swap3A_1186], %add3A_1183 {strides = array<i32>} : memref<720xi32, #tpu.memory_space<vmem>>, vector<16xi32>,
      %scan3A_1188 = arith.constant 0 : i32
      scf.yield %scan3A_1188 : i32
    }
    %scan3A_44 = arith.constant 45 : i32
    %mul3A_45 = arith.constant 720 : i32
    %mul3A_46 = arith.muli %add3A, %mul3A_45 : i32
    %multiple_of3A_47 = tpu.assume_multiple %mul3A_46, 8 : i32
    "tpu.region"() ({
      %run_scoped3A = tpu.sem_alloc : memref<!tpu.dma_semaphore, #tpu.memory_space<semaphore_mem>>
      %dma_start3A_1027 = tpu.memref_slice %arg5[%multiple_of3A_47] : memref<23040xi32, #tpu.memory_space<hbm>> -> memref<720xi32, #tpu.memory_space<hbm>>
      %dma_start3A_1028 = tpu.memref_slice %arg5[%multiple_of3A_47] : memref<23040xi32, #tpu.memory_space<hbm>> -> memref<720xi32, #tpu.memory_space<hbm>>
      tpu.enqueue_dma source(%arg7 : memref<720xi32, #tpu.memory_space<vmem>>) target(%dma_start3A_1028 : memref<720xi32, #tpu.memory_space<hbm>>) target_semaphore(%run_scoped3A : memref<!tpu.dma_semaphore, #tpu.memory_space<semaphore_mem>>)
      %dma_wait3A_1029 = tpu.memref_slice %arg5[%multiple_of3A_47] : memref<23040xi32, #tpu.memory_space<hbm>> -> memref<720xi32, #tpu.memory_space<hbm>>
      %dma_wait3A_1030 = tpu.memref_slice %arg5[%multiple_of3A_47] : memref<23040xi32, #tpu.memory_space<hbm>> -> memref<720xi32, #tpu.memory_space<hbm>>
      tpu.wait_dma2 semaphore(%run_scoped3A : memref<!tpu.dma_semaphore, #tpu.memory_space<semaphore_mem>>) src(%arg7 : memref<720xi32, #tpu.memory_space<vmem>>) dst(%dma_wait3A_1030 : memref<720xi32, #tpu.memory_space<hbm>>)
      tpu.yield
    }) : () -> ()
    %lt3A_48 = arith.constant 7 : i32
    %lt3A_49 = arith.cmpi slt, %select_n3A_30, %lt3A_48 : i32
    %convert_element_type3A = arith.extui %lt3A_49 : i1 to i32
    %cond3A = arith.constant 0 : i32
    %cond3A_50 = arith.cmpi ne, %convert_element_type3A, %cond3A : i32
    scf.if %cond3A_50 {
      %scan3A_1027 = arith.constant 0 : i32
      %scan3A_1028 = arith.constant 0 : i32
      %scan3A_1029 = arith.constant 45 : i32
      %scan3A_1030 = arith.addi %scan3A_1028, %scan3A_1029 : i32
      %scan3A_1031 = arith.constant 1 : i32
      %scan3A_1032 = scf.for %scan3A_1034 = %scan3A_1028 to %scan3A_1030 step %scan3A_1031 iter_args(%scan3A_1035 = %scan3A_1027) -> (i32)  : i32 {
        %mul3A_1036 = arith.constant 16 : i32
        %mul3A_1037 = arith.muli %scan3A_1034, %mul3A_1036 : i32
        %get3A = arith.index_cast %mul3A_1037 : i32 to index
        %get3A_1038 = tpu.vector_load %arg7[%get3A] {strides = array<i32>} : memref<720xi32, #tpu.memory_space<vmem>>, vector<16xi32>,
        %mul3A_1039 = arith.constant 8192 : i32
        %mul3A_1040 = arith.muli %select_n3A, %mul3A_1039 : i32
        %add3A_1041 = vector.broadcast %mul3A_1040 : i32 to vector<16xi32>
        %add3A_1042 = arith.addi %get3A_1038, %add3A_1041 : vector<16xi32>
        %mul3A_1043 = arith.constant 16 : i32
        %mul3A_1044 = arith.muli %scan3A_1034, %mul3A_1043 : i32
        %swap3A_1045 = arith.index_cast %mul3A_1044 : i32 to index
        %swap3A_1046 = tpu.vector_load %arg8[%swap3A_1045] {strides = array<i32>} : memref<720xi32, #tpu.memory_space<vmem>>, vector<16xi32>,
        tpu.vector_store %arg8[%swap3A_1045], %add3A_1042 {strides = array<i32>} : memref<720xi32, #tpu.memory_space<vmem>>, vector<16xi32>,
        %scan3A_1047 = arith.constant 0 : i32
        scf.yield %scan3A_1047 : i32
      }
      %scan3A_1033 = arith.constant 45 : i32
    } else {
    }
    %eq3A_51 = arith.constant 7 : i32
    %eq3A_52 = arith.cmpi eq, %select_n3A_30, %eq3A_51 : i32
    %convert_element_type3A_53 = arith.extui %eq3A_52 : i1 to i32
    %cond3A_54 = arith.constant 0 : i32
    %cond3A_55 = arith.cmpi ne, %convert_element_type3A_53, %cond3A_54 : i32
    scf.if %cond3A_55 {
      %mul3A_1027 = arith.constant 8192 : i32
      %mul3A_1028 = arith.muli %select_n3A, %mul3A_1027 : i32
      %scan3A_1029 = arith.constant 0 : i32
      %scan3A_1030 = arith.constant 0 : i32
      %scan3A_1031 = arith.constant 45 : i32
      %scan3A_1032 = arith.addi %scan3A_1030, %scan3A_1031 : i32
      %scan3A_1033 = arith.constant 1 : i32
      %scan3A_1034 = scf.for %scan3A_1036 = %scan3A_1030 to %scan3A_1032 step %scan3A_1033 iter_args(%scan3A_1037 = %scan3A_1029) -> (i32)  : i32 {
        %mul3A_1038 = arith.constant 16 : i32
        %mul3A_1039 = arith.muli %scan3A_1036, %mul3A_1038 : i32
        %add3A_1040 = arith.constant 5014 : i32
        %add3A_1041 = arith.addi %add3A_1040, %mul3A_1039 : i32
        %iota3A_1042 = tpu.iota {dimensions = array<i32: 0>} : vector<16xi32>
        %add3A_1043 = vector.broadcast %add3A_1041 : i32 to vector<16xi32>
        %add3A_1044 = arith.addi %add3A_1043, %iota3A_1042 : vector<16xi32>
        %add3A_1045 = arith.constant 1 : i32
        %add3A_1046 = vector.broadcast %add3A_1045 : i32 to vector<16xi32>
        %add3A_1047 = arith.addi %add3A_1044, %add3A_1046 : vector<16xi32>
        %broadcast_in_dim3A = arith.constant 0 : i32
        %broadcast_in_dim3A_1048 = vector.broadcast %broadcast_in_dim3A : i32 to vector<16xi32>
        %add3A_1049 = arith.constant 4095 : i32
        %add3A_1050 = vector.broadcast %add3A_1049 : i32 to vector<16xi32>
        %add3A_1051 = arith.addi %broadcast_in_dim3A_1048, %add3A_1050 : vector<16xi32>
        %gather3A = tpu.vector_load_idx %arg6[%add3A_1051] : memref<8192xi32, #tpu.memory_space<vmem>>[vector<16xi32>], vector<16xi32>,
        %lt3A_1052 = arith.cmpi slt, %gather3A, %add3A_1047 : vector<16xi32>
        %jit3A_1053 = arith.constant 4096 : i32
        %jit3A_1054 = arith.constant 0 : i32
        %broadcast_in_dim3A_1055 = vector.broadcast %jit3A_1053 : i32 to vector<16xi32>
        %broadcast_in_dim3A_1056 = vector.broadcast %jit3A_1054 : i32 to vector<16xi32>
        %select_n3A_1057 = arith.select %lt3A_1052, %broadcast_in_dim3A_1055, %broadcast_in_dim3A_1056 : vector<16xi1>, vector<16xi32>
        %add3A_1058 = arith.addi %broadcast_in_dim3A_1048, %select_n3A_1057 : vector<16xi32>
        %add3A_1059 = arith.constant 2047 : i32
        %add3A_1060 = vector.broadcast %add3A_1059 : i32 to vector<16xi32>
        %add3A_1061 = arith.addi %add3A_1058, %add3A_1060 : vector<16xi32>
        %gather3A_1062 = tpu.vector_load_idx %arg6[%add3A_1061] : memref<8192xi32, #tpu.memory_space<vmem>>[vector<16xi32>], vector<16xi32>,
        %lt3A_1063 = arith.cmpi slt, %gather3A_1062, %add3A_1047 : vector<16xi32>
        %jit3A_1064 = arith.constant 2048 : i32
        %jit3A_1065 = arith.constant 0 : i32
        %broadcast_in_dim3A_1066 = vector.broadcast %jit3A_1064 : i32 to vector<16xi32>
        %broadcast_in_dim3A_1067 = vector.broadcast %jit3A_1065 : i32 to vector<16xi32>
        %select_n3A_1068 = arith.select %lt3A_1063, %broadcast_in_dim3A_1066, %broadcast_in_dim3A_1067 : vector<16xi1>, vector<16xi32>
        %add3A_1069 = arith.addi %add3A_1058, %select_n3A_1068 : vector<16xi32>
        %add3A_1070 = arith.constant 1023 : i32
        %add3A_1071 = vector.broadcast %add3A_1070 : i32 to vector<16xi32>
        %add3A_1072 = arith.addi %add3A_1069, %add3A_1071 : vector<16xi32>
        %gather3A_1073 = tpu.vector_load_idx %arg6[%add3A_1072] : memref<8192xi32, #tpu.memory_space<vmem>>[vector<16xi32>], vector<16xi32>,
        %lt3A_1074 = arith.cmpi slt, %gather3A_1073, %add3A_1047 : vector<16xi32>
        %jit3A_1075 = arith.constant 1024 : i32
        %jit3A_1076 = arith.constant 0 : i32
        %broadcast_in_dim3A_1077 = vector.broadcast %jit3A_1075 : i32 to vector<16xi32>
        %broadcast_in_dim3A_1078 = vector.broadcast %jit3A_1076 : i32 to vector<16xi32>
        %select_n3A_1079 = arith.select %lt3A_1074, %broadcast_in_dim3A_1077, %broadcast_in_dim3A_1078 : vector<16xi1>, vector<16xi32>
        %add3A_1080 = arith.addi %add3A_1069, %select_n3A_1079 : vector<16xi32>
        %add3A_1081 = arith.constant 511 : i32
        %add3A_1082 = vector.broadcast %add3A_1081 : i32 to vector<16xi32>
        %add3A_1083 = arith.addi %add3A_1080, %add3A_1082 : vector<16xi32>
        %gather3A_1084 = tpu.vector_load_idx %arg6[%add3A_1083] : memref<8192xi32, #tpu.memory_space<vmem>>[vector<16xi32>], vector<16xi32>,
        %lt3A_1085 = arith.cmpi slt, %gather3A_1084, %add3A_1047 : vector<16xi32>
        %jit3A_1086 = arith.constant 512 : i32
        %jit3A_1087 = arith.constant 0 : i32
        %broadcast_in_dim3A_1088 = vector.broadcast %jit3A_1086 : i32 to vector<16xi32>
        %broadcast_in_dim3A_1089 = vector.broadcast %jit3A_1087 : i32 to vector<16xi32>
        %select_n3A_1090 = arith.select %lt3A_1085, %broadcast_in_dim3A_1088, %broadcast_in_dim3A_1089 : vector<16xi1>, vector<16xi32>
        %add3A_1091 = arith.addi %add3A_1080, %select_n3A_1090 : vector<16xi32>
        %add3A_1092 = arith.constant 255 : i32
        %add3A_1093 = vector.broadcast %add3A_1092 : i32 to vector<16xi32>
        %add3A_1094 = arith.addi %add3A_1091, %add3A_1093 : vector<16xi32>
        %gather3A_1095 = tpu.vector_load_idx %arg6[%add3A_1094] : memref<8192xi32, #tpu.memory_space<vmem>>[vector<16xi32>], vector<16xi32>,
        %lt3A_1096 = arith.cmpi slt, %gather3A_1095, %add3A_1047 : vector<16xi32>
        %jit3A_1097 = arith.constant 256 : i32
        %jit3A_1098 = arith.constant 0 : i32
        %broadcast_in_dim3A_1099 = vector.broadcast %jit3A_1097 : i32 to vector<16xi32>
        %broadcast_in_dim3A_1100 = vector.broadcast %jit3A_1098 : i32 to vector<16xi32>
        %select_n3A_1101 = arith.select %lt3A_1096, %broadcast_in_dim3A_1099, %broadcast_in_dim3A_1100 : vector<16xi1>, vector<16xi32>
        %add3A_1102 = arith.addi %add3A_1091, %select_n3A_1101 : vector<16xi32>
        %add3A_1103 = arith.constant 127 : i32
        %add3A_1104 = vector.broadcast %add3A_1103 : i32 to vector<16xi32>
        %add3A_1105 = arith.addi %add3A_1102, %add3A_1104 : vector<16xi32>
        %gather3A_1106 = tpu.vector_load_idx %arg6[%add3A_1105] : memref<8192xi32, #tpu.memory_space<vmem>>[vector<16xi32>], vector<16xi32>,
        %lt3A_1107 = arith.cmpi slt, %gather3A_1106, %add3A_1047 : vector<16xi32>
        %jit3A_1108 = arith.constant 128 : i32
        %jit3A_1109 = arith.constant 0 : i32
        %broadcast_in_dim3A_1110 = vector.broadcast %jit3A_1108 : i32 to vector<16xi32>
        %broadcast_in_dim3A_1111 = vector.broadcast %jit3A_1109 : i32 to vector<16xi32>
        %select_n3A_1112 = arith.select %lt3A_1107, %broadcast_in_dim3A_1110, %broadcast_in_dim3A_1111 : vector<16xi1>, vector<16xi32>
        %add3A_1113 = arith.addi %add3A_1102, %select_n3A_1112 : vector<16xi32>
        %add3A_1114 = arith.constant 63 : i32
        %add3A_1115 = vector.broadcast %add3A_1114 : i32 to vector<16xi32>
        %add3A_1116 = arith.addi %add3A_1113, %add3A_1115 : vector<16xi32>
        %gather3A_1117 = tpu.vector_load_idx %arg6[%add3A_1116] : memref<8192xi32, #tpu.memory_space<vmem>>[vector<16xi32>], vector<16xi32>,
        %lt3A_1118 = arith.cmpi slt, %gather3A_1117, %add3A_1047 : vector<16xi32>
        %jit3A_1119 = arith.constant 64 : i32
        %jit3A_1120 = arith.constant 0 : i32
        %broadcast_in_dim3A_1121 = vector.broadcast %jit3A_1119 : i32 to vector<16xi32>
        %broadcast_in_dim3A_1122 = vector.broadcast %jit3A_1120 : i32 to vector<16xi32>
        %select_n3A_1123 = arith.select %lt3A_1118, %broadcast_in_dim3A_1121, %broadcast_in_dim3A_1122 : vector<16xi1>, vector<16xi32>
        %add3A_1124 = arith.addi %add3A_1113, %select_n3A_1123 : vector<16xi32>
        %add3A_1125 = arith.constant 31 : i32
        %add3A_1126 = vector.broadcast %add3A_1125 : i32 to vector<16xi32>
        %add3A_1127 = arith.addi %add3A_1124, %add3A_1126 : vector<16xi32>
        %gather3A_1128 = tpu.vector_load_idx %arg6[%add3A_1127] : memref<8192xi32, #tpu.memory_space<vmem>>[vector<16xi32>], vector<16xi32>,
        %lt3A_1129 = arith.cmpi slt, %gather3A_1128, %add3A_1047 : vector<16xi32>
        %jit3A_1130 = arith.constant 32 : i32
        %jit3A_1131 = arith.constant 0 : i32
        %broadcast_in_dim3A_1132 = vector.broadcast %jit3A_1130 : i32 to vector<16xi32>
        %broadcast_in_dim3A_1133 = vector.broadcast %jit3A_1131 : i32 to vector<16xi32>
        %select_n3A_1134 = arith.select %lt3A_1129, %broadcast_in_dim3A_1132, %broadcast_in_dim3A_1133 : vector<16xi1>, vector<16xi32>
        %add3A_1135 = arith.addi %add3A_1124, %select_n3A_1134 : vector<16xi32>
        %add3A_1136 = arith.constant 15 : i32
        %add3A_1137 = vector.broadcast %add3A_1136 : i32 to vector<16xi32>
        %add3A_1138 = arith.addi %add3A_1135, %add3A_1137 : vector<16xi32>
        %gather3A_1139 = tpu.vector_load_idx %arg6[%add3A_1138] : memref<8192xi32, #tpu.memory_space<vmem>>[vector<16xi32>], vector<16xi32>,
        %lt3A_1140 = arith.cmpi slt, %gather3A_1139, %add3A_1047 : vector<16xi32>
        %jit3A_1141 = arith.constant 16 : i32
        %jit3A_1142 = arith.constant 0 : i32
        %broadcast_in_dim3A_1143 = vector.broadcast %jit3A_1141 : i32 to vector<16xi32>
        %broadcast_in_dim3A_1144 = vector.broadcast %jit3A_1142 : i32 to vector<16xi32>
        %select_n3A_1145 = arith.select %lt3A_1140, %broadcast_in_dim3A_1143, %broadcast_in_dim3A_1144 : vector<16xi1>, vector<16xi32>
        %add3A_1146 = arith.addi %add3A_1135, %select_n3A_1145 : vector<16xi32>
        %add3A_1147 = arith.constant 7 : i32
        %add3A_1148 = vector.broadcast %add3A_1147 : i32 to vector<16xi32>
        %add3A_1149 = arith.addi %add3A_1146, %add3A_1148 : vector<16xi32>
        %gather3A_1150 = tpu.vector_load_idx %arg6[%add3A_1149] : memref<8192xi32, #tpu.memory_space<vmem>>[vector<16xi32>], vector<16xi32>,
        %lt3A_1151 = arith.cmpi slt, %gather3A_1150, %add3A_1047 : vector<16xi32>
        %jit3A_1152 = arith.constant 8 : i32
        %jit3A_1153 = arith.constant 0 : i32
        %broadcast_in_dim3A_1154 = vector.broadcast %jit3A_1152 : i32 to vector<16xi32>
        %broadcast_in_dim3A_1155 = vector.broadcast %jit3A_1153 : i32 to vector<16xi32>
        %select_n3A_1156 = arith.select %lt3A_1151, %broadcast_in_dim3A_1154, %broadcast_in_dim3A_1155 : vector<16xi1>, vector<16xi32>
        %add3A_1157 = arith.addi %add3A_1146, %select_n3A_1156 : vector<16xi32>
        %add3A_1158 = arith.constant 3 : i32
        %add3A_1159 = vector.broadcast %add3A_1158 : i32 to vector<16xi32>
        %add3A_1160 = arith.addi %add3A_1157, %add3A_1159 : vector<16xi32>
        %gather3A_1161 = tpu.vector_load_idx %arg6[%add3A_1160] : memref<8192xi32, #tpu.memory_space<vmem>>[vector<16xi32>], vector<16xi32>,
        %lt3A_1162 = arith.cmpi slt, %gather3A_1161, %add3A_1047 : vector<16xi32>
        %jit3A_1163 = arith.constant 4 : i32
        %jit3A_1164 = arith.constant 0 : i32
        %broadcast_in_dim3A_1165 = vector.broadcast %jit3A_1163 : i32 to vector<16xi32>
        %broadcast_in_dim3A_1166 = vector.broadcast %jit3A_1164 : i32 to vector<16xi32>
        %select_n3A_1167 = arith.select %lt3A_1162, %broadcast_in_dim3A_1165, %broadcast_in_dim3A_1166 : vector<16xi1>, vector<16xi32>
        %add3A_1168 = arith.addi %add3A_1157, %select_n3A_1167 : vector<16xi32>
        %add3A_1169 = arith.constant 1 : i32
        %add3A_1170 = vector.broadcast %add3A_1169 : i32 to vector<16xi32>
        %add3A_1171 = arith.addi %add3A_1168, %add3A_1170 : vector<16xi32>
        %gather3A_1172 = tpu.vector_load_idx %arg6[%add3A_1171] : memref<8192xi32, #tpu.memory_space<vmem>>[vector<16xi32>], vector<16xi32>,
        %lt3A_1173 = arith.cmpi slt, %gather3A_1172, %add3A_1047 : vector<16xi32>
        %jit3A_1174 = arith.constant 2 : i32
        %jit3A_1175 = arith.constant 0 : i32
        %broadcast_in_dim3A_1176 = vector.broadcast %jit3A_1174 : i32 to vector<16xi32>
        %broadcast_in_dim3A_1177 = vector.broadcast %jit3A_1175 : i32 to vector<16xi32>
        %select_n3A_1178 = arith.select %lt3A_1173, %broadcast_in_dim3A_1176, %broadcast_in_dim3A_1177 : vector<16xi1>, vector<16xi32>
        %add3A_1179 = arith.addi %add3A_1168, %select_n3A_1178 : vector<16xi32>
        %add3A_1180 = arith.constant 0 : i32
        %add3A_1181 = vector.broadcast %add3A_1180 : i32 to vector<16xi32>
        %add3A_1182 = arith.addi %add3A_1179, %add3A_1181 : vector<16xi32>
        %gather3A_1183 = tpu.vector_load_idx %arg6[%add3A_1182] : memref<8192xi32, #tpu.memory_space<vmem>>[vector<16xi32>], vector<16xi32>,
        %lt3A_1184 = arith.cmpi slt, %gather3A_1183, %add3A_1047 : vector<16xi32>
        %jit3A_1185 = arith.constant 1 : i32
        %jit3A_1186 = arith.constant 0 : i32
        %broadcast_in_dim3A_1187 = vector.broadcast %jit3A_1185 : i32 to vector<16xi32>
        %broadcast_in_dim3A_1188 = vector.broadcast %jit3A_1186 : i32 to vector<16xi32>
        %select_n3A_1189 = arith.select %lt3A_1184, %broadcast_in_dim3A_1187, %broadcast_in_dim3A_1188 : vector<16xi1>, vector<16xi32>
        %add3A_1190 = arith.addi %add3A_1179, %select_n3A_1189 : vector<16xi32>
        %add3A_1191 = vector.broadcast %mul3A_1028 : i32 to vector<16xi32>
        %add3A_1192 = arith.addi %add3A_1190, %add3A_1191 : vector<16xi32>
        %mul3A_1193 = arith.constant 16 : i32
        %mul3A_1194 = arith.muli %scan3A_1036, %mul3A_1193 : i32
        %swap3A_1195 = arith.index_cast %mul3A_1194 : i32 to index
        %swap3A_1196 = tpu.vector_load %arg8[%swap3A_1195] {strides = array<i32>} : memref<720xi32, #tpu.memory_space<vmem>>, vector<16xi32>,
        tpu.vector_store %arg8[%swap3A_1195], %add3A_1192 {strides = array<i32>} : memref<720xi32, #tpu.memory_space<vmem>>, vector<16xi32>,
        %scan3A_1197 = arith.constant 0 : i32
        scf.yield %scan3A_1197 : i32
      }
      %scan3A_1035 = arith.constant 45 : i32
    } else {
    }
    %add3A_56 = arith.constant 0 : i32
    %add3A_57 = arith.addi %select_n3A_36, %add3A_56 : i32
    %add3A_58 = arith.constant 0 : i32
    %add3A_59 = arith.addi %add3A_57, %add3A_58 : i32
    %iota3A = tpu.iota {dimensions = array<i32: 0>} : vector<16xi32>
    %add3A_60 = vector.broadcast %add3A_59 : i32 to vector<16xi32>
    %add3A_61 = arith.addi %add3A_60, %iota3A : vector<16xi32>
    %swap3A = arith.constant 0 : i32
    %swap3A_62 = arith.index_cast %swap3A : i32 to index
    %swap3A_63 = arith.constant 0 : index
    %swap3A_64 = tpu.vector_load %arg9[%swap3A_62, %swap3A_63] {strides = array<i32>} : memref<15x48xi32, #tpu.memory_space<vmem>>, vector<16xi32>,
    tpu.vector_store %arg9[%swap3A_62, %swap3A_63], %add3A_61 {strides = array<i32>} : memref<15x48xi32, #tpu.memory_space<vmem>>, vector<16xi32>,
    %add3A_65 = arith.constant 0 : i32
    %add3A_66 = arith.addi %select_n3A_36, %add3A_65 : i32
    %add3A_67 = arith.constant 16 : i32
    %add3A_68 = arith.addi %add3A_66, %add3A_67 : i32
    %iota3A_69 = tpu.iota {dimensions = array<i32: 0>} : vector<16xi32>
    %add3A_70 = vector.broadcast %add3A_68 : i32 to vector<16xi32>
    %add3A_71 = arith.addi %add3A_70, %iota3A_69 : vector<16xi32>
    %swap3A_72 = arith.constant 0 : i32
    %swap3A_73 = arith.index_cast %swap3A_72 : i32 to index
    %swap3A_74 = arith.constant 16 : index
    %swap3A_75 = tpu.vector_load %arg9[%swap3A_73, %swap3A_74] {strides = array<i32>} : memref<15x48xi32, #tpu.memory_space<vmem>>, vector<16xi32>,
    tpu.vector_store %arg9[%swap3A_73, %swap3A_74], %add3A_71 {strides = array<i32>} : memref<15x48xi32, #tpu.memory_space<vmem>>, vector<16xi32>,
    %add3A_76 = arith.constant 0 : i32
    %add3A_77 = arith.addi %select_n3A_36, %add3A_76 : i32
    %add3A_78 = arith.constant 32 : i32
    %add3A_79 = arith.addi %add3A_77, %add3A_78 : i32
    %iota3A_80 = tpu.iota {dimensions = array<i32: 0>} : vector<16xi32>
    %add3A_81 = vector.broadcast %add3A_79 : i32 to vector<16xi32>
    %add3A_82 = arith.addi %add3A_81, %iota3A_80 : vector<16xi32>
    %swap3A_83 = arith.constant 0 : i32
    %swap3A_84 = arith.index_cast %swap3A_83 : i32 to index
    %swap3A_85 = arith.constant 32 : index
    %swap3A_86 = tpu.vector_load %arg9[%swap3A_84, %swap3A_85] {strides = array<i32>} : memref<15x48xi32, #tpu.memory_space<vmem>>, vector<16xi32>,
    tpu.vector_store %arg9[%swap3A_84, %swap3A_85], %add3A_82 {strides = array<i32>} : memref<15x48xi32, #tpu.memory_space<vmem>>, vector<16xi32>,
    %add3A_87 = arith.constant 48 : i32
    %add3A_88 = arith.addi %select_n3A_36, %add3A_87 : i32
    %add3A_89 = arith.constant 0 : i32
    %add3A_90 = arith.addi %add3A_88, %add3A_89 : i32
    %iota3A_91 = tpu.iota {dimensions = array<i32: 0>} : vector<16xi32>
    %add3A_92 = vector.broadcast %add3A_90 : i32 to vector<16xi32>
    %add3A_93 = arith.addi %add3A_92, %iota3A_91 : vector<16xi32>
    %swap3A_94 = arith.constant 1 : i32
    %swap3A_95 = arith.index_cast %swap3A_94 : i32 to index
    %swap3A_96 = arith.constant 0 : index
    %swap3A_97 = tpu.vector_load %arg9[%swap3A_95, %swap3A_96] {strides = array<i32>} : memref<15x48xi32, #tpu.memory_space<vmem>>, vector<16xi32>,
    tpu.vector_store %arg9[%swap3A_95, %swap3A_96], %add3A_93 {strides = array<i32>} : memref<15x48xi32, #tpu.memory_space<vmem>>, vector<16xi32>,
    %add3A_98 = arith.constant 48 : i32
    %add3A_99 = arith.addi %select_n3A_36, %add3A_98 : i32
    %add3A_100 = arith.constant 16 : i32
    %add3A_101 = arith.addi %add3A_99, %add3A_100 : i32
    %iota3A_102 = tpu.iota {dimensions = array<i32: 0>} : vector<16xi32>
    %add3A_103 = vector.broadcast %add3A_101 : i32 to vector<16xi32>
    %add3A_104 = arith.addi %add3A_103, %iota3A_102 : vector<16xi32>
    %swap3A_105 = arith.constant 1 : i32
    %swap3A_106 = arith.index_cast %swap3A_105 : i32 to index
    %swap3A_107 = arith.constant 16 : index
    %swap3A_108 = tpu.vector_load %arg9[%swap3A_106, %swap3A_107] {strides = array<i32>} : memref<15x48xi32, #tpu.memory_space<vmem>>, vector<16xi32>,
    tpu.vector_store %arg9[%swap3A_106, %swap3A_107], %add3A_104 {strides = array<i32>} : memref<15x48xi32, #tpu.memory_space<vmem>>, vector<16xi32>,
    %add3A_109 = arith.constant 48 : i32
    %add3A_110 = arith.addi %select_n3A_36, %add3A_109 : i32
    %add3A_111 = arith.constant 32 : i32
    %add3A_112 = arith.addi %add3A_110, %add3A_111 : i32
    %iota3A_113 = tpu.iota {dimensions = array<i32: 0>} : vector<16xi32>
    %add3A_114 = vector.broadcast %add3A_112 : i32 to vector<16xi32>
    %add3A_115 = arith.addi %add3A_114, %iota3A_113 : vector<16xi32>
    %swap3A_116 = arith.constant 1 : i32
    %swap3A_117 = arith.index_cast %swap3A_116 : i32 to index
    %swap3A_118 = arith.constant 32 : index
    %swap3A_119 = tpu.vector_load %arg9[%swap3A_117, %swap3A_118] {strides = array<i32>} : memref<15x48xi32, #tpu.memory_space<vmem>>, vector<16xi32>,
    tpu.vector_store %arg9[%swap3A_117, %swap3A_118], %add3A_115 {strides = array<i32>} : memref<15x48xi32, #tpu.memory_space<vmem>>, vector<16xi32>,
    %add3A_120 = arith.constant 96 : i32
    %add3A_121 = arith.addi %select_n3A_36, %add3A_120 : i32
    %add3A_122 = arith.constant 0 : i32
    %add3A_123 = arith.addi %add3A_121, %add3A_122 : i32
    %iota3A_124 = tpu.iota {dimensions = array<i32: 0>} : vector<16xi32>
    %add3A_125 = vector.broadcast %add3A_123 : i32 to vector<16xi32>
    %add3A_126 = arith.addi %add3A_125, %iota3A_124 : vector<16xi32>
    %swap3A_127 = arith.constant 2 : i32
    %swap3A_128 = arith.index_cast %swap3A_127 : i32 to index
    %swap3A_129 = arith.constant 0 : index
    %swap3A_130 = tpu.vector_load %arg9[%swap3A_128, %swap3A_129] {strides = array<i32>} : memref<15x48xi32, #tpu.memory_space<vmem>>, vector<16xi32>,
    tpu.vector_store %arg9[%swap3A_128, %swap3A_129], %add3A_126 {strides = array<i32>} : memref<15x48xi32, #tpu.memory_space<vmem>>, vector<16xi32>,
    %add3A_131 = arith.constant 96 : i32
    %add3A_132 = arith.addi %select_n3A_36, %add3A_131 : i32
    %add3A_133 = arith.constant 16 : i32
    %add3A_134 = arith.addi %add3A_132, %add3A_133 : i32
    %iota3A_135 = tpu.iota {dimensions = array<i32: 0>} : vector<16xi32>
    %add3A_136 = vector.broadcast %add3A_134 : i32 to vector<16xi32>
    %add3A_137 = arith.addi %add3A_136, %iota3A_135 : vector<16xi32>
    %swap3A_138 = arith.constant 2 : i32
    %swap3A_139 = arith.index_cast %swap3A_138 : i32 to index
    %swap3A_140 = arith.constant 16 : index
    %swap3A_141 = tpu.vector_load %arg9[%swap3A_139, %swap3A_140] {strides = array<i32>} : memref<15x48xi32, #tpu.memory_space<vmem>>, vector<16xi32>,
    tpu.vector_store %arg9[%swap3A_139, %swap3A_140], %add3A_137 {strides = array<i32>} : memref<15x48xi32, #tpu.memory_space<vmem>>, vector<16xi32>,
    %add3A_142 = arith.constant 96 : i32
    %add3A_143 = arith.addi %select_n3A_36, %add3A_142 : i32
    %add3A_144 = arith.constant 32 : i32
    %add3A_145 = arith.addi %add3A_143, %add3A_144 : i32
    %iota3A_146 = tpu.iota {dimensions = array<i32: 0>} : vector<16xi32>
    %add3A_147 = vector.broadcast %add3A_145 : i32 to vector<16xi32>
    %add3A_148 = arith.addi %add3A_147, %iota3A_146 : vector<16xi32>
    %swap3A_149 = arith.constant 2 : i32
    %swap3A_150 = arith.index_cast %swap3A_149 : i32 to index
    %swap3A_151 = arith.constant 32 : index
    %swap3A_152 = tpu.vector_load %arg9[%swap3A_150, %swap3A_151] {strides = array<i32>} : memref<15x48xi32, #tpu.memory_space<vmem>>, vector<16xi32>,
    tpu.vector_store %arg9[%swap3A_150, %swap3A_151], %add3A_148 {strides = array<i32>} : memref<15x48xi32, #tpu.memory_space<vmem>>, vector<16xi32>,
    %add3A_153 = arith.constant 144 : i32
    %add3A_154 = arith.addi %select_n3A_36, %add3A_153 : i32
    %add3A_155 = arith.constant 0 : i32
    %add3A_156 = arith.addi %add3A_154, %add3A_155 : i32
    %iota3A_157 = tpu.iota {dimensions = array<i32: 0>} : vector<16xi32>
    %add3A_158 = vector.broadcast %add3A_156 : i32 to vector<16xi32>
    %add3A_159 = arith.addi %add3A_158, %iota3A_157 : vector<16xi32>
    %swap3A_160 = arith.constant 3 : i32
    %swap3A_161 = arith.index_cast %swap3A_160 : i32 to index
    %swap3A_162 = arith.constant 0 : index
    %swap3A_163 = tpu.vector_load %arg9[%swap3A_161, %swap3A_162] {strides = array<i32>} : memref<15x48xi32, #tpu.memory_space<vmem>>, vector<16xi32>,
    tpu.vector_store %arg9[%swap3A_161, %swap3A_162], %add3A_159 {strides = array<i32>} : memref<15x48xi32, #tpu.memory_space<vmem>>, vector<16xi32>,
    %add3A_164 = arith.constant 144 : i32
    %add3A_165 = arith.addi %select_n3A_36, %add3A_164 : i32
    %add3A_166 = arith.constant 16 : i32
    %add3A_167 = arith.addi %add3A_165, %add3A_166 : i32
    %iota3A_168 = tpu.iota {dimensions = array<i32: 0>} : vector<16xi32>
    %add3A_169 = vector.broadcast %add3A_167 : i32 to vector<16xi32>
    %add3A_170 = arith.addi %add3A_169, %iota3A_168 : vector<16xi32>
    %swap3A_171 = arith.constant 3 : i32
    %swap3A_172 = arith.index_cast %swap3A_171 : i32 to index
    %swap3A_173 = arith.constant 16 : index
    %swap3A_174 = tpu.vector_load %arg9[%swap3A_172, %swap3A_173] {strides = array<i32>} : memref<15x48xi32, #tpu.memory_space<vmem>>, vector<16xi32>,
    tpu.vector_store %arg9[%swap3A_172, %swap3A_173], %add3A_170 {strides = array<i32>} : memref<15x48xi32, #tpu.memory_space<vmem>>, vector<16xi32>,
    %add3A_175 = arith.constant 144 : i32
    %add3A_176 = arith.addi %select_n3A_36, %add3A_175 : i32
    %add3A_177 = arith.constant 32 : i32
    %add3A_178 = arith.addi %add3A_176, %add3A_177 : i32
    %iota3A_179 = tpu.iota {dimensions = array<i32: 0>} : vector<16xi32>
    %add3A_180 = vector.broadcast %add3A_178 : i32 to vector<16xi32>
    %add3A_181 = arith.addi %add3A_180, %iota3A_179 : vector<16xi32>
    %swap3A_182 = arith.constant 3 : i32
    %swap3A_183 = arith.index_cast %swap3A_182 : i32 to index
    %swap3A_184 = arith.constant 32 : index
    %swap3A_185 = tpu.vector_load %arg9[%swap3A_183, %swap3A_184] {strides = array<i32>} : memref<15x48xi32, #tpu.memory_space<vmem>>, vector<16xi32>,
    tpu.vector_store %arg9[%swap3A_183, %swap3A_184], %add3A_181 {strides = array<i32>} : memref<15x48xi32, #tpu.memory_space<vmem>>, vector<16xi32>,
    %add3A_186 = arith.constant 192 : i32
    %add3A_187 = arith.addi %select_n3A_36, %add3A_186 : i32
    %add3A_188 = arith.constant 0 : i32
    %add3A_189 = arith.addi %add3A_187, %add3A_188 : i32
    %iota3A_190 = tpu.iota {dimensions = array<i32: 0>} : vector<16xi32>
    %add3A_191 = vector.broadcast %add3A_189 : i32 to vector<16xi32>
    %add3A_192 = arith.addi %add3A_191, %iota3A_190 : vector<16xi32>
    %swap3A_193 = arith.constant 4 : i32
    %swap3A_194 = arith.index_cast %swap3A_193 : i32 to index
    %swap3A_195 = arith.constant 0 : index
    %swap3A_196 = tpu.vector_load %arg9[%swap3A_194, %swap3A_195] {strides = array<i32>} : memref<15x48xi32, #tpu.memory_space<vmem>>, vector<16xi32>,
    tpu.vector_store %arg9[%swap3A_194, %swap3A_195], %add3A_192 {strides = array<i32>} : memref<15x48xi32, #tpu.memory_space<vmem>>, vector<16xi32>,
    %add3A_197 = arith.constant 192 : i32
    %add3A_198 = arith.addi %select_n3A_36, %add3A_197 : i32
    %add3A_199 = arith.constant 16 : i32
    %add3A_200 = arith.addi %add3A_198, %add3A_199 : i32
    %iota3A_201 = tpu.iota {dimensions = array<i32: 0>} : vector<16xi32>
    %add3A_202 = vector.broadcast %add3A_200 : i32 to vector<16xi32>
    %add3A_203 = arith.addi %add3A_202, %iota3A_201 : vector<16xi32>
    %swap3A_204 = arith.constant 4 : i32
    %swap3A_205 = arith.index_cast %swap3A_204 : i32 to index
    %swap3A_206 = arith.constant 16 : index
    %swap3A_207 = tpu.vector_load %arg9[%swap3A_205, %swap3A_206] {strides = array<i32>} : memref<15x48xi32, #tpu.memory_space<vmem>>, vector<16xi32>,
    tpu.vector_store %arg9[%swap3A_205, %swap3A_206], %add3A_203 {strides = array<i32>} : memref<15x48xi32, #tpu.memory_space<vmem>>, vector<16xi32>,
    %add3A_208 = arith.constant 192 : i32
    %add3A_209 = arith.addi %select_n3A_36, %add3A_208 : i32
    %add3A_210 = arith.constant 32 : i32
    %add3A_211 = arith.addi %add3A_209, %add3A_210 : i32
    %iota3A_212 = tpu.iota {dimensions = array<i32: 0>} : vector<16xi32>
    %add3A_213 = vector.broadcast %add3A_211 : i32 to vector<16xi32>
    %add3A_214 = arith.addi %add3A_213, %iota3A_212 : vector<16xi32>
    %swap3A_215 = arith.constant 4 : i32
    %swap3A_216 = arith.index_cast %swap3A_215 : i32 to index
    %swap3A_217 = arith.constant 32 : index
    %swap3A_218 = tpu.vector_load %arg9[%swap3A_216, %swap3A_217] {strides = array<i32>} : memref<15x48xi32, #tpu.memory_space<vmem>>, vector<16xi32>,
    tpu.vector_store %arg9[%swap3A_216, %swap3A_217], %add3A_214 {strides = array<i32>} : memref<15x48xi32, #tpu.memory_space<vmem>>, vector<16xi32>,
    %add3A_219 = arith.constant 240 : i32
    %add3A_220 = arith.addi %select_n3A_36, %add3A_219 : i32
    %add3A_221 = arith.constant 0 : i32
    %add3A_222 = arith.addi %add3A_220, %add3A_221 : i32
    %iota3A_223 = tpu.iota {dimensions = array<i32: 0>} : vector<16xi32>
    %add3A_224 = vector.broadcast %add3A_222 : i32 to vector<16xi32>
    %add3A_225 = arith.addi %add3A_224, %iota3A_223 : vector<16xi32>
    %swap3A_226 = arith.constant 5 : i32
    %swap3A_227 = arith.index_cast %swap3A_226 : i32 to index
    %swap3A_228 = arith.constant 0 : index
    %swap3A_229 = tpu.vector_load %arg9[%swap3A_227, %swap3A_228] {strides = array<i32>} : memref<15x48xi32, #tpu.memory_space<vmem>>, vector<16xi32>,
    tpu.vector_store %arg9[%swap3A_227, %swap3A_228], %add3A_225 {strides = array<i32>} : memref<15x48xi32, #tpu.memory_space<vmem>>, vector<16xi32>,
    %add3A_230 = arith.constant 240 : i32
    %add3A_231 = arith.addi %select_n3A_36, %add3A_230 : i32
    %add3A_232 = arith.constant 16 : i32
    %add3A_233 = arith.addi %add3A_231, %add3A_232 : i32
    %iota3A_234 = tpu.iota {dimensions = array<i32: 0>} : vector<16xi32>
    %add3A_235 = vector.broadcast %add3A_233 : i32 to vector<16xi32>
    %add3A_236 = arith.addi %add3A_235, %iota3A_234 : vector<16xi32>
    %swap3A_237 = arith.constant 5 : i32
    %swap3A_238 = arith.index_cast %swap3A_237 : i32 to index
    %swap3A_239 = arith.constant 16 : index
    %swap3A_240 = tpu.vector_load %arg9[%swap3A_238, %swap3A_239] {strides = array<i32>} : memref<15x48xi32, #tpu.memory_space<vmem>>, vector<16xi32>,
    tpu.vector_store %arg9[%swap3A_238, %swap3A_239], %add3A_236 {strides = array<i32>} : memref<15x48xi32, #tpu.memory_space<vmem>>, vector<16xi32>,
    %add3A_241 = arith.constant 240 : i32
    %add3A_242 = arith.addi %select_n3A_36, %add3A_241 : i32
    %add3A_243 = arith.constant 32 : i32
    %add3A_244 = arith.addi %add3A_242, %add3A_243 : i32
    %iota3A_245 = tpu.iota {dimensions = array<i32: 0>} : vector<16xi32>
    %add3A_246 = vector.broadcast %add3A_244 : i32 to vector<16xi32>
    %add3A_247 = arith.addi %add3A_246, %iota3A_245 : vector<16xi32>
    %swap3A_248 = arith.constant 5 : i32
    %swap3A_249 = arith.index_cast %swap3A_248 : i32 to index
    %swap3A_250 = arith.constant 32 : index
    %swap3A_251 = tpu.vector_load %arg9[%swap3A_249, %swap3A_250] {strides = array<i32>} : memref<15x48xi32, #tpu.memory_space<vmem>>, vector<16xi32>,
    tpu.vector_store %arg9[%swap3A_249, %swap3A_250], %add3A_247 {strides = array<i32>} : memref<15x48xi32, #tpu.memory_space<vmem>>, vector<16xi32>,
    %add3A_252 = arith.constant 288 : i32
    %add3A_253 = arith.addi %select_n3A_36, %add3A_252 : i32
    %add3A_254 = arith.constant 0 : i32
    %add3A_255 = arith.addi %add3A_253, %add3A_254 : i32
    %iota3A_256 = tpu.iota {dimensions = array<i32: 0>} : vector<16xi32>
    %add3A_257 = vector.broadcast %add3A_255 : i32 to vector<16xi32>
    %add3A_258 = arith.addi %add3A_257, %iota3A_256 : vector<16xi32>
    %swap3A_259 = arith.constant 6 : i32
    %swap3A_260 = arith.index_cast %swap3A_259 : i32 to index
    %swap3A_261 = arith.constant 0 : index
    %swap3A_262 = tpu.vector_load %arg9[%swap3A_260, %swap3A_261] {strides = array<i32>} : memref<15x48xi32, #tpu.memory_space<vmem>>, vector<16xi32>,
    tpu.vector_store %arg9[%swap3A_260, %swap3A_261], %add3A_258 {strides = array<i32>} : memref<15x48xi32, #tpu.memory_space<vmem>>, vector<16xi32>,
    %add3A_263 = arith.constant 288 : i32
    %add3A_264 = arith.addi %select_n3A_36, %add3A_263 : i32
    %add3A_265 = arith.constant 16 : i32
    %add3A_266 = arith.addi %add3A_264, %add3A_265 : i32
    %iota3A_267 = tpu.iota {dimensions = array<i32: 0>} : vector<16xi32>
    %add3A_268 = vector.broadcast %add3A_266 : i32 to vector<16xi32>
    %add3A_269 = arith.addi %add3A_268, %iota3A_267 : vector<16xi32>
    %swap3A_270 = arith.constant 6 : i32
    %swap3A_271 = arith.index_cast %swap3A_270 : i32 to index
    %swap3A_272 = arith.constant 16 : index
    %swap3A_273 = tpu.vector_load %arg9[%swap3A_271, %swap3A_272] {strides = array<i32>} : memref<15x48xi32, #tpu.memory_space<vmem>>, vector<16xi32>,
    tpu.vector_store %arg9[%swap3A_271, %swap3A_272], %add3A_269 {strides = array<i32>} : memref<15x48xi32, #tpu.memory_space<vmem>>, vector<16xi32>,
    %add3A_274 = arith.constant 288 : i32
    %add3A_275 = arith.addi %select_n3A_36, %add3A_274 : i32
    %add3A_276 = arith.constant 32 : i32
    %add3A_277 = arith.addi %add3A_275, %add3A_276 : i32
    %iota3A_278 = tpu.iota {dimensions = array<i32: 0>} : vector<16xi32>
    %add3A_279 = vector.broadcast %add3A_277 : i32 to vector<16xi32>
    %add3A_280 = arith.addi %add3A_279, %iota3A_278 : vector<16xi32>
    %swap3A_281 = arith.constant 6 : i32
    %swap3A_282 = arith.index_cast %swap3A_281 : i32 to index
    %swap3A_283 = arith.constant 32 : index
    %swap3A_284 = tpu.vector_load %arg9[%swap3A_282, %swap3A_283] {strides = array<i32>} : memref<15x48xi32, #tpu.memory_space<vmem>>, vector<16xi32>,
    tpu.vector_store %arg9[%swap3A_282, %swap3A_283], %add3A_280 {strides = array<i32>} : memref<15x48xi32, #tpu.memory_space<vmem>>, vector<16xi32>,
    %add3A_285 = arith.constant 336 : i32
    %add3A_286 = arith.addi %select_n3A_36, %add3A_285 : i32
    %add3A_287 = arith.constant 0 : i32
    %add3A_288 = arith.addi %add3A_286, %add3A_287 : i32
    %iota3A_289 = tpu.iota {dimensions = array<i32: 0>} : vector<16xi32>
    %add3A_290 = vector.broadcast %add3A_288 : i32 to vector<16xi32>
    %add3A_291 = arith.addi %add3A_290, %iota3A_289 : vector<16xi32>
    %swap3A_292 = arith.constant 7 : i32
    %swap3A_293 = arith.index_cast %swap3A_292 : i32 to index
    %swap3A_294 = arith.constant 0 : index
    %swap3A_295 = tpu.vector_load %arg9[%swap3A_293, %swap3A_294] {strides = array<i32>} : memref<15x48xi32, #tpu.memory_space<vmem>>, vector<16xi32>,
    tpu.vector_store %arg9[%swap3A_293, %swap3A_294], %add3A_291 {strides = array<i32>} : memref<15x48xi32, #tpu.memory_space<vmem>>, vector<16xi32>,
    %add3A_296 = arith.constant 336 : i32
    %add3A_297 = arith.addi %select_n3A_36, %add3A_296 : i32
    %add3A_298 = arith.constant 16 : i32
    %add3A_299 = arith.addi %add3A_297, %add3A_298 : i32
    %iota3A_300 = tpu.iota {dimensions = array<i32: 0>} : vector<16xi32>
    %add3A_301 = vector.broadcast %add3A_299 : i32 to vector<16xi32>
    %add3A_302 = arith.addi %add3A_301, %iota3A_300 : vector<16xi32>
    %swap3A_303 = arith.constant 7 : i32
    %swap3A_304 = arith.index_cast %swap3A_303 : i32 to index
    %swap3A_305 = arith.constant 16 : index
    %swap3A_306 = tpu.vector_load %arg9[%swap3A_304, %swap3A_305] {strides = array<i32>} : memref<15x48xi32, #tpu.memory_space<vmem>>, vector<16xi32>,
    tpu.vector_store %arg9[%swap3A_304, %swap3A_305], %add3A_302 {strides = array<i32>} : memref<15x48xi32, #tpu.memory_space<vmem>>, vector<16xi32>,
    %add3A_307 = arith.constant 336 : i32
    %add3A_308 = arith.addi %select_n3A_36, %add3A_307 : i32
    %add3A_309 = arith.constant 32 : i32
    %add3A_310 = arith.addi %add3A_308, %add3A_309 : i32
    %iota3A_311 = tpu.iota {dimensions = array<i32: 0>} : vector<16xi32>
    %add3A_312 = vector.broadcast %add3A_310 : i32 to vector<16xi32>
    %add3A_313 = arith.addi %add3A_312, %iota3A_311 : vector<16xi32>
    %swap3A_314 = arith.constant 7 : i32
    %swap3A_315 = arith.index_cast %swap3A_314 : i32 to index
    %swap3A_316 = arith.constant 32 : index
    %swap3A_317 = tpu.vector_load %arg9[%swap3A_315, %swap3A_316] {strides = array<i32>} : memref<15x48xi32, #tpu.memory_space<vmem>>, vector<16xi32>,
    tpu.vector_store %arg9[%swap3A_315, %swap3A_316], %add3A_313 {strides = array<i32>} : memref<15x48xi32, #tpu.memory_space<vmem>>, vector<16xi32>,
    %add3A_318 = arith.constant 384 : i32
    %add3A_319 = arith.addi %select_n3A_36, %add3A_318 : i32
    %add3A_320 = arith.constant 0 : i32
    %add3A_321 = arith.addi %add3A_319, %add3A_320 : i32
    %iota3A_322 = tpu.iota {dimensions = array<i32: 0>} : vector<16xi32>
    %add3A_323 = vector.broadcast %add3A_321 : i32 to vector<16xi32>
    %add3A_324 = arith.addi %add3A_323, %iota3A_322 : vector<16xi32>
    %swap3A_325 = arith.constant 8 : i32
    %swap3A_326 = arith.index_cast %swap3A_325 : i32 to index
    %swap3A_327 = arith.constant 0 : index
    %swap3A_328 = tpu.vector_load %arg9[%swap3A_326, %swap3A_327] {strides = array<i32>} : memref<15x48xi32, #tpu.memory_space<vmem>>, vector<16xi32>,
    tpu.vector_store %arg9[%swap3A_326, %swap3A_327], %add3A_324 {strides = array<i32>} : memref<15x48xi32, #tpu.memory_space<vmem>>, vector<16xi32>,
    %add3A_329 = arith.constant 384 : i32
    %add3A_330 = arith.addi %select_n3A_36, %add3A_329 : i32
    %add3A_331 = arith.constant 16 : i32
    %add3A_332 = arith.addi %add3A_330, %add3A_331 : i32
    %iota3A_333 = tpu.iota {dimensions = array<i32: 0>} : vector<16xi32>
    %add3A_334 = vector.broadcast %add3A_332 : i32 to vector<16xi32>
    %add3A_335 = arith.addi %add3A_334, %iota3A_333 : vector<16xi32>
    %swap3A_336 = arith.constant 8 : i32
    %swap3A_337 = arith.index_cast %swap3A_336 : i32 to index
    %swap3A_338 = arith.constant 16 : index
    %swap3A_339 = tpu.vector_load %arg9[%swap3A_337, %swap3A_338] {strides = array<i32>} : memref<15x48xi32, #tpu.memory_space<vmem>>, vector<16xi32>,
    tpu.vector_store %arg9[%swap3A_337, %swap3A_338], %add3A_335 {strides = array<i32>} : memref<15x48xi32, #tpu.memory_space<vmem>>, vector<16xi32>,
    %add3A_340 = arith.constant 384 : i32
    %add3A_341 = arith.addi %select_n3A_36, %add3A_340 : i32
    %add3A_342 = arith.constant 32 : i32
    %add3A_343 = arith.addi %add3A_341, %add3A_342 : i32
    %iota3A_344 = tpu.iota {dimensions = array<i32: 0>} : vector<16xi32>
    %add3A_345 = vector.broadcast %add3A_343 : i32 to vector<16xi32>
    %add3A_346 = arith.addi %add3A_345, %iota3A_344 : vector<16xi32>
    %swap3A_347 = arith.constant 8 : i32
    %swap3A_348 = arith.index_cast %swap3A_347 : i32 to index
    %swap3A_349 = arith.constant 32 : index
    %swap3A_350 = tpu.vector_load %arg9[%swap3A_348, %swap3A_349] {strides = array<i32>} : memref<15x48xi32, #tpu.memory_space<vmem>>, vector<16xi32>,
    tpu.vector_store %arg9[%swap3A_348, %swap3A_349], %add3A_346 {strides = array<i32>} : memref<15x48xi32, #tpu.memory_space<vmem>>, vector<16xi32>,
    %add3A_351 = arith.constant 432 : i32
    %add3A_352 = arith.addi %select_n3A_36, %add3A_351 : i32
    %add3A_353 = arith.constant 0 : i32
    %add3A_354 = arith.addi %add3A_352, %add3A_353 : i32
    %iota3A_355 = tpu.iota {dimensions = array<i32: 0>} : vector<16xi32>
    %add3A_356 = vector.broadcast %add3A_354 : i32 to vector<16xi32>
    %add3A_357 = arith.addi %add3A_356, %iota3A_355 : vector<16xi32>
    %swap3A_358 = arith.constant 9 : i32
    %swap3A_359 = arith.index_cast %swap3A_358 : i32 to index
    %swap3A_360 = arith.constant 0 : index
    %swap3A_361 = tpu.vector_load %arg9[%swap3A_359, %swap3A_360] {strides = array<i32>} : memref<15x48xi32, #tpu.memory_space<vmem>>, vector<16xi32>,
    tpu.vector_store %arg9[%swap3A_359, %swap3A_360], %add3A_357 {strides = array<i32>} : memref<15x48xi32, #tpu.memory_space<vmem>>, vector<16xi32>,
    %add3A_362 = arith.constant 432 : i32
    %add3A_363 = arith.addi %select_n3A_36, %add3A_362 : i32
    %add3A_364 = arith.constant 16 : i32
    %add3A_365 = arith.addi %add3A_363, %add3A_364 : i32
    %iota3A_366 = tpu.iota {dimensions = array<i32: 0>} : vector<16xi32>
    %add3A_367 = vector.broadcast %add3A_365 : i32 to vector<16xi32>
    %add3A_368 = arith.addi %add3A_367, %iota3A_366 : vector<16xi32>
    %swap3A_369 = arith.constant 9 : i32
    %swap3A_370 = arith.index_cast %swap3A_369 : i32 to index
    %swap3A_371 = arith.constant 16 : index
    %swap3A_372 = tpu.vector_load %arg9[%swap3A_370, %swap3A_371] {strides = array<i32>} : memref<15x48xi32, #tpu.memory_space<vmem>>, vector<16xi32>,
    tpu.vector_store %arg9[%swap3A_370, %swap3A_371], %add3A_368 {strides = array<i32>} : memref<15x48xi32, #tpu.memory_space<vmem>>, vector<16xi32>,
    %add3A_373 = arith.constant 432 : i32
    %add3A_374 = arith.addi %select_n3A_36, %add3A_373 : i32
    %add3A_375 = arith.constant 32 : i32
    %add3A_376 = arith.addi %add3A_374, %add3A_375 : i32
    %iota3A_377 = tpu.iota {dimensions = array<i32: 0>} : vector<16xi32>
    %add3A_378 = vector.broadcast %add3A_376 : i32 to vector<16xi32>
    %add3A_379 = arith.addi %add3A_378, %iota3A_377 : vector<16xi32>
    %swap3A_380 = arith.constant 9 : i32
    %swap3A_381 = arith.index_cast %swap3A_380 : i32 to index
    %swap3A_382 = arith.constant 32 : index
    %swap3A_383 = tpu.vector_load %arg9[%swap3A_381, %swap3A_382] {strides = array<i32>} : memref<15x48xi32, #tpu.memory_space<vmem>>, vector<16xi32>,
    tpu.vector_store %arg9[%swap3A_381, %swap3A_382], %add3A_379 {strides = array<i32>} : memref<15x48xi32, #tpu.memory_space<vmem>>, vector<16xi32>,
    %add3A_384 = arith.constant 480 : i32
    %add3A_385 = arith.addi %select_n3A_36, %add3A_384 : i32
    %add3A_386 = arith.constant 0 : i32
    %add3A_387 = arith.addi %add3A_385, %add3A_386 : i32
    %iota3A_388 = tpu.iota {dimensions = array<i32: 0>} : vector<16xi32>
    %add3A_389 = vector.broadcast %add3A_387 : i32 to vector<16xi32>
    %add3A_390 = arith.addi %add3A_389, %iota3A_388 : vector<16xi32>
    %swap3A_391 = arith.constant 10 : i32
    %swap3A_392 = arith.index_cast %swap3A_391 : i32 to index
    %swap3A_393 = arith.constant 0 : index
    %swap3A_394 = tpu.vector_load %arg9[%swap3A_392, %swap3A_393] {strides = array<i32>} : memref<15x48xi32, #tpu.memory_space<vmem>>, vector<16xi32>,
    tpu.vector_store %arg9[%swap3A_392, %swap3A_393], %add3A_390 {strides = array<i32>} : memref<15x48xi32, #tpu.memory_space<vmem>>, vector<16xi32>,
    %add3A_395 = arith.constant 480 : i32
    %add3A_396 = arith.addi %select_n3A_36, %add3A_395 : i32
    %add3A_397 = arith.constant 16 : i32
    %add3A_398 = arith.addi %add3A_396, %add3A_397 : i32
    %iota3A_399 = tpu.iota {dimensions = array<i32: 0>} : vector<16xi32>
    %add3A_400 = vector.broadcast %add3A_398 : i32 to vector<16xi32>
    %add3A_401 = arith.addi %add3A_400, %iota3A_399 : vector<16xi32>
    %swap3A_402 = arith.constant 10 : i32
    %swap3A_403 = arith.index_cast %swap3A_402 : i32 to index
    %swap3A_404 = arith.constant 16 : index
    %swap3A_405 = tpu.vector_load %arg9[%swap3A_403, %swap3A_404] {strides = array<i32>} : memref<15x48xi32, #tpu.memory_space<vmem>>, vector<16xi32>,
    tpu.vector_store %arg9[%swap3A_403, %swap3A_404], %add3A_401 {strides = array<i32>} : memref<15x48xi32, #tpu.memory_space<vmem>>, vector<16xi32>,
    %add3A_406 = arith.constant 480 : i32
    %add3A_407 = arith.addi %select_n3A_36, %add3A_406 : i32
    %add3A_408 = arith.constant 32 : i32
    %add3A_409 = arith.addi %add3A_407, %add3A_408 : i32
    %iota3A_410 = tpu.iota {dimensions = array<i32: 0>} : vector<16xi32>
    %add3A_411 = vector.broadcast %add3A_409 : i32 to vector<16xi32>
    %add3A_412 = arith.addi %add3A_411, %iota3A_410 : vector<16xi32>
    %swap3A_413 = arith.constant 10 : i32
    %swap3A_414 = arith.index_cast %swap3A_413 : i32 to index
    %swap3A_415 = arith.constant 32 : index
    %swap3A_416 = tpu.vector_load %arg9[%swap3A_414, %swap3A_415] {strides = array<i32>} : memref<15x48xi32, #tpu.memory_space<vmem>>, vector<16xi32>,
    tpu.vector_store %arg9[%swap3A_414, %swap3A_415], %add3A_412 {strides = array<i32>} : memref<15x48xi32, #tpu.memory_space<vmem>>, vector<16xi32>,
    %add3A_417 = arith.constant 528 : i32
    %add3A_418 = arith.addi %select_n3A_36, %add3A_417 : i32
    %add3A_419 = arith.constant 0 : i32
    %add3A_420 = arith.addi %add3A_418, %add3A_419 : i32
    %iota3A_421 = tpu.iota {dimensions = array<i32: 0>} : vector<16xi32>
    %add3A_422 = vector.broadcast %add3A_420 : i32 to vector<16xi32>
    %add3A_423 = arith.addi %add3A_422, %iota3A_421 : vector<16xi32>
    %swap3A_424 = arith.constant 11 : i32
    %swap3A_425 = arith.index_cast %swap3A_424 : i32 to index
    %swap3A_426 = arith.constant 0 : index
    %swap3A_427 = tpu.vector_load %arg9[%swap3A_425, %swap3A_426] {strides = array<i32>} : memref<15x48xi32, #tpu.memory_space<vmem>>, vector<16xi32>,
    tpu.vector_store %arg9[%swap3A_425, %swap3A_426], %add3A_423 {strides = array<i32>} : memref<15x48xi32, #tpu.memory_space<vmem>>, vector<16xi32>,
    %add3A_428 = arith.constant 528 : i32
    %add3A_429 = arith.addi %select_n3A_36, %add3A_428 : i32
    %add3A_430 = arith.constant 16 : i32
    %add3A_431 = arith.addi %add3A_429, %add3A_430 : i32
    %iota3A_432 = tpu.iota {dimensions = array<i32: 0>} : vector<16xi32>
    %add3A_433 = vector.broadcast %add3A_431 : i32 to vector<16xi32>
    %add3A_434 = arith.addi %add3A_433, %iota3A_432 : vector<16xi32>
    %swap3A_435 = arith.constant 11 : i32
    %swap3A_436 = arith.index_cast %swap3A_435 : i32 to index
    %swap3A_437 = arith.constant 16 : index
    %swap3A_438 = tpu.vector_load %arg9[%swap3A_436, %swap3A_437] {strides = array<i32>} : memref<15x48xi32, #tpu.memory_space<vmem>>, vector<16xi32>,
    tpu.vector_store %arg9[%swap3A_436, %swap3A_437], %add3A_434 {strides = array<i32>} : memref<15x48xi32, #tpu.memory_space<vmem>>, vector<16xi32>,
    %add3A_439 = arith.constant 528 : i32
    %add3A_440 = arith.addi %select_n3A_36, %add3A_439 : i32
    %add3A_441 = arith.constant 32 : i32
    %add3A_442 = arith.addi %add3A_440, %add3A_441 : i32
    %iota3A_443 = tpu.iota {dimensions = array<i32: 0>} : vector<16xi32>
    %add3A_444 = vector.broadcast %add3A_442 : i32 to vector<16xi32>
    %add3A_445 = arith.addi %add3A_444, %iota3A_443 : vector<16xi32>
    %swap3A_446 = arith.constant 11 : i32
    %swap3A_447 = arith.index_cast %swap3A_446 : i32 to index
    %swap3A_448 = arith.constant 32 : index
    %swap3A_449 = tpu.vector_load %arg9[%swap3A_447, %swap3A_448] {strides = array<i32>} : memref<15x48xi32, #tpu.memory_space<vmem>>, vector<16xi32>,
    tpu.vector_store %arg9[%swap3A_447, %swap3A_448], %add3A_445 {strides = array<i32>} : memref<15x48xi32, #tpu.memory_space<vmem>>, vector<16xi32>,
    %add3A_450 = arith.constant 576 : i32
    %add3A_451 = arith.addi %select_n3A_36, %add3A_450 : i32
    %add3A_452 = arith.constant 0 : i32
    %add3A_453 = arith.addi %add3A_451, %add3A_452 : i32
    %iota3A_454 = tpu.iota {dimensions = array<i32: 0>} : vector<16xi32>
    %add3A_455 = vector.broadcast %add3A_453 : i32 to vector<16xi32>
    %add3A_456 = arith.addi %add3A_455, %iota3A_454 : vector<16xi32>
    %swap3A_457 = arith.constant 12 : i32
    %swap3A_458 = arith.index_cast %swap3A_457 : i32 to index
    %swap3A_459 = arith.constant 0 : index
    %swap3A_460 = tpu.vector_load %arg9[%swap3A_458, %swap3A_459] {strides = array<i32>} : memref<15x48xi32, #tpu.memory_space<vmem>>, vector<16xi32>,
    tpu.vector_store %arg9[%swap3A_458, %swap3A_459], %add3A_456 {strides = array<i32>} : memref<15x48xi32, #tpu.memory_space<vmem>>, vector<16xi32>,
    %add3A_461 = arith.constant 576 : i32
    %add3A_462 = arith.addi %select_n3A_36, %add3A_461 : i32
    %add3A_463 = arith.constant 16 : i32
    %add3A_464 = arith.addi %add3A_462, %add3A_463 : i32
    %iota3A_465 = tpu.iota {dimensions = array<i32: 0>} : vector<16xi32>
    %add3A_466 = vector.broadcast %add3A_464 : i32 to vector<16xi32>
    %add3A_467 = arith.addi %add3A_466, %iota3A_465 : vector<16xi32>
    %swap3A_468 = arith.constant 12 : i32
    %swap3A_469 = arith.index_cast %swap3A_468 : i32 to index
    %swap3A_470 = arith.constant 16 : index
    %swap3A_471 = tpu.vector_load %arg9[%swap3A_469, %swap3A_470] {strides = array<i32>} : memref<15x48xi32, #tpu.memory_space<vmem>>, vector<16xi32>,
    tpu.vector_store %arg9[%swap3A_469, %swap3A_470], %add3A_467 {strides = array<i32>} : memref<15x48xi32, #tpu.memory_space<vmem>>, vector<16xi32>,
    %add3A_472 = arith.constant 576 : i32
    %add3A_473 = arith.addi %select_n3A_36, %add3A_472 : i32
    %add3A_474 = arith.constant 32 : i32
    %add3A_475 = arith.addi %add3A_473, %add3A_474 : i32
    %iota3A_476 = tpu.iota {dimensions = array<i32: 0>} : vector<16xi32>
    %add3A_477 = vector.broadcast %add3A_475 : i32 to vector<16xi32>
    %add3A_478 = arith.addi %add3A_477, %iota3A_476 : vector<16xi32>
    %swap3A_479 = arith.constant 12 : i32
    %swap3A_480 = arith.index_cast %swap3A_479 : i32 to index
    %swap3A_481 = arith.constant 32 : index
    %swap3A_482 = tpu.vector_load %arg9[%swap3A_480, %swap3A_481] {strides = array<i32>} : memref<15x48xi32, #tpu.memory_space<vmem>>, vector<16xi32>,
    tpu.vector_store %arg9[%swap3A_480, %swap3A_481], %add3A_478 {strides = array<i32>} : memref<15x48xi32, #tpu.memory_space<vmem>>, vector<16xi32>,
    %add3A_483 = arith.constant 624 : i32
    %add3A_484 = arith.addi %select_n3A_36, %add3A_483 : i32
    %add3A_485 = arith.constant 0 : i32
    %add3A_486 = arith.addi %add3A_484, %add3A_485 : i32
    %iota3A_487 = tpu.iota {dimensions = array<i32: 0>} : vector<16xi32>
    %add3A_488 = vector.broadcast %add3A_486 : i32 to vector<16xi32>
    %add3A_489 = arith.addi %add3A_488, %iota3A_487 : vector<16xi32>
    %swap3A_490 = arith.constant 13 : i32
    %swap3A_491 = arith.index_cast %swap3A_490 : i32 to index
    %swap3A_492 = arith.constant 0 : index
    %swap3A_493 = tpu.vector_load %arg9[%swap3A_491, %swap3A_492] {strides = array<i32>} : memref<15x48xi32, #tpu.memory_space<vmem>>, vector<16xi32>,
    tpu.vector_store %arg9[%swap3A_491, %swap3A_492], %add3A_489 {strides = array<i32>} : memref<15x48xi32, #tpu.memory_space<vmem>>, vector<16xi32>,
    %add3A_494 = arith.constant 624 : i32
    %add3A_495 = arith.addi %select_n3A_36, %add3A_494 : i32
    %add3A_496 = arith.constant 16 : i32
    %add3A_497 = arith.addi %add3A_495, %add3A_496 : i32
    %iota3A_498 = tpu.iota {dimensions = array<i32: 0>} : vector<16xi32>
    %add3A_499 = vector.broadcast %add3A_497 : i32 to vector<16xi32>
    %add3A_500 = arith.addi %add3A_499, %iota3A_498 : vector<16xi32>
    %swap3A_501 = arith.constant 13 : i32
    %swap3A_502 = arith.index_cast %swap3A_501 : i32 to index
    %swap3A_503 = arith.constant 16 : index
    %swap3A_504 = tpu.vector_load %arg9[%swap3A_502, %swap3A_503] {strides = array<i32>} : memref<15x48xi32, #tpu.memory_space<vmem>>, vector<16xi32>,
    tpu.vector_store %arg9[%swap3A_502, %swap3A_503], %add3A_500 {strides = array<i32>} : memref<15x48xi32, #tpu.memory_space<vmem>>, vector<16xi32>,
    %add3A_505 = arith.constant 624 : i32
    %add3A_506 = arith.addi %select_n3A_36, %add3A_505 : i32
    %add3A_507 = arith.constant 32 : i32
    %add3A_508 = arith.addi %add3A_506, %add3A_507 : i32
    %iota3A_509 = tpu.iota {dimensions = array<i32: 0>} : vector<16xi32>
    %add3A_510 = vector.broadcast %add3A_508 : i32 to vector<16xi32>
    %add3A_511 = arith.addi %add3A_510, %iota3A_509 : vector<16xi32>
    %swap3A_512 = arith.constant 13 : i32
    %swap3A_513 = arith.index_cast %swap3A_512 : i32 to index
    %swap3A_514 = arith.constant 32 : index
    %swap3A_515 = tpu.vector_load %arg9[%swap3A_513, %swap3A_514] {strides = array<i32>} : memref<15x48xi32, #tpu.memory_space<vmem>>, vector<16xi32>,
    tpu.vector_store %arg9[%swap3A_513, %swap3A_514], %add3A_511 {strides = array<i32>} : memref<15x48xi32, #tpu.memory_space<vmem>>, vector<16xi32>,
    %add3A_516 = arith.constant 672 : i32
    %add3A_517 = arith.addi %select_n3A_36, %add3A_516 : i32
    %add3A_518 = arith.constant 0 : i32
    %add3A_519 = arith.addi %add3A_517, %add3A_518 : i32
    %iota3A_520 = tpu.iota {dimensions = array<i32: 0>} : vector<16xi32>
    %add3A_521 = vector.broadcast %add3A_519 : i32 to vector<16xi32>
    %add3A_522 = arith.addi %add3A_521, %iota3A_520 : vector<16xi32>
    %swap3A_523 = arith.constant 14 : i32
    %swap3A_524 = arith.index_cast %swap3A_523 : i32 to index
    %swap3A_525 = arith.constant 0 : index
    %swap3A_526 = tpu.vector_load %arg9[%swap3A_524, %swap3A_525] {strides = array<i32>} : memref<15x48xi32, #tpu.memory_space<vmem>>, vector<16xi32>,
    tpu.vector_store %arg9[%swap3A_524, %swap3A_525], %add3A_522 {strides = array<i32>} : memref<15x48xi32, #tpu.memory_space<vmem>>, vector<16xi32>,
    %add3A_527 = arith.constant 672 : i32
    %add3A_528 = arith.addi %select_n3A_36, %add3A_527 : i32
    %add3A_529 = arith.constant 16 : i32
    %add3A_530 = arith.addi %add3A_528, %add3A_529 : i32
    %iota3A_531 = tpu.iota {dimensions = array<i32: 0>} : vector<16xi32>
    %add3A_532 = vector.broadcast %add3A_530 : i32 to vector<16xi32>
    %add3A_533 = arith.addi %add3A_532, %iota3A_531 : vector<16xi32>
    %swap3A_534 = arith.constant 14 : i32
    %swap3A_535 = arith.index_cast %swap3A_534 : i32 to index
    %swap3A_536 = arith.constant 16 : index
    %swap3A_537 = tpu.vector_load %arg9[%swap3A_535, %swap3A_536] {strides = array<i32>} : memref<15x48xi32, #tpu.memory_space<vmem>>, vector<16xi32>,
    tpu.vector_store %arg9[%swap3A_535, %swap3A_536], %add3A_533 {strides = array<i32>} : memref<15x48xi32, #tpu.memory_space<vmem>>, vector<16xi32>,
    %add3A_538 = arith.constant 672 : i32
    %add3A_539 = arith.addi %select_n3A_36, %add3A_538 : i32
    %add3A_540 = arith.constant 32 : i32
    %add3A_541 = arith.addi %add3A_539, %add3A_540 : i32
    %iota3A_542 = tpu.iota {dimensions = array<i32: 0>} : vector<16xi32>
    %add3A_543 = vector.broadcast %add3A_541 : i32 to vector<16xi32>
    %add3A_544 = arith.addi %add3A_543, %iota3A_542 : vector<16xi32>
    %swap3A_545 = arith.constant 14 : i32
    %swap3A_546 = arith.index_cast %swap3A_545 : i32 to index
    %swap3A_547 = arith.constant 32 : index
    %swap3A_548 = tpu.vector_load %arg9[%swap3A_546, %swap3A_547] {strides = array<i32>} : memref<15x48xi32, #tpu.memory_space<vmem>>, vector<16xi32>,
    tpu.vector_store %arg9[%swap3A_546, %swap3A_547], %add3A_544 {strides = array<i32>} : memref<15x48xi32, #tpu.memory_space<vmem>>, vector<16xi32>,
    %dma_start3A = arith.constant 0 : i32
    %dma_start3A_549 = tpu.memref_slice %arg8[%dma_start3A] : memref<720xi32, #tpu.memory_space<vmem>> -> memref<48xi32, #tpu.memory_space<vmem>>
    %dma_start3A_550 = arith.constant 0 : i32
    %dma_start3A_551 = arith.constant 0 : i32
    %dma_start3A_552 = tpu.memref_slice %arg3[%dma_start3A_550, %dma_start3A_551] : memref<32768x768xf32, #tpu.memory_space<hbm>> -> memref<32768x768xf32, #tpu.memory_space<hbm>>
    tpu.enqueue_indirect_dma source(%dma_start3A_552 : memref<32768x768xf32, #tpu.memory_space<hbm>>) target(%arg10 : memref<48x768xf32, #tpu.memory_space<vmem>>) offsets(%dma_start3A_549 : memref<48xi32, #tpu.memory_space<vmem>>) semaphore(%arg12 : memref<!tpu.dma_semaphore, #tpu.memory_space<semaphore_mem>>)
    %dma_wait3A = arith.constant 0 : i32
    %dma_wait3A_553 = tpu.memref_slice %arg8[%dma_wait3A] : memref<720xi32, #tpu.memory_space<vmem>> -> memref<48xi32, #tpu.memory_space<vmem>>
    %dma_wait3A_554 = arith.constant 0 : i32
    %dma_wait3A_555 = arith.constant 0 : i32
    %dma_wait3A_556 = tpu.memref_slice %arg3[%dma_wait3A_554, %dma_wait3A_555] : memref<32768x768xf32, #tpu.memory_space<hbm>> -> memref<32768x768xf32, #tpu.memory_space<hbm>>
    tpu.wait_indirect_dma semaphore(%arg12 : memref<!tpu.dma_semaphore, #tpu.memory_space<semaphore_mem>>) src(%dma_wait3A_556 : memref<32768x768xf32, #tpu.memory_space<hbm>>) dst(%arg10 : memref<48x768xf32, #tpu.memory_space<vmem>>)
    %dma_start3A_557 = arith.constant 48 : i32
    %dma_start3A_558 = tpu.memref_slice %arg8[%dma_start3A_557] : memref<720xi32, #tpu.memory_space<vmem>> -> memref<48xi32, #tpu.memory_space<vmem>>
    %dma_start3A_559 = arith.constant 0 : i32
    %dma_start3A_560 = arith.constant 0 : i32
    %dma_start3A_561 = tpu.memref_slice %arg3[%dma_start3A_559, %dma_start3A_560] : memref<32768x768xf32, #tpu.memory_space<hbm>> -> memref<32768x768xf32, #tpu.memory_space<hbm>>
    tpu.enqueue_indirect_dma source(%dma_start3A_561 : memref<32768x768xf32, #tpu.memory_space<hbm>>) target(%arg11 : memref<48x768xf32, #tpu.memory_space<vmem>>) offsets(%dma_start3A_558 : memref<48xi32, #tpu.memory_space<vmem>>) semaphore(%arg13 : memref<!tpu.dma_semaphore, #tpu.memory_space<semaphore_mem>>)
    %dma_start3A_562 = arith.constant 0 : i32
    %dma_start3A_563 = arith.constant 0 : i32
    %dma_start3A_564 = tpu.memref_slice %arg9[%dma_start3A_562, %dma_start3A_563] : memref<15x48xi32, #tpu.memory_space<vmem>> -> memref<1x48xi32, #tpu.memory_space<vmem>>
    %dma_start3A_565 = tpu.memref_squeeze %dma_start3A_564 : memref<1x48xi32, #tpu.memory_space<vmem>> -> memref<48xi32, #tpu.memory_space<vmem>>
    %dma_start3A_566 = arith.constant 0 : i32
    %dma_start3A_567 = arith.constant 0 : i32
    %dma_start3A_568 = tpu.memref_slice %arg4[%select_n3A, %dma_start3A_566, %dma_start3A_567] : memref<4x5734x768xf32, #tpu.memory_space<hbm>> -> memref<1x5734x768xf32, #tpu.memory_space<hbm>>
    %dma_start3A_569 = tpu.memref_squeeze %dma_start3A_568 : memref<1x5734x768xf32, #tpu.memory_space<hbm>> -> memref<5734x768xf32, #tpu.memory_space<hbm>>
    %dma_start3A_570 = arith.constant 0 : i32
    %dma_start3A_571 = arith.constant 0 : i32
    %dma_start3A_572 = tpu.memref_slice %dma_start3A_569[%dma_start3A_570, %dma_start3A_571] : memref<5734x768xf32, #tpu.memory_space<hbm>> -> memref<5734x768xf32, #tpu.memory_space<hbm>>
    tpu.enqueue_indirect_dma source(%arg10 : memref<48x768xf32, #tpu.memory_space<vmem>>) target(%dma_start3A_572 : memref<5734x768xf32, #tpu.memory_space<hbm>>) offsets(%dma_start3A_565 : memref<48xi32, #tpu.memory_space<vmem>>) semaphore(%arg14 : memref<!tpu.dma_semaphore, #tpu.memory_space<semaphore_mem>>)
    %dma_wait3A_573 = arith.constant 48 : i32
    %dma_wait3A_574 = tpu.memref_slice %arg8[%dma_wait3A_573] : memref<720xi32, #tpu.memory_space<vmem>> -> memref<48xi32, #tpu.memory_space<vmem>>
    %dma_wait3A_575 = arith.constant 0 : i32
    %dma_wait3A_576 = arith.constant 0 : i32
    %dma_wait3A_577 = tpu.memref_slice %arg3[%dma_wait3A_575, %dma_wait3A_576] : memref<32768x768xf32, #tpu.memory_space<hbm>> -> memref<32768x768xf32, #tpu.memory_space<hbm>>
    tpu.wait_indirect_dma semaphore(%arg13 : memref<!tpu.dma_semaphore, #tpu.memory_space<semaphore_mem>>) src(%dma_wait3A_577 : memref<32768x768xf32, #tpu.memory_space<hbm>>) dst(%arg11 : memref<48x768xf32, #tpu.memory_space<vmem>>)
    %dma_wait3A_578 = arith.constant 0 : i32
    %dma_wait3A_579 = arith.constant 0 : i32
    %dma_wait3A_580 = tpu.memref_slice %arg9[%dma_wait3A_578, %dma_wait3A_579] : memref<15x48xi32, #tpu.memory_space<vmem>> -> memref<1x48xi32, #tpu.memory_space<vmem>>
    %dma_wait3A_581 = tpu.memref_squeeze %dma_wait3A_580 : memref<1x48xi32, #tpu.memory_space<vmem>> -> memref<48xi32, #tpu.memory_space<vmem>>
    %dma_wait3A_582 = arith.constant 0 : i32
    %dma_wait3A_583 = arith.constant 0 : i32
    %dma_wait3A_584 = tpu.memref_slice %arg4[%select_n3A, %dma_wait3A_582, %dma_wait3A_583] : memref<4x5734x768xf32, #tpu.memory_space<hbm>> -> memref<1x5734x768xf32, #tpu.memory_space<hbm>>
    %dma_wait3A_585 = tpu.memref_squeeze %dma_wait3A_584 : memref<1x5734x768xf32, #tpu.memory_space<hbm>> -> memref<5734x768xf32, #tpu.memory_space<hbm>>
    %dma_wait3A_586 = arith.constant 0 : i32
    %dma_wait3A_587 = arith.constant 0 : i32
    %dma_wait3A_588 = tpu.memref_slice %dma_wait3A_585[%dma_wait3A_586, %dma_wait3A_587] : memref<5734x768xf32, #tpu.memory_space<hbm>> -> memref<5734x768xf32, #tpu.memory_space<hbm>>
    tpu.wait_indirect_dma semaphore(%arg14 : memref<!tpu.dma_semaphore, #tpu.memory_space<semaphore_mem>>) src(%arg10 : memref<48x768xf32, #tpu.memory_space<vmem>>) dst(%dma_wait3A_588 : memref<5734x768xf32, #tpu.memory_space<hbm>>)
    %dma_start3A_589 = arith.constant 96 : i32
    %dma_start3A_590 = tpu.memref_slice %arg8[%dma_start3A_589] : memref<720xi32, #tpu.memory_space<vmem>> -> memref<48xi32, #tpu.memory_space<vmem>>
    %dma_start3A_591 = arith.constant 0 : i32
    %dma_start3A_592 = arith.constant 0 : i32
    %dma_start3A_593 = tpu.memref_slice %arg3[%dma_start3A_591, %dma_start3A_592] : memref<32768x768xf32, #tpu.memory_space<hbm>> -> memref<32768x768xf32, #tpu.memory_space<hbm>>
    tpu.enqueue_indirect_dma source(%dma_start3A_593 : memref<32768x768xf32, #tpu.memory_space<hbm>>) target(%arg10 : memref<48x768xf32, #tpu.memory_space<vmem>>) offsets(%dma_start3A_590 : memref<48xi32, #tpu.memory_space<vmem>>) semaphore(%arg12 : memref<!tpu.dma_semaphore, #tpu.memory_space<semaphore_mem>>)
    %dma_start3A_594 = arith.constant 1 : i32
    %dma_start3A_595 = arith.constant 0 : i32
    %dma_start3A_596 = tpu.memref_slice %arg9[%dma_start3A_594, %dma_start3A_595] : memref<15x48xi32, #tpu.memory_space<vmem>> -> memref<1x48xi32, #tpu.memory_space<vmem>>
    %dma_start3A_597 = tpu.memref_squeeze %dma_start3A_596 : memref<1x48xi32, #tpu.memory_space<vmem>> -> memref<48xi32, #tpu.memory_space<vmem>>
    %dma_start3A_598 = arith.constant 0 : i32
    %dma_start3A_599 = arith.constant 0 : i32
    %dma_start3A_600 = tpu.memref_slice %arg4[%select_n3A, %dma_start3A_598, %dma_start3A_599] : memref<4x5734x768xf32, #tpu.memory_space<hbm>> -> memref<1x5734x768xf32, #tpu.memory_space<hbm>>
    %dma_start3A_601 = tpu.memref_squeeze %dma_start3A_600 : memref<1x5734x768xf32, #tpu.memory_space<hbm>> -> memref<5734x768xf32, #tpu.memory_space<hbm>>
    %dma_start3A_602 = arith.constant 0 : i32
    %dma_start3A_603 = arith.constant 0 : i32
    %dma_start3A_604 = tpu.memref_slice %dma_start3A_601[%dma_start3A_602, %dma_start3A_603] : memref<5734x768xf32, #tpu.memory_space<hbm>> -> memref<5734x768xf32, #tpu.memory_space<hbm>>
    tpu.enqueue_indirect_dma source(%arg11 : memref<48x768xf32, #tpu.memory_space<vmem>>) target(%dma_start3A_604 : memref<5734x768xf32, #tpu.memory_space<hbm>>) offsets(%dma_start3A_597 : memref<48xi32, #tpu.memory_space<vmem>>) semaphore(%arg15 : memref<!tpu.dma_semaphore, #tpu.memory_space<semaphore_mem>>)
    %dma_wait3A_605 = arith.constant 96 : i32
    %dma_wait3A_606 = tpu.memref_slice %arg8[%dma_wait3A_605] : memref<720xi32, #tpu.memory_space<vmem>> -> memref<48xi32, #tpu.memory_space<vmem>>
    %dma_wait3A_607 = arith.constant 0 : i32
    %dma_wait3A_608 = arith.constant 0 : i32
    %dma_wait3A_609 = tpu.memref_slice %arg3[%dma_wait3A_607, %dma_wait3A_608] : memref<32768x768xf32, #tpu.memory_space<hbm>> -> memref<32768x768xf32, #tpu.memory_space<hbm>>
    tpu.wait_indirect_dma semaphore(%arg12 : memref<!tpu.dma_semaphore, #tpu.memory_space<semaphore_mem>>) src(%dma_wait3A_609 : memref<32768x768xf32, #tpu.memory_space<hbm>>) dst(%arg10 : memref<48x768xf32, #tpu.memory_space<vmem>>)
    %dma_wait3A_610 = arith.constant 1 : i32
    %dma_wait3A_611 = arith.constant 0 : i32
    %dma_wait3A_612 = tpu.memref_slice %arg9[%dma_wait3A_610, %dma_wait3A_611] : memref<15x48xi32, #tpu.memory_space<vmem>> -> memref<1x48xi32, #tpu.memory_space<vmem>>
    %dma_wait3A_613 = tpu.memref_squeeze %dma_wait3A_612 : memref<1x48xi32, #tpu.memory_space<vmem>> -> memref<48xi32, #tpu.memory_space<vmem>>
    %dma_wait3A_614 = arith.constant 0 : i32
    %dma_wait3A_615 = arith.constant 0 : i32
    %dma_wait3A_616 = tpu.memref_slice %arg4[%select_n3A, %dma_wait3A_614, %dma_wait3A_615] : memref<4x5734x768xf32, #tpu.memory_space<hbm>> -> memref<1x5734x768xf32, #tpu.memory_space<hbm>>
    %dma_wait3A_617 = tpu.memref_squeeze %dma_wait3A_616 : memref<1x5734x768xf32, #tpu.memory_space<hbm>> -> memref<5734x768xf32, #tpu.memory_space<hbm>>
    %dma_wait3A_618 = arith.constant 0 : i32
    %dma_wait3A_619 = arith.constant 0 : i32
    %dma_wait3A_620 = tpu.memref_slice %dma_wait3A_617[%dma_wait3A_618, %dma_wait3A_619] : memref<5734x768xf32, #tpu.memory_space<hbm>> -> memref<5734x768xf32, #tpu.memory_space<hbm>>
    tpu.wait_indirect_dma semaphore(%arg15 : memref<!tpu.dma_semaphore, #tpu.memory_space<semaphore_mem>>) src(%arg11 : memref<48x768xf32, #tpu.memory_space<vmem>>) dst(%dma_wait3A_620 : memref<5734x768xf32, #tpu.memory_space<hbm>>)
    %dma_start3A_621 = arith.constant 144 : i32
    %dma_start3A_622 = tpu.memref_slice %arg8[%dma_start3A_621] : memref<720xi32, #tpu.memory_space<vmem>> -> memref<48xi32, #tpu.memory_space<vmem>>
    %dma_start3A_623 = arith.constant 0 : i32
    %dma_start3A_624 = arith.constant 0 : i32
    %dma_start3A_625 = tpu.memref_slice %arg3[%dma_start3A_623, %dma_start3A_624] : memref<32768x768xf32, #tpu.memory_space<hbm>> -> memref<32768x768xf32, #tpu.memory_space<hbm>>
    tpu.enqueue_indirect_dma source(%dma_start3A_625 : memref<32768x768xf32, #tpu.memory_space<hbm>>) target(%arg11 : memref<48x768xf32, #tpu.memory_space<vmem>>) offsets(%dma_start3A_622 : memref<48xi32, #tpu.memory_space<vmem>>) semaphore(%arg13 : memref<!tpu.dma_semaphore, #tpu.memory_space<semaphore_mem>>)
    %dma_start3A_626 = arith.constant 2 : i32
    %dma_start3A_627 = arith.constant 0 : i32
    %dma_start3A_628 = tpu.memref_slice %arg9[%dma_start3A_626, %dma_start3A_627] : memref<15x48xi32, #tpu.memory_space<vmem>> -> memref<1x48xi32, #tpu.memory_space<vmem>>
    %dma_start3A_629 = tpu.memref_squeeze %dma_start3A_628 : memref<1x48xi32, #tpu.memory_space<vmem>> -> memref<48xi32, #tpu.memory_space<vmem>>
    %dma_start3A_630 = arith.constant 0 : i32
    %dma_start3A_631 = arith.constant 0 : i32
    %dma_start3A_632 = tpu.memref_slice %arg4[%select_n3A, %dma_start3A_630, %dma_start3A_631] : memref<4x5734x768xf32, #tpu.memory_space<hbm>> -> memref<1x5734x768xf32, #tpu.memory_space<hbm>>
    %dma_start3A_633 = tpu.memref_squeeze %dma_start3A_632 : memref<1x5734x768xf32, #tpu.memory_space<hbm>> -> memref<5734x768xf32, #tpu.memory_space<hbm>>
    %dma_start3A_634 = arith.constant 0 : i32
    %dma_start3A_635 = arith.constant 0 : i32
    %dma_start3A_636 = tpu.memref_slice %dma_start3A_633[%dma_start3A_634, %dma_start3A_635] : memref<5734x768xf32, #tpu.memory_space<hbm>> -> memref<5734x768xf32, #tpu.memory_space<hbm>>
    tpu.enqueue_indirect_dma source(%arg10 : memref<48x768xf32, #tpu.memory_space<vmem>>) target(%dma_start3A_636 : memref<5734x768xf32, #tpu.memory_space<hbm>>) offsets(%dma_start3A_629 : memref<48xi32, #tpu.memory_space<vmem>>) semaphore(%arg14 : memref<!tpu.dma_semaphore, #tpu.memory_space<semaphore_mem>>)
    %dma_wait3A_637 = arith.constant 144 : i32
    %dma_wait3A_638 = tpu.memref_slice %arg8[%dma_wait3A_637] : memref<720xi32, #tpu.memory_space<vmem>> -> memref<48xi32, #tpu.memory_space<vmem>>
    %dma_wait3A_639 = arith.constant 0 : i32
    %dma_wait3A_640 = arith.constant 0 : i32
    %dma_wait3A_641 = tpu.memref_slice %arg3[%dma_wait3A_639, %dma_wait3A_640] : memref<32768x768xf32, #tpu.memory_space<hbm>> -> memref<32768x768xf32, #tpu.memory_space<hbm>>
    tpu.wait_indirect_dma semaphore(%arg13 : memref<!tpu.dma_semaphore, #tpu.memory_space<semaphore_mem>>) src(%dma_wait3A_641 : memref<32768x768xf32, #tpu.memory_space<hbm>>) dst(%arg11 : memref<48x768xf32, #tpu.memory_space<vmem>>)
    %dma_wait3A_642 = arith.constant 2 : i32
    %dma_wait3A_643 = arith.constant 0 : i32
    %dma_wait3A_644 = tpu.memref_slice %arg9[%dma_wait3A_642, %dma_wait3A_643] : memref<15x48xi32, #tpu.memory_space<vmem>> -> memref<1x48xi32, #tpu.memory_space<vmem>>
    %dma_wait3A_645 = tpu.memref_squeeze %dma_wait3A_644 : memref<1x48xi32, #tpu.memory_space<vmem>> -> memref<48xi32, #tpu.memory_space<vmem>>
    %dma_wait3A_646 = arith.constant 0 : i32
    %dma_wait3A_647 = arith.constant 0 : i32
    %dma_wait3A_648 = tpu.memref_slice %arg4[%select_n3A, %dma_wait3A_646, %dma_wait3A_647] : memref<4x5734x768xf32, #tpu.memory_space<hbm>> -> memref<1x5734x768xf32, #tpu.memory_space<hbm>>
    %dma_wait3A_649 = tpu.memref_squeeze %dma_wait3A_648 : memref<1x5734x768xf32, #tpu.memory_space<hbm>> -> memref<5734x768xf32, #tpu.memory_space<hbm>>
    %dma_wait3A_650 = arith.constant 0 : i32
    %dma_wait3A_651 = arith.constant 0 : i32
    %dma_wait3A_652 = tpu.memref_slice %dma_wait3A_649[%dma_wait3A_650, %dma_wait3A_651] : memref<5734x768xf32, #tpu.memory_space<hbm>> -> memref<5734x768xf32, #tpu.memory_space<hbm>>
    tpu.wait_indirect_dma semaphore(%arg14 : memref<!tpu.dma_semaphore, #tpu.memory_space<semaphore_mem>>) src(%arg10 : memref<48x768xf32, #tpu.memory_space<vmem>>) dst(%dma_wait3A_652 : memref<5734x768xf32, #tpu.memory_space<hbm>>)
    %dma_start3A_653 = arith.constant 192 : i32
    %dma_start3A_654 = tpu.memref_slice %arg8[%dma_start3A_653] : memref<720xi32, #tpu.memory_space<vmem>> -> memref<48xi32, #tpu.memory_space<vmem>>
    %dma_start3A_655 = arith.constant 0 : i32
    %dma_start3A_656 = arith.constant 0 : i32
    %dma_start3A_657 = tpu.memref_slice %arg3[%dma_start3A_655, %dma_start3A_656] : memref<32768x768xf32, #tpu.memory_space<hbm>> -> memref<32768x768xf32, #tpu.memory_space<hbm>>
    tpu.enqueue_indirect_dma source(%dma_start3A_657 : memref<32768x768xf32, #tpu.memory_space<hbm>>) target(%arg10 : memref<48x768xf32, #tpu.memory_space<vmem>>) offsets(%dma_start3A_654 : memref<48xi32, #tpu.memory_space<vmem>>) semaphore(%arg12 : memref<!tpu.dma_semaphore, #tpu.memory_space<semaphore_mem>>)
    %dma_start3A_658 = arith.constant 3 : i32
    %dma_start3A_659 = arith.constant 0 : i32
    %dma_start3A_660 = tpu.memref_slice %arg9[%dma_start3A_658, %dma_start3A_659] : memref<15x48xi32, #tpu.memory_space<vmem>> -> memref<1x48xi32, #tpu.memory_space<vmem>>
    %dma_start3A_661 = tpu.memref_squeeze %dma_start3A_660 : memref<1x48xi32, #tpu.memory_space<vmem>> -> memref<48xi32, #tpu.memory_space<vmem>>
    %dma_start3A_662 = arith.constant 0 : i32
    %dma_start3A_663 = arith.constant 0 : i32
    %dma_start3A_664 = tpu.memref_slice %arg4[%select_n3A, %dma_start3A_662, %dma_start3A_663] : memref<4x5734x768xf32, #tpu.memory_space<hbm>> -> memref<1x5734x768xf32, #tpu.memory_space<hbm>>
    %dma_start3A_665 = tpu.memref_squeeze %dma_start3A_664 : memref<1x5734x768xf32, #tpu.memory_space<hbm>> -> memref<5734x768xf32, #tpu.memory_space<hbm>>
    %dma_start3A_666 = arith.constant 0 : i32
    %dma_start3A_667 = arith.constant 0 : i32
    %dma_start3A_668 = tpu.memref_slice %dma_start3A_665[%dma_start3A_666, %dma_start3A_667] : memref<5734x768xf32, #tpu.memory_space<hbm>> -> memref<5734x768xf32, #tpu.memory_space<hbm>>
    tpu.enqueue_indirect_dma source(%arg11 : memref<48x768xf32, #tpu.memory_space<vmem>>) target(%dma_start3A_668 : memref<5734x768xf32, #tpu.memory_space<hbm>>) offsets(%dma_start3A_661 : memref<48xi32, #tpu.memory_space<vmem>>) semaphore(%arg15 : memref<!tpu.dma_semaphore, #tpu.memory_space<semaphore_mem>>)
    %dma_wait3A_669 = arith.constant 192 : i32
    %dma_wait3A_670 = tpu.memref_slice %arg8[%dma_wait3A_669] : memref<720xi32, #tpu.memory_space<vmem>> -> memref<48xi32, #tpu.memory_space<vmem>>
    %dma_wait3A_671 = arith.constant 0 : i32
    %dma_wait3A_672 = arith.constant 0 : i32
    %dma_wait3A_673 = tpu.memref_slice %arg3[%dma_wait3A_671, %dma_wait3A_672] : memref<32768x768xf32, #tpu.memory_space<hbm>> -> memref<32768x768xf32, #tpu.memory_space<hbm>>
    tpu.wait_indirect_dma semaphore(%arg12 : memref<!tpu.dma_semaphore, #tpu.memory_space<semaphore_mem>>) src(%dma_wait3A_673 : memref<32768x768xf32, #tpu.memory_space<hbm>>) dst(%arg10 : memref<48x768xf32, #tpu.memory_space<vmem>>)
    %dma_wait3A_674 = arith.constant 3 : i32
    %dma_wait3A_675 = arith.constant 0 : i32
    %dma_wait3A_676 = tpu.memref_slice %arg9[%dma_wait3A_674, %dma_wait3A_675] : memref<15x48xi32, #tpu.memory_space<vmem>> -> memref<1x48xi32, #tpu.memory_space<vmem>>
    %dma_wait3A_677 = tpu.memref_squeeze %dma_wait3A_676 : memref<1x48xi32, #tpu.memory_space<vmem>> -> memref<48xi32, #tpu.memory_space<vmem>>
    %dma_wait3A_678 = arith.constant 0 : i32
    %dma_wait3A_679 = arith.constant 0 : i32
    %dma_wait3A_680 = tpu.memref_slice %arg4[%select_n3A, %dma_wait3A_678, %dma_wait3A_679] : memref<4x5734x768xf32, #tpu.memory_space<hbm>> -> memref<1x5734x768xf32, #tpu.memory_space<hbm>>
    %dma_wait3A_681 = tpu.memref_squeeze %dma_wait3A_680 : memref<1x5734x768xf32, #tpu.memory_space<hbm>> -> memref<5734x768xf32, #tpu.memory_space<hbm>>
    %dma_wait3A_682 = arith.constant 0 : i32
    %dma_wait3A_683 = arith.constant 0 : i32
    %dma_wait3A_684 = tpu.memref_slice %dma_wait3A_681[%dma_wait3A_682, %dma_wait3A_683] : memref<5734x768xf32, #tpu.memory_space<hbm>> -> memref<5734x768xf32, #tpu.memory_space<hbm>>
    tpu.wait_indirect_dma semaphore(%arg15 : memref<!tpu.dma_semaphore, #tpu.memory_space<semaphore_mem>>) src(%arg11 : memref<48x768xf32, #tpu.memory_space<vmem>>) dst(%dma_wait3A_684 : memref<5734x768xf32, #tpu.memory_space<hbm>>)
    %dma_start3A_685 = arith.constant 240 : i32
    %dma_start3A_686 = tpu.memref_slice %arg8[%dma_start3A_685] : memref<720xi32, #tpu.memory_space<vmem>> -> memref<48xi32, #tpu.memory_space<vmem>>
    %dma_start3A_687 = arith.constant 0 : i32
    %dma_start3A_688 = arith.constant 0 : i32
    %dma_start3A_689 = tpu.memref_slice %arg3[%dma_start3A_687, %dma_start3A_688] : memref<32768x768xf32, #tpu.memory_space<hbm>> -> memref<32768x768xf32, #tpu.memory_space<hbm>>
    tpu.enqueue_indirect_dma source(%dma_start3A_689 : memref<32768x768xf32, #tpu.memory_space<hbm>>) target(%arg11 : memref<48x768xf32, #tpu.memory_space<vmem>>) offsets(%dma_start3A_686 : memref<48xi32, #tpu.memory_space<vmem>>) semaphore(%arg13 : memref<!tpu.dma_semaphore, #tpu.memory_space<semaphore_mem>>)
    %dma_start3A_690 = arith.constant 4 : i32
    %dma_start3A_691 = arith.constant 0 : i32
    %dma_start3A_692 = tpu.memref_slice %arg9[%dma_start3A_690, %dma_start3A_691] : memref<15x48xi32, #tpu.memory_space<vmem>> -> memref<1x48xi32, #tpu.memory_space<vmem>>
    %dma_start3A_693 = tpu.memref_squeeze %dma_start3A_692 : memref<1x48xi32, #tpu.memory_space<vmem>> -> memref<48xi32, #tpu.memory_space<vmem>>
    %dma_start3A_694 = arith.constant 0 : i32
    %dma_start3A_695 = arith.constant 0 : i32
    %dma_start3A_696 = tpu.memref_slice %arg4[%select_n3A, %dma_start3A_694, %dma_start3A_695] : memref<4x5734x768xf32, #tpu.memory_space<hbm>> -> memref<1x5734x768xf32, #tpu.memory_space<hbm>>
    %dma_start3A_697 = tpu.memref_squeeze %dma_start3A_696 : memref<1x5734x768xf32, #tpu.memory_space<hbm>> -> memref<5734x768xf32, #tpu.memory_space<hbm>>
    %dma_start3A_698 = arith.constant 0 : i32
    %dma_start3A_699 = arith.constant 0 : i32
    %dma_start3A_700 = tpu.memref_slice %dma_start3A_697[%dma_start3A_698, %dma_start3A_699] : memref<5734x768xf32, #tpu.memory_space<hbm>> -> memref<5734x768xf32, #tpu.memory_space<hbm>>
    tpu.enqueue_indirect_dma source(%arg10 : memref<48x768xf32, #tpu.memory_space<vmem>>) target(%dma_start3A_700 : memref<5734x768xf32, #tpu.memory_space<hbm>>) offsets(%dma_start3A_693 : memref<48xi32, #tpu.memory_space<vmem>>) semaphore(%arg14 : memref<!tpu.dma_semaphore, #tpu.memory_space<semaphore_mem>>)
    %dma_wait3A_701 = arith.constant 240 : i32
    %dma_wait3A_702 = tpu.memref_slice %arg8[%dma_wait3A_701] : memref<720xi32, #tpu.memory_space<vmem>> -> memref<48xi32, #tpu.memory_space<vmem>>
    %dma_wait3A_703 = arith.constant 0 : i32
    %dma_wait3A_704 = arith.constant 0 : i32
    %dma_wait3A_705 = tpu.memref_slice %arg3[%dma_wait3A_703, %dma_wait3A_704] : memref<32768x768xf32, #tpu.memory_space<hbm>> -> memref<32768x768xf32, #tpu.memory_space<hbm>>
    tpu.wait_indirect_dma semaphore(%arg13 : memref<!tpu.dma_semaphore, #tpu.memory_space<semaphore_mem>>) src(%dma_wait3A_705 : memref<32768x768xf32, #tpu.memory_space<hbm>>) dst(%arg11 : memref<48x768xf32, #tpu.memory_space<vmem>>)
    %dma_wait3A_706 = arith.constant 4 : i32
    %dma_wait3A_707 = arith.constant 0 : i32
    %dma_wait3A_708 = tpu.memref_slice %arg9[%dma_wait3A_706, %dma_wait3A_707] : memref<15x48xi32, #tpu.memory_space<vmem>> -> memref<1x48xi32, #tpu.memory_space<vmem>>
    %dma_wait3A_709 = tpu.memref_squeeze %dma_wait3A_708 : memref<1x48xi32, #tpu.memory_space<vmem>> -> memref<48xi32, #tpu.memory_space<vmem>>
    %dma_wait3A_710 = arith.constant 0 : i32
    %dma_wait3A_711 = arith.constant 0 : i32
    %dma_wait3A_712 = tpu.memref_slice %arg4[%select_n3A, %dma_wait3A_710, %dma_wait3A_711] : memref<4x5734x768xf32, #tpu.memory_space<hbm>> -> memref<1x5734x768xf32, #tpu.memory_space<hbm>>
    %dma_wait3A_713 = tpu.memref_squeeze %dma_wait3A_712 : memref<1x5734x768xf32, #tpu.memory_space<hbm>> -> memref<5734x768xf32, #tpu.memory_space<hbm>>
    %dma_wait3A_714 = arith.constant 0 : i32
    %dma_wait3A_715 = arith.constant 0 : i32
    %dma_wait3A_716 = tpu.memref_slice %dma_wait3A_713[%dma_wait3A_714, %dma_wait3A_715] : memref<5734x768xf32, #tpu.memory_space<hbm>> -> memref<5734x768xf32, #tpu.memory_space<hbm>>
    tpu.wait_indirect_dma semaphore(%arg14 : memref<!tpu.dma_semaphore, #tpu.memory_space<semaphore_mem>>) src(%arg10 : memref<48x768xf32, #tpu.memory_space<vmem>>) dst(%dma_wait3A_716 : memref<5734x768xf32, #tpu.memory_space<hbm>>)
    %dma_start3A_717 = arith.constant 288 : i32
    %dma_start3A_718 = tpu.memref_slice %arg8[%dma_start3A_717] : memref<720xi32, #tpu.memory_space<vmem>> -> memref<48xi32, #tpu.memory_space<vmem>>
    %dma_start3A_719 = arith.constant 0 : i32
    %dma_start3A_720 = arith.constant 0 : i32
    %dma_start3A_721 = tpu.memref_slice %arg3[%dma_start3A_719, %dma_start3A_720] : memref<32768x768xf32, #tpu.memory_space<hbm>> -> memref<32768x768xf32, #tpu.memory_space<hbm>>
    tpu.enqueue_indirect_dma source(%dma_start3A_721 : memref<32768x768xf32, #tpu.memory_space<hbm>>) target(%arg10 : memref<48x768xf32, #tpu.memory_space<vmem>>) offsets(%dma_start3A_718 : memref<48xi32, #tpu.memory_space<vmem>>) semaphore(%arg12 : memref<!tpu.dma_semaphore, #tpu.memory_space<semaphore_mem>>)
    %dma_start3A_722 = arith.constant 5 : i32
    %dma_start3A_723 = arith.constant 0 : i32
    %dma_start3A_724 = tpu.memref_slice %arg9[%dma_start3A_722, %dma_start3A_723] : memref<15x48xi32, #tpu.memory_space<vmem>> -> memref<1x48xi32, #tpu.memory_space<vmem>>
    %dma_start3A_725 = tpu.memref_squeeze %dma_start3A_724 : memref<1x48xi32, #tpu.memory_space<vmem>> -> memref<48xi32, #tpu.memory_space<vmem>>
    %dma_start3A_726 = arith.constant 0 : i32
    %dma_start3A_727 = arith.constant 0 : i32
    %dma_start3A_728 = tpu.memref_slice %arg4[%select_n3A, %dma_start3A_726, %dma_start3A_727] : memref<4x5734x768xf32, #tpu.memory_space<hbm>> -> memref<1x5734x768xf32, #tpu.memory_space<hbm>>
    %dma_start3A_729 = tpu.memref_squeeze %dma_start3A_728 : memref<1x5734x768xf32, #tpu.memory_space<hbm>> -> memref<5734x768xf32, #tpu.memory_space<hbm>>
    %dma_start3A_730 = arith.constant 0 : i32
    %dma_start3A_731 = arith.constant 0 : i32
    %dma_start3A_732 = tpu.memref_slice %dma_start3A_729[%dma_start3A_730, %dma_start3A_731] : memref<5734x768xf32, #tpu.memory_space<hbm>> -> memref<5734x768xf32, #tpu.memory_space<hbm>>
    tpu.enqueue_indirect_dma source(%arg11 : memref<48x768xf32, #tpu.memory_space<vmem>>) target(%dma_start3A_732 : memref<5734x768xf32, #tpu.memory_space<hbm>>) offsets(%dma_start3A_725 : memref<48xi32, #tpu.memory_space<vmem>>) semaphore(%arg15 : memref<!tpu.dma_semaphore, #tpu.memory_space<semaphore_mem>>)
    %dma_wait3A_733 = arith.constant 288 : i32
    %dma_wait3A_734 = tpu.memref_slice %arg8[%dma_wait3A_733] : memref<720xi32, #tpu.memory_space<vmem>> -> memref<48xi32, #tpu.memory_space<vmem>>
    %dma_wait3A_735 = arith.constant 0 : i32
    %dma_wait3A_736 = arith.constant 0 : i32
    %dma_wait3A_737 = tpu.memref_slice %arg3[%dma_wait3A_735, %dma_wait3A_736] : memref<32768x768xf32, #tpu.memory_space<hbm>> -> memref<32768x768xf32, #tpu.memory_space<hbm>>
    tpu.wait_indirect_dma semaphore(%arg12 : memref<!tpu.dma_semaphore, #tpu.memory_space<semaphore_mem>>) src(%dma_wait3A_737 : memref<32768x768xf32, #tpu.memory_space<hbm>>) dst(%arg10 : memref<48x768xf32, #tpu.memory_space<vmem>>)
    %dma_wait3A_738 = arith.constant 5 : i32
    %dma_wait3A_739 = arith.constant 0 : i32
    %dma_wait3A_740 = tpu.memref_slice %arg9[%dma_wait3A_738, %dma_wait3A_739] : memref<15x48xi32, #tpu.memory_space<vmem>> -> memref<1x48xi32, #tpu.memory_space<vmem>>
    %dma_wait3A_741 = tpu.memref_squeeze %dma_wait3A_740 : memref<1x48xi32, #tpu.memory_space<vmem>> -> memref<48xi32, #tpu.memory_space<vmem>>
    %dma_wait3A_742 = arith.constant 0 : i32
    %dma_wait3A_743 = arith.constant 0 : i32
    %dma_wait3A_744 = tpu.memref_slice %arg4[%select_n3A, %dma_wait3A_742, %dma_wait3A_743] : memref<4x5734x768xf32, #tpu.memory_space<hbm>> -> memref<1x5734x768xf32, #tpu.memory_space<hbm>>
    %dma_wait3A_745 = tpu.memref_squeeze %dma_wait3A_744 : memref<1x5734x768xf32, #tpu.memory_space<hbm>> -> memref<5734x768xf32, #tpu.memory_space<hbm>>
    %dma_wait3A_746 = arith.constant 0 : i32
    %dma_wait3A_747 = arith.constant 0 : i32
    %dma_wait3A_748 = tpu.memref_slice %dma_wait3A_745[%dma_wait3A_746, %dma_wait3A_747] : memref<5734x768xf32, #tpu.memory_space<hbm>> -> memref<5734x768xf32, #tpu.memory_space<hbm>>
    tpu.wait_indirect_dma semaphore(%arg15 : memref<!tpu.dma_semaphore, #tpu.memory_space<semaphore_mem>>) src(%arg11 : memref<48x768xf32, #tpu.memory_space<vmem>>) dst(%dma_wait3A_748 : memref<5734x768xf32, #tpu.memory_space<hbm>>)
    %dma_start3A_749 = arith.constant 336 : i32
    %dma_start3A_750 = tpu.memref_slice %arg8[%dma_start3A_749] : memref<720xi32, #tpu.memory_space<vmem>> -> memref<48xi32, #tpu.memory_space<vmem>>
    %dma_start3A_751 = arith.constant 0 : i32
    %dma_start3A_752 = arith.constant 0 : i32
    %dma_start3A_753 = tpu.memref_slice %arg3[%dma_start3A_751, %dma_start3A_752] : memref<32768x768xf32, #tpu.memory_space<hbm>> -> memref<32768x768xf32, #tpu.memory_space<hbm>>
    tpu.enqueue_indirect_dma source(%dma_start3A_753 : memref<32768x768xf32, #tpu.memory_space<hbm>>) target(%arg11 : memref<48x768xf32, #tpu.memory_space<vmem>>) offsets(%dma_start3A_750 : memref<48xi32, #tpu.memory_space<vmem>>) semaphore(%arg13 : memref<!tpu.dma_semaphore, #tpu.memory_space<semaphore_mem>>)
    %dma_start3A_754 = arith.constant 6 : i32
    %dma_start3A_755 = arith.constant 0 : i32
    %dma_start3A_756 = tpu.memref_slice %arg9[%dma_start3A_754, %dma_start3A_755] : memref<15x48xi32, #tpu.memory_space<vmem>> -> memref<1x48xi32, #tpu.memory_space<vmem>>
    %dma_start3A_757 = tpu.memref_squeeze %dma_start3A_756 : memref<1x48xi32, #tpu.memory_space<vmem>> -> memref<48xi32, #tpu.memory_space<vmem>>
    %dma_start3A_758 = arith.constant 0 : i32
    %dma_start3A_759 = arith.constant 0 : i32
    %dma_start3A_760 = tpu.memref_slice %arg4[%select_n3A, %dma_start3A_758, %dma_start3A_759] : memref<4x5734x768xf32, #tpu.memory_space<hbm>> -> memref<1x5734x768xf32, #tpu.memory_space<hbm>>
    %dma_start3A_761 = tpu.memref_squeeze %dma_start3A_760 : memref<1x5734x768xf32, #tpu.memory_space<hbm>> -> memref<5734x768xf32, #tpu.memory_space<hbm>>
    %dma_start3A_762 = arith.constant 0 : i32
    %dma_start3A_763 = arith.constant 0 : i32
    %dma_start3A_764 = tpu.memref_slice %dma_start3A_761[%dma_start3A_762, %dma_start3A_763] : memref<5734x768xf32, #tpu.memory_space<hbm>> -> memref<5734x768xf32, #tpu.memory_space<hbm>>
    tpu.enqueue_indirect_dma source(%arg10 : memref<48x768xf32, #tpu.memory_space<vmem>>) target(%dma_start3A_764 : memref<5734x768xf32, #tpu.memory_space<hbm>>) offsets(%dma_start3A_757 : memref<48xi32, #tpu.memory_space<vmem>>) semaphore(%arg14 : memref<!tpu.dma_semaphore, #tpu.memory_space<semaphore_mem>>)
    %dma_wait3A_765 = arith.constant 336 : i32
    %dma_wait3A_766 = tpu.memref_slice %arg8[%dma_wait3A_765] : memref<720xi32, #tpu.memory_space<vmem>> -> memref<48xi32, #tpu.memory_space<vmem>>
    %dma_wait3A_767 = arith.constant 0 : i32
    %dma_wait3A_768 = arith.constant 0 : i32
    %dma_wait3A_769 = tpu.memref_slice %arg3[%dma_wait3A_767, %dma_wait3A_768] : memref<32768x768xf32, #tpu.memory_space<hbm>> -> memref<32768x768xf32, #tpu.memory_space<hbm>>
    tpu.wait_indirect_dma semaphore(%arg13 : memref<!tpu.dma_semaphore, #tpu.memory_space<semaphore_mem>>) src(%dma_wait3A_769 : memref<32768x768xf32, #tpu.memory_space<hbm>>) dst(%arg11 : memref<48x768xf32, #tpu.memory_space<vmem>>)
    %dma_wait3A_770 = arith.constant 6 : i32
    %dma_wait3A_771 = arith.constant 0 : i32
    %dma_wait3A_772 = tpu.memref_slice %arg9[%dma_wait3A_770, %dma_wait3A_771] : memref<15x48xi32, #tpu.memory_space<vmem>> -> memref<1x48xi32, #tpu.memory_space<vmem>>
    %dma_wait3A_773 = tpu.memref_squeeze %dma_wait3A_772 : memref<1x48xi32, #tpu.memory_space<vmem>> -> memref<48xi32, #tpu.memory_space<vmem>>
    %dma_wait3A_774 = arith.constant 0 : i32
    %dma_wait3A_775 = arith.constant 0 : i32
    %dma_wait3A_776 = tpu.memref_slice %arg4[%select_n3A, %dma_wait3A_774, %dma_wait3A_775] : memref<4x5734x768xf32, #tpu.memory_space<hbm>> -> memref<1x5734x768xf32, #tpu.memory_space<hbm>>
    %dma_wait3A_777 = tpu.memref_squeeze %dma_wait3A_776 : memref<1x5734x768xf32, #tpu.memory_space<hbm>> -> memref<5734x768xf32, #tpu.memory_space<hbm>>
    %dma_wait3A_778 = arith.constant 0 : i32
    %dma_wait3A_779 = arith.constant 0 : i32
    %dma_wait3A_780 = tpu.memref_slice %dma_wait3A_777[%dma_wait3A_778, %dma_wait3A_779] : memref<5734x768xf32, #tpu.memory_space<hbm>> -> memref<5734x768xf32, #tpu.memory_space<hbm>>
    tpu.wait_indirect_dma semaphore(%arg14 : memref<!tpu.dma_semaphore, #tpu.memory_space<semaphore_mem>>) src(%arg10 : memref<48x768xf32, #tpu.memory_space<vmem>>) dst(%dma_wait3A_780 : memref<5734x768xf32, #tpu.memory_space<hbm>>)
    %dma_start3A_781 = arith.constant 384 : i32
    %dma_start3A_782 = tpu.memref_slice %arg8[%dma_start3A_781] : memref<720xi32, #tpu.memory_space<vmem>> -> memref<48xi32, #tpu.memory_space<vmem>>
    %dma_start3A_783 = arith.constant 0 : i32
    %dma_start3A_784 = arith.constant 0 : i32
    %dma_start3A_785 = tpu.memref_slice %arg3[%dma_start3A_783, %dma_start3A_784] : memref<32768x768xf32, #tpu.memory_space<hbm>> -> memref<32768x768xf32, #tpu.memory_space<hbm>>
    tpu.enqueue_indirect_dma source(%dma_start3A_785 : memref<32768x768xf32, #tpu.memory_space<hbm>>) target(%arg10 : memref<48x768xf32, #tpu.memory_space<vmem>>) offsets(%dma_start3A_782 : memref<48xi32, #tpu.memory_space<vmem>>) semaphore(%arg12 : memref<!tpu.dma_semaphore, #tpu.memory_space<semaphore_mem>>)
    %dma_start3A_786 = arith.constant 7 : i32
    %dma_start3A_787 = arith.constant 0 : i32
    %dma_start3A_788 = tpu.memref_slice %arg9[%dma_start3A_786, %dma_start3A_787] : memref<15x48xi32, #tpu.memory_space<vmem>> -> memref<1x48xi32, #tpu.memory_space<vmem>>
    %dma_start3A_789 = tpu.memref_squeeze %dma_start3A_788 : memref<1x48xi32, #tpu.memory_space<vmem>> -> memref<48xi32, #tpu.memory_space<vmem>>
    %dma_start3A_790 = arith.constant 0 : i32
    %dma_start3A_791 = arith.constant 0 : i32
    %dma_start3A_792 = tpu.memref_slice %arg4[%select_n3A, %dma_start3A_790, %dma_start3A_791] : memref<4x5734x768xf32, #tpu.memory_space<hbm>> -> memref<1x5734x768xf32, #tpu.memory_space<hbm>>
    %dma_start3A_793 = tpu.memref_squeeze %dma_start3A_792 : memref<1x5734x768xf32, #tpu.memory_space<hbm>> -> memref<5734x768xf32, #tpu.memory_space<hbm>>
    %dma_start3A_794 = arith.constant 0 : i32
    %dma_start3A_795 = arith.constant 0 : i32
    %dma_start3A_796 = tpu.memref_slice %dma_start3A_793[%dma_start3A_794, %dma_start3A_795] : memref<5734x768xf32, #tpu.memory_space<hbm>> -> memref<5734x768xf32, #tpu.memory_space<hbm>>
    tpu.enqueue_indirect_dma source(%arg11 : memref<48x768xf32, #tpu.memory_space<vmem>>) target(%dma_start3A_796 : memref<5734x768xf32, #tpu.memory_space<hbm>>) offsets(%dma_start3A_789 : memref<48xi32, #tpu.memory_space<vmem>>) semaphore(%arg15 : memref<!tpu.dma_semaphore, #tpu.memory_space<semaphore_mem>>)
    %dma_wait3A_797 = arith.constant 384 : i32
    %dma_wait3A_798 = tpu.memref_slice %arg8[%dma_wait3A_797] : memref<720xi32, #tpu.memory_space<vmem>> -> memref<48xi32, #tpu.memory_space<vmem>>
    %dma_wait3A_799 = arith.constant 0 : i32
    %dma_wait3A_800 = arith.constant 0 : i32
    %dma_wait3A_801 = tpu.memref_slice %arg3[%dma_wait3A_799, %dma_wait3A_800] : memref<32768x768xf32, #tpu.memory_space<hbm>> -> memref<32768x768xf32, #tpu.memory_space<hbm>>
    tpu.wait_indirect_dma semaphore(%arg12 : memref<!tpu.dma_semaphore, #tpu.memory_space<semaphore_mem>>) src(%dma_wait3A_801 : memref<32768x768xf32, #tpu.memory_space<hbm>>) dst(%arg10 : memref<48x768xf32, #tpu.memory_space<vmem>>)
    %dma_wait3A_802 = arith.constant 7 : i32
    %dma_wait3A_803 = arith.constant 0 : i32
    %dma_wait3A_804 = tpu.memref_slice %arg9[%dma_wait3A_802, %dma_wait3A_803] : memref<15x48xi32, #tpu.memory_space<vmem>> -> memref<1x48xi32, #tpu.memory_space<vmem>>
    %dma_wait3A_805 = tpu.memref_squeeze %dma_wait3A_804 : memref<1x48xi32, #tpu.memory_space<vmem>> -> memref<48xi32, #tpu.memory_space<vmem>>
    %dma_wait3A_806 = arith.constant 0 : i32
    %dma_wait3A_807 = arith.constant 0 : i32
    %dma_wait3A_808 = tpu.memref_slice %arg4[%select_n3A, %dma_wait3A_806, %dma_wait3A_807] : memref<4x5734x768xf32, #tpu.memory_space<hbm>> -> memref<1x5734x768xf32, #tpu.memory_space<hbm>>
    %dma_wait3A_809 = tpu.memref_squeeze %dma_wait3A_808 : memref<1x5734x768xf32, #tpu.memory_space<hbm>> -> memref<5734x768xf32, #tpu.memory_space<hbm>>
    %dma_wait3A_810 = arith.constant 0 : i32
    %dma_wait3A_811 = arith.constant 0 : i32
    %dma_wait3A_812 = tpu.memref_slice %dma_wait3A_809[%dma_wait3A_810, %dma_wait3A_811] : memref<5734x768xf32, #tpu.memory_space<hbm>> -> memref<5734x768xf32, #tpu.memory_space<hbm>>
    tpu.wait_indirect_dma semaphore(%arg15 : memref<!tpu.dma_semaphore, #tpu.memory_space<semaphore_mem>>) src(%arg11 : memref<48x768xf32, #tpu.memory_space<vmem>>) dst(%dma_wait3A_812 : memref<5734x768xf32, #tpu.memory_space<hbm>>)
    %dma_start3A_813 = arith.constant 432 : i32
    %dma_start3A_814 = tpu.memref_slice %arg8[%dma_start3A_813] : memref<720xi32, #tpu.memory_space<vmem>> -> memref<48xi32, #tpu.memory_space<vmem>>
    %dma_start3A_815 = arith.constant 0 : i32
    %dma_start3A_816 = arith.constant 0 : i32
    %dma_start3A_817 = tpu.memref_slice %arg3[%dma_start3A_815, %dma_start3A_816] : memref<32768x768xf32, #tpu.memory_space<hbm>> -> memref<32768x768xf32, #tpu.memory_space<hbm>>
    tpu.enqueue_indirect_dma source(%dma_start3A_817 : memref<32768x768xf32, #tpu.memory_space<hbm>>) target(%arg11 : memref<48x768xf32, #tpu.memory_space<vmem>>) offsets(%dma_start3A_814 : memref<48xi32, #tpu.memory_space<vmem>>) semaphore(%arg13 : memref<!tpu.dma_semaphore, #tpu.memory_space<semaphore_mem>>)
    %dma_start3A_818 = arith.constant 8 : i32
    %dma_start3A_819 = arith.constant 0 : i32
    %dma_start3A_820 = tpu.memref_slice %arg9[%dma_start3A_818, %dma_start3A_819] : memref<15x48xi32, #tpu.memory_space<vmem>> -> memref<1x48xi32, #tpu.memory_space<vmem>>
    %dma_start3A_821 = tpu.memref_squeeze %dma_start3A_820 : memref<1x48xi32, #tpu.memory_space<vmem>> -> memref<48xi32, #tpu.memory_space<vmem>>
    %dma_start3A_822 = arith.constant 0 : i32
    %dma_start3A_823 = arith.constant 0 : i32
    %dma_start3A_824 = tpu.memref_slice %arg4[%select_n3A, %dma_start3A_822, %dma_start3A_823] : memref<4x5734x768xf32, #tpu.memory_space<hbm>> -> memref<1x5734x768xf32, #tpu.memory_space<hbm>>
    %dma_start3A_825 = tpu.memref_squeeze %dma_start3A_824 : memref<1x5734x768xf32, #tpu.memory_space<hbm>> -> memref<5734x768xf32, #tpu.memory_space<hbm>>
    %dma_start3A_826 = arith.constant 0 : i32
    %dma_start3A_827 = arith.constant 0 : i32
    %dma_start3A_828 = tpu.memref_slice %dma_start3A_825[%dma_start3A_826, %dma_start3A_827] : memref<5734x768xf32, #tpu.memory_space<hbm>> -> memref<5734x768xf32, #tpu.memory_space<hbm>>
    tpu.enqueue_indirect_dma source(%arg10 : memref<48x768xf32, #tpu.memory_space<vmem>>) target(%dma_start3A_828 : memref<5734x768xf32, #tpu.memory_space<hbm>>) offsets(%dma_start3A_821 : memref<48xi32, #tpu.memory_space<vmem>>) semaphore(%arg14 : memref<!tpu.dma_semaphore, #tpu.memory_space<semaphore_mem>>)
    %dma_wait3A_829 = arith.constant 432 : i32
    %dma_wait3A_830 = tpu.memref_slice %arg8[%dma_wait3A_829] : memref<720xi32, #tpu.memory_space<vmem>> -> memref<48xi32, #tpu.memory_space<vmem>>
    %dma_wait3A_831 = arith.constant 0 : i32
    %dma_wait3A_832 = arith.constant 0 : i32
    %dma_wait3A_833 = tpu.memref_slice %arg3[%dma_wait3A_831, %dma_wait3A_832] : memref<32768x768xf32, #tpu.memory_space<hbm>> -> memref<32768x768xf32, #tpu.memory_space<hbm>>
    tpu.wait_indirect_dma semaphore(%arg13 : memref<!tpu.dma_semaphore, #tpu.memory_space<semaphore_mem>>) src(%dma_wait3A_833 : memref<32768x768xf32, #tpu.memory_space<hbm>>) dst(%arg11 : memref<48x768xf32, #tpu.memory_space<vmem>>)
    %dma_wait3A_834 = arith.constant 8 : i32
    %dma_wait3A_835 = arith.constant 0 : i32
    %dma_wait3A_836 = tpu.memref_slice %arg9[%dma_wait3A_834, %dma_wait3A_835] : memref<15x48xi32, #tpu.memory_space<vmem>> -> memref<1x48xi32, #tpu.memory_space<vmem>>
    %dma_wait3A_837 = tpu.memref_squeeze %dma_wait3A_836 : memref<1x48xi32, #tpu.memory_space<vmem>> -> memref<48xi32, #tpu.memory_space<vmem>>
    %dma_wait3A_838 = arith.constant 0 : i32
    %dma_wait3A_839 = arith.constant 0 : i32
    %dma_wait3A_840 = tpu.memref_slice %arg4[%select_n3A, %dma_wait3A_838, %dma_wait3A_839] : memref<4x5734x768xf32, #tpu.memory_space<hbm>> -> memref<1x5734x768xf32, #tpu.memory_space<hbm>>
    %dma_wait3A_841 = tpu.memref_squeeze %dma_wait3A_840 : memref<1x5734x768xf32, #tpu.memory_space<hbm>> -> memref<5734x768xf32, #tpu.memory_space<hbm>>
    %dma_wait3A_842 = arith.constant 0 : i32
    %dma_wait3A_843 = arith.constant 0 : i32
    %dma_wait3A_844 = tpu.memref_slice %dma_wait3A_841[%dma_wait3A_842, %dma_wait3A_843] : memref<5734x768xf32, #tpu.memory_space<hbm>> -> memref<5734x768xf32, #tpu.memory_space<hbm>>
    tpu.wait_indirect_dma semaphore(%arg14 : memref<!tpu.dma_semaphore, #tpu.memory_space<semaphore_mem>>) src(%arg10 : memref<48x768xf32, #tpu.memory_space<vmem>>) dst(%dma_wait3A_844 : memref<5734x768xf32, #tpu.memory_space<hbm>>)
    %dma_start3A_845 = arith.constant 480 : i32
    %dma_start3A_846 = tpu.memref_slice %arg8[%dma_start3A_845] : memref<720xi32, #tpu.memory_space<vmem>> -> memref<48xi32, #tpu.memory_space<vmem>>
    %dma_start3A_847 = arith.constant 0 : i32
    %dma_start3A_848 = arith.constant 0 : i32
    %dma_start3A_849 = tpu.memref_slice %arg3[%dma_start3A_847, %dma_start3A_848] : memref<32768x768xf32, #tpu.memory_space<hbm>> -> memref<32768x768xf32, #tpu.memory_space<hbm>>
    tpu.enqueue_indirect_dma source(%dma_start3A_849 : memref<32768x768xf32, #tpu.memory_space<hbm>>) target(%arg10 : memref<48x768xf32, #tpu.memory_space<vmem>>) offsets(%dma_start3A_846 : memref<48xi32, #tpu.memory_space<vmem>>) semaphore(%arg12 : memref<!tpu.dma_semaphore, #tpu.memory_space<semaphore_mem>>)
    %dma_start3A_850 = arith.constant 9 : i32
    %dma_start3A_851 = arith.constant 0 : i32
    %dma_start3A_852 = tpu.memref_slice %arg9[%dma_start3A_850, %dma_start3A_851] : memref<15x48xi32, #tpu.memory_space<vmem>> -> memref<1x48xi32, #tpu.memory_space<vmem>>
    %dma_start3A_853 = tpu.memref_squeeze %dma_start3A_852 : memref<1x48xi32, #tpu.memory_space<vmem>> -> memref<48xi32, #tpu.memory_space<vmem>>
    %dma_start3A_854 = arith.constant 0 : i32
    %dma_start3A_855 = arith.constant 0 : i32
    %dma_start3A_856 = tpu.memref_slice %arg4[%select_n3A, %dma_start3A_854, %dma_start3A_855] : memref<4x5734x768xf32, #tpu.memory_space<hbm>> -> memref<1x5734x768xf32, #tpu.memory_space<hbm>>
    %dma_start3A_857 = tpu.memref_squeeze %dma_start3A_856 : memref<1x5734x768xf32, #tpu.memory_space<hbm>> -> memref<5734x768xf32, #tpu.memory_space<hbm>>
    %dma_start3A_858 = arith.constant 0 : i32
    %dma_start3A_859 = arith.constant 0 : i32
    %dma_start3A_860 = tpu.memref_slice %dma_start3A_857[%dma_start3A_858, %dma_start3A_859] : memref<5734x768xf32, #tpu.memory_space<hbm>> -> memref<5734x768xf32, #tpu.memory_space<hbm>>
    tpu.enqueue_indirect_dma source(%arg11 : memref<48x768xf32, #tpu.memory_space<vmem>>) target(%dma_start3A_860 : memref<5734x768xf32, #tpu.memory_space<hbm>>) offsets(%dma_start3A_853 : memref<48xi32, #tpu.memory_space<vmem>>) semaphore(%arg15 : memref<!tpu.dma_semaphore, #tpu.memory_space<semaphore_mem>>)
    %dma_wait3A_861 = arith.constant 480 : i32
    %dma_wait3A_862 = tpu.memref_slice %arg8[%dma_wait3A_861] : memref<720xi32, #tpu.memory_space<vmem>> -> memref<48xi32, #tpu.memory_space<vmem>>
    %dma_wait3A_863 = arith.constant 0 : i32
    %dma_wait3A_864 = arith.constant 0 : i32
    %dma_wait3A_865 = tpu.memref_slice %arg3[%dma_wait3A_863, %dma_wait3A_864] : memref<32768x768xf32, #tpu.memory_space<hbm>> -> memref<32768x768xf32, #tpu.memory_space<hbm>>
    tpu.wait_indirect_dma semaphore(%arg12 : memref<!tpu.dma_semaphore, #tpu.memory_space<semaphore_mem>>) src(%dma_wait3A_865 : memref<32768x768xf32, #tpu.memory_space<hbm>>) dst(%arg10 : memref<48x768xf32, #tpu.memory_space<vmem>>)
    %dma_wait3A_866 = arith.constant 9 : i32
    %dma_wait3A_867 = arith.constant 0 : i32
    %dma_wait3A_868 = tpu.memref_slice %arg9[%dma_wait3A_866, %dma_wait3A_867] : memref<15x48xi32, #tpu.memory_space<vmem>> -> memref<1x48xi32, #tpu.memory_space<vmem>>
    %dma_wait3A_869 = tpu.memref_squeeze %dma_wait3A_868 : memref<1x48xi32, #tpu.memory_space<vmem>> -> memref<48xi32, #tpu.memory_space<vmem>>
    %dma_wait3A_870 = arith.constant 0 : i32
    %dma_wait3A_871 = arith.constant 0 : i32
    %dma_wait3A_872 = tpu.memref_slice %arg4[%select_n3A, %dma_wait3A_870, %dma_wait3A_871] : memref<4x5734x768xf32, #tpu.memory_space<hbm>> -> memref<1x5734x768xf32, #tpu.memory_space<hbm>>
    %dma_wait3A_873 = tpu.memref_squeeze %dma_wait3A_872 : memref<1x5734x768xf32, #tpu.memory_space<hbm>> -> memref<5734x768xf32, #tpu.memory_space<hbm>>
    %dma_wait3A_874 = arith.constant 0 : i32
    %dma_wait3A_875 = arith.constant 0 : i32
    %dma_wait3A_876 = tpu.memref_slice %dma_wait3A_873[%dma_wait3A_874, %dma_wait3A_875] : memref<5734x768xf32, #tpu.memory_space<hbm>> -> memref<5734x768xf32, #tpu.memory_space<hbm>>
    tpu.wait_indirect_dma semaphore(%arg15 : memref<!tpu.dma_semaphore, #tpu.memory_space<semaphore_mem>>) src(%arg11 : memref<48x768xf32, #tpu.memory_space<vmem>>) dst(%dma_wait3A_876 : memref<5734x768xf32, #tpu.memory_space<hbm>>)
    %dma_start3A_877 = arith.constant 528 : i32
    %dma_start3A_878 = tpu.memref_slice %arg8[%dma_start3A_877] : memref<720xi32, #tpu.memory_space<vmem>> -> memref<48xi32, #tpu.memory_space<vmem>>
    %dma_start3A_879 = arith.constant 0 : i32
    %dma_start3A_880 = arith.constant 0 : i32
    %dma_start3A_881 = tpu.memref_slice %arg3[%dma_start3A_879, %dma_start3A_880] : memref<32768x768xf32, #tpu.memory_space<hbm>> -> memref<32768x768xf32, #tpu.memory_space<hbm>>
    tpu.enqueue_indirect_dma source(%dma_start3A_881 : memref<32768x768xf32, #tpu.memory_space<hbm>>) target(%arg11 : memref<48x768xf32, #tpu.memory_space<vmem>>) offsets(%dma_start3A_878 : memref<48xi32, #tpu.memory_space<vmem>>) semaphore(%arg13 : memref<!tpu.dma_semaphore, #tpu.memory_space<semaphore_mem>>)
    %dma_start3A_882 = arith.constant 10 : i32
    %dma_start3A_883 = arith.constant 0 : i32
    %dma_start3A_884 = tpu.memref_slice %arg9[%dma_start3A_882, %dma_start3A_883] : memref<15x48xi32, #tpu.memory_space<vmem>> -> memref<1x48xi32, #tpu.memory_space<vmem>>
    %dma_start3A_885 = tpu.memref_squeeze %dma_start3A_884 : memref<1x48xi32, #tpu.memory_space<vmem>> -> memref<48xi32, #tpu.memory_space<vmem>>
    %dma_start3A_886 = arith.constant 0 : i32
    %dma_start3A_887 = arith.constant 0 : i32
    %dma_start3A_888 = tpu.memref_slice %arg4[%select_n3A, %dma_start3A_886, %dma_start3A_887] : memref<4x5734x768xf32, #tpu.memory_space<hbm>> -> memref<1x5734x768xf32, #tpu.memory_space<hbm>>
    %dma_start3A_889 = tpu.memref_squeeze %dma_start3A_888 : memref<1x5734x768xf32, #tpu.memory_space<hbm>> -> memref<5734x768xf32, #tpu.memory_space<hbm>>
    %dma_start3A_890 = arith.constant 0 : i32
    %dma_start3A_891 = arith.constant 0 : i32
    %dma_start3A_892 = tpu.memref_slice %dma_start3A_889[%dma_start3A_890, %dma_start3A_891] : memref<5734x768xf32, #tpu.memory_space<hbm>> -> memref<5734x768xf32, #tpu.memory_space<hbm>>
    tpu.enqueue_indirect_dma source(%arg10 : memref<48x768xf32, #tpu.memory_space<vmem>>) target(%dma_start3A_892 : memref<5734x768xf32, #tpu.memory_space<hbm>>) offsets(%dma_start3A_885 : memref<48xi32, #tpu.memory_space<vmem>>) semaphore(%arg14 : memref<!tpu.dma_semaphore, #tpu.memory_space<semaphore_mem>>)
    %dma_wait3A_893 = arith.constant 528 : i32
    %dma_wait3A_894 = tpu.memref_slice %arg8[%dma_wait3A_893] : memref<720xi32, #tpu.memory_space<vmem>> -> memref<48xi32, #tpu.memory_space<vmem>>
    %dma_wait3A_895 = arith.constant 0 : i32
    %dma_wait3A_896 = arith.constant 0 : i32
    %dma_wait3A_897 = tpu.memref_slice %arg3[%dma_wait3A_895, %dma_wait3A_896] : memref<32768x768xf32, #tpu.memory_space<hbm>> -> memref<32768x768xf32, #tpu.memory_space<hbm>>
    tpu.wait_indirect_dma semaphore(%arg13 : memref<!tpu.dma_semaphore, #tpu.memory_space<semaphore_mem>>) src(%dma_wait3A_897 : memref<32768x768xf32, #tpu.memory_space<hbm>>) dst(%arg11 : memref<48x768xf32, #tpu.memory_space<vmem>>)
    %dma_wait3A_898 = arith.constant 10 : i32
    %dma_wait3A_899 = arith.constant 0 : i32
    %dma_wait3A_900 = tpu.memref_slice %arg9[%dma_wait3A_898, %dma_wait3A_899] : memref<15x48xi32, #tpu.memory_space<vmem>> -> memref<1x48xi32, #tpu.memory_space<vmem>>
    %dma_wait3A_901 = tpu.memref_squeeze %dma_wait3A_900 : memref<1x48xi32, #tpu.memory_space<vmem>> -> memref<48xi32, #tpu.memory_space<vmem>>
    %dma_wait3A_902 = arith.constant 0 : i32
    %dma_wait3A_903 = arith.constant 0 : i32
    %dma_wait3A_904 = tpu.memref_slice %arg4[%select_n3A, %dma_wait3A_902, %dma_wait3A_903] : memref<4x5734x768xf32, #tpu.memory_space<hbm>> -> memref<1x5734x768xf32, #tpu.memory_space<hbm>>
    %dma_wait3A_905 = tpu.memref_squeeze %dma_wait3A_904 : memref<1x5734x768xf32, #tpu.memory_space<hbm>> -> memref<5734x768xf32, #tpu.memory_space<hbm>>
    %dma_wait3A_906 = arith.constant 0 : i32
    %dma_wait3A_907 = arith.constant 0 : i32
    %dma_wait3A_908 = tpu.memref_slice %dma_wait3A_905[%dma_wait3A_906, %dma_wait3A_907] : memref<5734x768xf32, #tpu.memory_space<hbm>> -> memref<5734x768xf32, #tpu.memory_space<hbm>>
    tpu.wait_indirect_dma semaphore(%arg14 : memref<!tpu.dma_semaphore, #tpu.memory_space<semaphore_mem>>) src(%arg10 : memref<48x768xf32, #tpu.memory_space<vmem>>) dst(%dma_wait3A_908 : memref<5734x768xf32, #tpu.memory_space<hbm>>)
    %dma_start3A_909 = arith.constant 576 : i32
    %dma_start3A_910 = tpu.memref_slice %arg8[%dma_start3A_909] : memref<720xi32, #tpu.memory_space<vmem>> -> memref<48xi32, #tpu.memory_space<vmem>>
    %dma_start3A_911 = arith.constant 0 : i32
    %dma_start3A_912 = arith.constant 0 : i32
    %dma_start3A_913 = tpu.memref_slice %arg3[%dma_start3A_911, %dma_start3A_912] : memref<32768x768xf32, #tpu.memory_space<hbm>> -> memref<32768x768xf32, #tpu.memory_space<hbm>>
    tpu.enqueue_indirect_dma source(%dma_start3A_913 : memref<32768x768xf32, #tpu.memory_space<hbm>>) target(%arg10 : memref<48x768xf32, #tpu.memory_space<vmem>>) offsets(%dma_start3A_910 : memref<48xi32, #tpu.memory_space<vmem>>) semaphore(%arg12 : memref<!tpu.dma_semaphore, #tpu.memory_space<semaphore_mem>>)
    %dma_start3A_914 = arith.constant 11 : i32
    %dma_start3A_915 = arith.constant 0 : i32
    %dma_start3A_916 = tpu.memref_slice %arg9[%dma_start3A_914, %dma_start3A_915] : memref<15x48xi32, #tpu.memory_space<vmem>> -> memref<1x48xi32, #tpu.memory_space<vmem>>
    %dma_start3A_917 = tpu.memref_squeeze %dma_start3A_916 : memref<1x48xi32, #tpu.memory_space<vmem>> -> memref<48xi32, #tpu.memory_space<vmem>>
    %dma_start3A_918 = arith.constant 0 : i32
    %dma_start3A_919 = arith.constant 0 : i32
    %dma_start3A_920 = tpu.memref_slice %arg4[%select_n3A, %dma_start3A_918, %dma_start3A_919] : memref<4x5734x768xf32, #tpu.memory_space<hbm>> -> memref<1x5734x768xf32, #tpu.memory_space<hbm>>
    %dma_start3A_921 = tpu.memref_squeeze %dma_start3A_920 : memref<1x5734x768xf32, #tpu.memory_space<hbm>> -> memref<5734x768xf32, #tpu.memory_space<hbm>>
    %dma_start3A_922 = arith.constant 0 : i32
    %dma_start3A_923 = arith.constant 0 : i32
    %dma_start3A_924 = tpu.memref_slice %dma_start3A_921[%dma_start3A_922, %dma_start3A_923] : memref<5734x768xf32, #tpu.memory_space<hbm>> -> memref<5734x768xf32, #tpu.memory_space<hbm>>
    tpu.enqueue_indirect_dma source(%arg11 : memref<48x768xf32, #tpu.memory_space<vmem>>) target(%dma_start3A_924 : memref<5734x768xf32, #tpu.memory_space<hbm>>) offsets(%dma_start3A_917 : memref<48xi32, #tpu.memory_space<vmem>>) semaphore(%arg15 : memref<!tpu.dma_semaphore, #tpu.memory_space<semaphore_mem>>)
    %dma_wait3A_925 = arith.constant 576 : i32
    %dma_wait3A_926 = tpu.memref_slice %arg8[%dma_wait3A_925] : memref<720xi32, #tpu.memory_space<vmem>> -> memref<48xi32, #tpu.memory_space<vmem>>
    %dma_wait3A_927 = arith.constant 0 : i32
    %dma_wait3A_928 = arith.constant 0 : i32
    %dma_wait3A_929 = tpu.memref_slice %arg3[%dma_wait3A_927, %dma_wait3A_928] : memref<32768x768xf32, #tpu.memory_space<hbm>> -> memref<32768x768xf32, #tpu.memory_space<hbm>>
    tpu.wait_indirect_dma semaphore(%arg12 : memref<!tpu.dma_semaphore, #tpu.memory_space<semaphore_mem>>) src(%dma_wait3A_929 : memref<32768x768xf32, #tpu.memory_space<hbm>>) dst(%arg10 : memref<48x768xf32, #tpu.memory_space<vmem>>)
    %dma_wait3A_930 = arith.constant 11 : i32
    %dma_wait3A_931 = arith.constant 0 : i32
    %dma_wait3A_932 = tpu.memref_slice %arg9[%dma_wait3A_930, %dma_wait3A_931] : memref<15x48xi32, #tpu.memory_space<vmem>> -> memref<1x48xi32, #tpu.memory_space<vmem>>
    %dma_wait3A_933 = tpu.memref_squeeze %dma_wait3A_932 : memref<1x48xi32, #tpu.memory_space<vmem>> -> memref<48xi32, #tpu.memory_space<vmem>>
    %dma_wait3A_934 = arith.constant 0 : i32
    %dma_wait3A_935 = arith.constant 0 : i32
    %dma_wait3A_936 = tpu.memref_slice %arg4[%select_n3A, %dma_wait3A_934, %dma_wait3A_935] : memref<4x5734x768xf32, #tpu.memory_space<hbm>> -> memref<1x5734x768xf32, #tpu.memory_space<hbm>>
    %dma_wait3A_937 = tpu.memref_squeeze %dma_wait3A_936 : memref<1x5734x768xf32, #tpu.memory_space<hbm>> -> memref<5734x768xf32, #tpu.memory_space<hbm>>
    %dma_wait3A_938 = arith.constant 0 : i32
    %dma_wait3A_939 = arith.constant 0 : i32
    %dma_wait3A_940 = tpu.memref_slice %dma_wait3A_937[%dma_wait3A_938, %dma_wait3A_939] : memref<5734x768xf32, #tpu.memory_space<hbm>> -> memref<5734x768xf32, #tpu.memory_space<hbm>>
    tpu.wait_indirect_dma semaphore(%arg15 : memref<!tpu.dma_semaphore, #tpu.memory_space<semaphore_mem>>) src(%arg11 : memref<48x768xf32, #tpu.memory_space<vmem>>) dst(%dma_wait3A_940 : memref<5734x768xf32, #tpu.memory_space<hbm>>)
    %dma_start3A_941 = arith.constant 624 : i32
    %dma_start3A_942 = tpu.memref_slice %arg8[%dma_start3A_941] : memref<720xi32, #tpu.memory_space<vmem>> -> memref<48xi32, #tpu.memory_space<vmem>>
    %dma_start3A_943 = arith.constant 0 : i32
    %dma_start3A_944 = arith.constant 0 : i32
    %dma_start3A_945 = tpu.memref_slice %arg3[%dma_start3A_943, %dma_start3A_944] : memref<32768x768xf32, #tpu.memory_space<hbm>> -> memref<32768x768xf32, #tpu.memory_space<hbm>>
    tpu.enqueue_indirect_dma source(%dma_start3A_945 : memref<32768x768xf32, #tpu.memory_space<hbm>>) target(%arg11 : memref<48x768xf32, #tpu.memory_space<vmem>>) offsets(%dma_start3A_942 : memref<48xi32, #tpu.memory_space<vmem>>) semaphore(%arg13 : memref<!tpu.dma_semaphore, #tpu.memory_space<semaphore_mem>>)
    %dma_start3A_946 = arith.constant 12 : i32
    %dma_start3A_947 = arith.constant 0 : i32
    %dma_start3A_948 = tpu.memref_slice %arg9[%dma_start3A_946, %dma_start3A_947] : memref<15x48xi32, #tpu.memory_space<vmem>> -> memref<1x48xi32, #tpu.memory_space<vmem>>
    %dma_start3A_949 = tpu.memref_squeeze %dma_start3A_948 : memref<1x48xi32, #tpu.memory_space<vmem>> -> memref<48xi32, #tpu.memory_space<vmem>>
    %dma_start3A_950 = arith.constant 0 : i32
    %dma_start3A_951 = arith.constant 0 : i32
    %dma_start3A_952 = tpu.memref_slice %arg4[%select_n3A, %dma_start3A_950, %dma_start3A_951] : memref<4x5734x768xf32, #tpu.memory_space<hbm>> -> memref<1x5734x768xf32, #tpu.memory_space<hbm>>
    %dma_start3A_953 = tpu.memref_squeeze %dma_start3A_952 : memref<1x5734x768xf32, #tpu.memory_space<hbm>> -> memref<5734x768xf32, #tpu.memory_space<hbm>>
    %dma_start3A_954 = arith.constant 0 : i32
    %dma_start3A_955 = arith.constant 0 : i32
    %dma_start3A_956 = tpu.memref_slice %dma_start3A_953[%dma_start3A_954, %dma_start3A_955] : memref<5734x768xf32, #tpu.memory_space<hbm>> -> memref<5734x768xf32, #tpu.memory_space<hbm>>
    tpu.enqueue_indirect_dma source(%arg10 : memref<48x768xf32, #tpu.memory_space<vmem>>) target(%dma_start3A_956 : memref<5734x768xf32, #tpu.memory_space<hbm>>) offsets(%dma_start3A_949 : memref<48xi32, #tpu.memory_space<vmem>>) semaphore(%arg14 : memref<!tpu.dma_semaphore, #tpu.memory_space<semaphore_mem>>)
    %dma_wait3A_957 = arith.constant 624 : i32
    %dma_wait3A_958 = tpu.memref_slice %arg8[%dma_wait3A_957] : memref<720xi32, #tpu.memory_space<vmem>> -> memref<48xi32, #tpu.memory_space<vmem>>
    %dma_wait3A_959 = arith.constant 0 : i32
    %dma_wait3A_960 = arith.constant 0 : i32
    %dma_wait3A_961 = tpu.memref_slice %arg3[%dma_wait3A_959, %dma_wait3A_960] : memref<32768x768xf32, #tpu.memory_space<hbm>> -> memref<32768x768xf32, #tpu.memory_space<hbm>>
    tpu.wait_indirect_dma semaphore(%arg13 : memref<!tpu.dma_semaphore, #tpu.memory_space<semaphore_mem>>) src(%dma_wait3A_961 : memref<32768x768xf32, #tpu.memory_space<hbm>>) dst(%arg11 : memref<48x768xf32, #tpu.memory_space<vmem>>)
    %dma_wait3A_962 = arith.constant 12 : i32
    %dma_wait3A_963 = arith.constant 0 : i32
    %dma_wait3A_964 = tpu.memref_slice %arg9[%dma_wait3A_962, %dma_wait3A_963] : memref<15x48xi32, #tpu.memory_space<vmem>> -> memref<1x48xi32, #tpu.memory_space<vmem>>
    %dma_wait3A_965 = tpu.memref_squeeze %dma_wait3A_964 : memref<1x48xi32, #tpu.memory_space<vmem>> -> memref<48xi32, #tpu.memory_space<vmem>>
    %dma_wait3A_966 = arith.constant 0 : i32
    %dma_wait3A_967 = arith.constant 0 : i32
    %dma_wait3A_968 = tpu.memref_slice %arg4[%select_n3A, %dma_wait3A_966, %dma_wait3A_967] : memref<4x5734x768xf32, #tpu.memory_space<hbm>> -> memref<1x5734x768xf32, #tpu.memory_space<hbm>>
    %dma_wait3A_969 = tpu.memref_squeeze %dma_wait3A_968 : memref<1x5734x768xf32, #tpu.memory_space<hbm>> -> memref<5734x768xf32, #tpu.memory_space<hbm>>
    %dma_wait3A_970 = arith.constant 0 : i32
    %dma_wait3A_971 = arith.constant 0 : i32
    %dma_wait3A_972 = tpu.memref_slice %dma_wait3A_969[%dma_wait3A_970, %dma_wait3A_971] : memref<5734x768xf32, #tpu.memory_space<hbm>> -> memref<5734x768xf32, #tpu.memory_space<hbm>>
    tpu.wait_indirect_dma semaphore(%arg14 : memref<!tpu.dma_semaphore, #tpu.memory_space<semaphore_mem>>) src(%arg10 : memref<48x768xf32, #tpu.memory_space<vmem>>) dst(%dma_wait3A_972 : memref<5734x768xf32, #tpu.memory_space<hbm>>)
    %dma_start3A_973 = arith.constant 672 : i32
    %dma_start3A_974 = tpu.memref_slice %arg8[%dma_start3A_973] : memref<720xi32, #tpu.memory_space<vmem>> -> memref<48xi32, #tpu.memory_space<vmem>>
    %dma_start3A_975 = arith.constant 0 : i32
    %dma_start3A_976 = arith.constant 0 : i32
    %dma_start3A_977 = tpu.memref_slice %arg3[%dma_start3A_975, %dma_start3A_976] : memref<32768x768xf32, #tpu.memory_space<hbm>> -> memref<32768x768xf32, #tpu.memory_space<hbm>>
    tpu.enqueue_indirect_dma source(%dma_start3A_977 : memref<32768x768xf32, #tpu.memory_space<hbm>>) target(%arg10 : memref<48x768xf32, #tpu.memory_space<vmem>>) offsets(%dma_start3A_974 : memref<48xi32, #tpu.memory_space<vmem>>) semaphore(%arg12 : memref<!tpu.dma_semaphore, #tpu.memory_space<semaphore_mem>>)
    %dma_start3A_978 = arith.constant 13 : i32
    %dma_start3A_979 = arith.constant 0 : i32
    %dma_start3A_980 = tpu.memref_slice %arg9[%dma_start3A_978, %dma_start3A_979] : memref<15x48xi32, #tpu.memory_space<vmem>> -> memref<1x48xi32, #tpu.memory_space<vmem>>
    %dma_start3A_981 = tpu.memref_squeeze %dma_start3A_980 : memref<1x48xi32, #tpu.memory_space<vmem>> -> memref<48xi32, #tpu.memory_space<vmem>>
    %dma_start3A_982 = arith.constant 0 : i32
    %dma_start3A_983 = arith.constant 0 : i32
    %dma_start3A_984 = tpu.memref_slice %arg4[%select_n3A, %dma_start3A_982, %dma_start3A_983] : memref<4x5734x768xf32, #tpu.memory_space<hbm>> -> memref<1x5734x768xf32, #tpu.memory_space<hbm>>
    %dma_start3A_985 = tpu.memref_squeeze %dma_start3A_984 : memref<1x5734x768xf32, #tpu.memory_space<hbm>> -> memref<5734x768xf32, #tpu.memory_space<hbm>>
    %dma_start3A_986 = arith.constant 0 : i32
    %dma_start3A_987 = arith.constant 0 : i32
    %dma_start3A_988 = tpu.memref_slice %dma_start3A_985[%dma_start3A_986, %dma_start3A_987] : memref<5734x768xf32, #tpu.memory_space<hbm>> -> memref<5734x768xf32, #tpu.memory_space<hbm>>
    tpu.enqueue_indirect_dma source(%arg11 : memref<48x768xf32, #tpu.memory_space<vmem>>) target(%dma_start3A_988 : memref<5734x768xf32, #tpu.memory_space<hbm>>) offsets(%dma_start3A_981 : memref<48xi32, #tpu.memory_space<vmem>>) semaphore(%arg15 : memref<!tpu.dma_semaphore, #tpu.memory_space<semaphore_mem>>)
    %dma_wait3A_989 = arith.constant 672 : i32
    %dma_wait3A_990 = tpu.memref_slice %arg8[%dma_wait3A_989] : memref<720xi32, #tpu.memory_space<vmem>> -> memref<48xi32, #tpu.memory_space<vmem>>
    %dma_wait3A_991 = arith.constant 0 : i32
    %dma_wait3A_992 = arith.constant 0 : i32
    %dma_wait3A_993 = tpu.memref_slice %arg3[%dma_wait3A_991, %dma_wait3A_992] : memref<32768x768xf32, #tpu.memory_space<hbm>> -> memref<32768x768xf32, #tpu.memory_space<hbm>>
    tpu.wait_indirect_dma semaphore(%arg12 : memref<!tpu.dma_semaphore, #tpu.memory_space<semaphore_mem>>) src(%dma_wait3A_993 : memref<32768x768xf32, #tpu.memory_space<hbm>>) dst(%arg10 : memref<48x768xf32, #tpu.memory_space<vmem>>)
    %dma_start3A_994 = arith.constant 14 : i32
    %dma_start3A_995 = arith.constant 0 : i32
    %dma_start3A_996 = tpu.memref_slice %arg9[%dma_start3A_994, %dma_start3A_995] : memref<15x48xi32, #tpu.memory_space<vmem>> -> memref<1x48xi32, #tpu.memory_space<vmem>>
    %dma_start3A_997 = tpu.memref_squeeze %dma_start3A_996 : memref<1x48xi32, #tpu.memory_space<vmem>> -> memref<48xi32, #tpu.memory_space<vmem>>
    %dma_start3A_998 = arith.constant 0 : i32
    %dma_start3A_999 = arith.constant 0 : i32
    %dma_start3A_1000 = tpu.memref_slice %arg4[%select_n3A, %dma_start3A_998, %dma_start3A_999] : memref<4x5734x768xf32, #tpu.memory_space<hbm>> -> memref<1x5734x768xf32, #tpu.memory_space<hbm>>
    %dma_start3A_1001 = tpu.memref_squeeze %dma_start3A_1000 : memref<1x5734x768xf32, #tpu.memory_space<hbm>> -> memref<5734x768xf32, #tpu.memory_space<hbm>>
    %dma_start3A_1002 = arith.constant 0 : i32
    %dma_start3A_1003 = arith.constant 0 : i32
    %dma_start3A_1004 = tpu.memref_slice %dma_start3A_1001[%dma_start3A_1002, %dma_start3A_1003] : memref<5734x768xf32, #tpu.memory_space<hbm>> -> memref<5734x768xf32, #tpu.memory_space<hbm>>
    tpu.enqueue_indirect_dma source(%arg10 : memref<48x768xf32, #tpu.memory_space<vmem>>) target(%dma_start3A_1004 : memref<5734x768xf32, #tpu.memory_space<hbm>>) offsets(%dma_start3A_997 : memref<48xi32, #tpu.memory_space<vmem>>) semaphore(%arg14 : memref<!tpu.dma_semaphore, #tpu.memory_space<semaphore_mem>>)
    %dma_wait3A_1005 = arith.constant 13 : i32
    %dma_wait3A_1006 = arith.constant 0 : i32
    %dma_wait3A_1007 = tpu.memref_slice %arg9[%dma_wait3A_1005, %dma_wait3A_1006] : memref<15x48xi32, #tpu.memory_space<vmem>> -> memref<1x48xi32, #tpu.memory_space<vmem>>
    %dma_wait3A_1008 = tpu.memref_squeeze %dma_wait3A_1007 : memref<1x48xi32, #tpu.memory_space<vmem>> -> memref<48xi32, #tpu.memory_space<vmem>>
    %dma_wait3A_1009 = arith.constant 0 : i32
    %dma_wait3A_1010 = arith.constant 0 : i32
    %dma_wait3A_1011 = tpu.memref_slice %arg4[%select_n3A, %dma_wait3A_1009, %dma_wait3A_1010] : memref<4x5734x768xf32, #tpu.memory_space<hbm>> -> memref<1x5734x768xf32, #tpu.memory_space<hbm>>
    %dma_wait3A_1012 = tpu.memref_squeeze %dma_wait3A_1011 : memref<1x5734x768xf32, #tpu.memory_space<hbm>> -> memref<5734x768xf32, #tpu.memory_space<hbm>>
    %dma_wait3A_1013 = arith.constant 0 : i32
    %dma_wait3A_1014 = arith.constant 0 : i32
    %dma_wait3A_1015 = tpu.memref_slice %dma_wait3A_1012[%dma_wait3A_1013, %dma_wait3A_1014] : memref<5734x768xf32, #tpu.memory_space<hbm>> -> memref<5734x768xf32, #tpu.memory_space<hbm>>
    tpu.wait_indirect_dma semaphore(%arg15 : memref<!tpu.dma_semaphore, #tpu.memory_space<semaphore_mem>>) src(%arg11 : memref<48x768xf32, #tpu.memory_space<vmem>>) dst(%dma_wait3A_1015 : memref<5734x768xf32, #tpu.memory_space<hbm>>)
    %dma_wait3A_1016 = arith.constant 14 : i32
    %dma_wait3A_1017 = arith.constant 0 : i32
    %dma_wait3A_1018 = tpu.memref_slice %arg9[%dma_wait3A_1016, %dma_wait3A_1017] : memref<15x48xi32, #tpu.memory_space<vmem>> -> memref<1x48xi32, #tpu.memory_space<vmem>>
    %dma_wait3A_1019 = tpu.memref_squeeze %dma_wait3A_1018 : memref<1x48xi32, #tpu.memory_space<vmem>> -> memref<48xi32, #tpu.memory_space<vmem>>
    %dma_wait3A_1020 = arith.constant 0 : i32
    %dma_wait3A_1021 = arith.constant 0 : i32
    %dma_wait3A_1022 = tpu.memref_slice %arg4[%select_n3A, %dma_wait3A_1020, %dma_wait3A_1021] : memref<4x5734x768xf32, #tpu.memory_space<hbm>> -> memref<1x5734x768xf32, #tpu.memory_space<hbm>>
    %dma_wait3A_1023 = tpu.memref_squeeze %dma_wait3A_1022 : memref<1x5734x768xf32, #tpu.memory_space<hbm>> -> memref<5734x768xf32, #tpu.memory_space<hbm>>
    %dma_wait3A_1024 = arith.constant 0 : i32
    %dma_wait3A_1025 = arith.constant 0 : i32
    %dma_wait3A_1026 = tpu.memref_slice %dma_wait3A_1023[%dma_wait3A_1024, %dma_wait3A_1025] : memref<5734x768xf32, #tpu.memory_space<hbm>> -> memref<5734x768xf32, #tpu.memory_space<hbm>>
    tpu.wait_indirect_dma semaphore(%arg14 : memref<!tpu.dma_semaphore, #tpu.memory_space<semaphore_mem>>) src(%arg10 : memref<48x768xf32, #tpu.memory_space<vmem>>) dst(%dma_wait3A_1026 : memref<5734x768xf32, #tpu.memory_space<hbm>>)
    return
  }
}

module attributes {stable_mosaic.version = 14 : i64} {
  func.func @_scores_body(%arg0: i32, %arg1: memref<4096x768xf32, #tpu.memory_space<vmem>>, %arg2: memref<768x128xf32, #tpu.memory_space<vmem>>, %arg3: memref<1x128xf32, #tpu.memory_space<vmem>>, %arg4: memref<128x1xf32, #tpu.memory_space<vmem>>, %arg5: memref<1x1xf32, #tpu.memory_space<vmem>>, %arg6: memref<32x128xf32, #tpu.memory_space<vmem>>) attributes {dimension_semantics = [#tpu.dimension_semantics<arbitrary>], iteration_bounds = array<i64: 8>, scalar_prefetch = 0 : i64, scratch_operands = 0 : i64, tpu.core_type = #tpu.core_type<tc>, window_params = [{transform_indices = @transform_0, window_bounds = array<i64: 4096, 768>}, {pipeline_mode = #tpu.pipeline_mode<synchronous>, transform_indices = @transform_1, window_bounds = array<i64: 768, 128>}, {pipeline_mode = #tpu.pipeline_mode<synchronous>, transform_indices = @transform_2, window_bounds = array<i64: 1, 128>}, {pipeline_mode = #tpu.pipeline_mode<synchronous>, transform_indices = @transform_3, window_bounds = array<i64: 128, 1>}, {pipeline_mode = #tpu.pipeline_mode<synchronous>, transform_indices = @transform_4, window_bounds = array<i64: 1, 1>}, {transform_indices = @transform_5, window_bounds = array<i64: 32, 128>}]} {
    %get3A = arith.constant 0 : index
    %get3A_0 = arith.constant 0 : index
    %get3A_1 = vector.load %arg1[%get3A, %get3A_0] : memref<4096x768xf32, #tpu.memory_space<vmem>>, vector<4096x768xf32>
    %get3A_2 = arith.constant 0 : index
    %get3A_3 = arith.constant 0 : index
    %get3A_4 = vector.load %arg2[%get3A_2, %get3A_3] : memref<768x128xf32, #tpu.memory_space<vmem>>, vector<768x128xf32>
    %dot_general3A = arith.constant dense<0.000000e+00> : vector<4096x128xf32>
    %dot_general3A_5 = tpu.matmul %get3A_1, %get3A_4, %dot_general3A {dimension_numbers = #tpu.dot_dimension_numbers<[1], [0], [0], [1], [0, 0, 1, 1], [], []>, transpose_lhs_hint = false} : vector<4096x768xf32>, vector<768x128xf32>, vector<4096x128xf32> -> vector<4096x128xf32>
    %get3A_6 = arith.constant 0 : index
    %get3A_7 = arith.constant 0 : index
    %get3A_8 = vector.load %arg3[%get3A_6, %get3A_7] : memref<1x128xf32, #tpu.memory_space<vmem>>, vector<1x128xf32>
    %add3A = vector.broadcast %get3A_8 : vector<1x128xf32> to vector<4096x128xf32>
    %add3A_9 = arith.addf %dot_general3A_5, %add3A : vector<4096x128xf32>
    %mul3A = arith.constant 5.000000e-01 : f32
    %mul3A_10 = vector.broadcast %mul3A : f32 to vector<4096x128xf32>
    %mul3A_11 = arith.mulf %mul3A_10, %add3A_9 : vector<4096x128xf32>
    %mul3A_12 = arith.constant 0.707106769 : f32
    %mul3A_13 = vector.broadcast %mul3A_12 : f32 to vector<4096x128xf32>
    %mul3A_14 = arith.mulf %add3A_9, %mul3A_13 : vector<4096x128xf32>
    %erf3A = math.erf %mul3A_14 : vector<4096x128xf32>
    %add3A_15 = arith.constant 1.000000e+00 : f32
    %add3A_16 = vector.broadcast %add3A_15 : f32 to vector<4096x128xf32>
    %add3A_17 = arith.addf %add3A_16, %erf3A : vector<4096x128xf32>
    %mul3A_18 = arith.mulf %mul3A_11, %add3A_17 : vector<4096x128xf32>
    %get3A_19 = arith.constant 0 : index
    %get3A_20 = arith.constant 0 : index
    %get3A_21 = vector.load %arg4[%get3A_19, %get3A_20] : memref<128x1xf32, #tpu.memory_space<vmem>>, vector<128x1xf32>
    %dot_general3A_22 = arith.constant dense<0.000000e+00> : vector<4096x1xf32>
    %dot_general3A_23 = tpu.matmul %mul3A_18, %get3A_21, %dot_general3A_22 {dimension_numbers = #tpu.dot_dimension_numbers<[1], [0], [0], [1], [0, 0, 1, 1], [], []>, transpose_lhs_hint = false} : vector<4096x128xf32>, vector<128x1xf32>, vector<4096x1xf32> -> vector<4096x1xf32>
    %get3A_24 = arith.constant 0 : index
    %get3A_25 = arith.constant 0 : index
    %get3A_26 = vector.load %arg5[%get3A_24, %get3A_25] : memref<1x1xf32, #tpu.memory_space<vmem>>, vector<1x1xf32>
    %add3A_27 = vector.broadcast %get3A_26 : vector<1x1xf32> to vector<4096x1xf32>
    %add3A_28 = arith.addf %dot_general3A_23, %add3A_27 : vector<4096x1xf32>
    %reshape3A = vector.shape_cast %add3A_28 : vector<4096x1xf32> to vector<32x128xf32>
    %swap3A = arith.constant 0 : index
    %swap3A_29 = arith.constant 0 : index
    %swap3A_30 = vector.load %arg6[%swap3A, %swap3A_29] : memref<32x128xf32, #tpu.memory_space<vmem>>, vector<32x128xf32>
    tpu.vector_store %arg6[%swap3A, %swap3A_29], %reshape3A {strides = array<i32>} : memref<32x128xf32, #tpu.memory_space<vmem>>, vector<32x128xf32>,
    return
  }
  func.func @transform_0(%arg0: i32) -> (i32, i32) {
    %c0_i32 = arith.constant 0 : i32
    %c0_i32_0 = arith.constant 0 : i32
    return %arg0, %c0_i32 : i32, i32
  }
  func.func @transform_1(%arg0: i32) -> (i32, i32) {
    %c0_i32 = arith.constant 0 : i32
    %c0_i32_0 = arith.constant 0 : i32
    %c0_i32_1 = arith.constant 0 : i32
    return %c0_i32, %c0_i32_0 : i32, i32
  }
  func.func @transform_2(%arg0: i32) -> (i32, i32) {
    %c0_i32 = arith.constant 0 : i32
    %c0_i32_0 = arith.constant 0 : i32
    %c0_i32_1 = arith.constant 0 : i32
    return %c0_i32, %c0_i32_0 : i32, i32
  }
  func.func @transform_3(%arg0: i32) -> (i32, i32) {
    %c0_i32 = arith.constant 0 : i32
    %c0_i32_0 = arith.constant 0 : i32
    %c0_i32_1 = arith.constant 0 : i32
    return %c0_i32, %c0_i32_0 : i32, i32
  }
  func.func @transform_4(%arg0: i32) -> (i32, i32) {
    %c0_i32 = arith.constant 0 : i32
    %c0_i32_0 = arith.constant 0 : i32
    %c0_i32_1 = arith.constant 0 : i32
    return %c0_i32, %c0_i32_0 : i32, i32
  }
  func.func @transform_5(%arg0: i32) -> (i32, i32) {
    %c0_i32 = arith.constant 0 : i32
    %c0_i32_0 = arith.constant 0 : i32
    return %arg0, %c0_i32 : i32, i32
  }
}

module attributes {stable_mosaic.version = 14 : i64} {
  func.func @_select_body(%arg0: memref<256x128xf32, #tpu.memory_space<vmem>>, %arg1: memref<256x128xi32, #tpu.memory_space<vmem>>) attributes {dimension_semantics = [], scalar_prefetch = 0 : i64, scratch_operands = 0 : i64, tpu.core_type = #tpu.core_type<tc>} {
    %get3A = arith.constant 0 : index
    %get3A_0 = arith.constant 0 : index
    %get3A_1 = vector.load %arg0[%get3A, %get3A_0] : memref<256x128xf32, #tpu.memory_space<vmem>>, vector<256x128xf32>
    %bitcast_convert_type3A = tpu.bitcast %get3A_1 : vector<256x128xf32> -> vector<256x128xi32>
    %shift_right_arithmetic3A = arith.constant 31 : i32
    %shift_right_arithmetic3A_2 = vector.broadcast %shift_right_arithmetic3A : i32 to vector<256x128xi32>
    %shift_right_arithmetic3A_3 = arith.shrsi %bitcast_convert_type3A, %shift_right_arithmetic3A_2 : vector<256x128xi32>
    %and3A = arith.constant 2147483647 : i32
    %and3A_4 = vector.broadcast %and3A : i32 to vector<256x128xi32>
    %and3A_5 = arith.andi %shift_right_arithmetic3A_3, %and3A_4 : vector<256x128xi32>
    %xor3A = arith.xori %bitcast_convert_type3A, %and3A_5 : vector<256x128xi32>
    %slice3A = vector.extract_strided_slice %xor3A {offsets = [0, 0], sizes = [64, 128], strides = [1, 1]} : vector<256x128xi32> to vector<64x128xi32>
    %or3A = arith.constant 0 : i32
    %or3A_6 = arith.constant -2147483648 : i32
    %or3A_7 = arith.ori %or3A, %or3A_6 : i32
    %xor3A_8 = arith.constant -2147483648 : i32
    %xor3A_9 = arith.xori %or3A_7, %xor3A_8 : i32
    %ge3A = vector.broadcast %xor3A_9 : i32 to vector<64x128xi32>
    %ge3A_10 = arith.cmpi sge, %slice3A, %ge3A : vector<64x128xi32>
    %convert_element_type3A = arith.extui %ge3A_10 : vector<64x128xi1> to vector<64x128xi32>
    %reduce_sum3A = vector.shape_cast %convert_element_type3A : vector<64x128xi32> to vector<1x64x128xi32>
    %reduce_sum3A_11 = arith.constant dense<0> : vector<1xi32>
    %reduce_sum3A_12 = vector.multi_reduction <add>, %reduce_sum3A, %reduce_sum3A_11 [1, 2] : vector<1x64x128xi32> to vector<1xi32>
    %reduce_sum3A_13 = vector.shape_cast %reduce_sum3A_12 : vector<1xi32> to vector<1x1x1xi32>
    %reduce_sum3A_14 = vector.extract %reduce_sum3A_13[0, 0, 0] : i32 from vector<1x1x1xi32>
    %ge3A_15 = arith.constant 5734 : i32
    %ge3A_16 = arith.cmpi sge, %reduce_sum3A_14, %ge3A_15 : i32
    %jit3A = arith.constant 0 : i32
    %select_n3A = arith.select %ge3A_16, %or3A_7, %jit3A : i32
    %or3A_17 = arith.constant 1073741824 : i32
    %or3A_18 = arith.ori %select_n3A, %or3A_17 : i32
    %xor3A_19 = arith.constant -2147483648 : i32
    %xor3A_20 = arith.xori %or3A_18, %xor3A_19 : i32
    %ge3A_21 = vector.broadcast %xor3A_20 : i32 to vector<64x128xi32>
    %ge3A_22 = arith.cmpi sge, %slice3A, %ge3A_21 : vector<64x128xi32>
    %convert_element_type3A_23 = arith.extui %ge3A_22 : vector<64x128xi1> to vector<64x128xi32>
    %reduce_sum3A_24 = vector.shape_cast %convert_element_type3A_23 : vector<64x128xi32> to vector<1x64x128xi32>
    %reduce_sum3A_25 = arith.constant dense<0> : vector<1xi32>
    %reduce_sum3A_26 = vector.multi_reduction <add>, %reduce_sum3A_24, %reduce_sum3A_25 [1, 2] : vector<1x64x128xi32> to vector<1xi32>
    %reduce_sum3A_27 = vector.shape_cast %reduce_sum3A_26 : vector<1xi32> to vector<1x1x1xi32>
    %reduce_sum3A_28 = vector.extract %reduce_sum3A_27[0, 0, 0] : i32 from vector<1x1x1xi32>
    %ge3A_29 = arith.constant 5734 : i32
    %ge3A_30 = arith.cmpi sge, %reduce_sum3A_28, %ge3A_29 : i32
    %select_n3A_31 = arith.select %ge3A_30, %or3A_18, %select_n3A : i32
    %or3A_32 = arith.constant 536870912 : i32
    %or3A_33 = arith.ori %select_n3A_31, %or3A_32 : i32
    %xor3A_34 = arith.constant -2147483648 : i32
    %xor3A_35 = arith.xori %or3A_33, %xor3A_34 : i32
    %ge3A_36 = vector.broadcast %xor3A_35 : i32 to vector<64x128xi32>
    %ge3A_37 = arith.cmpi sge, %slice3A, %ge3A_36 : vector<64x128xi32>
    %convert_element_type3A_38 = arith.extui %ge3A_37 : vector<64x128xi1> to vector<64x128xi32>
    %reduce_sum3A_39 = vector.shape_cast %convert_element_type3A_38 : vector<64x128xi32> to vector<1x64x128xi32>
    %reduce_sum3A_40 = arith.constant dense<0> : vector<1xi32>
    %reduce_sum3A_41 = vector.multi_reduction <add>, %reduce_sum3A_39, %reduce_sum3A_40 [1, 2] : vector<1x64x128xi32> to vector<1xi32>
    %reduce_sum3A_42 = vector.shape_cast %reduce_sum3A_41 : vector<1xi32> to vector<1x1x1xi32>
    %reduce_sum3A_43 = vector.extract %reduce_sum3A_42[0, 0, 0] : i32 from vector<1x1x1xi32>
    %ge3A_44 = arith.constant 5734 : i32
    %ge3A_45 = arith.cmpi sge, %reduce_sum3A_43, %ge3A_44 : i32
    %select_n3A_46 = arith.select %ge3A_45, %or3A_33, %select_n3A_31 : i32
    %or3A_47 = arith.constant 268435456 : i32
    %or3A_48 = arith.ori %select_n3A_46, %or3A_47 : i32
    %xor3A_49 = arith.constant -2147483648 : i32
    %xor3A_50 = arith.xori %or3A_48, %xor3A_49 : i32
    %ge3A_51 = vector.broadcast %xor3A_50 : i32 to vector<64x128xi32>
    %ge3A_52 = arith.cmpi sge, %slice3A, %ge3A_51 : vector<64x128xi32>
    %convert_element_type3A_53 = arith.extui %ge3A_52 : vector<64x128xi1> to vector<64x128xi32>
    %reduce_sum3A_54 = vector.shape_cast %convert_element_type3A_53 : vector<64x128xi32> to vector<1x64x128xi32>
    %reduce_sum3A_55 = arith.constant dense<0> : vector<1xi32>
    %reduce_sum3A_56 = vector.multi_reduction <add>, %reduce_sum3A_54, %reduce_sum3A_55 [1, 2] : vector<1x64x128xi32> to vector<1xi32>
    %reduce_sum3A_57 = vector.shape_cast %reduce_sum3A_56 : vector<1xi32> to vector<1x1x1xi32>
    %reduce_sum3A_58 = vector.extract %reduce_sum3A_57[0, 0, 0] : i32 from vector<1x1x1xi32>
    %ge3A_59 = arith.constant 5734 : i32
    %ge3A_60 = arith.cmpi sge, %reduce_sum3A_58, %ge3A_59 : i32
    %select_n3A_61 = arith.select %ge3A_60, %or3A_48, %select_n3A_46 : i32
    %or3A_62 = arith.constant 134217728 : i32
    %or3A_63 = arith.ori %select_n3A_61, %or3A_62 : i32
    %xor3A_64 = arith.constant -2147483648 : i32
    %xor3A_65 = arith.xori %or3A_63, %xor3A_64 : i32
    %ge3A_66 = vector.broadcast %xor3A_65 : i32 to vector<64x128xi32>
    %ge3A_67 = arith.cmpi sge, %slice3A, %ge3A_66 : vector<64x128xi32>
    %convert_element_type3A_68 = arith.extui %ge3A_67 : vector<64x128xi1> to vector<64x128xi32>
    %reduce_sum3A_69 = vector.shape_cast %convert_element_type3A_68 : vector<64x128xi32> to vector<1x64x128xi32>
    %reduce_sum3A_70 = arith.constant dense<0> : vector<1xi32>
    %reduce_sum3A_71 = vector.multi_reduction <add>, %reduce_sum3A_69, %reduce_sum3A_70 [1, 2] : vector<1x64x128xi32> to vector<1xi32>
    %reduce_sum3A_72 = vector.shape_cast %reduce_sum3A_71 : vector<1xi32> to vector<1x1x1xi32>
    %reduce_sum3A_73 = vector.extract %reduce_sum3A_72[0, 0, 0] : i32 from vector<1x1x1xi32>
    %ge3A_74 = arith.constant 5734 : i32
    %ge3A_75 = arith.cmpi sge, %reduce_sum3A_73, %ge3A_74 : i32
    %select_n3A_76 = arith.select %ge3A_75, %or3A_63, %select_n3A_61 : i32
    %or3A_77 = arith.constant 67108864 : i32
    %or3A_78 = arith.ori %select_n3A_76, %or3A_77 : i32
    %xor3A_79 = arith.constant -2147483648 : i32
    %xor3A_80 = arith.xori %or3A_78, %xor3A_79 : i32
    %ge3A_81 = vector.broadcast %xor3A_80 : i32 to vector<64x128xi32>
    %ge3A_82 = arith.cmpi sge, %slice3A, %ge3A_81 : vector<64x128xi32>
    %convert_element_type3A_83 = arith.extui %ge3A_82 : vector<64x128xi1> to vector<64x128xi32>
    %reduce_sum3A_84 = vector.shape_cast %convert_element_type3A_83 : vector<64x128xi32> to vector<1x64x128xi32>
    %reduce_sum3A_85 = arith.constant dense<0> : vector<1xi32>
    %reduce_sum3A_86 = vector.multi_reduction <add>, %reduce_sum3A_84, %reduce_sum3A_85 [1, 2] : vector<1x64x128xi32> to vector<1xi32>
    %reduce_sum3A_87 = vector.shape_cast %reduce_sum3A_86 : vector<1xi32> to vector<1x1x1xi32>
    %reduce_sum3A_88 = vector.extract %reduce_sum3A_87[0, 0, 0] : i32 from vector<1x1x1xi32>
    %ge3A_89 = arith.constant 5734 : i32
    %ge3A_90 = arith.cmpi sge, %reduce_sum3A_88, %ge3A_89 : i32
    %select_n3A_91 = arith.select %ge3A_90, %or3A_78, %select_n3A_76 : i32
    %or3A_92 = arith.constant 33554432 : i32
    %or3A_93 = arith.ori %select_n3A_91, %or3A_92 : i32
    %xor3A_94 = arith.constant -2147483648 : i32
    %xor3A_95 = arith.xori %or3A_93, %xor3A_94 : i32
    %ge3A_96 = vector.broadcast %xor3A_95 : i32 to vector<64x128xi32>
    %ge3A_97 = arith.cmpi sge, %slice3A, %ge3A_96 : vector<64x128xi32>
    %convert_element_type3A_98 = arith.extui %ge3A_97 : vector<64x128xi1> to vector<64x128xi32>
    %reduce_sum3A_99 = vector.shape_cast %convert_element_type3A_98 : vector<64x128xi32> to vector<1x64x128xi32>
    %reduce_sum3A_100 = arith.constant dense<0> : vector<1xi32>
    %reduce_sum3A_101 = vector.multi_reduction <add>, %reduce_sum3A_99, %reduce_sum3A_100 [1, 2] : vector<1x64x128xi32> to vector<1xi32>
    %reduce_sum3A_102 = vector.shape_cast %reduce_sum3A_101 : vector<1xi32> to vector<1x1x1xi32>
    %reduce_sum3A_103 = vector.extract %reduce_sum3A_102[0, 0, 0] : i32 from vector<1x1x1xi32>
    %ge3A_104 = arith.constant 5734 : i32
    %ge3A_105 = arith.cmpi sge, %reduce_sum3A_103, %ge3A_104 : i32
    %select_n3A_106 = arith.select %ge3A_105, %or3A_93, %select_n3A_91 : i32
    %or3A_107 = arith.constant 16777216 : i32
    %or3A_108 = arith.ori %select_n3A_106, %or3A_107 : i32
    %xor3A_109 = arith.constant -2147483648 : i32
    %xor3A_110 = arith.xori %or3A_108, %xor3A_109 : i32
    %ge3A_111 = vector.broadcast %xor3A_110 : i32 to vector<64x128xi32>
    %ge3A_112 = arith.cmpi sge, %slice3A, %ge3A_111 : vector<64x128xi32>
    %convert_element_type3A_113 = arith.extui %ge3A_112 : vector<64x128xi1> to vector<64x128xi32>
    %reduce_sum3A_114 = vector.shape_cast %convert_element_type3A_113 : vector<64x128xi32> to vector<1x64x128xi32>
    %reduce_sum3A_115 = arith.constant dense<0> : vector<1xi32>
    %reduce_sum3A_116 = vector.multi_reduction <add>, %reduce_sum3A_114, %reduce_sum3A_115 [1, 2] : vector<1x64x128xi32> to vector<1xi32>
    %reduce_sum3A_117 = vector.shape_cast %reduce_sum3A_116 : vector<1xi32> to vector<1x1x1xi32>
    %reduce_sum3A_118 = vector.extract %reduce_sum3A_117[0, 0, 0] : i32 from vector<1x1x1xi32>
    %ge3A_119 = arith.constant 5734 : i32
    %ge3A_120 = arith.cmpi sge, %reduce_sum3A_118, %ge3A_119 : i32
    %select_n3A_121 = arith.select %ge3A_120, %or3A_108, %select_n3A_106 : i32
    %or3A_122 = arith.constant 8388608 : i32
    %or3A_123 = arith.ori %select_n3A_121, %or3A_122 : i32
    %xor3A_124 = arith.constant -2147483648 : i32
    %xor3A_125 = arith.xori %or3A_123, %xor3A_124 : i32
    %ge3A_126 = vector.broadcast %xor3A_125 : i32 to vector<64x128xi32>
    %ge3A_127 = arith.cmpi sge, %slice3A, %ge3A_126 : vector<64x128xi32>
    %convert_element_type3A_128 = arith.extui %ge3A_127 : vector<64x128xi1> to vector<64x128xi32>
    %reduce_sum3A_129 = vector.shape_cast %convert_element_type3A_128 : vector<64x128xi32> to vector<1x64x128xi32>
    %reduce_sum3A_130 = arith.constant dense<0> : vector<1xi32>
    %reduce_sum3A_131 = vector.multi_reduction <add>, %reduce_sum3A_129, %reduce_sum3A_130 [1, 2] : vector<1x64x128xi32> to vector<1xi32>
    %reduce_sum3A_132 = vector.shape_cast %reduce_sum3A_131 : vector<1xi32> to vector<1x1x1xi32>
    %reduce_sum3A_133 = vector.extract %reduce_sum3A_132[0, 0, 0] : i32 from vector<1x1x1xi32>
    %ge3A_134 = arith.constant 5734 : i32
    %ge3A_135 = arith.cmpi sge, %reduce_sum3A_133, %ge3A_134 : i32
    %select_n3A_136 = arith.select %ge3A_135, %or3A_123, %select_n3A_121 : i32
    %or3A_137 = arith.constant 4194304 : i32
    %or3A_138 = arith.ori %select_n3A_136, %or3A_137 : i32
    %xor3A_139 = arith.constant -2147483648 : i32
    %xor3A_140 = arith.xori %or3A_138, %xor3A_139 : i32
    %ge3A_141 = vector.broadcast %xor3A_140 : i32 to vector<64x128xi32>
    %ge3A_142 = arith.cmpi sge, %slice3A, %ge3A_141 : vector<64x128xi32>
    %convert_element_type3A_143 = arith.extui %ge3A_142 : vector<64x128xi1> to vector<64x128xi32>
    %reduce_sum3A_144 = vector.shape_cast %convert_element_type3A_143 : vector<64x128xi32> to vector<1x64x128xi32>
    %reduce_sum3A_145 = arith.constant dense<0> : vector<1xi32>
    %reduce_sum3A_146 = vector.multi_reduction <add>, %reduce_sum3A_144, %reduce_sum3A_145 [1, 2] : vector<1x64x128xi32> to vector<1xi32>
    %reduce_sum3A_147 = vector.shape_cast %reduce_sum3A_146 : vector<1xi32> to vector<1x1x1xi32>
    %reduce_sum3A_148 = vector.extract %reduce_sum3A_147[0, 0, 0] : i32 from vector<1x1x1xi32>
    %ge3A_149 = arith.constant 5734 : i32
    %ge3A_150 = arith.cmpi sge, %reduce_sum3A_148, %ge3A_149 : i32
    %select_n3A_151 = arith.select %ge3A_150, %or3A_138, %select_n3A_136 : i32
    %or3A_152 = arith.constant 2097152 : i32
    %or3A_153 = arith.ori %select_n3A_151, %or3A_152 : i32
    %xor3A_154 = arith.constant -2147483648 : i32
    %xor3A_155 = arith.xori %or3A_153, %xor3A_154 : i32
    %ge3A_156 = vector.broadcast %xor3A_155 : i32 to vector<64x128xi32>
    %ge3A_157 = arith.cmpi sge, %slice3A, %ge3A_156 : vector<64x128xi32>
    %convert_element_type3A_158 = arith.extui %ge3A_157 : vector<64x128xi1> to vector<64x128xi32>
    %reduce_sum3A_159 = vector.shape_cast %convert_element_type3A_158 : vector<64x128xi32> to vector<1x64x128xi32>
    %reduce_sum3A_160 = arith.constant dense<0> : vector<1xi32>
    %reduce_sum3A_161 = vector.multi_reduction <add>, %reduce_sum3A_159, %reduce_sum3A_160 [1, 2] : vector<1x64x128xi32> to vector<1xi32>
    %reduce_sum3A_162 = vector.shape_cast %reduce_sum3A_161 : vector<1xi32> to vector<1x1x1xi32>
    %reduce_sum3A_163 = vector.extract %reduce_sum3A_162[0, 0, 0] : i32 from vector<1x1x1xi32>
    %ge3A_164 = arith.constant 5734 : i32
    %ge3A_165 = arith.cmpi sge, %reduce_sum3A_163, %ge3A_164 : i32
    %select_n3A_166 = arith.select %ge3A_165, %or3A_153, %select_n3A_151 : i32
    %or3A_167 = arith.constant 1048576 : i32
    %or3A_168 = arith.ori %select_n3A_166, %or3A_167 : i32
    %xor3A_169 = arith.constant -2147483648 : i32
    %xor3A_170 = arith.xori %or3A_168, %xor3A_169 : i32
    %ge3A_171 = vector.broadcast %xor3A_170 : i32 to vector<64x128xi32>
    %ge3A_172 = arith.cmpi sge, %slice3A, %ge3A_171 : vector<64x128xi32>
    %convert_element_type3A_173 = arith.extui %ge3A_172 : vector<64x128xi1> to vector<64x128xi32>
    %reduce_sum3A_174 = vector.shape_cast %convert_element_type3A_173 : vector<64x128xi32> to vector<1x64x128xi32>
    %reduce_sum3A_175 = arith.constant dense<0> : vector<1xi32>
    %reduce_sum3A_176 = vector.multi_reduction <add>, %reduce_sum3A_174, %reduce_sum3A_175 [1, 2] : vector<1x64x128xi32> to vector<1xi32>
    %reduce_sum3A_177 = vector.shape_cast %reduce_sum3A_176 : vector<1xi32> to vector<1x1x1xi32>
    %reduce_sum3A_178 = vector.extract %reduce_sum3A_177[0, 0, 0] : i32 from vector<1x1x1xi32>
    %ge3A_179 = arith.constant 5734 : i32
    %ge3A_180 = arith.cmpi sge, %reduce_sum3A_178, %ge3A_179 : i32
    %select_n3A_181 = arith.select %ge3A_180, %or3A_168, %select_n3A_166 : i32
    %or3A_182 = arith.constant 524288 : i32
    %or3A_183 = arith.ori %select_n3A_181, %or3A_182 : i32
    %xor3A_184 = arith.constant -2147483648 : i32
    %xor3A_185 = arith.xori %or3A_183, %xor3A_184 : i32
    %ge3A_186 = vector.broadcast %xor3A_185 : i32 to vector<64x128xi32>
    %ge3A_187 = arith.cmpi sge, %slice3A, %ge3A_186 : vector<64x128xi32>
    %convert_element_type3A_188 = arith.extui %ge3A_187 : vector<64x128xi1> to vector<64x128xi32>
    %reduce_sum3A_189 = vector.shape_cast %convert_element_type3A_188 : vector<64x128xi32> to vector<1x64x128xi32>
    %reduce_sum3A_190 = arith.constant dense<0> : vector<1xi32>
    %reduce_sum3A_191 = vector.multi_reduction <add>, %reduce_sum3A_189, %reduce_sum3A_190 [1, 2] : vector<1x64x128xi32> to vector<1xi32>
    %reduce_sum3A_192 = vector.shape_cast %reduce_sum3A_191 : vector<1xi32> to vector<1x1x1xi32>
    %reduce_sum3A_193 = vector.extract %reduce_sum3A_192[0, 0, 0] : i32 from vector<1x1x1xi32>
    %ge3A_194 = arith.constant 5734 : i32
    %ge3A_195 = arith.cmpi sge, %reduce_sum3A_193, %ge3A_194 : i32
    %select_n3A_196 = arith.select %ge3A_195, %or3A_183, %select_n3A_181 : i32
    %or3A_197 = arith.constant 262144 : i32
    %or3A_198 = arith.ori %select_n3A_196, %or3A_197 : i32
    %xor3A_199 = arith.constant -2147483648 : i32
    %xor3A_200 = arith.xori %or3A_198, %xor3A_199 : i32
    %ge3A_201 = vector.broadcast %xor3A_200 : i32 to vector<64x128xi32>
    %ge3A_202 = arith.cmpi sge, %slice3A, %ge3A_201 : vector<64x128xi32>
    %convert_element_type3A_203 = arith.extui %ge3A_202 : vector<64x128xi1> to vector<64x128xi32>
    %reduce_sum3A_204 = vector.shape_cast %convert_element_type3A_203 : vector<64x128xi32> to vector<1x64x128xi32>
    %reduce_sum3A_205 = arith.constant dense<0> : vector<1xi32>
    %reduce_sum3A_206 = vector.multi_reduction <add>, %reduce_sum3A_204, %reduce_sum3A_205 [1, 2] : vector<1x64x128xi32> to vector<1xi32>
    %reduce_sum3A_207 = vector.shape_cast %reduce_sum3A_206 : vector<1xi32> to vector<1x1x1xi32>
    %reduce_sum3A_208 = vector.extract %reduce_sum3A_207[0, 0, 0] : i32 from vector<1x1x1xi32>
    %ge3A_209 = arith.constant 5734 : i32
    %ge3A_210 = arith.cmpi sge, %reduce_sum3A_208, %ge3A_209 : i32
    %select_n3A_211 = arith.select %ge3A_210, %or3A_198, %select_n3A_196 : i32
    %or3A_212 = arith.constant 131072 : i32
    %or3A_213 = arith.ori %select_n3A_211, %or3A_212 : i32
    %xor3A_214 = arith.constant -2147483648 : i32
    %xor3A_215 = arith.xori %or3A_213, %xor3A_214 : i32
    %ge3A_216 = vector.broadcast %xor3A_215 : i32 to vector<64x128xi32>
    %ge3A_217 = arith.cmpi sge, %slice3A, %ge3A_216 : vector<64x128xi32>
    %convert_element_type3A_218 = arith.extui %ge3A_217 : vector<64x128xi1> to vector<64x128xi32>
    %reduce_sum3A_219 = vector.shape_cast %convert_element_type3A_218 : vector<64x128xi32> to vector<1x64x128xi32>
    %reduce_sum3A_220 = arith.constant dense<0> : vector<1xi32>
    %reduce_sum3A_221 = vector.multi_reduction <add>, %reduce_sum3A_219, %reduce_sum3A_220 [1, 2] : vector<1x64x128xi32> to vector<1xi32>
    %reduce_sum3A_222 = vector.shape_cast %reduce_sum3A_221 : vector<1xi32> to vector<1x1x1xi32>
    %reduce_sum3A_223 = vector.extract %reduce_sum3A_222[0, 0, 0] : i32 from vector<1x1x1xi32>
    %ge3A_224 = arith.constant 5734 : i32
    %ge3A_225 = arith.cmpi sge, %reduce_sum3A_223, %ge3A_224 : i32
    %select_n3A_226 = arith.select %ge3A_225, %or3A_213, %select_n3A_211 : i32
    %or3A_227 = arith.constant 65536 : i32
    %or3A_228 = arith.ori %select_n3A_226, %or3A_227 : i32
    %xor3A_229 = arith.constant -2147483648 : i32
    %xor3A_230 = arith.xori %or3A_228, %xor3A_229 : i32
    %ge3A_231 = vector.broadcast %xor3A_230 : i32 to vector<64x128xi32>
    %ge3A_232 = arith.cmpi sge, %slice3A, %ge3A_231 : vector<64x128xi32>
    %convert_element_type3A_233 = arith.extui %ge3A_232 : vector<64x128xi1> to vector<64x128xi32>
    %reduce_sum3A_234 = vector.shape_cast %convert_element_type3A_233 : vector<64x128xi32> to vector<1x64x128xi32>
    %reduce_sum3A_235 = arith.constant dense<0> : vector<1xi32>
    %reduce_sum3A_236 = vector.multi_reduction <add>, %reduce_sum3A_234, %reduce_sum3A_235 [1, 2] : vector<1x64x128xi32> to vector<1xi32>
    %reduce_sum3A_237 = vector.shape_cast %reduce_sum3A_236 : vector<1xi32> to vector<1x1x1xi32>
    %reduce_sum3A_238 = vector.extract %reduce_sum3A_237[0, 0, 0] : i32 from vector<1x1x1xi32>
    %ge3A_239 = arith.constant 5734 : i32
    %ge3A_240 = arith.cmpi sge, %reduce_sum3A_238, %ge3A_239 : i32
    %select_n3A_241 = arith.select %ge3A_240, %or3A_228, %select_n3A_226 : i32
    %or3A_242 = arith.constant 32768 : i32
    %or3A_243 = arith.ori %select_n3A_241, %or3A_242 : i32
    %xor3A_244 = arith.constant -2147483648 : i32
    %xor3A_245 = arith.xori %or3A_243, %xor3A_244 : i32
    %ge3A_246 = vector.broadcast %xor3A_245 : i32 to vector<64x128xi32>
    %ge3A_247 = arith.cmpi sge, %slice3A, %ge3A_246 : vector<64x128xi32>
    %convert_element_type3A_248 = arith.extui %ge3A_247 : vector<64x128xi1> to vector<64x128xi32>
    %reduce_sum3A_249 = vector.shape_cast %convert_element_type3A_248 : vector<64x128xi32> to vector<1x64x128xi32>
    %reduce_sum3A_250 = arith.constant dense<0> : vector<1xi32>
    %reduce_sum3A_251 = vector.multi_reduction <add>, %reduce_sum3A_249, %reduce_sum3A_250 [1, 2] : vector<1x64x128xi32> to vector<1xi32>
    %reduce_sum3A_252 = vector.shape_cast %reduce_sum3A_251 : vector<1xi32> to vector<1x1x1xi32>
    %reduce_sum3A_253 = vector.extract %reduce_sum3A_252[0, 0, 0] : i32 from vector<1x1x1xi32>
    %ge3A_254 = arith.constant 5734 : i32
    %ge3A_255 = arith.cmpi sge, %reduce_sum3A_253, %ge3A_254 : i32
    %select_n3A_256 = arith.select %ge3A_255, %or3A_243, %select_n3A_241 : i32
    %or3A_257 = arith.constant 16384 : i32
    %or3A_258 = arith.ori %select_n3A_256, %or3A_257 : i32
    %xor3A_259 = arith.constant -2147483648 : i32
    %xor3A_260 = arith.xori %or3A_258, %xor3A_259 : i32
    %ge3A_261 = vector.broadcast %xor3A_260 : i32 to vector<64x128xi32>
    %ge3A_262 = arith.cmpi sge, %slice3A, %ge3A_261 : vector<64x128xi32>
    %convert_element_type3A_263 = arith.extui %ge3A_262 : vector<64x128xi1> to vector<64x128xi32>
    %reduce_sum3A_264 = vector.shape_cast %convert_element_type3A_263 : vector<64x128xi32> to vector<1x64x128xi32>
    %reduce_sum3A_265 = arith.constant dense<0> : vector<1xi32>
    %reduce_sum3A_266 = vector.multi_reduction <add>, %reduce_sum3A_264, %reduce_sum3A_265 [1, 2] : vector<1x64x128xi32> to vector<1xi32>
    %reduce_sum3A_267 = vector.shape_cast %reduce_sum3A_266 : vector<1xi32> to vector<1x1x1xi32>
    %reduce_sum3A_268 = vector.extract %reduce_sum3A_267[0, 0, 0] : i32 from vector<1x1x1xi32>
    %ge3A_269 = arith.constant 5734 : i32
    %ge3A_270 = arith.cmpi sge, %reduce_sum3A_268, %ge3A_269 : i32
    %select_n3A_271 = arith.select %ge3A_270, %or3A_258, %select_n3A_256 : i32
    %or3A_272 = arith.constant 8192 : i32
    %or3A_273 = arith.ori %select_n3A_271, %or3A_272 : i32
    %xor3A_274 = arith.constant -2147483648 : i32
    %xor3A_275 = arith.xori %or3A_273, %xor3A_274 : i32
    %ge3A_276 = vector.broadcast %xor3A_275 : i32 to vector<64x128xi32>
    %ge3A_277 = arith.cmpi sge, %slice3A, %ge3A_276 : vector<64x128xi32>
    %convert_element_type3A_278 = arith.extui %ge3A_277 : vector<64x128xi1> to vector<64x128xi32>
    %reduce_sum3A_279 = vector.shape_cast %convert_element_type3A_278 : vector<64x128xi32> to vector<1x64x128xi32>
    %reduce_sum3A_280 = arith.constant dense<0> : vector<1xi32>
    %reduce_sum3A_281 = vector.multi_reduction <add>, %reduce_sum3A_279, %reduce_sum3A_280 [1, 2] : vector<1x64x128xi32> to vector<1xi32>
    %reduce_sum3A_282 = vector.shape_cast %reduce_sum3A_281 : vector<1xi32> to vector<1x1x1xi32>
    %reduce_sum3A_283 = vector.extract %reduce_sum3A_282[0, 0, 0] : i32 from vector<1x1x1xi32>
    %ge3A_284 = arith.constant 5734 : i32
    %ge3A_285 = arith.cmpi sge, %reduce_sum3A_283, %ge3A_284 : i32
    %select_n3A_286 = arith.select %ge3A_285, %or3A_273, %select_n3A_271 : i32
    %or3A_287 = arith.constant 4096 : i32
    %or3A_288 = arith.ori %select_n3A_286, %or3A_287 : i32
    %xor3A_289 = arith.constant -2147483648 : i32
    %xor3A_290 = arith.xori %or3A_288, %xor3A_289 : i32
    %ge3A_291 = vector.broadcast %xor3A_290 : i32 to vector<64x128xi32>
    %ge3A_292 = arith.cmpi sge, %slice3A, %ge3A_291 : vector<64x128xi32>
    %convert_element_type3A_293 = arith.extui %ge3A_292 : vector<64x128xi1> to vector<64x128xi32>
    %reduce_sum3A_294 = vector.shape_cast %convert_element_type3A_293 : vector<64x128xi32> to vector<1x64x128xi32>
    %reduce_sum3A_295 = arith.constant dense<0> : vector<1xi32>
    %reduce_sum3A_296 = vector.multi_reduction <add>, %reduce_sum3A_294, %reduce_sum3A_295 [1, 2] : vector<1x64x128xi32> to vector<1xi32>
    %reduce_sum3A_297 = vector.shape_cast %reduce_sum3A_296 : vector<1xi32> to vector<1x1x1xi32>
    %reduce_sum3A_298 = vector.extract %reduce_sum3A_297[0, 0, 0] : i32 from vector<1x1x1xi32>
    %ge3A_299 = arith.constant 5734 : i32
    %ge3A_300 = arith.cmpi sge, %reduce_sum3A_298, %ge3A_299 : i32
    %select_n3A_301 = arith.select %ge3A_300, %or3A_288, %select_n3A_286 : i32
    %or3A_302 = arith.constant 2048 : i32
    %or3A_303 = arith.ori %select_n3A_301, %or3A_302 : i32
    %xor3A_304 = arith.constant -2147483648 : i32
    %xor3A_305 = arith.xori %or3A_303, %xor3A_304 : i32
    %ge3A_306 = vector.broadcast %xor3A_305 : i32 to vector<64x128xi32>
    %ge3A_307 = arith.cmpi sge, %slice3A, %ge3A_306 : vector<64x128xi32>
    %convert_element_type3A_308 = arith.extui %ge3A_307 : vector<64x128xi1> to vector<64x128xi32>
    %reduce_sum3A_309 = vector.shape_cast %convert_element_type3A_308 : vector<64x128xi32> to vector<1x64x128xi32>
    %reduce_sum3A_310 = arith.constant dense<0> : vector<1xi32>
    %reduce_sum3A_311 = vector.multi_reduction <add>, %reduce_sum3A_309, %reduce_sum3A_310 [1, 2] : vector<1x64x128xi32> to vector<1xi32>
    %reduce_sum3A_312 = vector.shape_cast %reduce_sum3A_311 : vector<1xi32> to vector<1x1x1xi32>
    %reduce_sum3A_313 = vector.extract %reduce_sum3A_312[0, 0, 0] : i32 from vector<1x1x1xi32>
    %ge3A_314 = arith.constant 5734 : i32
    %ge3A_315 = arith.cmpi sge, %reduce_sum3A_313, %ge3A_314 : i32
    %select_n3A_316 = arith.select %ge3A_315, %or3A_303, %select_n3A_301 : i32
    %or3A_317 = arith.constant 1024 : i32
    %or3A_318 = arith.ori %select_n3A_316, %or3A_317 : i32
    %xor3A_319 = arith.constant -2147483648 : i32
    %xor3A_320 = arith.xori %or3A_318, %xor3A_319 : i32
    %ge3A_321 = vector.broadcast %xor3A_320 : i32 to vector<64x128xi32>
    %ge3A_322 = arith.cmpi sge, %slice3A, %ge3A_321 : vector<64x128xi32>
    %convert_element_type3A_323 = arith.extui %ge3A_322 : vector<64x128xi1> to vector<64x128xi32>
    %reduce_sum3A_324 = vector.shape_cast %convert_element_type3A_323 : vector<64x128xi32> to vector<1x64x128xi32>
    %reduce_sum3A_325 = arith.constant dense<0> : vector<1xi32>
    %reduce_sum3A_326 = vector.multi_reduction <add>, %reduce_sum3A_324, %reduce_sum3A_325 [1, 2] : vector<1x64x128xi32> to vector<1xi32>
    %reduce_sum3A_327 = vector.shape_cast %reduce_sum3A_326 : vector<1xi32> to vector<1x1x1xi32>
    %reduce_sum3A_328 = vector.extract %reduce_sum3A_327[0, 0, 0] : i32 from vector<1x1x1xi32>
    %ge3A_329 = arith.constant 5734 : i32
    %ge3A_330 = arith.cmpi sge, %reduce_sum3A_328, %ge3A_329 : i32
    %select_n3A_331 = arith.select %ge3A_330, %or3A_318, %select_n3A_316 : i32
    %or3A_332 = arith.constant 512 : i32
    %or3A_333 = arith.ori %select_n3A_331, %or3A_332 : i32
    %xor3A_334 = arith.constant -2147483648 : i32
    %xor3A_335 = arith.xori %or3A_333, %xor3A_334 : i32
    %ge3A_336 = vector.broadcast %xor3A_335 : i32 to vector<64x128xi32>
    %ge3A_337 = arith.cmpi sge, %slice3A, %ge3A_336 : vector<64x128xi32>
    %convert_element_type3A_338 = arith.extui %ge3A_337 : vector<64x128xi1> to vector<64x128xi32>
    %reduce_sum3A_339 = vector.shape_cast %convert_element_type3A_338 : vector<64x128xi32> to vector<1x64x128xi32>
    %reduce_sum3A_340 = arith.constant dense<0> : vector<1xi32>
    %reduce_sum3A_341 = vector.multi_reduction <add>, %reduce_sum3A_339, %reduce_sum3A_340 [1, 2] : vector<1x64x128xi32> to vector<1xi32>
    %reduce_sum3A_342 = vector.shape_cast %reduce_sum3A_341 : vector<1xi32> to vector<1x1x1xi32>
    %reduce_sum3A_343 = vector.extract %reduce_sum3A_342[0, 0, 0] : i32 from vector<1x1x1xi32>
    %ge3A_344 = arith.constant 5734 : i32
    %ge3A_345 = arith.cmpi sge, %reduce_sum3A_343, %ge3A_344 : i32
    %select_n3A_346 = arith.select %ge3A_345, %or3A_333, %select_n3A_331 : i32
    %or3A_347 = arith.constant 256 : i32
    %or3A_348 = arith.ori %select_n3A_346, %or3A_347 : i32
    %xor3A_349 = arith.constant -2147483648 : i32
    %xor3A_350 = arith.xori %or3A_348, %xor3A_349 : i32
    %ge3A_351 = vector.broadcast %xor3A_350 : i32 to vector<64x128xi32>
    %ge3A_352 = arith.cmpi sge, %slice3A, %ge3A_351 : vector<64x128xi32>
    %convert_element_type3A_353 = arith.extui %ge3A_352 : vector<64x128xi1> to vector<64x128xi32>
    %reduce_sum3A_354 = vector.shape_cast %convert_element_type3A_353 : vector<64x128xi32> to vector<1x64x128xi32>
    %reduce_sum3A_355 = arith.constant dense<0> : vector<1xi32>
    %reduce_sum3A_356 = vector.multi_reduction <add>, %reduce_sum3A_354, %reduce_sum3A_355 [1, 2] : vector<1x64x128xi32> to vector<1xi32>
    %reduce_sum3A_357 = vector.shape_cast %reduce_sum3A_356 : vector<1xi32> to vector<1x1x1xi32>
    %reduce_sum3A_358 = vector.extract %reduce_sum3A_357[0, 0, 0] : i32 from vector<1x1x1xi32>
    %ge3A_359 = arith.constant 5734 : i32
    %ge3A_360 = arith.cmpi sge, %reduce_sum3A_358, %ge3A_359 : i32
    %select_n3A_361 = arith.select %ge3A_360, %or3A_348, %select_n3A_346 : i32
    %or3A_362 = arith.constant 128 : i32
    %or3A_363 = arith.ori %select_n3A_361, %or3A_362 : i32
    %xor3A_364 = arith.constant -2147483648 : i32
    %xor3A_365 = arith.xori %or3A_363, %xor3A_364 : i32
    %ge3A_366 = vector.broadcast %xor3A_365 : i32 to vector<64x128xi32>
    %ge3A_367 = arith.cmpi sge, %slice3A, %ge3A_366 : vector<64x128xi32>
    %convert_element_type3A_368 = arith.extui %ge3A_367 : vector<64x128xi1> to vector<64x128xi32>
    %reduce_sum3A_369 = vector.shape_cast %convert_element_type3A_368 : vector<64x128xi32> to vector<1x64x128xi32>
    %reduce_sum3A_370 = arith.constant dense<0> : vector<1xi32>
    %reduce_sum3A_371 = vector.multi_reduction <add>, %reduce_sum3A_369, %reduce_sum3A_370 [1, 2] : vector<1x64x128xi32> to vector<1xi32>
    %reduce_sum3A_372 = vector.shape_cast %reduce_sum3A_371 : vector<1xi32> to vector<1x1x1xi32>
    %reduce_sum3A_373 = vector.extract %reduce_sum3A_372[0, 0, 0] : i32 from vector<1x1x1xi32>
    %ge3A_374 = arith.constant 5734 : i32
    %ge3A_375 = arith.cmpi sge, %reduce_sum3A_373, %ge3A_374 : i32
    %select_n3A_376 = arith.select %ge3A_375, %or3A_363, %select_n3A_361 : i32
    %or3A_377 = arith.constant 64 : i32
    %or3A_378 = arith.ori %select_n3A_376, %or3A_377 : i32
    %xor3A_379 = arith.constant -2147483648 : i32
    %xor3A_380 = arith.xori %or3A_378, %xor3A_379 : i32
    %ge3A_381 = vector.broadcast %xor3A_380 : i32 to vector<64x128xi32>
    %ge3A_382 = arith.cmpi sge, %slice3A, %ge3A_381 : vector<64x128xi32>
    %convert_element_type3A_383 = arith.extui %ge3A_382 : vector<64x128xi1> to vector<64x128xi32>
    %reduce_sum3A_384 = vector.shape_cast %convert_element_type3A_383 : vector<64x128xi32> to vector<1x64x128xi32>
    %reduce_sum3A_385 = arith.constant dense<0> : vector<1xi32>
    %reduce_sum3A_386 = vector.multi_reduction <add>, %reduce_sum3A_384, %reduce_sum3A_385 [1, 2] : vector<1x64x128xi32> to vector<1xi32>
    %reduce_sum3A_387 = vector.shape_cast %reduce_sum3A_386 : vector<1xi32> to vector<1x1x1xi32>
    %reduce_sum3A_388 = vector.extract %reduce_sum3A_387[0, 0, 0] : i32 from vector<1x1x1xi32>
    %ge3A_389 = arith.constant 5734 : i32
    %ge3A_390 = arith.cmpi sge, %reduce_sum3A_388, %ge3A_389 : i32
    %select_n3A_391 = arith.select %ge3A_390, %or3A_378, %select_n3A_376 : i32
    %or3A_392 = arith.constant 32 : i32
    %or3A_393 = arith.ori %select_n3A_391, %or3A_392 : i32
    %xor3A_394 = arith.constant -2147483648 : i32
    %xor3A_395 = arith.xori %or3A_393, %xor3A_394 : i32
    %ge3A_396 = vector.broadcast %xor3A_395 : i32 to vector<64x128xi32>
    %ge3A_397 = arith.cmpi sge, %slice3A, %ge3A_396 : vector<64x128xi32>
    %convert_element_type3A_398 = arith.extui %ge3A_397 : vector<64x128xi1> to vector<64x128xi32>
    %reduce_sum3A_399 = vector.shape_cast %convert_element_type3A_398 : vector<64x128xi32> to vector<1x64x128xi32>
    %reduce_sum3A_400 = arith.constant dense<0> : vector<1xi32>
    %reduce_sum3A_401 = vector.multi_reduction <add>, %reduce_sum3A_399, %reduce_sum3A_400 [1, 2] : vector<1x64x128xi32> to vector<1xi32>
    %reduce_sum3A_402 = vector.shape_cast %reduce_sum3A_401 : vector<1xi32> to vector<1x1x1xi32>
    %reduce_sum3A_403 = vector.extract %reduce_sum3A_402[0, 0, 0] : i32 from vector<1x1x1xi32>
    %ge3A_404 = arith.constant 5734 : i32
    %ge3A_405 = arith.cmpi sge, %reduce_sum3A_403, %ge3A_404 : i32
    %select_n3A_406 = arith.select %ge3A_405, %or3A_393, %select_n3A_391 : i32
    %or3A_407 = arith.constant 16 : i32
    %or3A_408 = arith.ori %select_n3A_406, %or3A_407 : i32
    %xor3A_409 = arith.constant -2147483648 : i32
    %xor3A_410 = arith.xori %or3A_408, %xor3A_409 : i32
    %ge3A_411 = vector.broadcast %xor3A_410 : i32 to vector<64x128xi32>
    %ge3A_412 = arith.cmpi sge, %slice3A, %ge3A_411 : vector<64x128xi32>
    %convert_element_type3A_413 = arith.extui %ge3A_412 : vector<64x128xi1> to vector<64x128xi32>
    %reduce_sum3A_414 = vector.shape_cast %convert_element_type3A_413 : vector<64x128xi32> to vector<1x64x128xi32>
    %reduce_sum3A_415 = arith.constant dense<0> : vector<1xi32>
    %reduce_sum3A_416 = vector.multi_reduction <add>, %reduce_sum3A_414, %reduce_sum3A_415 [1, 2] : vector<1x64x128xi32> to vector<1xi32>
    %reduce_sum3A_417 = vector.shape_cast %reduce_sum3A_416 : vector<1xi32> to vector<1x1x1xi32>
    %reduce_sum3A_418 = vector.extract %reduce_sum3A_417[0, 0, 0] : i32 from vector<1x1x1xi32>
    %ge3A_419 = arith.constant 5734 : i32
    %ge3A_420 = arith.cmpi sge, %reduce_sum3A_418, %ge3A_419 : i32
    %select_n3A_421 = arith.select %ge3A_420, %or3A_408, %select_n3A_406 : i32
    %or3A_422 = arith.constant 8 : i32
    %or3A_423 = arith.ori %select_n3A_421, %or3A_422 : i32
    %xor3A_424 = arith.constant -2147483648 : i32
    %xor3A_425 = arith.xori %or3A_423, %xor3A_424 : i32
    %ge3A_426 = vector.broadcast %xor3A_425 : i32 to vector<64x128xi32>
    %ge3A_427 = arith.cmpi sge, %slice3A, %ge3A_426 : vector<64x128xi32>
    %convert_element_type3A_428 = arith.extui %ge3A_427 : vector<64x128xi1> to vector<64x128xi32>
    %reduce_sum3A_429 = vector.shape_cast %convert_element_type3A_428 : vector<64x128xi32> to vector<1x64x128xi32>
    %reduce_sum3A_430 = arith.constant dense<0> : vector<1xi32>
    %reduce_sum3A_431 = vector.multi_reduction <add>, %reduce_sum3A_429, %reduce_sum3A_430 [1, 2] : vector<1x64x128xi32> to vector<1xi32>
    %reduce_sum3A_432 = vector.shape_cast %reduce_sum3A_431 : vector<1xi32> to vector<1x1x1xi32>
    %reduce_sum3A_433 = vector.extract %reduce_sum3A_432[0, 0, 0] : i32 from vector<1x1x1xi32>
    %ge3A_434 = arith.constant 5734 : i32
    %ge3A_435 = arith.cmpi sge, %reduce_sum3A_433, %ge3A_434 : i32
    %select_n3A_436 = arith.select %ge3A_435, %or3A_423, %select_n3A_421 : i32
    %or3A_437 = arith.constant 4 : i32
    %or3A_438 = arith.ori %select_n3A_436, %or3A_437 : i32
    %xor3A_439 = arith.constant -2147483648 : i32
    %xor3A_440 = arith.xori %or3A_438, %xor3A_439 : i32
    %ge3A_441 = vector.broadcast %xor3A_440 : i32 to vector<64x128xi32>
    %ge3A_442 = arith.cmpi sge, %slice3A, %ge3A_441 : vector<64x128xi32>
    %convert_element_type3A_443 = arith.extui %ge3A_442 : vector<64x128xi1> to vector<64x128xi32>
    %reduce_sum3A_444 = vector.shape_cast %convert_element_type3A_443 : vector<64x128xi32> to vector<1x64x128xi32>
    %reduce_sum3A_445 = arith.constant dense<0> : vector<1xi32>
    %reduce_sum3A_446 = vector.multi_reduction <add>, %reduce_sum3A_444, %reduce_sum3A_445 [1, 2] : vector<1x64x128xi32> to vector<1xi32>
    %reduce_sum3A_447 = vector.shape_cast %reduce_sum3A_446 : vector<1xi32> to vector<1x1x1xi32>
    %reduce_sum3A_448 = vector.extract %reduce_sum3A_447[0, 0, 0] : i32 from vector<1x1x1xi32>
    %ge3A_449 = arith.constant 5734 : i32
    %ge3A_450 = arith.cmpi sge, %reduce_sum3A_448, %ge3A_449 : i32
    %select_n3A_451 = arith.select %ge3A_450, %or3A_438, %select_n3A_436 : i32
    %or3A_452 = arith.constant 2 : i32
    %or3A_453 = arith.ori %select_n3A_451, %or3A_452 : i32
    %xor3A_454 = arith.constant -2147483648 : i32
    %xor3A_455 = arith.xori %or3A_453, %xor3A_454 : i32
    %ge3A_456 = vector.broadcast %xor3A_455 : i32 to vector<64x128xi32>
    %ge3A_457 = arith.cmpi sge, %slice3A, %ge3A_456 : vector<64x128xi32>
    %convert_element_type3A_458 = arith.extui %ge3A_457 : vector<64x128xi1> to vector<64x128xi32>
    %reduce_sum3A_459 = vector.shape_cast %convert_element_type3A_458 : vector<64x128xi32> to vector<1x64x128xi32>
    %reduce_sum3A_460 = arith.constant dense<0> : vector<1xi32>
    %reduce_sum3A_461 = vector.multi_reduction <add>, %reduce_sum3A_459, %reduce_sum3A_460 [1, 2] : vector<1x64x128xi32> to vector<1xi32>
    %reduce_sum3A_462 = vector.shape_cast %reduce_sum3A_461 : vector<1xi32> to vector<1x1x1xi32>
    %reduce_sum3A_463 = vector.extract %reduce_sum3A_462[0, 0, 0] : i32 from vector<1x1x1xi32>
    %ge3A_464 = arith.constant 5734 : i32
    %ge3A_465 = arith.cmpi sge, %reduce_sum3A_463, %ge3A_464 : i32
    %select_n3A_466 = arith.select %ge3A_465, %or3A_453, %select_n3A_451 : i32
    %or3A_467 = arith.constant 1 : i32
    %or3A_468 = arith.ori %select_n3A_466, %or3A_467 : i32
    %xor3A_469 = arith.constant -2147483648 : i32
    %xor3A_470 = arith.xori %or3A_468, %xor3A_469 : i32
    %ge3A_471 = vector.broadcast %xor3A_470 : i32 to vector<64x128xi32>
    %ge3A_472 = arith.cmpi sge, %slice3A, %ge3A_471 : vector<64x128xi32>
    %convert_element_type3A_473 = arith.extui %ge3A_472 : vector<64x128xi1> to vector<64x128xi32>
    %reduce_sum3A_474 = vector.shape_cast %convert_element_type3A_473 : vector<64x128xi32> to vector<1x64x128xi32>
    %reduce_sum3A_475 = arith.constant dense<0> : vector<1xi32>
    %reduce_sum3A_476 = vector.multi_reduction <add>, %reduce_sum3A_474, %reduce_sum3A_475 [1, 2] : vector<1x64x128xi32> to vector<1xi32>
    %reduce_sum3A_477 = vector.shape_cast %reduce_sum3A_476 : vector<1xi32> to vector<1x1x1xi32>
    %reduce_sum3A_478 = vector.extract %reduce_sum3A_477[0, 0, 0] : i32 from vector<1x1x1xi32>
    %ge3A_479 = arith.constant 5734 : i32
    %ge3A_480 = arith.cmpi sge, %reduce_sum3A_478, %ge3A_479 : i32
    %select_n3A_481 = arith.select %ge3A_480, %or3A_468, %select_n3A_466 : i32
    %xor3A_482 = arith.constant -2147483648 : i32
    %xor3A_483 = arith.xori %select_n3A_481, %xor3A_482 : i32
    %gt3A = vector.broadcast %xor3A_483 : i32 to vector<64x128xi32>
    %gt3A_484 = arith.cmpi sgt, %slice3A, %gt3A : vector<64x128xi32>
    %eq3A = vector.broadcast %xor3A_483 : i32 to vector<64x128xi32>
    %eq3A_485 = arith.cmpi eq, %slice3A, %eq3A : vector<64x128xi32>
    %convert_element_type3A_486 = arith.extui %gt3A_484 : vector<64x128xi1> to vector<64x128xi32>
    %reduce_sum3A_487 = vector.shape_cast %convert_element_type3A_486 : vector<64x128xi32> to vector<1x64x128xi32>
    %reduce_sum3A_488 = arith.constant dense<0> : vector<1xi32>
    %reduce_sum3A_489 = vector.multi_reduction <add>, %reduce_sum3A_487, %reduce_sum3A_488 [1, 2] : vector<1x64x128xi32> to vector<1xi32>
    %reduce_sum3A_490 = vector.shape_cast %reduce_sum3A_489 : vector<1xi32> to vector<1x1x1xi32>
    %reduce_sum3A_491 = vector.extract %reduce_sum3A_490[0, 0, 0] : i32 from vector<1x1x1xi32>
    %sub3A = arith.constant 5734 : i32
    %sub3A_492 = arith.subi %sub3A, %reduce_sum3A_491 : i32
    %convert_element_type3A_493 = arith.sitofp %sub3A_492 : i32 to f32
    %convert_element_type3A_494 = arith.extui %eq3A_485 : vector<64x128xi1> to vector<64x128xi32>
    %convert_element_type3A_495 = arith.sitofp %convert_element_type3A_494 : vector<64x128xi32> to vector<64x128xf32>
    %iota3A = tpu.iota {dimensions = array<i32: 0>} : vector<128x128xi32>
    %iota3A_496 = tpu.iota {dimensions = array<i32: 1>} : vector<128x128xi32>
    %le3A = arith.cmpi sle, %iota3A, %iota3A_496 : vector<128x128xi32>
    %convert_element_type3A_497 = arith.extui %le3A : vector<128x128xi1> to vector<128x128xi32>
    %convert_element_type3A_498 = arith.sitofp %convert_element_type3A_497 : vector<128x128xi32> to vector<128x128xf32>
    %dot_general3A = arith.constant dense<0.000000e+00> : vector<64x128xf32>
    %dot_general3A_499 = tpu.matmul %convert_element_type3A_495, %convert_element_type3A_498, %dot_general3A {dimension_numbers = #tpu.dot_dimension_numbers<[1], [0], [0], [1], [0, 0, 1, 1], [], []>, precision = #tpu.contract_precision<fp32>, transpose_lhs_hint = false} : vector<64x128xf32>, vector<128x128xf32>, vector<64x128xf32> -> vector<64x128xf32>
    %slice3A_500 = vector.extract_strided_slice %dot_general3A_499 {offsets = [0, 127], sizes = [64, 1], strides = [1, 1]} : vector<64x128xf32> to vector<64x1xf32>
    %broadcast_in_dim3A = vector.shape_cast %slice3A_500 : vector<64x1xf32> to vector<64x1xf32>
    %broadcast_in_dim3A_501 = vector.broadcast %broadcast_in_dim3A : vector<64x1xf32> to vector<64x128xf32>
    %iota3A_502 = tpu.iota {dimensions = array<i32: 0>} : vector<64x64xi32>
    %iota3A_503 = tpu.iota {dimensions = array<i32: 1>} : vector<64x64xi32>
    %lt3A = arith.cmpi slt, %iota3A_503, %iota3A_502 : vector<64x64xi32>
    %convert_element_type3A_504 = arith.extui %lt3A : vector<64x64xi1> to vector<64x64xi32>
    %convert_element_type3A_505 = arith.sitofp %convert_element_type3A_504 : vector<64x64xi32> to vector<64x64xf32>
    %dot_general3A_506 = arith.constant dense<0.000000e+00> : vector<64x128xf32>
    %dot_general3A_507 = tpu.matmul %convert_element_type3A_505, %broadcast_in_dim3A_501, %dot_general3A_506 {dimension_numbers = #tpu.dot_dimension_numbers<[1], [0], [0], [1], [0, 0, 1, 1], [], []>, precision = #tpu.contract_precision<fp32>, transpose_lhs_hint = false} : vector<64x64xf32>, vector<64x128xf32>, vector<64x128xf32> -> vector<64x128xf32>
    %add3A = arith.addf %dot_general3A_499, %dot_general3A_507 : vector<64x128xf32>
    %sub3A_508 = arith.subf %add3A, %convert_element_type3A_495 : vector<64x128xf32>
    %lt3A_509 = vector.broadcast %convert_element_type3A_493 : f32 to vector<64x128xf32>
    %lt3A_510 = arith.cmpf olt, %sub3A_508, %lt3A_509 : vector<64x128xf32>
    %and3A_511 = arith.andi %eq3A_485, %lt3A_510 : vector<64x128xi1>
    %or3A_512 = arith.ori %gt3A_484, %and3A_511 : vector<64x128xi1>
    %convert_element_type3A_513 = arith.extui %or3A_512 : vector<64x128xi1> to vector<64x128xi32>
    %convert_element_type3A_514 = arith.sitofp %convert_element_type3A_513 : vector<64x128xi32> to vector<64x128xf32>
    %iota3A_515 = tpu.iota {dimensions = array<i32: 0>} : vector<128x128xi32>
    %iota3A_516 = tpu.iota {dimensions = array<i32: 1>} : vector<128x128xi32>
    %le3A_517 = arith.cmpi sle, %iota3A_515, %iota3A_516 : vector<128x128xi32>
    %convert_element_type3A_518 = arith.extui %le3A_517 : vector<128x128xi1> to vector<128x128xi32>
    %convert_element_type3A_519 = arith.sitofp %convert_element_type3A_518 : vector<128x128xi32> to vector<128x128xf32>
    %dot_general3A_520 = arith.constant dense<0.000000e+00> : vector<64x128xf32>
    %dot_general3A_521 = tpu.matmul %convert_element_type3A_514, %convert_element_type3A_519, %dot_general3A_520 {dimension_numbers = #tpu.dot_dimension_numbers<[1], [0], [0], [1], [0, 0, 1, 1], [], []>, precision = #tpu.contract_precision<fp32>, transpose_lhs_hint = false} : vector<64x128xf32>, vector<128x128xf32>, vector<64x128xf32> -> vector<64x128xf32>
    %slice3A_522 = vector.extract_strided_slice %dot_general3A_521 {offsets = [0, 127], sizes = [64, 1], strides = [1, 1]} : vector<64x128xf32> to vector<64x1xf32>
    %broadcast_in_dim3A_523 = vector.shape_cast %slice3A_522 : vector<64x1xf32> to vector<64x1xf32>
    %broadcast_in_dim3A_524 = vector.broadcast %broadcast_in_dim3A_523 : vector<64x1xf32> to vector<64x128xf32>
    %iota3A_525 = tpu.iota {dimensions = array<i32: 0>} : vector<64x64xi32>
    %iota3A_526 = tpu.iota {dimensions = array<i32: 1>} : vector<64x64xi32>
    %lt3A_527 = arith.cmpi slt, %iota3A_526, %iota3A_525 : vector<64x64xi32>
    %convert_element_type3A_528 = arith.extui %lt3A_527 : vector<64x64xi1> to vector<64x64xi32>
    %convert_element_type3A_529 = arith.sitofp %convert_element_type3A_528 : vector<64x64xi32> to vector<64x64xf32>
    %dot_general3A_530 = arith.constant dense<0.000000e+00> : vector<64x128xf32>
    %dot_general3A_531 = tpu.matmul %convert_element_type3A_529, %broadcast_in_dim3A_524, %dot_general3A_530 {dimension_numbers = #tpu.dot_dimension_numbers<[1], [0], [0], [1], [0, 0, 1, 1], [], []>, precision = #tpu.contract_precision<fp32>, transpose_lhs_hint = false} : vector<64x64xf32>, vector<64x128xf32>, vector<64x128xf32> -> vector<64x128xf32>
    %add3A_532 = arith.addf %dot_general3A_521, %dot_general3A_531 : vector<64x128xf32>
    %convert_element_type3A_533 = arith.fptosi %add3A_532 : vector<64x128xf32> to vector<64x128xi32>
    %swap3A = arith.constant 0 : index
    %swap3A_534 = arith.constant 0 : index
    %swap3A_535 = vector.load %arg1[%swap3A, %swap3A_534] : memref<256x128xi32, #tpu.memory_space<vmem>>, vector<64x128xi32>
    tpu.vector_store %arg1[%swap3A, %swap3A_534], %convert_element_type3A_533 {strides = array<i32>} : memref<256x128xi32, #tpu.memory_space<vmem>>, vector<64x128xi32>,
    %slice3A_536 = vector.extract_strided_slice %xor3A {offsets = [64, 0], sizes = [64, 128], strides = [1, 1]} : vector<256x128xi32> to vector<64x128xi32>
    %or3A_537 = arith.constant 0 : i32
    %or3A_538 = arith.constant -2147483648 : i32
    %or3A_539 = arith.ori %or3A_537, %or3A_538 : i32
    %xor3A_540 = arith.constant -2147483648 : i32
    %xor3A_541 = arith.xori %or3A_539, %xor3A_540 : i32
    %ge3A_542 = vector.broadcast %xor3A_541 : i32 to vector<64x128xi32>
    %ge3A_543 = arith.cmpi sge, %slice3A_536, %ge3A_542 : vector<64x128xi32>
    %convert_element_type3A_544 = arith.extui %ge3A_543 : vector<64x128xi1> to vector<64x128xi32>
    %reduce_sum3A_545 = vector.shape_cast %convert_element_type3A_544 : vector<64x128xi32> to vector<1x64x128xi32>
    %reduce_sum3A_546 = arith.constant dense<0> : vector<1xi32>
    %reduce_sum3A_547 = vector.multi_reduction <add>, %reduce_sum3A_545, %reduce_sum3A_546 [1, 2] : vector<1x64x128xi32> to vector<1xi32>
    %reduce_sum3A_548 = vector.shape_cast %reduce_sum3A_547 : vector<1xi32> to vector<1x1x1xi32>
    %reduce_sum3A_549 = vector.extract %reduce_sum3A_548[0, 0, 0] : i32 from vector<1x1x1xi32>
    %ge3A_550 = arith.constant 5734 : i32
    %ge3A_551 = arith.cmpi sge, %reduce_sum3A_549, %ge3A_550 : i32
    %jit3A_552 = arith.constant 0 : i32
    %select_n3A_553 = arith.select %ge3A_551, %or3A_539, %jit3A_552 : i32
    %or3A_554 = arith.constant 1073741824 : i32
    %or3A_555 = arith.ori %select_n3A_553, %or3A_554 : i32
    %xor3A_556 = arith.constant -2147483648 : i32
    %xor3A_557 = arith.xori %or3A_555, %xor3A_556 : i32
    %ge3A_558 = vector.broadcast %xor3A_557 : i32 to vector<64x128xi32>
    %ge3A_559 = arith.cmpi sge, %slice3A_536, %ge3A_558 : vector<64x128xi32>
    %convert_element_type3A_560 = arith.extui %ge3A_559 : vector<64x128xi1> to vector<64x128xi32>
    %reduce_sum3A_561 = vector.shape_cast %convert_element_type3A_560 : vector<64x128xi32> to vector<1x64x128xi32>
    %reduce_sum3A_562 = arith.constant dense<0> : vector<1xi32>
    %reduce_sum3A_563 = vector.multi_reduction <add>, %reduce_sum3A_561, %reduce_sum3A_562 [1, 2] : vector<1x64x128xi32> to vector<1xi32>
    %reduce_sum3A_564 = vector.shape_cast %reduce_sum3A_563 : vector<1xi32> to vector<1x1x1xi32>
    %reduce_sum3A_565 = vector.extract %reduce_sum3A_564[0, 0, 0] : i32 from vector<1x1x1xi32>
    %ge3A_566 = arith.constant 5734 : i32
    %ge3A_567 = arith.cmpi sge, %reduce_sum3A_565, %ge3A_566 : i32
    %select_n3A_568 = arith.select %ge3A_567, %or3A_555, %select_n3A_553 : i32
    %or3A_569 = arith.constant 536870912 : i32
    %or3A_570 = arith.ori %select_n3A_568, %or3A_569 : i32
    %xor3A_571 = arith.constant -2147483648 : i32
    %xor3A_572 = arith.xori %or3A_570, %xor3A_571 : i32
    %ge3A_573 = vector.broadcast %xor3A_572 : i32 to vector<64x128xi32>
    %ge3A_574 = arith.cmpi sge, %slice3A_536, %ge3A_573 : vector<64x128xi32>
    %convert_element_type3A_575 = arith.extui %ge3A_574 : vector<64x128xi1> to vector<64x128xi32>
    %reduce_sum3A_576 = vector.shape_cast %convert_element_type3A_575 : vector<64x128xi32> to vector<1x64x128xi32>
    %reduce_sum3A_577 = arith.constant dense<0> : vector<1xi32>
    %reduce_sum3A_578 = vector.multi_reduction <add>, %reduce_sum3A_576, %reduce_sum3A_577 [1, 2] : vector<1x64x128xi32> to vector<1xi32>
    %reduce_sum3A_579 = vector.shape_cast %reduce_sum3A_578 : vector<1xi32> to vector<1x1x1xi32>
    %reduce_sum3A_580 = vector.extract %reduce_sum3A_579[0, 0, 0] : i32 from vector<1x1x1xi32>
    %ge3A_581 = arith.constant 5734 : i32
    %ge3A_582 = arith.cmpi sge, %reduce_sum3A_580, %ge3A_581 : i32
    %select_n3A_583 = arith.select %ge3A_582, %or3A_570, %select_n3A_568 : i32
    %or3A_584 = arith.constant 268435456 : i32
    %or3A_585 = arith.ori %select_n3A_583, %or3A_584 : i32
    %xor3A_586 = arith.constant -2147483648 : i32
    %xor3A_587 = arith.xori %or3A_585, %xor3A_586 : i32
    %ge3A_588 = vector.broadcast %xor3A_587 : i32 to vector<64x128xi32>
    %ge3A_589 = arith.cmpi sge, %slice3A_536, %ge3A_588 : vector<64x128xi32>
    %convert_element_type3A_590 = arith.extui %ge3A_589 : vector<64x128xi1> to vector<64x128xi32>
    %reduce_sum3A_591 = vector.shape_cast %convert_element_type3A_590 : vector<64x128xi32> to vector<1x64x128xi32>
    %reduce_sum3A_592 = arith.constant dense<0> : vector<1xi32>
    %reduce_sum3A_593 = vector.multi_reduction <add>, %reduce_sum3A_591, %reduce_sum3A_592 [1, 2] : vector<1x64x128xi32> to vector<1xi32>
    %reduce_sum3A_594 = vector.shape_cast %reduce_sum3A_593 : vector<1xi32> to vector<1x1x1xi32>
    %reduce_sum3A_595 = vector.extract %reduce_sum3A_594[0, 0, 0] : i32 from vector<1x1x1xi32>
    %ge3A_596 = arith.constant 5734 : i32
    %ge3A_597 = arith.cmpi sge, %reduce_sum3A_595, %ge3A_596 : i32
    %select_n3A_598 = arith.select %ge3A_597, %or3A_585, %select_n3A_583 : i32
    %or3A_599 = arith.constant 134217728 : i32
    %or3A_600 = arith.ori %select_n3A_598, %or3A_599 : i32
    %xor3A_601 = arith.constant -2147483648 : i32
    %xor3A_602 = arith.xori %or3A_600, %xor3A_601 : i32
    %ge3A_603 = vector.broadcast %xor3A_602 : i32 to vector<64x128xi32>
    %ge3A_604 = arith.cmpi sge, %slice3A_536, %ge3A_603 : vector<64x128xi32>
    %convert_element_type3A_605 = arith.extui %ge3A_604 : vector<64x128xi1> to vector<64x128xi32>
    %reduce_sum3A_606 = vector.shape_cast %convert_element_type3A_605 : vector<64x128xi32> to vector<1x64x128xi32>
    %reduce_sum3A_607 = arith.constant dense<0> : vector<1xi32>
    %reduce_sum3A_608 = vector.multi_reduction <add>, %reduce_sum3A_606, %reduce_sum3A_607 [1, 2] : vector<1x64x128xi32> to vector<1xi32>
    %reduce_sum3A_609 = vector.shape_cast %reduce_sum3A_608 : vector<1xi32> to vector<1x1x1xi32>
    %reduce_sum3A_610 = vector.extract %reduce_sum3A_609[0, 0, 0] : i32 from vector<1x1x1xi32>
    %ge3A_611 = arith.constant 5734 : i32
    %ge3A_612 = arith.cmpi sge, %reduce_sum3A_610, %ge3A_611 : i32
    %select_n3A_613 = arith.select %ge3A_612, %or3A_600, %select_n3A_598 : i32
    %or3A_614 = arith.constant 67108864 : i32
    %or3A_615 = arith.ori %select_n3A_613, %or3A_614 : i32
    %xor3A_616 = arith.constant -2147483648 : i32
    %xor3A_617 = arith.xori %or3A_615, %xor3A_616 : i32
    %ge3A_618 = vector.broadcast %xor3A_617 : i32 to vector<64x128xi32>
    %ge3A_619 = arith.cmpi sge, %slice3A_536, %ge3A_618 : vector<64x128xi32>
    %convert_element_type3A_620 = arith.extui %ge3A_619 : vector<64x128xi1> to vector<64x128xi32>
    %reduce_sum3A_621 = vector.shape_cast %convert_element_type3A_620 : vector<64x128xi32> to vector<1x64x128xi32>
    %reduce_sum3A_622 = arith.constant dense<0> : vector<1xi32>
    %reduce_sum3A_623 = vector.multi_reduction <add>, %reduce_sum3A_621, %reduce_sum3A_622 [1, 2] : vector<1x64x128xi32> to vector<1xi32>
    %reduce_sum3A_624 = vector.shape_cast %reduce_sum3A_623 : vector<1xi32> to vector<1x1x1xi32>
    %reduce_sum3A_625 = vector.extract %reduce_sum3A_624[0, 0, 0] : i32 from vector<1x1x1xi32>
    %ge3A_626 = arith.constant 5734 : i32
    %ge3A_627 = arith.cmpi sge, %reduce_sum3A_625, %ge3A_626 : i32
    %select_n3A_628 = arith.select %ge3A_627, %or3A_615, %select_n3A_613 : i32
    %or3A_629 = arith.constant 33554432 : i32
    %or3A_630 = arith.ori %select_n3A_628, %or3A_629 : i32
    %xor3A_631 = arith.constant -2147483648 : i32
    %xor3A_632 = arith.xori %or3A_630, %xor3A_631 : i32
    %ge3A_633 = vector.broadcast %xor3A_632 : i32 to vector<64x128xi32>
    %ge3A_634 = arith.cmpi sge, %slice3A_536, %ge3A_633 : vector<64x128xi32>
    %convert_element_type3A_635 = arith.extui %ge3A_634 : vector<64x128xi1> to vector<64x128xi32>
    %reduce_sum3A_636 = vector.shape_cast %convert_element_type3A_635 : vector<64x128xi32> to vector<1x64x128xi32>
    %reduce_sum3A_637 = arith.constant dense<0> : vector<1xi32>
    %reduce_sum3A_638 = vector.multi_reduction <add>, %reduce_sum3A_636, %reduce_sum3A_637 [1, 2] : vector<1x64x128xi32> to vector<1xi32>
    %reduce_sum3A_639 = vector.shape_cast %reduce_sum3A_638 : vector<1xi32> to vector<1x1x1xi32>
    %reduce_sum3A_640 = vector.extract %reduce_sum3A_639[0, 0, 0] : i32 from vector<1x1x1xi32>
    %ge3A_641 = arith.constant 5734 : i32
    %ge3A_642 = arith.cmpi sge, %reduce_sum3A_640, %ge3A_641 : i32
    %select_n3A_643 = arith.select %ge3A_642, %or3A_630, %select_n3A_628 : i32
    %or3A_644 = arith.constant 16777216 : i32
    %or3A_645 = arith.ori %select_n3A_643, %or3A_644 : i32
    %xor3A_646 = arith.constant -2147483648 : i32
    %xor3A_647 = arith.xori %or3A_645, %xor3A_646 : i32
    %ge3A_648 = vector.broadcast %xor3A_647 : i32 to vector<64x128xi32>
    %ge3A_649 = arith.cmpi sge, %slice3A_536, %ge3A_648 : vector<64x128xi32>
    %convert_element_type3A_650 = arith.extui %ge3A_649 : vector<64x128xi1> to vector<64x128xi32>
    %reduce_sum3A_651 = vector.shape_cast %convert_element_type3A_650 : vector<64x128xi32> to vector<1x64x128xi32>
    %reduce_sum3A_652 = arith.constant dense<0> : vector<1xi32>
    %reduce_sum3A_653 = vector.multi_reduction <add>, %reduce_sum3A_651, %reduce_sum3A_652 [1, 2] : vector<1x64x128xi32> to vector<1xi32>
    %reduce_sum3A_654 = vector.shape_cast %reduce_sum3A_653 : vector<1xi32> to vector<1x1x1xi32>
    %reduce_sum3A_655 = vector.extract %reduce_sum3A_654[0, 0, 0] : i32 from vector<1x1x1xi32>
    %ge3A_656 = arith.constant 5734 : i32
    %ge3A_657 = arith.cmpi sge, %reduce_sum3A_655, %ge3A_656 : i32
    %select_n3A_658 = arith.select %ge3A_657, %or3A_645, %select_n3A_643 : i32
    %or3A_659 = arith.constant 8388608 : i32
    %or3A_660 = arith.ori %select_n3A_658, %or3A_659 : i32
    %xor3A_661 = arith.constant -2147483648 : i32
    %xor3A_662 = arith.xori %or3A_660, %xor3A_661 : i32
    %ge3A_663 = vector.broadcast %xor3A_662 : i32 to vector<64x128xi32>
    %ge3A_664 = arith.cmpi sge, %slice3A_536, %ge3A_663 : vector<64x128xi32>
    %convert_element_type3A_665 = arith.extui %ge3A_664 : vector<64x128xi1> to vector<64x128xi32>
    %reduce_sum3A_666 = vector.shape_cast %convert_element_type3A_665 : vector<64x128xi32> to vector<1x64x128xi32>
    %reduce_sum3A_667 = arith.constant dense<0> : vector<1xi32>
    %reduce_sum3A_668 = vector.multi_reduction <add>, %reduce_sum3A_666, %reduce_sum3A_667 [1, 2] : vector<1x64x128xi32> to vector<1xi32>
    %reduce_sum3A_669 = vector.shape_cast %reduce_sum3A_668 : vector<1xi32> to vector<1x1x1xi32>
    %reduce_sum3A_670 = vector.extract %reduce_sum3A_669[0, 0, 0] : i32 from vector<1x1x1xi32>
    %ge3A_671 = arith.constant 5734 : i32
    %ge3A_672 = arith.cmpi sge, %reduce_sum3A_670, %ge3A_671 : i32
    %select_n3A_673 = arith.select %ge3A_672, %or3A_660, %select_n3A_658 : i32
    %or3A_674 = arith.constant 4194304 : i32
    %or3A_675 = arith.ori %select_n3A_673, %or3A_674 : i32
    %xor3A_676 = arith.constant -2147483648 : i32
    %xor3A_677 = arith.xori %or3A_675, %xor3A_676 : i32
    %ge3A_678 = vector.broadcast %xor3A_677 : i32 to vector<64x128xi32>
    %ge3A_679 = arith.cmpi sge, %slice3A_536, %ge3A_678 : vector<64x128xi32>
    %convert_element_type3A_680 = arith.extui %ge3A_679 : vector<64x128xi1> to vector<64x128xi32>
    %reduce_sum3A_681 = vector.shape_cast %convert_element_type3A_680 : vector<64x128xi32> to vector<1x64x128xi32>
    %reduce_sum3A_682 = arith.constant dense<0> : vector<1xi32>
    %reduce_sum3A_683 = vector.multi_reduction <add>, %reduce_sum3A_681, %reduce_sum3A_682 [1, 2] : vector<1x64x128xi32> to vector<1xi32>
    %reduce_sum3A_684 = vector.shape_cast %reduce_sum3A_683 : vector<1xi32> to vector<1x1x1xi32>
    %reduce_sum3A_685 = vector.extract %reduce_sum3A_684[0, 0, 0] : i32 from vector<1x1x1xi32>
    %ge3A_686 = arith.constant 5734 : i32
    %ge3A_687 = arith.cmpi sge, %reduce_sum3A_685, %ge3A_686 : i32
    %select_n3A_688 = arith.select %ge3A_687, %or3A_675, %select_n3A_673 : i32
    %or3A_689 = arith.constant 2097152 : i32
    %or3A_690 = arith.ori %select_n3A_688, %or3A_689 : i32
    %xor3A_691 = arith.constant -2147483648 : i32
    %xor3A_692 = arith.xori %or3A_690, %xor3A_691 : i32
    %ge3A_693 = vector.broadcast %xor3A_692 : i32 to vector<64x128xi32>
    %ge3A_694 = arith.cmpi sge, %slice3A_536, %ge3A_693 : vector<64x128xi32>
    %convert_element_type3A_695 = arith.extui %ge3A_694 : vector<64x128xi1> to vector<64x128xi32>
    %reduce_sum3A_696 = vector.shape_cast %convert_element_type3A_695 : vector<64x128xi32> to vector<1x64x128xi32>
    %reduce_sum3A_697 = arith.constant dense<0> : vector<1xi32>
    %reduce_sum3A_698 = vector.multi_reduction <add>, %reduce_sum3A_696, %reduce_sum3A_697 [1, 2] : vector<1x64x128xi32> to vector<1xi32>
    %reduce_sum3A_699 = vector.shape_cast %reduce_sum3A_698 : vector<1xi32> to vector<1x1x1xi32>
    %reduce_sum3A_700 = vector.extract %reduce_sum3A_699[0, 0, 0] : i32 from vector<1x1x1xi32>
    %ge3A_701 = arith.constant 5734 : i32
    %ge3A_702 = arith.cmpi sge, %reduce_sum3A_700, %ge3A_701 : i32
    %select_n3A_703 = arith.select %ge3A_702, %or3A_690, %select_n3A_688 : i32
    %or3A_704 = arith.constant 1048576 : i32
    %or3A_705 = arith.ori %select_n3A_703, %or3A_704 : i32
    %xor3A_706 = arith.constant -2147483648 : i32
    %xor3A_707 = arith.xori %or3A_705, %xor3A_706 : i32
    %ge3A_708 = vector.broadcast %xor3A_707 : i32 to vector<64x128xi32>
    %ge3A_709 = arith.cmpi sge, %slice3A_536, %ge3A_708 : vector<64x128xi32>
    %convert_element_type3A_710 = arith.extui %ge3A_709 : vector<64x128xi1> to vector<64x128xi32>
    %reduce_sum3A_711 = vector.shape_cast %convert_element_type3A_710 : vector<64x128xi32> to vector<1x64x128xi32>
    %reduce_sum3A_712 = arith.constant dense<0> : vector<1xi32>
    %reduce_sum3A_713 = vector.multi_reduction <add>, %reduce_sum3A_711, %reduce_sum3A_712 [1, 2] : vector<1x64x128xi32> to vector<1xi32>
    %reduce_sum3A_714 = vector.shape_cast %reduce_sum3A_713 : vector<1xi32> to vector<1x1x1xi32>
    %reduce_sum3A_715 = vector.extract %reduce_sum3A_714[0, 0, 0] : i32 from vector<1x1x1xi32>
    %ge3A_716 = arith.constant 5734 : i32
    %ge3A_717 = arith.cmpi sge, %reduce_sum3A_715, %ge3A_716 : i32
    %select_n3A_718 = arith.select %ge3A_717, %or3A_705, %select_n3A_703 : i32
    %or3A_719 = arith.constant 524288 : i32
    %or3A_720 = arith.ori %select_n3A_718, %or3A_719 : i32
    %xor3A_721 = arith.constant -2147483648 : i32
    %xor3A_722 = arith.xori %or3A_720, %xor3A_721 : i32
    %ge3A_723 = vector.broadcast %xor3A_722 : i32 to vector<64x128xi32>
    %ge3A_724 = arith.cmpi sge, %slice3A_536, %ge3A_723 : vector<64x128xi32>
    %convert_element_type3A_725 = arith.extui %ge3A_724 : vector<64x128xi1> to vector<64x128xi32>
    %reduce_sum3A_726 = vector.shape_cast %convert_element_type3A_725 : vector<64x128xi32> to vector<1x64x128xi32>
    %reduce_sum3A_727 = arith.constant dense<0> : vector<1xi32>
    %reduce_sum3A_728 = vector.multi_reduction <add>, %reduce_sum3A_726, %reduce_sum3A_727 [1, 2] : vector<1x64x128xi32> to vector<1xi32>
    %reduce_sum3A_729 = vector.shape_cast %reduce_sum3A_728 : vector<1xi32> to vector<1x1x1xi32>
    %reduce_sum3A_730 = vector.extract %reduce_sum3A_729[0, 0, 0] : i32 from vector<1x1x1xi32>
    %ge3A_731 = arith.constant 5734 : i32
    %ge3A_732 = arith.cmpi sge, %reduce_sum3A_730, %ge3A_731 : i32
    %select_n3A_733 = arith.select %ge3A_732, %or3A_720, %select_n3A_718 : i32
    %or3A_734 = arith.constant 262144 : i32
    %or3A_735 = arith.ori %select_n3A_733, %or3A_734 : i32
    %xor3A_736 = arith.constant -2147483648 : i32
    %xor3A_737 = arith.xori %or3A_735, %xor3A_736 : i32
    %ge3A_738 = vector.broadcast %xor3A_737 : i32 to vector<64x128xi32>
    %ge3A_739 = arith.cmpi sge, %slice3A_536, %ge3A_738 : vector<64x128xi32>
    %convert_element_type3A_740 = arith.extui %ge3A_739 : vector<64x128xi1> to vector<64x128xi32>
    %reduce_sum3A_741 = vector.shape_cast %convert_element_type3A_740 : vector<64x128xi32> to vector<1x64x128xi32>
    %reduce_sum3A_742 = arith.constant dense<0> : vector<1xi32>
    %reduce_sum3A_743 = vector.multi_reduction <add>, %reduce_sum3A_741, %reduce_sum3A_742 [1, 2] : vector<1x64x128xi32> to vector<1xi32>
    %reduce_sum3A_744 = vector.shape_cast %reduce_sum3A_743 : vector<1xi32> to vector<1x1x1xi32>
    %reduce_sum3A_745 = vector.extract %reduce_sum3A_744[0, 0, 0] : i32 from vector<1x1x1xi32>
    %ge3A_746 = arith.constant 5734 : i32
    %ge3A_747 = arith.cmpi sge, %reduce_sum3A_745, %ge3A_746 : i32
    %select_n3A_748 = arith.select %ge3A_747, %or3A_735, %select_n3A_733 : i32
    %or3A_749 = arith.constant 131072 : i32
    %or3A_750 = arith.ori %select_n3A_748, %or3A_749 : i32
    %xor3A_751 = arith.constant -2147483648 : i32
    %xor3A_752 = arith.xori %or3A_750, %xor3A_751 : i32
    %ge3A_753 = vector.broadcast %xor3A_752 : i32 to vector<64x128xi32>
    %ge3A_754 = arith.cmpi sge, %slice3A_536, %ge3A_753 : vector<64x128xi32>
    %convert_element_type3A_755 = arith.extui %ge3A_754 : vector<64x128xi1> to vector<64x128xi32>
    %reduce_sum3A_756 = vector.shape_cast %convert_element_type3A_755 : vector<64x128xi32> to vector<1x64x128xi32>
    %reduce_sum3A_757 = arith.constant dense<0> : vector<1xi32>
    %reduce_sum3A_758 = vector.multi_reduction <add>, %reduce_sum3A_756, %reduce_sum3A_757 [1, 2] : vector<1x64x128xi32> to vector<1xi32>
    %reduce_sum3A_759 = vector.shape_cast %reduce_sum3A_758 : vector<1xi32> to vector<1x1x1xi32>
    %reduce_sum3A_760 = vector.extract %reduce_sum3A_759[0, 0, 0] : i32 from vector<1x1x1xi32>
    %ge3A_761 = arith.constant 5734 : i32
    %ge3A_762 = arith.cmpi sge, %reduce_sum3A_760, %ge3A_761 : i32
    %select_n3A_763 = arith.select %ge3A_762, %or3A_750, %select_n3A_748 : i32
    %or3A_764 = arith.constant 65536 : i32
    %or3A_765 = arith.ori %select_n3A_763, %or3A_764 : i32
    %xor3A_766 = arith.constant -2147483648 : i32
    %xor3A_767 = arith.xori %or3A_765, %xor3A_766 : i32
    %ge3A_768 = vector.broadcast %xor3A_767 : i32 to vector<64x128xi32>
    %ge3A_769 = arith.cmpi sge, %slice3A_536, %ge3A_768 : vector<64x128xi32>
    %convert_element_type3A_770 = arith.extui %ge3A_769 : vector<64x128xi1> to vector<64x128xi32>
    %reduce_sum3A_771 = vector.shape_cast %convert_element_type3A_770 : vector<64x128xi32> to vector<1x64x128xi32>
    %reduce_sum3A_772 = arith.constant dense<0> : vector<1xi32>
    %reduce_sum3A_773 = vector.multi_reduction <add>, %reduce_sum3A_771, %reduce_sum3A_772 [1, 2] : vector<1x64x128xi32> to vector<1xi32>
    %reduce_sum3A_774 = vector.shape_cast %reduce_sum3A_773 : vector<1xi32> to vector<1x1x1xi32>
    %reduce_sum3A_775 = vector.extract %reduce_sum3A_774[0, 0, 0] : i32 from vector<1x1x1xi32>
    %ge3A_776 = arith.constant 5734 : i32
    %ge3A_777 = arith.cmpi sge, %reduce_sum3A_775, %ge3A_776 : i32
    %select_n3A_778 = arith.select %ge3A_777, %or3A_765, %select_n3A_763 : i32
    %or3A_779 = arith.constant 32768 : i32
    %or3A_780 = arith.ori %select_n3A_778, %or3A_779 : i32
    %xor3A_781 = arith.constant -2147483648 : i32
    %xor3A_782 = arith.xori %or3A_780, %xor3A_781 : i32
    %ge3A_783 = vector.broadcast %xor3A_782 : i32 to vector<64x128xi32>
    %ge3A_784 = arith.cmpi sge, %slice3A_536, %ge3A_783 : vector<64x128xi32>
    %convert_element_type3A_785 = arith.extui %ge3A_784 : vector<64x128xi1> to vector<64x128xi32>
    %reduce_sum3A_786 = vector.shape_cast %convert_element_type3A_785 : vector<64x128xi32> to vector<1x64x128xi32>
    %reduce_sum3A_787 = arith.constant dense<0> : vector<1xi32>
    %reduce_sum3A_788 = vector.multi_reduction <add>, %reduce_sum3A_786, %reduce_sum3A_787 [1, 2] : vector<1x64x128xi32> to vector<1xi32>
    %reduce_sum3A_789 = vector.shape_cast %reduce_sum3A_788 : vector<1xi32> to vector<1x1x1xi32>
    %reduce_sum3A_790 = vector.extract %reduce_sum3A_789[0, 0, 0] : i32 from vector<1x1x1xi32>
    %ge3A_791 = arith.constant 5734 : i32
    %ge3A_792 = arith.cmpi sge, %reduce_sum3A_790, %ge3A_791 : i32
    %select_n3A_793 = arith.select %ge3A_792, %or3A_780, %select_n3A_778 : i32
    %or3A_794 = arith.constant 16384 : i32
    %or3A_795 = arith.ori %select_n3A_793, %or3A_794 : i32
    %xor3A_796 = arith.constant -2147483648 : i32
    %xor3A_797 = arith.xori %or3A_795, %xor3A_796 : i32
    %ge3A_798 = vector.broadcast %xor3A_797 : i32 to vector<64x128xi32>
    %ge3A_799 = arith.cmpi sge, %slice3A_536, %ge3A_798 : vector<64x128xi32>
    %convert_element_type3A_800 = arith.extui %ge3A_799 : vector<64x128xi1> to vector<64x128xi32>
    %reduce_sum3A_801 = vector.shape_cast %convert_element_type3A_800 : vector<64x128xi32> to vector<1x64x128xi32>
    %reduce_sum3A_802 = arith.constant dense<0> : vector<1xi32>
    %reduce_sum3A_803 = vector.multi_reduction <add>, %reduce_sum3A_801, %reduce_sum3A_802 [1, 2] : vector<1x64x128xi32> to vector<1xi32>
    %reduce_sum3A_804 = vector.shape_cast %reduce_sum3A_803 : vector<1xi32> to vector<1x1x1xi32>
    %reduce_sum3A_805 = vector.extract %reduce_sum3A_804[0, 0, 0] : i32 from vector<1x1x1xi32>
    %ge3A_806 = arith.constant 5734 : i32
    %ge3A_807 = arith.cmpi sge, %reduce_sum3A_805, %ge3A_806 : i32
    %select_n3A_808 = arith.select %ge3A_807, %or3A_795, %select_n3A_793 : i32
    %or3A_809 = arith.constant 8192 : i32
    %or3A_810 = arith.ori %select_n3A_808, %or3A_809 : i32
    %xor3A_811 = arith.constant -2147483648 : i32
    %xor3A_812 = arith.xori %or3A_810, %xor3A_811 : i32
    %ge3A_813 = vector.broadcast %xor3A_812 : i32 to vector<64x128xi32>
    %ge3A_814 = arith.cmpi sge, %slice3A_536, %ge3A_813 : vector<64x128xi32>
    %convert_element_type3A_815 = arith.extui %ge3A_814 : vector<64x128xi1> to vector<64x128xi32>
    %reduce_sum3A_816 = vector.shape_cast %convert_element_type3A_815 : vector<64x128xi32> to vector<1x64x128xi32>
    %reduce_sum3A_817 = arith.constant dense<0> : vector<1xi32>
    %reduce_sum3A_818 = vector.multi_reduction <add>, %reduce_sum3A_816, %reduce_sum3A_817 [1, 2] : vector<1x64x128xi32> to vector<1xi32>
    %reduce_sum3A_819 = vector.shape_cast %reduce_sum3A_818 : vector<1xi32> to vector<1x1x1xi32>
    %reduce_sum3A_820 = vector.extract %reduce_sum3A_819[0, 0, 0] : i32 from vector<1x1x1xi32>
    %ge3A_821 = arith.constant 5734 : i32
    %ge3A_822 = arith.cmpi sge, %reduce_sum3A_820, %ge3A_821 : i32
    %select_n3A_823 = arith.select %ge3A_822, %or3A_810, %select_n3A_808 : i32
    %or3A_824 = arith.constant 4096 : i32
    %or3A_825 = arith.ori %select_n3A_823, %or3A_824 : i32
    %xor3A_826 = arith.constant -2147483648 : i32
    %xor3A_827 = arith.xori %or3A_825, %xor3A_826 : i32
    %ge3A_828 = vector.broadcast %xor3A_827 : i32 to vector<64x128xi32>
    %ge3A_829 = arith.cmpi sge, %slice3A_536, %ge3A_828 : vector<64x128xi32>
    %convert_element_type3A_830 = arith.extui %ge3A_829 : vector<64x128xi1> to vector<64x128xi32>
    %reduce_sum3A_831 = vector.shape_cast %convert_element_type3A_830 : vector<64x128xi32> to vector<1x64x128xi32>
    %reduce_sum3A_832 = arith.constant dense<0> : vector<1xi32>
    %reduce_sum3A_833 = vector.multi_reduction <add>, %reduce_sum3A_831, %reduce_sum3A_832 [1, 2] : vector<1x64x128xi32> to vector<1xi32>
    %reduce_sum3A_834 = vector.shape_cast %reduce_sum3A_833 : vector<1xi32> to vector<1x1x1xi32>
    %reduce_sum3A_835 = vector.extract %reduce_sum3A_834[0, 0, 0] : i32 from vector<1x1x1xi32>
    %ge3A_836 = arith.constant 5734 : i32
    %ge3A_837 = arith.cmpi sge, %reduce_sum3A_835, %ge3A_836 : i32
    %select_n3A_838 = arith.select %ge3A_837, %or3A_825, %select_n3A_823 : i32
    %or3A_839 = arith.constant 2048 : i32
    %or3A_840 = arith.ori %select_n3A_838, %or3A_839 : i32
    %xor3A_841 = arith.constant -2147483648 : i32
    %xor3A_842 = arith.xori %or3A_840, %xor3A_841 : i32
    %ge3A_843 = vector.broadcast %xor3A_842 : i32 to vector<64x128xi32>
    %ge3A_844 = arith.cmpi sge, %slice3A_536, %ge3A_843 : vector<64x128xi32>
    %convert_element_type3A_845 = arith.extui %ge3A_844 : vector<64x128xi1> to vector<64x128xi32>
    %reduce_sum3A_846 = vector.shape_cast %convert_element_type3A_845 : vector<64x128xi32> to vector<1x64x128xi32>
    %reduce_sum3A_847 = arith.constant dense<0> : vector<1xi32>
    %reduce_sum3A_848 = vector.multi_reduction <add>, %reduce_sum3A_846, %reduce_sum3A_847 [1, 2] : vector<1x64x128xi32> to vector<1xi32>
    %reduce_sum3A_849 = vector.shape_cast %reduce_sum3A_848 : vector<1xi32> to vector<1x1x1xi32>
    %reduce_sum3A_850 = vector.extract %reduce_sum3A_849[0, 0, 0] : i32 from vector<1x1x1xi32>
    %ge3A_851 = arith.constant 5734 : i32
    %ge3A_852 = arith.cmpi sge, %reduce_sum3A_850, %ge3A_851 : i32
    %select_n3A_853 = arith.select %ge3A_852, %or3A_840, %select_n3A_838 : i32
    %or3A_854 = arith.constant 1024 : i32
    %or3A_855 = arith.ori %select_n3A_853, %or3A_854 : i32
    %xor3A_856 = arith.constant -2147483648 : i32
    %xor3A_857 = arith.xori %or3A_855, %xor3A_856 : i32
    %ge3A_858 = vector.broadcast %xor3A_857 : i32 to vector<64x128xi32>
    %ge3A_859 = arith.cmpi sge, %slice3A_536, %ge3A_858 : vector<64x128xi32>
    %convert_element_type3A_860 = arith.extui %ge3A_859 : vector<64x128xi1> to vector<64x128xi32>
    %reduce_sum3A_861 = vector.shape_cast %convert_element_type3A_860 : vector<64x128xi32> to vector<1x64x128xi32>
    %reduce_sum3A_862 = arith.constant dense<0> : vector<1xi32>
    %reduce_sum3A_863 = vector.multi_reduction <add>, %reduce_sum3A_861, %reduce_sum3A_862 [1, 2] : vector<1x64x128xi32> to vector<1xi32>
    %reduce_sum3A_864 = vector.shape_cast %reduce_sum3A_863 : vector<1xi32> to vector<1x1x1xi32>
    %reduce_sum3A_865 = vector.extract %reduce_sum3A_864[0, 0, 0] : i32 from vector<1x1x1xi32>
    %ge3A_866 = arith.constant 5734 : i32
    %ge3A_867 = arith.cmpi sge, %reduce_sum3A_865, %ge3A_866 : i32
    %select_n3A_868 = arith.select %ge3A_867, %or3A_855, %select_n3A_853 : i32
    %or3A_869 = arith.constant 512 : i32
    %or3A_870 = arith.ori %select_n3A_868, %or3A_869 : i32
    %xor3A_871 = arith.constant -2147483648 : i32
    %xor3A_872 = arith.xori %or3A_870, %xor3A_871 : i32
    %ge3A_873 = vector.broadcast %xor3A_872 : i32 to vector<64x128xi32>
    %ge3A_874 = arith.cmpi sge, %slice3A_536, %ge3A_873 : vector<64x128xi32>
    %convert_element_type3A_875 = arith.extui %ge3A_874 : vector<64x128xi1> to vector<64x128xi32>
    %reduce_sum3A_876 = vector.shape_cast %convert_element_type3A_875 : vector<64x128xi32> to vector<1x64x128xi32>
    %reduce_sum3A_877 = arith.constant dense<0> : vector<1xi32>
    %reduce_sum3A_878 = vector.multi_reduction <add>, %reduce_sum3A_876, %reduce_sum3A_877 [1, 2] : vector<1x64x128xi32> to vector<1xi32>
    %reduce_sum3A_879 = vector.shape_cast %reduce_sum3A_878 : vector<1xi32> to vector<1x1x1xi32>
    %reduce_sum3A_880 = vector.extract %reduce_sum3A_879[0, 0, 0] : i32 from vector<1x1x1xi32>
    %ge3A_881 = arith.constant 5734 : i32
    %ge3A_882 = arith.cmpi sge, %reduce_sum3A_880, %ge3A_881 : i32
    %select_n3A_883 = arith.select %ge3A_882, %or3A_870, %select_n3A_868 : i32
    %or3A_884 = arith.constant 256 : i32
    %or3A_885 = arith.ori %select_n3A_883, %or3A_884 : i32
    %xor3A_886 = arith.constant -2147483648 : i32
    %xor3A_887 = arith.xori %or3A_885, %xor3A_886 : i32
    %ge3A_888 = vector.broadcast %xor3A_887 : i32 to vector<64x128xi32>
    %ge3A_889 = arith.cmpi sge, %slice3A_536, %ge3A_888 : vector<64x128xi32>
    %convert_element_type3A_890 = arith.extui %ge3A_889 : vector<64x128xi1> to vector<64x128xi32>
    %reduce_sum3A_891 = vector.shape_cast %convert_element_type3A_890 : vector<64x128xi32> to vector<1x64x128xi32>
    %reduce_sum3A_892 = arith.constant dense<0> : vector<1xi32>
    %reduce_sum3A_893 = vector.multi_reduction <add>, %reduce_sum3A_891, %reduce_sum3A_892 [1, 2] : vector<1x64x128xi32> to vector<1xi32>
    %reduce_sum3A_894 = vector.shape_cast %reduce_sum3A_893 : vector<1xi32> to vector<1x1x1xi32>
    %reduce_sum3A_895 = vector.extract %reduce_sum3A_894[0, 0, 0] : i32 from vector<1x1x1xi32>
    %ge3A_896 = arith.constant 5734 : i32
    %ge3A_897 = arith.cmpi sge, %reduce_sum3A_895, %ge3A_896 : i32
    %select_n3A_898 = arith.select %ge3A_897, %or3A_885, %select_n3A_883 : i32
    %or3A_899 = arith.constant 128 : i32
    %or3A_900 = arith.ori %select_n3A_898, %or3A_899 : i32
    %xor3A_901 = arith.constant -2147483648 : i32
    %xor3A_902 = arith.xori %or3A_900, %xor3A_901 : i32
    %ge3A_903 = vector.broadcast %xor3A_902 : i32 to vector<64x128xi32>
    %ge3A_904 = arith.cmpi sge, %slice3A_536, %ge3A_903 : vector<64x128xi32>
    %convert_element_type3A_905 = arith.extui %ge3A_904 : vector<64x128xi1> to vector<64x128xi32>
    %reduce_sum3A_906 = vector.shape_cast %convert_element_type3A_905 : vector<64x128xi32> to vector<1x64x128xi32>
    %reduce_sum3A_907 = arith.constant dense<0> : vector<1xi32>
    %reduce_sum3A_908 = vector.multi_reduction <add>, %reduce_sum3A_906, %reduce_sum3A_907 [1, 2] : vector<1x64x128xi32> to vector<1xi32>
    %reduce_sum3A_909 = vector.shape_cast %reduce_sum3A_908 : vector<1xi32> to vector<1x1x1xi32>
    %reduce_sum3A_910 = vector.extract %reduce_sum3A_909[0, 0, 0] : i32 from vector<1x1x1xi32>
    %ge3A_911 = arith.constant 5734 : i32
    %ge3A_912 = arith.cmpi sge, %reduce_sum3A_910, %ge3A_911 : i32
    %select_n3A_913 = arith.select %ge3A_912, %or3A_900, %select_n3A_898 : i32
    %or3A_914 = arith.constant 64 : i32
    %or3A_915 = arith.ori %select_n3A_913, %or3A_914 : i32
    %xor3A_916 = arith.constant -2147483648 : i32
    %xor3A_917 = arith.xori %or3A_915, %xor3A_916 : i32
    %ge3A_918 = vector.broadcast %xor3A_917 : i32 to vector<64x128xi32>
    %ge3A_919 = arith.cmpi sge, %slice3A_536, %ge3A_918 : vector<64x128xi32>
    %convert_element_type3A_920 = arith.extui %ge3A_919 : vector<64x128xi1> to vector<64x128xi32>
    %reduce_sum3A_921 = vector.shape_cast %convert_element_type3A_920 : vector<64x128xi32> to vector<1x64x128xi32>
    %reduce_sum3A_922 = arith.constant dense<0> : vector<1xi32>
    %reduce_sum3A_923 = vector.multi_reduction <add>, %reduce_sum3A_921, %reduce_sum3A_922 [1, 2] : vector<1x64x128xi32> to vector<1xi32>
    %reduce_sum3A_924 = vector.shape_cast %reduce_sum3A_923 : vector<1xi32> to vector<1x1x1xi32>
    %reduce_sum3A_925 = vector.extract %reduce_sum3A_924[0, 0, 0] : i32 from vector<1x1x1xi32>
    %ge3A_926 = arith.constant 5734 : i32
    %ge3A_927 = arith.cmpi sge, %reduce_sum3A_925, %ge3A_926 : i32
    %select_n3A_928 = arith.select %ge3A_927, %or3A_915, %select_n3A_913 : i32
    %or3A_929 = arith.constant 32 : i32
    %or3A_930 = arith.ori %select_n3A_928, %or3A_929 : i32
    %xor3A_931 = arith.constant -2147483648 : i32
    %xor3A_932 = arith.xori %or3A_930, %xor3A_931 : i32
    %ge3A_933 = vector.broadcast %xor3A_932 : i32 to vector<64x128xi32>
    %ge3A_934 = arith.cmpi sge, %slice3A_536, %ge3A_933 : vector<64x128xi32>
    %convert_element_type3A_935 = arith.extui %ge3A_934 : vector<64x128xi1> to vector<64x128xi32>
    %reduce_sum3A_936 = vector.shape_cast %convert_element_type3A_935 : vector<64x128xi32> to vector<1x64x128xi32>
    %reduce_sum3A_937 = arith.constant dense<0> : vector<1xi32>
    %reduce_sum3A_938 = vector.multi_reduction <add>, %reduce_sum3A_936, %reduce_sum3A_937 [1, 2] : vector<1x64x128xi32> to vector<1xi32>
    %reduce_sum3A_939 = vector.shape_cast %reduce_sum3A_938 : vector<1xi32> to vector<1x1x1xi32>
    %reduce_sum3A_940 = vector.extract %reduce_sum3A_939[0, 0, 0] : i32 from vector<1x1x1xi32>
    %ge3A_941 = arith.constant 5734 : i32
    %ge3A_942 = arith.cmpi sge, %reduce_sum3A_940, %ge3A_941 : i32
    %select_n3A_943 = arith.select %ge3A_942, %or3A_930, %select_n3A_928 : i32
    %or3A_944 = arith.constant 16 : i32
    %or3A_945 = arith.ori %select_n3A_943, %or3A_944 : i32
    %xor3A_946 = arith.constant -2147483648 : i32
    %xor3A_947 = arith.xori %or3A_945, %xor3A_946 : i32
    %ge3A_948 = vector.broadcast %xor3A_947 : i32 to vector<64x128xi32>
    %ge3A_949 = arith.cmpi sge, %slice3A_536, %ge3A_948 : vector<64x128xi32>
    %convert_element_type3A_950 = arith.extui %ge3A_949 : vector<64x128xi1> to vector<64x128xi32>
    %reduce_sum3A_951 = vector.shape_cast %convert_element_type3A_950 : vector<64x128xi32> to vector<1x64x128xi32>
    %reduce_sum3A_952 = arith.constant dense<0> : vector<1xi32>
    %reduce_sum3A_953 = vector.multi_reduction <add>, %reduce_sum3A_951, %reduce_sum3A_952 [1, 2] : vector<1x64x128xi32> to vector<1xi32>
    %reduce_sum3A_954 = vector.shape_cast %reduce_sum3A_953 : vector<1xi32> to vector<1x1x1xi32>
    %reduce_sum3A_955 = vector.extract %reduce_sum3A_954[0, 0, 0] : i32 from vector<1x1x1xi32>
    %ge3A_956 = arith.constant 5734 : i32
    %ge3A_957 = arith.cmpi sge, %reduce_sum3A_955, %ge3A_956 : i32
    %select_n3A_958 = arith.select %ge3A_957, %or3A_945, %select_n3A_943 : i32
    %or3A_959 = arith.constant 8 : i32
    %or3A_960 = arith.ori %select_n3A_958, %or3A_959 : i32
    %xor3A_961 = arith.constant -2147483648 : i32
    %xor3A_962 = arith.xori %or3A_960, %xor3A_961 : i32
    %ge3A_963 = vector.broadcast %xor3A_962 : i32 to vector<64x128xi32>
    %ge3A_964 = arith.cmpi sge, %slice3A_536, %ge3A_963 : vector<64x128xi32>
    %convert_element_type3A_965 = arith.extui %ge3A_964 : vector<64x128xi1> to vector<64x128xi32>
    %reduce_sum3A_966 = vector.shape_cast %convert_element_type3A_965 : vector<64x128xi32> to vector<1x64x128xi32>
    %reduce_sum3A_967 = arith.constant dense<0> : vector<1xi32>
    %reduce_sum3A_968 = vector.multi_reduction <add>, %reduce_sum3A_966, %reduce_sum3A_967 [1, 2] : vector<1x64x128xi32> to vector<1xi32>
    %reduce_sum3A_969 = vector.shape_cast %reduce_sum3A_968 : vector<1xi32> to vector<1x1x1xi32>
    %reduce_sum3A_970 = vector.extract %reduce_sum3A_969[0, 0, 0] : i32 from vector<1x1x1xi32>
    %ge3A_971 = arith.constant 5734 : i32
    %ge3A_972 = arith.cmpi sge, %reduce_sum3A_970, %ge3A_971 : i32
    %select_n3A_973 = arith.select %ge3A_972, %or3A_960, %select_n3A_958 : i32
    %or3A_974 = arith.constant 4 : i32
    %or3A_975 = arith.ori %select_n3A_973, %or3A_974 : i32
    %xor3A_976 = arith.constant -2147483648 : i32
    %xor3A_977 = arith.xori %or3A_975, %xor3A_976 : i32
    %ge3A_978 = vector.broadcast %xor3A_977 : i32 to vector<64x128xi32>
    %ge3A_979 = arith.cmpi sge, %slice3A_536, %ge3A_978 : vector<64x128xi32>
    %convert_element_type3A_980 = arith.extui %ge3A_979 : vector<64x128xi1> to vector<64x128xi32>
    %reduce_sum3A_981 = vector.shape_cast %convert_element_type3A_980 : vector<64x128xi32> to vector<1x64x128xi32>
    %reduce_sum3A_982 = arith.constant dense<0> : vector<1xi32>
    %reduce_sum3A_983 = vector.multi_reduction <add>, %reduce_sum3A_981, %reduce_sum3A_982 [1, 2] : vector<1x64x128xi32> to vector<1xi32>
    %reduce_sum3A_984 = vector.shape_cast %reduce_sum3A_983 : vector<1xi32> to vector<1x1x1xi32>
    %reduce_sum3A_985 = vector.extract %reduce_sum3A_984[0, 0, 0] : i32 from vector<1x1x1xi32>
    %ge3A_986 = arith.constant 5734 : i32
    %ge3A_987 = arith.cmpi sge, %reduce_sum3A_985, %ge3A_986 : i32
    %select_n3A_988 = arith.select %ge3A_987, %or3A_975, %select_n3A_973 : i32
    %or3A_989 = arith.constant 2 : i32
    %or3A_990 = arith.ori %select_n3A_988, %or3A_989 : i32
    %xor3A_991 = arith.constant -2147483648 : i32
    %xor3A_992 = arith.xori %or3A_990, %xor3A_991 : i32
    %ge3A_993 = vector.broadcast %xor3A_992 : i32 to vector<64x128xi32>
    %ge3A_994 = arith.cmpi sge, %slice3A_536, %ge3A_993 : vector<64x128xi32>
    %convert_element_type3A_995 = arith.extui %ge3A_994 : vector<64x128xi1> to vector<64x128xi32>
    %reduce_sum3A_996 = vector.shape_cast %convert_element_type3A_995 : vector<64x128xi32> to vector<1x64x128xi32>
    %reduce_sum3A_997 = arith.constant dense<0> : vector<1xi32>
    %reduce_sum3A_998 = vector.multi_reduction <add>, %reduce_sum3A_996, %reduce_sum3A_997 [1, 2] : vector<1x64x128xi32> to vector<1xi32>
    %reduce_sum3A_999 = vector.shape_cast %reduce_sum3A_998 : vector<1xi32> to vector<1x1x1xi32>
    %reduce_sum3A_1000 = vector.extract %reduce_sum3A_999[0, 0, 0] : i32 from vector<1x1x1xi32>
    %ge3A_1001 = arith.constant 5734 : i32
    %ge3A_1002 = arith.cmpi sge, %reduce_sum3A_1000, %ge3A_1001 : i32
    %select_n3A_1003 = arith.select %ge3A_1002, %or3A_990, %select_n3A_988 : i32
    %or3A_1004 = arith.constant 1 : i32
    %or3A_1005 = arith.ori %select_n3A_1003, %or3A_1004 : i32
    %xor3A_1006 = arith.constant -2147483648 : i32
    %xor3A_1007 = arith.xori %or3A_1005, %xor3A_1006 : i32
    %ge3A_1008 = vector.broadcast %xor3A_1007 : i32 to vector<64x128xi32>
    %ge3A_1009 = arith.cmpi sge, %slice3A_536, %ge3A_1008 : vector<64x128xi32>
    %convert_element_type3A_1010 = arith.extui %ge3A_1009 : vector<64x128xi1> to vector<64x128xi32>
    %reduce_sum3A_1011 = vector.shape_cast %convert_element_type3A_1010 : vector<64x128xi32> to vector<1x64x128xi32>
    %reduce_sum3A_1012 = arith.constant dense<0> : vector<1xi32>
    %reduce_sum3A_1013 = vector.multi_reduction <add>, %reduce_sum3A_1011, %reduce_sum3A_1012 [1, 2] : vector<1x64x128xi32> to vector<1xi32>
    %reduce_sum3A_1014 = vector.shape_cast %reduce_sum3A_1013 : vector<1xi32> to vector<1x1x1xi32>
    %reduce_sum3A_1015 = vector.extract %reduce_sum3A_1014[0, 0, 0] : i32 from vector<1x1x1xi32>
    %ge3A_1016 = arith.constant 5734 : i32
    %ge3A_1017 = arith.cmpi sge, %reduce_sum3A_1015, %ge3A_1016 : i32
    %select_n3A_1018 = arith.select %ge3A_1017, %or3A_1005, %select_n3A_1003 : i32
    %xor3A_1019 = arith.constant -2147483648 : i32
    %xor3A_1020 = arith.xori %select_n3A_1018, %xor3A_1019 : i32
    %gt3A_1021 = vector.broadcast %xor3A_1020 : i32 to vector<64x128xi32>
    %gt3A_1022 = arith.cmpi sgt, %slice3A_536, %gt3A_1021 : vector<64x128xi32>
    %eq3A_1023 = vector.broadcast %xor3A_1020 : i32 to vector<64x128xi32>
    %eq3A_1024 = arith.cmpi eq, %slice3A_536, %eq3A_1023 : vector<64x128xi32>
    %convert_element_type3A_1025 = arith.extui %gt3A_1022 : vector<64x128xi1> to vector<64x128xi32>
    %reduce_sum3A_1026 = vector.shape_cast %convert_element_type3A_1025 : vector<64x128xi32> to vector<1x64x128xi32>
    %reduce_sum3A_1027 = arith.constant dense<0> : vector<1xi32>
    %reduce_sum3A_1028 = vector.multi_reduction <add>, %reduce_sum3A_1026, %reduce_sum3A_1027 [1, 2] : vector<1x64x128xi32> to vector<1xi32>
    %reduce_sum3A_1029 = vector.shape_cast %reduce_sum3A_1028 : vector<1xi32> to vector<1x1x1xi32>
    %reduce_sum3A_1030 = vector.extract %reduce_sum3A_1029[0, 0, 0] : i32 from vector<1x1x1xi32>
    %sub3A_1031 = arith.constant 5734 : i32
    %sub3A_1032 = arith.subi %sub3A_1031, %reduce_sum3A_1030 : i32
    %convert_element_type3A_1033 = arith.sitofp %sub3A_1032 : i32 to f32
    %convert_element_type3A_1034 = arith.extui %eq3A_1024 : vector<64x128xi1> to vector<64x128xi32>
    %convert_element_type3A_1035 = arith.sitofp %convert_element_type3A_1034 : vector<64x128xi32> to vector<64x128xf32>
    %iota3A_1036 = tpu.iota {dimensions = array<i32: 0>} : vector<128x128xi32>
    %iota3A_1037 = tpu.iota {dimensions = array<i32: 1>} : vector<128x128xi32>
    %le3A_1038 = arith.cmpi sle, %iota3A_1036, %iota3A_1037 : vector<128x128xi32>
    %convert_element_type3A_1039 = arith.extui %le3A_1038 : vector<128x128xi1> to vector<128x128xi32>
    %convert_element_type3A_1040 = arith.sitofp %convert_element_type3A_1039 : vector<128x128xi32> to vector<128x128xf32>
    %dot_general3A_1041 = arith.constant dense<0.000000e+00> : vector<64x128xf32>
    %dot_general3A_1042 = tpu.matmul %convert_element_type3A_1035, %convert_element_type3A_1040, %dot_general3A_1041 {dimension_numbers = #tpu.dot_dimension_numbers<[1], [0], [0], [1], [0, 0, 1, 1], [], []>, precision = #tpu.contract_precision<fp32>, transpose_lhs_hint = false} : vector<64x128xf32>, vector<128x128xf32>, vector<64x128xf32> -> vector<64x128xf32>
    %slice3A_1043 = vector.extract_strided_slice %dot_general3A_1042 {offsets = [0, 127], sizes = [64, 1], strides = [1, 1]} : vector<64x128xf32> to vector<64x1xf32>
    %broadcast_in_dim3A_1044 = vector.shape_cast %slice3A_1043 : vector<64x1xf32> to vector<64x1xf32>
    %broadcast_in_dim3A_1045 = vector.broadcast %broadcast_in_dim3A_1044 : vector<64x1xf32> to vector<64x128xf32>
    %iota3A_1046 = tpu.iota {dimensions = array<i32: 0>} : vector<64x64xi32>
    %iota3A_1047 = tpu.iota {dimensions = array<i32: 1>} : vector<64x64xi32>
    %lt3A_1048 = arith.cmpi slt, %iota3A_1047, %iota3A_1046 : vector<64x64xi32>
    %convert_element_type3A_1049 = arith.extui %lt3A_1048 : vector<64x64xi1> to vector<64x64xi32>
    %convert_element_type3A_1050 = arith.sitofp %convert_element_type3A_1049 : vector<64x64xi32> to vector<64x64xf32>
    %dot_general3A_1051 = arith.constant dense<0.000000e+00> : vector<64x128xf32>
    %dot_general3A_1052 = tpu.matmul %convert_element_type3A_1050, %broadcast_in_dim3A_1045, %dot_general3A_1051 {dimension_numbers = #tpu.dot_dimension_numbers<[1], [0], [0], [1], [0, 0, 1, 1], [], []>, precision = #tpu.contract_precision<fp32>, transpose_lhs_hint = false} : vector<64x64xf32>, vector<64x128xf32>, vector<64x128xf32> -> vector<64x128xf32>
    %add3A_1053 = arith.addf %dot_general3A_1042, %dot_general3A_1052 : vector<64x128xf32>
    %sub3A_1054 = arith.subf %add3A_1053, %convert_element_type3A_1035 : vector<64x128xf32>
    %lt3A_1055 = vector.broadcast %convert_element_type3A_1033 : f32 to vector<64x128xf32>
    %lt3A_1056 = arith.cmpf olt, %sub3A_1054, %lt3A_1055 : vector<64x128xf32>
    %and3A_1057 = arith.andi %eq3A_1024, %lt3A_1056 : vector<64x128xi1>
    %or3A_1058 = arith.ori %gt3A_1022, %and3A_1057 : vector<64x128xi1>
    %convert_element_type3A_1059 = arith.extui %or3A_1058 : vector<64x128xi1> to vector<64x128xi32>
    %convert_element_type3A_1060 = arith.sitofp %convert_element_type3A_1059 : vector<64x128xi32> to vector<64x128xf32>
    %iota3A_1061 = tpu.iota {dimensions = array<i32: 0>} : vector<128x128xi32>
    %iota3A_1062 = tpu.iota {dimensions = array<i32: 1>} : vector<128x128xi32>
    %le3A_1063 = arith.cmpi sle, %iota3A_1061, %iota3A_1062 : vector<128x128xi32>
    %convert_element_type3A_1064 = arith.extui %le3A_1063 : vector<128x128xi1> to vector<128x128xi32>
    %convert_element_type3A_1065 = arith.sitofp %convert_element_type3A_1064 : vector<128x128xi32> to vector<128x128xf32>
    %dot_general3A_1066 = arith.constant dense<0.000000e+00> : vector<64x128xf32>
    %dot_general3A_1067 = tpu.matmul %convert_element_type3A_1060, %convert_element_type3A_1065, %dot_general3A_1066 {dimension_numbers = #tpu.dot_dimension_numbers<[1], [0], [0], [1], [0, 0, 1, 1], [], []>, precision = #tpu.contract_precision<fp32>, transpose_lhs_hint = false} : vector<64x128xf32>, vector<128x128xf32>, vector<64x128xf32> -> vector<64x128xf32>
    %slice3A_1068 = vector.extract_strided_slice %dot_general3A_1067 {offsets = [0, 127], sizes = [64, 1], strides = [1, 1]} : vector<64x128xf32> to vector<64x1xf32>
    %broadcast_in_dim3A_1069 = vector.shape_cast %slice3A_1068 : vector<64x1xf32> to vector<64x1xf32>
    %broadcast_in_dim3A_1070 = vector.broadcast %broadcast_in_dim3A_1069 : vector<64x1xf32> to vector<64x128xf32>
    %iota3A_1071 = tpu.iota {dimensions = array<i32: 0>} : vector<64x64xi32>
    %iota3A_1072 = tpu.iota {dimensions = array<i32: 1>} : vector<64x64xi32>
    %lt3A_1073 = arith.cmpi slt, %iota3A_1072, %iota3A_1071 : vector<64x64xi32>
    %convert_element_type3A_1074 = arith.extui %lt3A_1073 : vector<64x64xi1> to vector<64x64xi32>
    %convert_element_type3A_1075 = arith.sitofp %convert_element_type3A_1074 : vector<64x64xi32> to vector<64x64xf32>
    %dot_general3A_1076 = arith.constant dense<0.000000e+00> : vector<64x128xf32>
    %dot_general3A_1077 = tpu.matmul %convert_element_type3A_1075, %broadcast_in_dim3A_1070, %dot_general3A_1076 {dimension_numbers = #tpu.dot_dimension_numbers<[1], [0], [0], [1], [0, 0, 1, 1], [], []>, precision = #tpu.contract_precision<fp32>, transpose_lhs_hint = false} : vector<64x64xf32>, vector<64x128xf32>, vector<64x128xf32> -> vector<64x128xf32>
    %add3A_1078 = arith.addf %dot_general3A_1067, %dot_general3A_1077 : vector<64x128xf32>
    %convert_element_type3A_1079 = arith.fptosi %add3A_1078 : vector<64x128xf32> to vector<64x128xi32>
    %swap3A_1080 = arith.constant 64 : index
    %swap3A_1081 = arith.constant 0 : index
    %swap3A_1082 = vector.load %arg1[%swap3A_1080, %swap3A_1081] : memref<256x128xi32, #tpu.memory_space<vmem>>, vector<64x128xi32>
    tpu.vector_store %arg1[%swap3A_1080, %swap3A_1081], %convert_element_type3A_1079 {strides = array<i32>} : memref<256x128xi32, #tpu.memory_space<vmem>>, vector<64x128xi32>,
    %slice3A_1083 = vector.extract_strided_slice %xor3A {offsets = [128, 0], sizes = [64, 128], strides = [1, 1]} : vector<256x128xi32> to vector<64x128xi32>
    %or3A_1084 = arith.constant 0 : i32
    %or3A_1085 = arith.constant -2147483648 : i32
    %or3A_1086 = arith.ori %or3A_1084, %or3A_1085 : i32
    %xor3A_1087 = arith.constant -2147483648 : i32
    %xor3A_1088 = arith.xori %or3A_1086, %xor3A_1087 : i32
    %ge3A_1089 = vector.broadcast %xor3A_1088 : i32 to vector<64x128xi32>
    %ge3A_1090 = arith.cmpi sge, %slice3A_1083, %ge3A_1089 : vector<64x128xi32>
    %convert_element_type3A_1091 = arith.extui %ge3A_1090 : vector<64x128xi1> to vector<64x128xi32>
    %reduce_sum3A_1092 = vector.shape_cast %convert_element_type3A_1091 : vector<64x128xi32> to vector<1x64x128xi32>
    %reduce_sum3A_1093 = arith.constant dense<0> : vector<1xi32>
    %reduce_sum3A_1094 = vector.multi_reduction <add>, %reduce_sum3A_1092, %reduce_sum3A_1093 [1, 2] : vector<1x64x128xi32> to vector<1xi32>
    %reduce_sum3A_1095 = vector.shape_cast %reduce_sum3A_1094 : vector<1xi32> to vector<1x1x1xi32>
    %reduce_sum3A_1096 = vector.extract %reduce_sum3A_1095[0, 0, 0] : i32 from vector<1x1x1xi32>
    %ge3A_1097 = arith.constant 5734 : i32
    %ge3A_1098 = arith.cmpi sge, %reduce_sum3A_1096, %ge3A_1097 : i32
    %jit3A_1099 = arith.constant 0 : i32
    %select_n3A_1100 = arith.select %ge3A_1098, %or3A_1086, %jit3A_1099 : i32
    %or3A_1101 = arith.constant 1073741824 : i32
    %or3A_1102 = arith.ori %select_n3A_1100, %or3A_1101 : i32
    %xor3A_1103 = arith.constant -2147483648 : i32
    %xor3A_1104 = arith.xori %or3A_1102, %xor3A_1103 : i32
    %ge3A_1105 = vector.broadcast %xor3A_1104 : i32 to vector<64x128xi32>
    %ge3A_1106 = arith.cmpi sge, %slice3A_1083, %ge3A_1105 : vector<64x128xi32>
    %convert_element_type3A_1107 = arith.extui %ge3A_1106 : vector<64x128xi1> to vector<64x128xi32>
    %reduce_sum3A_1108 = vector.shape_cast %convert_element_type3A_1107 : vector<64x128xi32> to vector<1x64x128xi32>
    %reduce_sum3A_1109 = arith.constant dense<0> : vector<1xi32>
    %reduce_sum3A_1110 = vector.multi_reduction <add>, %reduce_sum3A_1108, %reduce_sum3A_1109 [1, 2] : vector<1x64x128xi32> to vector<1xi32>
    %reduce_sum3A_1111 = vector.shape_cast %reduce_sum3A_1110 : vector<1xi32> to vector<1x1x1xi32>
    %reduce_sum3A_1112 = vector.extract %reduce_sum3A_1111[0, 0, 0] : i32 from vector<1x1x1xi32>
    %ge3A_1113 = arith.constant 5734 : i32
    %ge3A_1114 = arith.cmpi sge, %reduce_sum3A_1112, %ge3A_1113 : i32
    %select_n3A_1115 = arith.select %ge3A_1114, %or3A_1102, %select_n3A_1100 : i32
    %or3A_1116 = arith.constant 536870912 : i32
    %or3A_1117 = arith.ori %select_n3A_1115, %or3A_1116 : i32
    %xor3A_1118 = arith.constant -2147483648 : i32
    %xor3A_1119 = arith.xori %or3A_1117, %xor3A_1118 : i32
    %ge3A_1120 = vector.broadcast %xor3A_1119 : i32 to vector<64x128xi32>
    %ge3A_1121 = arith.cmpi sge, %slice3A_1083, %ge3A_1120 : vector<64x128xi32>
    %convert_element_type3A_1122 = arith.extui %ge3A_1121 : vector<64x128xi1> to vector<64x128xi32>
    %reduce_sum3A_1123 = vector.shape_cast %convert_element_type3A_1122 : vector<64x128xi32> to vector<1x64x128xi32>
    %reduce_sum3A_1124 = arith.constant dense<0> : vector<1xi32>
    %reduce_sum3A_1125 = vector.multi_reduction <add>, %reduce_sum3A_1123, %reduce_sum3A_1124 [1, 2] : vector<1x64x128xi32> to vector<1xi32>
    %reduce_sum3A_1126 = vector.shape_cast %reduce_sum3A_1125 : vector<1xi32> to vector<1x1x1xi32>
    %reduce_sum3A_1127 = vector.extract %reduce_sum3A_1126[0, 0, 0] : i32 from vector<1x1x1xi32>
    %ge3A_1128 = arith.constant 5734 : i32
    %ge3A_1129 = arith.cmpi sge, %reduce_sum3A_1127, %ge3A_1128 : i32
    %select_n3A_1130 = arith.select %ge3A_1129, %or3A_1117, %select_n3A_1115 : i32
    %or3A_1131 = arith.constant 268435456 : i32
    %or3A_1132 = arith.ori %select_n3A_1130, %or3A_1131 : i32
    %xor3A_1133 = arith.constant -2147483648 : i32
    %xor3A_1134 = arith.xori %or3A_1132, %xor3A_1133 : i32
    %ge3A_1135 = vector.broadcast %xor3A_1134 : i32 to vector<64x128xi32>
    %ge3A_1136 = arith.cmpi sge, %slice3A_1083, %ge3A_1135 : vector<64x128xi32>
    %convert_element_type3A_1137 = arith.extui %ge3A_1136 : vector<64x128xi1> to vector<64x128xi32>
    %reduce_sum3A_1138 = vector.shape_cast %convert_element_type3A_1137 : vector<64x128xi32> to vector<1x64x128xi32>
    %reduce_sum3A_1139 = arith.constant dense<0> : vector<1xi32>
    %reduce_sum3A_1140 = vector.multi_reduction <add>, %reduce_sum3A_1138, %reduce_sum3A_1139 [1, 2] : vector<1x64x128xi32> to vector<1xi32>
    %reduce_sum3A_1141 = vector.shape_cast %reduce_sum3A_1140 : vector<1xi32> to vector<1x1x1xi32>
    %reduce_sum3A_1142 = vector.extract %reduce_sum3A_1141[0, 0, 0] : i32 from vector<1x1x1xi32>
    %ge3A_1143 = arith.constant 5734 : i32
    %ge3A_1144 = arith.cmpi sge, %reduce_sum3A_1142, %ge3A_1143 : i32
    %select_n3A_1145 = arith.select %ge3A_1144, %or3A_1132, %select_n3A_1130 : i32
    %or3A_1146 = arith.constant 134217728 : i32
    %or3A_1147 = arith.ori %select_n3A_1145, %or3A_1146 : i32
    %xor3A_1148 = arith.constant -2147483648 : i32
    %xor3A_1149 = arith.xori %or3A_1147, %xor3A_1148 : i32
    %ge3A_1150 = vector.broadcast %xor3A_1149 : i32 to vector<64x128xi32>
    %ge3A_1151 = arith.cmpi sge, %slice3A_1083, %ge3A_1150 : vector<64x128xi32>
    %convert_element_type3A_1152 = arith.extui %ge3A_1151 : vector<64x128xi1> to vector<64x128xi32>
    %reduce_sum3A_1153 = vector.shape_cast %convert_element_type3A_1152 : vector<64x128xi32> to vector<1x64x128xi32>
    %reduce_sum3A_1154 = arith.constant dense<0> : vector<1xi32>
    %reduce_sum3A_1155 = vector.multi_reduction <add>, %reduce_sum3A_1153, %reduce_sum3A_1154 [1, 2] : vector<1x64x128xi32> to vector<1xi32>
    %reduce_sum3A_1156 = vector.shape_cast %reduce_sum3A_1155 : vector<1xi32> to vector<1x1x1xi32>
    %reduce_sum3A_1157 = vector.extract %reduce_sum3A_1156[0, 0, 0] : i32 from vector<1x1x1xi32>
    %ge3A_1158 = arith.constant 5734 : i32
    %ge3A_1159 = arith.cmpi sge, %reduce_sum3A_1157, %ge3A_1158 : i32
    %select_n3A_1160 = arith.select %ge3A_1159, %or3A_1147, %select_n3A_1145 : i32
    %or3A_1161 = arith.constant 67108864 : i32
    %or3A_1162 = arith.ori %select_n3A_1160, %or3A_1161 : i32
    %xor3A_1163 = arith.constant -2147483648 : i32
    %xor3A_1164 = arith.xori %or3A_1162, %xor3A_1163 : i32
    %ge3A_1165 = vector.broadcast %xor3A_1164 : i32 to vector<64x128xi32>
    %ge3A_1166 = arith.cmpi sge, %slice3A_1083, %ge3A_1165 : vector<64x128xi32>
    %convert_element_type3A_1167 = arith.extui %ge3A_1166 : vector<64x128xi1> to vector<64x128xi32>
    %reduce_sum3A_1168 = vector.shape_cast %convert_element_type3A_1167 : vector<64x128xi32> to vector<1x64x128xi32>
    %reduce_sum3A_1169 = arith.constant dense<0> : vector<1xi32>
    %reduce_sum3A_1170 = vector.multi_reduction <add>, %reduce_sum3A_1168, %reduce_sum3A_1169 [1, 2] : vector<1x64x128xi32> to vector<1xi32>
    %reduce_sum3A_1171 = vector.shape_cast %reduce_sum3A_1170 : vector<1xi32> to vector<1x1x1xi32>
    %reduce_sum3A_1172 = vector.extract %reduce_sum3A_1171[0, 0, 0] : i32 from vector<1x1x1xi32>
    %ge3A_1173 = arith.constant 5734 : i32
    %ge3A_1174 = arith.cmpi sge, %reduce_sum3A_1172, %ge3A_1173 : i32
    %select_n3A_1175 = arith.select %ge3A_1174, %or3A_1162, %select_n3A_1160 : i32
    %or3A_1176 = arith.constant 33554432 : i32
    %or3A_1177 = arith.ori %select_n3A_1175, %or3A_1176 : i32
    %xor3A_1178 = arith.constant -2147483648 : i32
    %xor3A_1179 = arith.xori %or3A_1177, %xor3A_1178 : i32
    %ge3A_1180 = vector.broadcast %xor3A_1179 : i32 to vector<64x128xi32>
    %ge3A_1181 = arith.cmpi sge, %slice3A_1083, %ge3A_1180 : vector<64x128xi32>
    %convert_element_type3A_1182 = arith.extui %ge3A_1181 : vector<64x128xi1> to vector<64x128xi32>
    %reduce_sum3A_1183 = vector.shape_cast %convert_element_type3A_1182 : vector<64x128xi32> to vector<1x64x128xi32>
    %reduce_sum3A_1184 = arith.constant dense<0> : vector<1xi32>
    %reduce_sum3A_1185 = vector.multi_reduction <add>, %reduce_sum3A_1183, %reduce_sum3A_1184 [1, 2] : vector<1x64x128xi32> to vector<1xi32>
    %reduce_sum3A_1186 = vector.shape_cast %reduce_sum3A_1185 : vector<1xi32> to vector<1x1x1xi32>
    %reduce_sum3A_1187 = vector.extract %reduce_sum3A_1186[0, 0, 0] : i32 from vector<1x1x1xi32>
    %ge3A_1188 = arith.constant 5734 : i32
    %ge3A_1189 = arith.cmpi sge, %reduce_sum3A_1187, %ge3A_1188 : i32
    %select_n3A_1190 = arith.select %ge3A_1189, %or3A_1177, %select_n3A_1175 : i32
    %or3A_1191 = arith.constant 16777216 : i32
    %or3A_1192 = arith.ori %select_n3A_1190, %or3A_1191 : i32
    %xor3A_1193 = arith.constant -2147483648 : i32
    %xor3A_1194 = arith.xori %or3A_1192, %xor3A_1193 : i32
    %ge3A_1195 = vector.broadcast %xor3A_1194 : i32 to vector<64x128xi32>
    %ge3A_1196 = arith.cmpi sge, %slice3A_1083, %ge3A_1195 : vector<64x128xi32>
    %convert_element_type3A_1197 = arith.extui %ge3A_1196 : vector<64x128xi1> to vector<64x128xi32>
    %reduce_sum3A_1198 = vector.shape_cast %convert_element_type3A_1197 : vector<64x128xi32> to vector<1x64x128xi32>
    %reduce_sum3A_1199 = arith.constant dense<0> : vector<1xi32>
    %reduce_sum3A_1200 = vector.multi_reduction <add>, %reduce_sum3A_1198, %reduce_sum3A_1199 [1, 2] : vector<1x64x128xi32> to vector<1xi32>
    %reduce_sum3A_1201 = vector.shape_cast %reduce_sum3A_1200 : vector<1xi32> to vector<1x1x1xi32>
    %reduce_sum3A_1202 = vector.extract %reduce_sum3A_1201[0, 0, 0] : i32 from vector<1x1x1xi32>
    %ge3A_1203 = arith.constant 5734 : i32
    %ge3A_1204 = arith.cmpi sge, %reduce_sum3A_1202, %ge3A_1203 : i32
    %select_n3A_1205 = arith.select %ge3A_1204, %or3A_1192, %select_n3A_1190 : i32
    %or3A_1206 = arith.constant 8388608 : i32
    %or3A_1207 = arith.ori %select_n3A_1205, %or3A_1206 : i32
    %xor3A_1208 = arith.constant -2147483648 : i32
    %xor3A_1209 = arith.xori %or3A_1207, %xor3A_1208 : i32
    %ge3A_1210 = vector.broadcast %xor3A_1209 : i32 to vector<64x128xi32>
    %ge3A_1211 = arith.cmpi sge, %slice3A_1083, %ge3A_1210 : vector<64x128xi32>
    %convert_element_type3A_1212 = arith.extui %ge3A_1211 : vector<64x128xi1> to vector<64x128xi32>
    %reduce_sum3A_1213 = vector.shape_cast %convert_element_type3A_1212 : vector<64x128xi32> to vector<1x64x128xi32>
    %reduce_sum3A_1214 = arith.constant dense<0> : vector<1xi32>
    %reduce_sum3A_1215 = vector.multi_reduction <add>, %reduce_sum3A_1213, %reduce_sum3A_1214 [1, 2] : vector<1x64x128xi32> to vector<1xi32>
    %reduce_sum3A_1216 = vector.shape_cast %reduce_sum3A_1215 : vector<1xi32> to vector<1x1x1xi32>
    %reduce_sum3A_1217 = vector.extract %reduce_sum3A_1216[0, 0, 0] : i32 from vector<1x1x1xi32>
    %ge3A_1218 = arith.constant 5734 : i32
    %ge3A_1219 = arith.cmpi sge, %reduce_sum3A_1217, %ge3A_1218 : i32
    %select_n3A_1220 = arith.select %ge3A_1219, %or3A_1207, %select_n3A_1205 : i32
    %or3A_1221 = arith.constant 4194304 : i32
    %or3A_1222 = arith.ori %select_n3A_1220, %or3A_1221 : i32
    %xor3A_1223 = arith.constant -2147483648 : i32
    %xor3A_1224 = arith.xori %or3A_1222, %xor3A_1223 : i32
    %ge3A_1225 = vector.broadcast %xor3A_1224 : i32 to vector<64x128xi32>
    %ge3A_1226 = arith.cmpi sge, %slice3A_1083, %ge3A_1225 : vector<64x128xi32>
    %convert_element_type3A_1227 = arith.extui %ge3A_1226 : vector<64x128xi1> to vector<64x128xi32>
    %reduce_sum3A_1228 = vector.shape_cast %convert_element_type3A_1227 : vector<64x128xi32> to vector<1x64x128xi32>
    %reduce_sum3A_1229 = arith.constant dense<0> : vector<1xi32>
    %reduce_sum3A_1230 = vector.multi_reduction <add>, %reduce_sum3A_1228, %reduce_sum3A_1229 [1, 2] : vector<1x64x128xi32> to vector<1xi32>
    %reduce_sum3A_1231 = vector.shape_cast %reduce_sum3A_1230 : vector<1xi32> to vector<1x1x1xi32>
    %reduce_sum3A_1232 = vector.extract %reduce_sum3A_1231[0, 0, 0] : i32 from vector<1x1x1xi32>
    %ge3A_1233 = arith.constant 5734 : i32
    %ge3A_1234 = arith.cmpi sge, %reduce_sum3A_1232, %ge3A_1233 : i32
    %select_n3A_1235 = arith.select %ge3A_1234, %or3A_1222, %select_n3A_1220 : i32
    %or3A_1236 = arith.constant 2097152 : i32
    %or3A_1237 = arith.ori %select_n3A_1235, %or3A_1236 : i32
    %xor3A_1238 = arith.constant -2147483648 : i32
    %xor3A_1239 = arith.xori %or3A_1237, %xor3A_1238 : i32
    %ge3A_1240 = vector.broadcast %xor3A_1239 : i32 to vector<64x128xi32>
    %ge3A_1241 = arith.cmpi sge, %slice3A_1083, %ge3A_1240 : vector<64x128xi32>
    %convert_element_type3A_1242 = arith.extui %ge3A_1241 : vector<64x128xi1> to vector<64x128xi32>
    %reduce_sum3A_1243 = vector.shape_cast %convert_element_type3A_1242 : vector<64x128xi32> to vector<1x64x128xi32>
    %reduce_sum3A_1244 = arith.constant dense<0> : vector<1xi32>
    %reduce_sum3A_1245 = vector.multi_reduction <add>, %reduce_sum3A_1243, %reduce_sum3A_1244 [1, 2] : vector<1x64x128xi32> to vector<1xi32>
    %reduce_sum3A_1246 = vector.shape_cast %reduce_sum3A_1245 : vector<1xi32> to vector<1x1x1xi32>
    %reduce_sum3A_1247 = vector.extract %reduce_sum3A_1246[0, 0, 0] : i32 from vector<1x1x1xi32>
    %ge3A_1248 = arith.constant 5734 : i32
    %ge3A_1249 = arith.cmpi sge, %reduce_sum3A_1247, %ge3A_1248 : i32
    %select_n3A_1250 = arith.select %ge3A_1249, %or3A_1237, %select_n3A_1235 : i32
    %or3A_1251 = arith.constant 1048576 : i32
    %or3A_1252 = arith.ori %select_n3A_1250, %or3A_1251 : i32
    %xor3A_1253 = arith.constant -2147483648 : i32
    %xor3A_1254 = arith.xori %or3A_1252, %xor3A_1253 : i32
    %ge3A_1255 = vector.broadcast %xor3A_1254 : i32 to vector<64x128xi32>
    %ge3A_1256 = arith.cmpi sge, %slice3A_1083, %ge3A_1255 : vector<64x128xi32>
    %convert_element_type3A_1257 = arith.extui %ge3A_1256 : vector<64x128xi1> to vector<64x128xi32>
    %reduce_sum3A_1258 = vector.shape_cast %convert_element_type3A_1257 : vector<64x128xi32> to vector<1x64x128xi32>
    %reduce_sum3A_1259 = arith.constant dense<0> : vector<1xi32>
    %reduce_sum3A_1260 = vector.multi_reduction <add>, %reduce_sum3A_1258, %reduce_sum3A_1259 [1, 2] : vector<1x64x128xi32> to vector<1xi32>
    %reduce_sum3A_1261 = vector.shape_cast %reduce_sum3A_1260 : vector<1xi32> to vector<1x1x1xi32>
    %reduce_sum3A_1262 = vector.extract %reduce_sum3A_1261[0, 0, 0] : i32 from vector<1x1x1xi32>
    %ge3A_1263 = arith.constant 5734 : i32
    %ge3A_1264 = arith.cmpi sge, %reduce_sum3A_1262, %ge3A_1263 : i32
    %select_n3A_1265 = arith.select %ge3A_1264, %or3A_1252, %select_n3A_1250 : i32
    %or3A_1266 = arith.constant 524288 : i32
    %or3A_1267 = arith.ori %select_n3A_1265, %or3A_1266 : i32
    %xor3A_1268 = arith.constant -2147483648 : i32
    %xor3A_1269 = arith.xori %or3A_1267, %xor3A_1268 : i32
    %ge3A_1270 = vector.broadcast %xor3A_1269 : i32 to vector<64x128xi32>
    %ge3A_1271 = arith.cmpi sge, %slice3A_1083, %ge3A_1270 : vector<64x128xi32>
    %convert_element_type3A_1272 = arith.extui %ge3A_1271 : vector<64x128xi1> to vector<64x128xi32>
    %reduce_sum3A_1273 = vector.shape_cast %convert_element_type3A_1272 : vector<64x128xi32> to vector<1x64x128xi32>
    %reduce_sum3A_1274 = arith.constant dense<0> : vector<1xi32>
    %reduce_sum3A_1275 = vector.multi_reduction <add>, %reduce_sum3A_1273, %reduce_sum3A_1274 [1, 2] : vector<1x64x128xi32> to vector<1xi32>
    %reduce_sum3A_1276 = vector.shape_cast %reduce_sum3A_1275 : vector<1xi32> to vector<1x1x1xi32>
    %reduce_sum3A_1277 = vector.extract %reduce_sum3A_1276[0, 0, 0] : i32 from vector<1x1x1xi32>
    %ge3A_1278 = arith.constant 5734 : i32
    %ge3A_1279 = arith.cmpi sge, %reduce_sum3A_1277, %ge3A_1278 : i32
    %select_n3A_1280 = arith.select %ge3A_1279, %or3A_1267, %select_n3A_1265 : i32
    %or3A_1281 = arith.constant 262144 : i32
    %or3A_1282 = arith.ori %select_n3A_1280, %or3A_1281 : i32
    %xor3A_1283 = arith.constant -2147483648 : i32
    %xor3A_1284 = arith.xori %or3A_1282, %xor3A_1283 : i32
    %ge3A_1285 = vector.broadcast %xor3A_1284 : i32 to vector<64x128xi32>
    %ge3A_1286 = arith.cmpi sge, %slice3A_1083, %ge3A_1285 : vector<64x128xi32>
    %convert_element_type3A_1287 = arith.extui %ge3A_1286 : vector<64x128xi1> to vector<64x128xi32>
    %reduce_sum3A_1288 = vector.shape_cast %convert_element_type3A_1287 : vector<64x128xi32> to vector<1x64x128xi32>
    %reduce_sum3A_1289 = arith.constant dense<0> : vector<1xi32>
    %reduce_sum3A_1290 = vector.multi_reduction <add>, %reduce_sum3A_1288, %reduce_sum3A_1289 [1, 2] : vector<1x64x128xi32> to vector<1xi32>
    %reduce_sum3A_1291 = vector.shape_cast %reduce_sum3A_1290 : vector<1xi32> to vector<1x1x1xi32>
    %reduce_sum3A_1292 = vector.extract %reduce_sum3A_1291[0, 0, 0] : i32 from vector<1x1x1xi32>
    %ge3A_1293 = arith.constant 5734 : i32
    %ge3A_1294 = arith.cmpi sge, %reduce_sum3A_1292, %ge3A_1293 : i32
    %select_n3A_1295 = arith.select %ge3A_1294, %or3A_1282, %select_n3A_1280 : i32
    %or3A_1296 = arith.constant 131072 : i32
    %or3A_1297 = arith.ori %select_n3A_1295, %or3A_1296 : i32
    %xor3A_1298 = arith.constant -2147483648 : i32
    %xor3A_1299 = arith.xori %or3A_1297, %xor3A_1298 : i32
    %ge3A_1300 = vector.broadcast %xor3A_1299 : i32 to vector<64x128xi32>
    %ge3A_1301 = arith.cmpi sge, %slice3A_1083, %ge3A_1300 : vector<64x128xi32>
    %convert_element_type3A_1302 = arith.extui %ge3A_1301 : vector<64x128xi1> to vector<64x128xi32>
    %reduce_sum3A_1303 = vector.shape_cast %convert_element_type3A_1302 : vector<64x128xi32> to vector<1x64x128xi32>
    %reduce_sum3A_1304 = arith.constant dense<0> : vector<1xi32>
    %reduce_sum3A_1305 = vector.multi_reduction <add>, %reduce_sum3A_1303, %reduce_sum3A_1304 [1, 2] : vector<1x64x128xi32> to vector<1xi32>
    %reduce_sum3A_1306 = vector.shape_cast %reduce_sum3A_1305 : vector<1xi32> to vector<1x1x1xi32>
    %reduce_sum3A_1307 = vector.extract %reduce_sum3A_1306[0, 0, 0] : i32 from vector<1x1x1xi32>
    %ge3A_1308 = arith.constant 5734 : i32
    %ge3A_1309 = arith.cmpi sge, %reduce_sum3A_1307, %ge3A_1308 : i32
    %select_n3A_1310 = arith.select %ge3A_1309, %or3A_1297, %select_n3A_1295 : i32
    %or3A_1311 = arith.constant 65536 : i32
    %or3A_1312 = arith.ori %select_n3A_1310, %or3A_1311 : i32
    %xor3A_1313 = arith.constant -2147483648 : i32
    %xor3A_1314 = arith.xori %or3A_1312, %xor3A_1313 : i32
    %ge3A_1315 = vector.broadcast %xor3A_1314 : i32 to vector<64x128xi32>
    %ge3A_1316 = arith.cmpi sge, %slice3A_1083, %ge3A_1315 : vector<64x128xi32>
    %convert_element_type3A_1317 = arith.extui %ge3A_1316 : vector<64x128xi1> to vector<64x128xi32>
    %reduce_sum3A_1318 = vector.shape_cast %convert_element_type3A_1317 : vector<64x128xi32> to vector<1x64x128xi32>
    %reduce_sum3A_1319 = arith.constant dense<0> : vector<1xi32>
    %reduce_sum3A_1320 = vector.multi_reduction <add>, %reduce_sum3A_1318, %reduce_sum3A_1319 [1, 2] : vector<1x64x128xi32> to vector<1xi32>
    %reduce_sum3A_1321 = vector.shape_cast %reduce_sum3A_1320 : vector<1xi32> to vector<1x1x1xi32>
    %reduce_sum3A_1322 = vector.extract %reduce_sum3A_1321[0, 0, 0] : i32 from vector<1x1x1xi32>
    %ge3A_1323 = arith.constant 5734 : i32
    %ge3A_1324 = arith.cmpi sge, %reduce_sum3A_1322, %ge3A_1323 : i32
    %select_n3A_1325 = arith.select %ge3A_1324, %or3A_1312, %select_n3A_1310 : i32
    %or3A_1326 = arith.constant 32768 : i32
    %or3A_1327 = arith.ori %select_n3A_1325, %or3A_1326 : i32
    %xor3A_1328 = arith.constant -2147483648 : i32
    %xor3A_1329 = arith.xori %or3A_1327, %xor3A_1328 : i32
    %ge3A_1330 = vector.broadcast %xor3A_1329 : i32 to vector<64x128xi32>
    %ge3A_1331 = arith.cmpi sge, %slice3A_1083, %ge3A_1330 : vector<64x128xi32>
    %convert_element_type3A_1332 = arith.extui %ge3A_1331 : vector<64x128xi1> to vector<64x128xi32>
    %reduce_sum3A_1333 = vector.shape_cast %convert_element_type3A_1332 : vector<64x128xi32> to vector<1x64x128xi32>
    %reduce_sum3A_1334 = arith.constant dense<0> : vector<1xi32>
    %reduce_sum3A_1335 = vector.multi_reduction <add>, %reduce_sum3A_1333, %reduce_sum3A_1334 [1, 2] : vector<1x64x128xi32> to vector<1xi32>
    %reduce_sum3A_1336 = vector.shape_cast %reduce_sum3A_1335 : vector<1xi32> to vector<1x1x1xi32>
    %reduce_sum3A_1337 = vector.extract %reduce_sum3A_1336[0, 0, 0] : i32 from vector<1x1x1xi32>
    %ge3A_1338 = arith.constant 5734 : i32
    %ge3A_1339 = arith.cmpi sge, %reduce_sum3A_1337, %ge3A_1338 : i32
    %select_n3A_1340 = arith.select %ge3A_1339, %or3A_1327, %select_n3A_1325 : i32
    %or3A_1341 = arith.constant 16384 : i32
    %or3A_1342 = arith.ori %select_n3A_1340, %or3A_1341 : i32
    %xor3A_1343 = arith.constant -2147483648 : i32
    %xor3A_1344 = arith.xori %or3A_1342, %xor3A_1343 : i32
    %ge3A_1345 = vector.broadcast %xor3A_1344 : i32 to vector<64x128xi32>
    %ge3A_1346 = arith.cmpi sge, %slice3A_1083, %ge3A_1345 : vector<64x128xi32>
    %convert_element_type3A_1347 = arith.extui %ge3A_1346 : vector<64x128xi1> to vector<64x128xi32>
    %reduce_sum3A_1348 = vector.shape_cast %convert_element_type3A_1347 : vector<64x128xi32> to vector<1x64x128xi32>
    %reduce_sum3A_1349 = arith.constant dense<0> : vector<1xi32>
    %reduce_sum3A_1350 = vector.multi_reduction <add>, %reduce_sum3A_1348, %reduce_sum3A_1349 [1, 2] : vector<1x64x128xi32> to vector<1xi32>
    %reduce_sum3A_1351 = vector.shape_cast %reduce_sum3A_1350 : vector<1xi32> to vector<1x1x1xi32>
    %reduce_sum3A_1352 = vector.extract %reduce_sum3A_1351[0, 0, 0] : i32 from vector<1x1x1xi32>
    %ge3A_1353 = arith.constant 5734 : i32
    %ge3A_1354 = arith.cmpi sge, %reduce_sum3A_1352, %ge3A_1353 : i32
    %select_n3A_1355 = arith.select %ge3A_1354, %or3A_1342, %select_n3A_1340 : i32
    %or3A_1356 = arith.constant 8192 : i32
    %or3A_1357 = arith.ori %select_n3A_1355, %or3A_1356 : i32
    %xor3A_1358 = arith.constant -2147483648 : i32
    %xor3A_1359 = arith.xori %or3A_1357, %xor3A_1358 : i32
    %ge3A_1360 = vector.broadcast %xor3A_1359 : i32 to vector<64x128xi32>
    %ge3A_1361 = arith.cmpi sge, %slice3A_1083, %ge3A_1360 : vector<64x128xi32>
    %convert_element_type3A_1362 = arith.extui %ge3A_1361 : vector<64x128xi1> to vector<64x128xi32>
    %reduce_sum3A_1363 = vector.shape_cast %convert_element_type3A_1362 : vector<64x128xi32> to vector<1x64x128xi32>
    %reduce_sum3A_1364 = arith.constant dense<0> : vector<1xi32>
    %reduce_sum3A_1365 = vector.multi_reduction <add>, %reduce_sum3A_1363, %reduce_sum3A_1364 [1, 2] : vector<1x64x128xi32> to vector<1xi32>
    %reduce_sum3A_1366 = vector.shape_cast %reduce_sum3A_1365 : vector<1xi32> to vector<1x1x1xi32>
    %reduce_sum3A_1367 = vector.extract %reduce_sum3A_1366[0, 0, 0] : i32 from vector<1x1x1xi32>
    %ge3A_1368 = arith.constant 5734 : i32
    %ge3A_1369 = arith.cmpi sge, %reduce_sum3A_1367, %ge3A_1368 : i32
    %select_n3A_1370 = arith.select %ge3A_1369, %or3A_1357, %select_n3A_1355 : i32
    %or3A_1371 = arith.constant 4096 : i32
    %or3A_1372 = arith.ori %select_n3A_1370, %or3A_1371 : i32
    %xor3A_1373 = arith.constant -2147483648 : i32
    %xor3A_1374 = arith.xori %or3A_1372, %xor3A_1373 : i32
    %ge3A_1375 = vector.broadcast %xor3A_1374 : i32 to vector<64x128xi32>
    %ge3A_1376 = arith.cmpi sge, %slice3A_1083, %ge3A_1375 : vector<64x128xi32>
    %convert_element_type3A_1377 = arith.extui %ge3A_1376 : vector<64x128xi1> to vector<64x128xi32>
    %reduce_sum3A_1378 = vector.shape_cast %convert_element_type3A_1377 : vector<64x128xi32> to vector<1x64x128xi32>
    %reduce_sum3A_1379 = arith.constant dense<0> : vector<1xi32>
    %reduce_sum3A_1380 = vector.multi_reduction <add>, %reduce_sum3A_1378, %reduce_sum3A_1379 [1, 2] : vector<1x64x128xi32> to vector<1xi32>
    %reduce_sum3A_1381 = vector.shape_cast %reduce_sum3A_1380 : vector<1xi32> to vector<1x1x1xi32>
    %reduce_sum3A_1382 = vector.extract %reduce_sum3A_1381[0, 0, 0] : i32 from vector<1x1x1xi32>
    %ge3A_1383 = arith.constant 5734 : i32
    %ge3A_1384 = arith.cmpi sge, %reduce_sum3A_1382, %ge3A_1383 : i32
    %select_n3A_1385 = arith.select %ge3A_1384, %or3A_1372, %select_n3A_1370 : i32
    %or3A_1386 = arith.constant 2048 : i32
    %or3A_1387 = arith.ori %select_n3A_1385, %or3A_1386 : i32
    %xor3A_1388 = arith.constant -2147483648 : i32
    %xor3A_1389 = arith.xori %or3A_1387, %xor3A_1388 : i32
    %ge3A_1390 = vector.broadcast %xor3A_1389 : i32 to vector<64x128xi32>
    %ge3A_1391 = arith.cmpi sge, %slice3A_1083, %ge3A_1390 : vector<64x128xi32>
    %convert_element_type3A_1392 = arith.extui %ge3A_1391 : vector<64x128xi1> to vector<64x128xi32>
    %reduce_sum3A_1393 = vector.shape_cast %convert_element_type3A_1392 : vector<64x128xi32> to vector<1x64x128xi32>
    %reduce_sum3A_1394 = arith.constant dense<0> : vector<1xi32>
    %reduce_sum3A_1395 = vector.multi_reduction <add>, %reduce_sum3A_1393, %reduce_sum3A_1394 [1, 2] : vector<1x64x128xi32> to vector<1xi32>
    %reduce_sum3A_1396 = vector.shape_cast %reduce_sum3A_1395 : vector<1xi32> to vector<1x1x1xi32>
    %reduce_sum3A_1397 = vector.extract %reduce_sum3A_1396[0, 0, 0] : i32 from vector<1x1x1xi32>
    %ge3A_1398 = arith.constant 5734 : i32
    %ge3A_1399 = arith.cmpi sge, %reduce_sum3A_1397, %ge3A_1398 : i32
    %select_n3A_1400 = arith.select %ge3A_1399, %or3A_1387, %select_n3A_1385 : i32
    %or3A_1401 = arith.constant 1024 : i32
    %or3A_1402 = arith.ori %select_n3A_1400, %or3A_1401 : i32
    %xor3A_1403 = arith.constant -2147483648 : i32
    %xor3A_1404 = arith.xori %or3A_1402, %xor3A_1403 : i32
    %ge3A_1405 = vector.broadcast %xor3A_1404 : i32 to vector<64x128xi32>
    %ge3A_1406 = arith.cmpi sge, %slice3A_1083, %ge3A_1405 : vector<64x128xi32>
    %convert_element_type3A_1407 = arith.extui %ge3A_1406 : vector<64x128xi1> to vector<64x128xi32>
    %reduce_sum3A_1408 = vector.shape_cast %convert_element_type3A_1407 : vector<64x128xi32> to vector<1x64x128xi32>
    %reduce_sum3A_1409 = arith.constant dense<0> : vector<1xi32>
    %reduce_sum3A_1410 = vector.multi_reduction <add>, %reduce_sum3A_1408, %reduce_sum3A_1409 [1, 2] : vector<1x64x128xi32> to vector<1xi32>
    %reduce_sum3A_1411 = vector.shape_cast %reduce_sum3A_1410 : vector<1xi32> to vector<1x1x1xi32>
    %reduce_sum3A_1412 = vector.extract %reduce_sum3A_1411[0, 0, 0] : i32 from vector<1x1x1xi32>
    %ge3A_1413 = arith.constant 5734 : i32
    %ge3A_1414 = arith.cmpi sge, %reduce_sum3A_1412, %ge3A_1413 : i32
    %select_n3A_1415 = arith.select %ge3A_1414, %or3A_1402, %select_n3A_1400 : i32
    %or3A_1416 = arith.constant 512 : i32
    %or3A_1417 = arith.ori %select_n3A_1415, %or3A_1416 : i32
    %xor3A_1418 = arith.constant -2147483648 : i32
    %xor3A_1419 = arith.xori %or3A_1417, %xor3A_1418 : i32
    %ge3A_1420 = vector.broadcast %xor3A_1419 : i32 to vector<64x128xi32>
    %ge3A_1421 = arith.cmpi sge, %slice3A_1083, %ge3A_1420 : vector<64x128xi32>
    %convert_element_type3A_1422 = arith.extui %ge3A_1421 : vector<64x128xi1> to vector<64x128xi32>
    %reduce_sum3A_1423 = vector.shape_cast %convert_element_type3A_1422 : vector<64x128xi32> to vector<1x64x128xi32>
    %reduce_sum3A_1424 = arith.constant dense<0> : vector<1xi32>
    %reduce_sum3A_1425 = vector.multi_reduction <add>, %reduce_sum3A_1423, %reduce_sum3A_1424 [1, 2] : vector<1x64x128xi32> to vector<1xi32>
    %reduce_sum3A_1426 = vector.shape_cast %reduce_sum3A_1425 : vector<1xi32> to vector<1x1x1xi32>
    %reduce_sum3A_1427 = vector.extract %reduce_sum3A_1426[0, 0, 0] : i32 from vector<1x1x1xi32>
    %ge3A_1428 = arith.constant 5734 : i32
    %ge3A_1429 = arith.cmpi sge, %reduce_sum3A_1427, %ge3A_1428 : i32
    %select_n3A_1430 = arith.select %ge3A_1429, %or3A_1417, %select_n3A_1415 : i32
    %or3A_1431 = arith.constant 256 : i32
    %or3A_1432 = arith.ori %select_n3A_1430, %or3A_1431 : i32
    %xor3A_1433 = arith.constant -2147483648 : i32
    %xor3A_1434 = arith.xori %or3A_1432, %xor3A_1433 : i32
    %ge3A_1435 = vector.broadcast %xor3A_1434 : i32 to vector<64x128xi32>
    %ge3A_1436 = arith.cmpi sge, %slice3A_1083, %ge3A_1435 : vector<64x128xi32>
    %convert_element_type3A_1437 = arith.extui %ge3A_1436 : vector<64x128xi1> to vector<64x128xi32>
    %reduce_sum3A_1438 = vector.shape_cast %convert_element_type3A_1437 : vector<64x128xi32> to vector<1x64x128xi32>
    %reduce_sum3A_1439 = arith.constant dense<0> : vector<1xi32>
    %reduce_sum3A_1440 = vector.multi_reduction <add>, %reduce_sum3A_1438, %reduce_sum3A_1439 [1, 2] : vector<1x64x128xi32> to vector<1xi32>
    %reduce_sum3A_1441 = vector.shape_cast %reduce_sum3A_1440 : vector<1xi32> to vector<1x1x1xi32>
    %reduce_sum3A_1442 = vector.extract %reduce_sum3A_1441[0, 0, 0] : i32 from vector<1x1x1xi32>
    %ge3A_1443 = arith.constant 5734 : i32
    %ge3A_1444 = arith.cmpi sge, %reduce_sum3A_1442, %ge3A_1443 : i32
    %select_n3A_1445 = arith.select %ge3A_1444, %or3A_1432, %select_n3A_1430 : i32
    %or3A_1446 = arith.constant 128 : i32
    %or3A_1447 = arith.ori %select_n3A_1445, %or3A_1446 : i32
    %xor3A_1448 = arith.constant -2147483648 : i32
    %xor3A_1449 = arith.xori %or3A_1447, %xor3A_1448 : i32
    %ge3A_1450 = vector.broadcast %xor3A_1449 : i32 to vector<64x128xi32>
    %ge3A_1451 = arith.cmpi sge, %slice3A_1083, %ge3A_1450 : vector<64x128xi32>
    %convert_element_type3A_1452 = arith.extui %ge3A_1451 : vector<64x128xi1> to vector<64x128xi32>
    %reduce_sum3A_1453 = vector.shape_cast %convert_element_type3A_1452 : vector<64x128xi32> to vector<1x64x128xi32>
    %reduce_sum3A_1454 = arith.constant dense<0> : vector<1xi32>
    %reduce_sum3A_1455 = vector.multi_reduction <add>, %reduce_sum3A_1453, %reduce_sum3A_1454 [1, 2] : vector<1x64x128xi32> to vector<1xi32>
    %reduce_sum3A_1456 = vector.shape_cast %reduce_sum3A_1455 : vector<1xi32> to vector<1x1x1xi32>
    %reduce_sum3A_1457 = vector.extract %reduce_sum3A_1456[0, 0, 0] : i32 from vector<1x1x1xi32>
    %ge3A_1458 = arith.constant 5734 : i32
    %ge3A_1459 = arith.cmpi sge, %reduce_sum3A_1457, %ge3A_1458 : i32
    %select_n3A_1460 = arith.select %ge3A_1459, %or3A_1447, %select_n3A_1445 : i32
    %or3A_1461 = arith.constant 64 : i32
    %or3A_1462 = arith.ori %select_n3A_1460, %or3A_1461 : i32
    %xor3A_1463 = arith.constant -2147483648 : i32
    %xor3A_1464 = arith.xori %or3A_1462, %xor3A_1463 : i32
    %ge3A_1465 = vector.broadcast %xor3A_1464 : i32 to vector<64x128xi32>
    %ge3A_1466 = arith.cmpi sge, %slice3A_1083, %ge3A_1465 : vector<64x128xi32>
    %convert_element_type3A_1467 = arith.extui %ge3A_1466 : vector<64x128xi1> to vector<64x128xi32>
    %reduce_sum3A_1468 = vector.shape_cast %convert_element_type3A_1467 : vector<64x128xi32> to vector<1x64x128xi32>
    %reduce_sum3A_1469 = arith.constant dense<0> : vector<1xi32>
    %reduce_sum3A_1470 = vector.multi_reduction <add>, %reduce_sum3A_1468, %reduce_sum3A_1469 [1, 2] : vector<1x64x128xi32> to vector<1xi32>
    %reduce_sum3A_1471 = vector.shape_cast %reduce_sum3A_1470 : vector<1xi32> to vector<1x1x1xi32>
    %reduce_sum3A_1472 = vector.extract %reduce_sum3A_1471[0, 0, 0] : i32 from vector<1x1x1xi32>
    %ge3A_1473 = arith.constant 5734 : i32
    %ge3A_1474 = arith.cmpi sge, %reduce_sum3A_1472, %ge3A_1473 : i32
    %select_n3A_1475 = arith.select %ge3A_1474, %or3A_1462, %select_n3A_1460 : i32
    %or3A_1476 = arith.constant 32 : i32
    %or3A_1477 = arith.ori %select_n3A_1475, %or3A_1476 : i32
    %xor3A_1478 = arith.constant -2147483648 : i32
    %xor3A_1479 = arith.xori %or3A_1477, %xor3A_1478 : i32
    %ge3A_1480 = vector.broadcast %xor3A_1479 : i32 to vector<64x128xi32>
    %ge3A_1481 = arith.cmpi sge, %slice3A_1083, %ge3A_1480 : vector<64x128xi32>
    %convert_element_type3A_1482 = arith.extui %ge3A_1481 : vector<64x128xi1> to vector<64x128xi32>
    %reduce_sum3A_1483 = vector.shape_cast %convert_element_type3A_1482 : vector<64x128xi32> to vector<1x64x128xi32>
    %reduce_sum3A_1484 = arith.constant dense<0> : vector<1xi32>
    %reduce_sum3A_1485 = vector.multi_reduction <add>, %reduce_sum3A_1483, %reduce_sum3A_1484 [1, 2] : vector<1x64x128xi32> to vector<1xi32>
    %reduce_sum3A_1486 = vector.shape_cast %reduce_sum3A_1485 : vector<1xi32> to vector<1x1x1xi32>
    %reduce_sum3A_1487 = vector.extract %reduce_sum3A_1486[0, 0, 0] : i32 from vector<1x1x1xi32>
    %ge3A_1488 = arith.constant 5734 : i32
    %ge3A_1489 = arith.cmpi sge, %reduce_sum3A_1487, %ge3A_1488 : i32
    %select_n3A_1490 = arith.select %ge3A_1489, %or3A_1477, %select_n3A_1475 : i32
    %or3A_1491 = arith.constant 16 : i32
    %or3A_1492 = arith.ori %select_n3A_1490, %or3A_1491 : i32
    %xor3A_1493 = arith.constant -2147483648 : i32
    %xor3A_1494 = arith.xori %or3A_1492, %xor3A_1493 : i32
    %ge3A_1495 = vector.broadcast %xor3A_1494 : i32 to vector<64x128xi32>
    %ge3A_1496 = arith.cmpi sge, %slice3A_1083, %ge3A_1495 : vector<64x128xi32>
    %convert_element_type3A_1497 = arith.extui %ge3A_1496 : vector<64x128xi1> to vector<64x128xi32>
    %reduce_sum3A_1498 = vector.shape_cast %convert_element_type3A_1497 : vector<64x128xi32> to vector<1x64x128xi32>
    %reduce_sum3A_1499 = arith.constant dense<0> : vector<1xi32>
    %reduce_sum3A_1500 = vector.multi_reduction <add>, %reduce_sum3A_1498, %reduce_sum3A_1499 [1, 2] : vector<1x64x128xi32> to vector<1xi32>
    %reduce_sum3A_1501 = vector.shape_cast %reduce_sum3A_1500 : vector<1xi32> to vector<1x1x1xi32>
    %reduce_sum3A_1502 = vector.extract %reduce_sum3A_1501[0, 0, 0] : i32 from vector<1x1x1xi32>
    %ge3A_1503 = arith.constant 5734 : i32
    %ge3A_1504 = arith.cmpi sge, %reduce_sum3A_1502, %ge3A_1503 : i32
    %select_n3A_1505 = arith.select %ge3A_1504, %or3A_1492, %select_n3A_1490 : i32
    %or3A_1506 = arith.constant 8 : i32
    %or3A_1507 = arith.ori %select_n3A_1505, %or3A_1506 : i32
    %xor3A_1508 = arith.constant -2147483648 : i32
    %xor3A_1509 = arith.xori %or3A_1507, %xor3A_1508 : i32
    %ge3A_1510 = vector.broadcast %xor3A_1509 : i32 to vector<64x128xi32>
    %ge3A_1511 = arith.cmpi sge, %slice3A_1083, %ge3A_1510 : vector<64x128xi32>
    %convert_element_type3A_1512 = arith.extui %ge3A_1511 : vector<64x128xi1> to vector<64x128xi32>
    %reduce_sum3A_1513 = vector.shape_cast %convert_element_type3A_1512 : vector<64x128xi32> to vector<1x64x128xi32>
    %reduce_sum3A_1514 = arith.constant dense<0> : vector<1xi32>
    %reduce_sum3A_1515 = vector.multi_reduction <add>, %reduce_sum3A_1513, %reduce_sum3A_1514 [1, 2] : vector<1x64x128xi32> to vector<1xi32>
    %reduce_sum3A_1516 = vector.shape_cast %reduce_sum3A_1515 : vector<1xi32> to vector<1x1x1xi32>
    %reduce_sum3A_1517 = vector.extract %reduce_sum3A_1516[0, 0, 0] : i32 from vector<1x1x1xi32>
    %ge3A_1518 = arith.constant 5734 : i32
    %ge3A_1519 = arith.cmpi sge, %reduce_sum3A_1517, %ge3A_1518 : i32
    %select_n3A_1520 = arith.select %ge3A_1519, %or3A_1507, %select_n3A_1505 : i32
    %or3A_1521 = arith.constant 4 : i32
    %or3A_1522 = arith.ori %select_n3A_1520, %or3A_1521 : i32
    %xor3A_1523 = arith.constant -2147483648 : i32
    %xor3A_1524 = arith.xori %or3A_1522, %xor3A_1523 : i32
    %ge3A_1525 = vector.broadcast %xor3A_1524 : i32 to vector<64x128xi32>
    %ge3A_1526 = arith.cmpi sge, %slice3A_1083, %ge3A_1525 : vector<64x128xi32>
    %convert_element_type3A_1527 = arith.extui %ge3A_1526 : vector<64x128xi1> to vector<64x128xi32>
    %reduce_sum3A_1528 = vector.shape_cast %convert_element_type3A_1527 : vector<64x128xi32> to vector<1x64x128xi32>
    %reduce_sum3A_1529 = arith.constant dense<0> : vector<1xi32>
    %reduce_sum3A_1530 = vector.multi_reduction <add>, %reduce_sum3A_1528, %reduce_sum3A_1529 [1, 2] : vector<1x64x128xi32> to vector<1xi32>
    %reduce_sum3A_1531 = vector.shape_cast %reduce_sum3A_1530 : vector<1xi32> to vector<1x1x1xi32>
    %reduce_sum3A_1532 = vector.extract %reduce_sum3A_1531[0, 0, 0] : i32 from vector<1x1x1xi32>
    %ge3A_1533 = arith.constant 5734 : i32
    %ge3A_1534 = arith.cmpi sge, %reduce_sum3A_1532, %ge3A_1533 : i32
    %select_n3A_1535 = arith.select %ge3A_1534, %or3A_1522, %select_n3A_1520 : i32
    %or3A_1536 = arith.constant 2 : i32
    %or3A_1537 = arith.ori %select_n3A_1535, %or3A_1536 : i32
    %xor3A_1538 = arith.constant -2147483648 : i32
    %xor3A_1539 = arith.xori %or3A_1537, %xor3A_1538 : i32
    %ge3A_1540 = vector.broadcast %xor3A_1539 : i32 to vector<64x128xi32>
    %ge3A_1541 = arith.cmpi sge, %slice3A_1083, %ge3A_1540 : vector<64x128xi32>
    %convert_element_type3A_1542 = arith.extui %ge3A_1541 : vector<64x128xi1> to vector<64x128xi32>
    %reduce_sum3A_1543 = vector.shape_cast %convert_element_type3A_1542 : vector<64x128xi32> to vector<1x64x128xi32>
    %reduce_sum3A_1544 = arith.constant dense<0> : vector<1xi32>
    %reduce_sum3A_1545 = vector.multi_reduction <add>, %reduce_sum3A_1543, %reduce_sum3A_1544 [1, 2] : vector<1x64x128xi32> to vector<1xi32>
    %reduce_sum3A_1546 = vector.shape_cast %reduce_sum3A_1545 : vector<1xi32> to vector<1x1x1xi32>
    %reduce_sum3A_1547 = vector.extract %reduce_sum3A_1546[0, 0, 0] : i32 from vector<1x1x1xi32>
    %ge3A_1548 = arith.constant 5734 : i32
    %ge3A_1549 = arith.cmpi sge, %reduce_sum3A_1547, %ge3A_1548 : i32
    %select_n3A_1550 = arith.select %ge3A_1549, %or3A_1537, %select_n3A_1535 : i32
    %or3A_1551 = arith.constant 1 : i32
    %or3A_1552 = arith.ori %select_n3A_1550, %or3A_1551 : i32
    %xor3A_1553 = arith.constant -2147483648 : i32
    %xor3A_1554 = arith.xori %or3A_1552, %xor3A_1553 : i32
    %ge3A_1555 = vector.broadcast %xor3A_1554 : i32 to vector<64x128xi32>
    %ge3A_1556 = arith.cmpi sge, %slice3A_1083, %ge3A_1555 : vector<64x128xi32>
    %convert_element_type3A_1557 = arith.extui %ge3A_1556 : vector<64x128xi1> to vector<64x128xi32>
    %reduce_sum3A_1558 = vector.shape_cast %convert_element_type3A_1557 : vector<64x128xi32> to vector<1x64x128xi32>
    %reduce_sum3A_1559 = arith.constant dense<0> : vector<1xi32>
    %reduce_sum3A_1560 = vector.multi_reduction <add>, %reduce_sum3A_1558, %reduce_sum3A_1559 [1, 2] : vector<1x64x128xi32> to vector<1xi32>
    %reduce_sum3A_1561 = vector.shape_cast %reduce_sum3A_1560 : vector<1xi32> to vector<1x1x1xi32>
    %reduce_sum3A_1562 = vector.extract %reduce_sum3A_1561[0, 0, 0] : i32 from vector<1x1x1xi32>
    %ge3A_1563 = arith.constant 5734 : i32
    %ge3A_1564 = arith.cmpi sge, %reduce_sum3A_1562, %ge3A_1563 : i32
    %select_n3A_1565 = arith.select %ge3A_1564, %or3A_1552, %select_n3A_1550 : i32
    %xor3A_1566 = arith.constant -2147483648 : i32
    %xor3A_1567 = arith.xori %select_n3A_1565, %xor3A_1566 : i32
    %gt3A_1568 = vector.broadcast %xor3A_1567 : i32 to vector<64x128xi32>
    %gt3A_1569 = arith.cmpi sgt, %slice3A_1083, %gt3A_1568 : vector<64x128xi32>
    %eq3A_1570 = vector.broadcast %xor3A_1567 : i32 to vector<64x128xi32>
    %eq3A_1571 = arith.cmpi eq, %slice3A_1083, %eq3A_1570 : vector<64x128xi32>
    %convert_element_type3A_1572 = arith.extui %gt3A_1569 : vector<64x128xi1> to vector<64x128xi32>
    %reduce_sum3A_1573 = vector.shape_cast %convert_element_type3A_1572 : vector<64x128xi32> to vector<1x64x128xi32>
    %reduce_sum3A_1574 = arith.constant dense<0> : vector<1xi32>
    %reduce_sum3A_1575 = vector.multi_reduction <add>, %reduce_sum3A_1573, %reduce_sum3A_1574 [1, 2] : vector<1x64x128xi32> to vector<1xi32>
    %reduce_sum3A_1576 = vector.shape_cast %reduce_sum3A_1575 : vector<1xi32> to vector<1x1x1xi32>
    %reduce_sum3A_1577 = vector.extract %reduce_sum3A_1576[0, 0, 0] : i32 from vector<1x1x1xi32>
    %sub3A_1578 = arith.constant 5734 : i32
    %sub3A_1579 = arith.subi %sub3A_1578, %reduce_sum3A_1577 : i32
    %convert_element_type3A_1580 = arith.sitofp %sub3A_1579 : i32 to f32
    %convert_element_type3A_1581 = arith.extui %eq3A_1571 : vector<64x128xi1> to vector<64x128xi32>
    %convert_element_type3A_1582 = arith.sitofp %convert_element_type3A_1581 : vector<64x128xi32> to vector<64x128xf32>
    %iota3A_1583 = tpu.iota {dimensions = array<i32: 0>} : vector<128x128xi32>
    %iota3A_1584 = tpu.iota {dimensions = array<i32: 1>} : vector<128x128xi32>
    %le3A_1585 = arith.cmpi sle, %iota3A_1583, %iota3A_1584 : vector<128x128xi32>
    %convert_element_type3A_1586 = arith.extui %le3A_1585 : vector<128x128xi1> to vector<128x128xi32>
    %convert_element_type3A_1587 = arith.sitofp %convert_element_type3A_1586 : vector<128x128xi32> to vector<128x128xf32>
    %dot_general3A_1588 = arith.constant dense<0.000000e+00> : vector<64x128xf32>
    %dot_general3A_1589 = tpu.matmul %convert_element_type3A_1582, %convert_element_type3A_1587, %dot_general3A_1588 {dimension_numbers = #tpu.dot_dimension_numbers<[1], [0], [0], [1], [0, 0, 1, 1], [], []>, precision = #tpu.contract_precision<fp32>, transpose_lhs_hint = false} : vector<64x128xf32>, vector<128x128xf32>, vector<64x128xf32> -> vector<64x128xf32>
    %slice3A_1590 = vector.extract_strided_slice %dot_general3A_1589 {offsets = [0, 127], sizes = [64, 1], strides = [1, 1]} : vector<64x128xf32> to vector<64x1xf32>
    %broadcast_in_dim3A_1591 = vector.shape_cast %slice3A_1590 : vector<64x1xf32> to vector<64x1xf32>
    %broadcast_in_dim3A_1592 = vector.broadcast %broadcast_in_dim3A_1591 : vector<64x1xf32> to vector<64x128xf32>
    %iota3A_1593 = tpu.iota {dimensions = array<i32: 0>} : vector<64x64xi32>
    %iota3A_1594 = tpu.iota {dimensions = array<i32: 1>} : vector<64x64xi32>
    %lt3A_1595 = arith.cmpi slt, %iota3A_1594, %iota3A_1593 : vector<64x64xi32>
    %convert_element_type3A_1596 = arith.extui %lt3A_1595 : vector<64x64xi1> to vector<64x64xi32>
    %convert_element_type3A_1597 = arith.sitofp %convert_element_type3A_1596 : vector<64x64xi32> to vector<64x64xf32>
    %dot_general3A_1598 = arith.constant dense<0.000000e+00> : vector<64x128xf32>
    %dot_general3A_1599 = tpu.matmul %convert_element_type3A_1597, %broadcast_in_dim3A_1592, %dot_general3A_1598 {dimension_numbers = #tpu.dot_dimension_numbers<[1], [0], [0], [1], [0, 0, 1, 1], [], []>, precision = #tpu.contract_precision<fp32>, transpose_lhs_hint = false} : vector<64x64xf32>, vector<64x128xf32>, vector<64x128xf32> -> vector<64x128xf32>
    %add3A_1600 = arith.addf %dot_general3A_1589, %dot_general3A_1599 : vector<64x128xf32>
    %sub3A_1601 = arith.subf %add3A_1600, %convert_element_type3A_1582 : vector<64x128xf32>
    %lt3A_1602 = vector.broadcast %convert_element_type3A_1580 : f32 to vector<64x128xf32>
    %lt3A_1603 = arith.cmpf olt, %sub3A_1601, %lt3A_1602 : vector<64x128xf32>
    %and3A_1604 = arith.andi %eq3A_1571, %lt3A_1603 : vector<64x128xi1>
    %or3A_1605 = arith.ori %gt3A_1569, %and3A_1604 : vector<64x128xi1>
    %convert_element_type3A_1606 = arith.extui %or3A_1605 : vector<64x128xi1> to vector<64x128xi32>
    %convert_element_type3A_1607 = arith.sitofp %convert_element_type3A_1606 : vector<64x128xi32> to vector<64x128xf32>
    %iota3A_1608 = tpu.iota {dimensions = array<i32: 0>} : vector<128x128xi32>
    %iota3A_1609 = tpu.iota {dimensions = array<i32: 1>} : vector<128x128xi32>
    %le3A_1610 = arith.cmpi sle, %iota3A_1608, %iota3A_1609 : vector<128x128xi32>
    %convert_element_type3A_1611 = arith.extui %le3A_1610 : vector<128x128xi1> to vector<128x128xi32>
    %convert_element_type3A_1612 = arith.sitofp %convert_element_type3A_1611 : vector<128x128xi32> to vector<128x128xf32>
    %dot_general3A_1613 = arith.constant dense<0.000000e+00> : vector<64x128xf32>
    %dot_general3A_1614 = tpu.matmul %convert_element_type3A_1607, %convert_element_type3A_1612, %dot_general3A_1613 {dimension_numbers = #tpu.dot_dimension_numbers<[1], [0], [0], [1], [0, 0, 1, 1], [], []>, precision = #tpu.contract_precision<fp32>, transpose_lhs_hint = false} : vector<64x128xf32>, vector<128x128xf32>, vector<64x128xf32> -> vector<64x128xf32>
    %slice3A_1615 = vector.extract_strided_slice %dot_general3A_1614 {offsets = [0, 127], sizes = [64, 1], strides = [1, 1]} : vector<64x128xf32> to vector<64x1xf32>
    %broadcast_in_dim3A_1616 = vector.shape_cast %slice3A_1615 : vector<64x1xf32> to vector<64x1xf32>
    %broadcast_in_dim3A_1617 = vector.broadcast %broadcast_in_dim3A_1616 : vector<64x1xf32> to vector<64x128xf32>
    %iota3A_1618 = tpu.iota {dimensions = array<i32: 0>} : vector<64x64xi32>
    %iota3A_1619 = tpu.iota {dimensions = array<i32: 1>} : vector<64x64xi32>
    %lt3A_1620 = arith.cmpi slt, %iota3A_1619, %iota3A_1618 : vector<64x64xi32>
    %convert_element_type3A_1621 = arith.extui %lt3A_1620 : vector<64x64xi1> to vector<64x64xi32>
    %convert_element_type3A_1622 = arith.sitofp %convert_element_type3A_1621 : vector<64x64xi32> to vector<64x64xf32>
    %dot_general3A_1623 = arith.constant dense<0.000000e+00> : vector<64x128xf32>
    %dot_general3A_1624 = tpu.matmul %convert_element_type3A_1622, %broadcast_in_dim3A_1617, %dot_general3A_1623 {dimension_numbers = #tpu.dot_dimension_numbers<[1], [0], [0], [1], [0, 0, 1, 1], [], []>, precision = #tpu.contract_precision<fp32>, transpose_lhs_hint = false} : vector<64x64xf32>, vector<64x128xf32>, vector<64x128xf32> -> vector<64x128xf32>
    %add3A_1625 = arith.addf %dot_general3A_1614, %dot_general3A_1624 : vector<64x128xf32>
    %convert_element_type3A_1626 = arith.fptosi %add3A_1625 : vector<64x128xf32> to vector<64x128xi32>
    %swap3A_1627 = arith.constant 128 : index
    %swap3A_1628 = arith.constant 0 : index
    %swap3A_1629 = vector.load %arg1[%swap3A_1627, %swap3A_1628] : memref<256x128xi32, #tpu.memory_space<vmem>>, vector<64x128xi32>
    tpu.vector_store %arg1[%swap3A_1627, %swap3A_1628], %convert_element_type3A_1626 {strides = array<i32>} : memref<256x128xi32, #tpu.memory_space<vmem>>, vector<64x128xi32>,
    %slice3A_1630 = vector.extract_strided_slice %xor3A {offsets = [192, 0], sizes = [64, 128], strides = [1, 1]} : vector<256x128xi32> to vector<64x128xi32>
    %or3A_1631 = arith.constant 0 : i32
    %or3A_1632 = arith.constant -2147483648 : i32
    %or3A_1633 = arith.ori %or3A_1631, %or3A_1632 : i32
    %xor3A_1634 = arith.constant -2147483648 : i32
    %xor3A_1635 = arith.xori %or3A_1633, %xor3A_1634 : i32
    %ge3A_1636 = vector.broadcast %xor3A_1635 : i32 to vector<64x128xi32>
    %ge3A_1637 = arith.cmpi sge, %slice3A_1630, %ge3A_1636 : vector<64x128xi32>
    %convert_element_type3A_1638 = arith.extui %ge3A_1637 : vector<64x128xi1> to vector<64x128xi32>
    %reduce_sum3A_1639 = vector.shape_cast %convert_element_type3A_1638 : vector<64x128xi32> to vector<1x64x128xi32>
    %reduce_sum3A_1640 = arith.constant dense<0> : vector<1xi32>
    %reduce_sum3A_1641 = vector.multi_reduction <add>, %reduce_sum3A_1639, %reduce_sum3A_1640 [1, 2] : vector<1x64x128xi32> to vector<1xi32>
    %reduce_sum3A_1642 = vector.shape_cast %reduce_sum3A_1641 : vector<1xi32> to vector<1x1x1xi32>
    %reduce_sum3A_1643 = vector.extract %reduce_sum3A_1642[0, 0, 0] : i32 from vector<1x1x1xi32>
    %ge3A_1644 = arith.constant 5734 : i32
    %ge3A_1645 = arith.cmpi sge, %reduce_sum3A_1643, %ge3A_1644 : i32
    %jit3A_1646 = arith.constant 0 : i32
    %select_n3A_1647 = arith.select %ge3A_1645, %or3A_1633, %jit3A_1646 : i32
    %or3A_1648 = arith.constant 1073741824 : i32
    %or3A_1649 = arith.ori %select_n3A_1647, %or3A_1648 : i32
    %xor3A_1650 = arith.constant -2147483648 : i32
    %xor3A_1651 = arith.xori %or3A_1649, %xor3A_1650 : i32
    %ge3A_1652 = vector.broadcast %xor3A_1651 : i32 to vector<64x128xi32>
    %ge3A_1653 = arith.cmpi sge, %slice3A_1630, %ge3A_1652 : vector<64x128xi32>
    %convert_element_type3A_1654 = arith.extui %ge3A_1653 : vector<64x128xi1> to vector<64x128xi32>
    %reduce_sum3A_1655 = vector.shape_cast %convert_element_type3A_1654 : vector<64x128xi32> to vector<1x64x128xi32>
    %reduce_sum3A_1656 = arith.constant dense<0> : vector<1xi32>
    %reduce_sum3A_1657 = vector.multi_reduction <add>, %reduce_sum3A_1655, %reduce_sum3A_1656 [1, 2] : vector<1x64x128xi32> to vector<1xi32>
    %reduce_sum3A_1658 = vector.shape_cast %reduce_sum3A_1657 : vector<1xi32> to vector<1x1x1xi32>
    %reduce_sum3A_1659 = vector.extract %reduce_sum3A_1658[0, 0, 0] : i32 from vector<1x1x1xi32>
    %ge3A_1660 = arith.constant 5734 : i32
    %ge3A_1661 = arith.cmpi sge, %reduce_sum3A_1659, %ge3A_1660 : i32
    %select_n3A_1662 = arith.select %ge3A_1661, %or3A_1649, %select_n3A_1647 : i32
    %or3A_1663 = arith.constant 536870912 : i32
    %or3A_1664 = arith.ori %select_n3A_1662, %or3A_1663 : i32
    %xor3A_1665 = arith.constant -2147483648 : i32
    %xor3A_1666 = arith.xori %or3A_1664, %xor3A_1665 : i32
    %ge3A_1667 = vector.broadcast %xor3A_1666 : i32 to vector<64x128xi32>
    %ge3A_1668 = arith.cmpi sge, %slice3A_1630, %ge3A_1667 : vector<64x128xi32>
    %convert_element_type3A_1669 = arith.extui %ge3A_1668 : vector<64x128xi1> to vector<64x128xi32>
    %reduce_sum3A_1670 = vector.shape_cast %convert_element_type3A_1669 : vector<64x128xi32> to vector<1x64x128xi32>
    %reduce_sum3A_1671 = arith.constant dense<0> : vector<1xi32>
    %reduce_sum3A_1672 = vector.multi_reduction <add>, %reduce_sum3A_1670, %reduce_sum3A_1671 [1, 2] : vector<1x64x128xi32> to vector<1xi32>
    %reduce_sum3A_1673 = vector.shape_cast %reduce_sum3A_1672 : vector<1xi32> to vector<1x1x1xi32>
    %reduce_sum3A_1674 = vector.extract %reduce_sum3A_1673[0, 0, 0] : i32 from vector<1x1x1xi32>
    %ge3A_1675 = arith.constant 5734 : i32
    %ge3A_1676 = arith.cmpi sge, %reduce_sum3A_1674, %ge3A_1675 : i32
    %select_n3A_1677 = arith.select %ge3A_1676, %or3A_1664, %select_n3A_1662 : i32
    %or3A_1678 = arith.constant 268435456 : i32
    %or3A_1679 = arith.ori %select_n3A_1677, %or3A_1678 : i32
    %xor3A_1680 = arith.constant -2147483648 : i32
    %xor3A_1681 = arith.xori %or3A_1679, %xor3A_1680 : i32
    %ge3A_1682 = vector.broadcast %xor3A_1681 : i32 to vector<64x128xi32>
    %ge3A_1683 = arith.cmpi sge, %slice3A_1630, %ge3A_1682 : vector<64x128xi32>
    %convert_element_type3A_1684 = arith.extui %ge3A_1683 : vector<64x128xi1> to vector<64x128xi32>
    %reduce_sum3A_1685 = vector.shape_cast %convert_element_type3A_1684 : vector<64x128xi32> to vector<1x64x128xi32>
    %reduce_sum3A_1686 = arith.constant dense<0> : vector<1xi32>
    %reduce_sum3A_1687 = vector.multi_reduction <add>, %reduce_sum3A_1685, %reduce_sum3A_1686 [1, 2] : vector<1x64x128xi32> to vector<1xi32>
    %reduce_sum3A_1688 = vector.shape_cast %reduce_sum3A_1687 : vector<1xi32> to vector<1x1x1xi32>
    %reduce_sum3A_1689 = vector.extract %reduce_sum3A_1688[0, 0, 0] : i32 from vector<1x1x1xi32>
    %ge3A_1690 = arith.constant 5734 : i32
    %ge3A_1691 = arith.cmpi sge, %reduce_sum3A_1689, %ge3A_1690 : i32
    %select_n3A_1692 = arith.select %ge3A_1691, %or3A_1679, %select_n3A_1677 : i32
    %or3A_1693 = arith.constant 134217728 : i32
    %or3A_1694 = arith.ori %select_n3A_1692, %or3A_1693 : i32
    %xor3A_1695 = arith.constant -2147483648 : i32
    %xor3A_1696 = arith.xori %or3A_1694, %xor3A_1695 : i32
    %ge3A_1697 = vector.broadcast %xor3A_1696 : i32 to vector<64x128xi32>
    %ge3A_1698 = arith.cmpi sge, %slice3A_1630, %ge3A_1697 : vector<64x128xi32>
    %convert_element_type3A_1699 = arith.extui %ge3A_1698 : vector<64x128xi1> to vector<64x128xi32>
    %reduce_sum3A_1700 = vector.shape_cast %convert_element_type3A_1699 : vector<64x128xi32> to vector<1x64x128xi32>
    %reduce_sum3A_1701 = arith.constant dense<0> : vector<1xi32>
    %reduce_sum3A_1702 = vector.multi_reduction <add>, %reduce_sum3A_1700, %reduce_sum3A_1701 [1, 2] : vector<1x64x128xi32> to vector<1xi32>
    %reduce_sum3A_1703 = vector.shape_cast %reduce_sum3A_1702 : vector<1xi32> to vector<1x1x1xi32>
    %reduce_sum3A_1704 = vector.extract %reduce_sum3A_1703[0, 0, 0] : i32 from vector<1x1x1xi32>
    %ge3A_1705 = arith.constant 5734 : i32
    %ge3A_1706 = arith.cmpi sge, %reduce_sum3A_1704, %ge3A_1705 : i32
    %select_n3A_1707 = arith.select %ge3A_1706, %or3A_1694, %select_n3A_1692 : i32
    %or3A_1708 = arith.constant 67108864 : i32
    %or3A_1709 = arith.ori %select_n3A_1707, %or3A_1708 : i32
    %xor3A_1710 = arith.constant -2147483648 : i32
    %xor3A_1711 = arith.xori %or3A_1709, %xor3A_1710 : i32
    %ge3A_1712 = vector.broadcast %xor3A_1711 : i32 to vector<64x128xi32>
    %ge3A_1713 = arith.cmpi sge, %slice3A_1630, %ge3A_1712 : vector<64x128xi32>
    %convert_element_type3A_1714 = arith.extui %ge3A_1713 : vector<64x128xi1> to vector<64x128xi32>
    %reduce_sum3A_1715 = vector.shape_cast %convert_element_type3A_1714 : vector<64x128xi32> to vector<1x64x128xi32>
    %reduce_sum3A_1716 = arith.constant dense<0> : vector<1xi32>
    %reduce_sum3A_1717 = vector.multi_reduction <add>, %reduce_sum3A_1715, %reduce_sum3A_1716 [1, 2] : vector<1x64x128xi32> to vector<1xi32>
    %reduce_sum3A_1718 = vector.shape_cast %reduce_sum3A_1717 : vector<1xi32> to vector<1x1x1xi32>
    %reduce_sum3A_1719 = vector.extract %reduce_sum3A_1718[0, 0, 0] : i32 from vector<1x1x1xi32>
    %ge3A_1720 = arith.constant 5734 : i32
    %ge3A_1721 = arith.cmpi sge, %reduce_sum3A_1719, %ge3A_1720 : i32
    %select_n3A_1722 = arith.select %ge3A_1721, %or3A_1709, %select_n3A_1707 : i32
    %or3A_1723 = arith.constant 33554432 : i32
    %or3A_1724 = arith.ori %select_n3A_1722, %or3A_1723 : i32
    %xor3A_1725 = arith.constant -2147483648 : i32
    %xor3A_1726 = arith.xori %or3A_1724, %xor3A_1725 : i32
    %ge3A_1727 = vector.broadcast %xor3A_1726 : i32 to vector<64x128xi32>
    %ge3A_1728 = arith.cmpi sge, %slice3A_1630, %ge3A_1727 : vector<64x128xi32>
    %convert_element_type3A_1729 = arith.extui %ge3A_1728 : vector<64x128xi1> to vector<64x128xi32>
    %reduce_sum3A_1730 = vector.shape_cast %convert_element_type3A_1729 : vector<64x128xi32> to vector<1x64x128xi32>
    %reduce_sum3A_1731 = arith.constant dense<0> : vector<1xi32>
    %reduce_sum3A_1732 = vector.multi_reduction <add>, %reduce_sum3A_1730, %reduce_sum3A_1731 [1, 2] : vector<1x64x128xi32> to vector<1xi32>
    %reduce_sum3A_1733 = vector.shape_cast %reduce_sum3A_1732 : vector<1xi32> to vector<1x1x1xi32>
    %reduce_sum3A_1734 = vector.extract %reduce_sum3A_1733[0, 0, 0] : i32 from vector<1x1x1xi32>
    %ge3A_1735 = arith.constant 5734 : i32
    %ge3A_1736 = arith.cmpi sge, %reduce_sum3A_1734, %ge3A_1735 : i32
    %select_n3A_1737 = arith.select %ge3A_1736, %or3A_1724, %select_n3A_1722 : i32
    %or3A_1738 = arith.constant 16777216 : i32
    %or3A_1739 = arith.ori %select_n3A_1737, %or3A_1738 : i32
    %xor3A_1740 = arith.constant -2147483648 : i32
    %xor3A_1741 = arith.xori %or3A_1739, %xor3A_1740 : i32
    %ge3A_1742 = vector.broadcast %xor3A_1741 : i32 to vector<64x128xi32>
    %ge3A_1743 = arith.cmpi sge, %slice3A_1630, %ge3A_1742 : vector<64x128xi32>
    %convert_element_type3A_1744 = arith.extui %ge3A_1743 : vector<64x128xi1> to vector<64x128xi32>
    %reduce_sum3A_1745 = vector.shape_cast %convert_element_type3A_1744 : vector<64x128xi32> to vector<1x64x128xi32>
    %reduce_sum3A_1746 = arith.constant dense<0> : vector<1xi32>
    %reduce_sum3A_1747 = vector.multi_reduction <add>, %reduce_sum3A_1745, %reduce_sum3A_1746 [1, 2] : vector<1x64x128xi32> to vector<1xi32>
    %reduce_sum3A_1748 = vector.shape_cast %reduce_sum3A_1747 : vector<1xi32> to vector<1x1x1xi32>
    %reduce_sum3A_1749 = vector.extract %reduce_sum3A_1748[0, 0, 0] : i32 from vector<1x1x1xi32>
    %ge3A_1750 = arith.constant 5734 : i32
    %ge3A_1751 = arith.cmpi sge, %reduce_sum3A_1749, %ge3A_1750 : i32
    %select_n3A_1752 = arith.select %ge3A_1751, %or3A_1739, %select_n3A_1737 : i32
    %or3A_1753 = arith.constant 8388608 : i32
    %or3A_1754 = arith.ori %select_n3A_1752, %or3A_1753 : i32
    %xor3A_1755 = arith.constant -2147483648 : i32
    %xor3A_1756 = arith.xori %or3A_1754, %xor3A_1755 : i32
    %ge3A_1757 = vector.broadcast %xor3A_1756 : i32 to vector<64x128xi32>
    %ge3A_1758 = arith.cmpi sge, %slice3A_1630, %ge3A_1757 : vector<64x128xi32>
    %convert_element_type3A_1759 = arith.extui %ge3A_1758 : vector<64x128xi1> to vector<64x128xi32>
    %reduce_sum3A_1760 = vector.shape_cast %convert_element_type3A_1759 : vector<64x128xi32> to vector<1x64x128xi32>
    %reduce_sum3A_1761 = arith.constant dense<0> : vector<1xi32>
    %reduce_sum3A_1762 = vector.multi_reduction <add>, %reduce_sum3A_1760, %reduce_sum3A_1761 [1, 2] : vector<1x64x128xi32> to vector<1xi32>
    %reduce_sum3A_1763 = vector.shape_cast %reduce_sum3A_1762 : vector<1xi32> to vector<1x1x1xi32>
    %reduce_sum3A_1764 = vector.extract %reduce_sum3A_1763[0, 0, 0] : i32 from vector<1x1x1xi32>
    %ge3A_1765 = arith.constant 5734 : i32
    %ge3A_1766 = arith.cmpi sge, %reduce_sum3A_1764, %ge3A_1765 : i32
    %select_n3A_1767 = arith.select %ge3A_1766, %or3A_1754, %select_n3A_1752 : i32
    %or3A_1768 = arith.constant 4194304 : i32
    %or3A_1769 = arith.ori %select_n3A_1767, %or3A_1768 : i32
    %xor3A_1770 = arith.constant -2147483648 : i32
    %xor3A_1771 = arith.xori %or3A_1769, %xor3A_1770 : i32
    %ge3A_1772 = vector.broadcast %xor3A_1771 : i32 to vector<64x128xi32>
    %ge3A_1773 = arith.cmpi sge, %slice3A_1630, %ge3A_1772 : vector<64x128xi32>
    %convert_element_type3A_1774 = arith.extui %ge3A_1773 : vector<64x128xi1> to vector<64x128xi32>
    %reduce_sum3A_1775 = vector.shape_cast %convert_element_type3A_1774 : vector<64x128xi32> to vector<1x64x128xi32>
    %reduce_sum3A_1776 = arith.constant dense<0> : vector<1xi32>
    %reduce_sum3A_1777 = vector.multi_reduction <add>, %reduce_sum3A_1775, %reduce_sum3A_1776 [1, 2] : vector<1x64x128xi32> to vector<1xi32>
    %reduce_sum3A_1778 = vector.shape_cast %reduce_sum3A_1777 : vector<1xi32> to vector<1x1x1xi32>
    %reduce_sum3A_1779 = vector.extract %reduce_sum3A_1778[0, 0, 0] : i32 from vector<1x1x1xi32>
    %ge3A_1780 = arith.constant 5734 : i32
    %ge3A_1781 = arith.cmpi sge, %reduce_sum3A_1779, %ge3A_1780 : i32
    %select_n3A_1782 = arith.select %ge3A_1781, %or3A_1769, %select_n3A_1767 : i32
    %or3A_1783 = arith.constant 2097152 : i32
    %or3A_1784 = arith.ori %select_n3A_1782, %or3A_1783 : i32
    %xor3A_1785 = arith.constant -2147483648 : i32
    %xor3A_1786 = arith.xori %or3A_1784, %xor3A_1785 : i32
    %ge3A_1787 = vector.broadcast %xor3A_1786 : i32 to vector<64x128xi32>
    %ge3A_1788 = arith.cmpi sge, %slice3A_1630, %ge3A_1787 : vector<64x128xi32>
    %convert_element_type3A_1789 = arith.extui %ge3A_1788 : vector<64x128xi1> to vector<64x128xi32>
    %reduce_sum3A_1790 = vector.shape_cast %convert_element_type3A_1789 : vector<64x128xi32> to vector<1x64x128xi32>
    %reduce_sum3A_1791 = arith.constant dense<0> : vector<1xi32>
    %reduce_sum3A_1792 = vector.multi_reduction <add>, %reduce_sum3A_1790, %reduce_sum3A_1791 [1, 2] : vector<1x64x128xi32> to vector<1xi32>
    %reduce_sum3A_1793 = vector.shape_cast %reduce_sum3A_1792 : vector<1xi32> to vector<1x1x1xi32>
    %reduce_sum3A_1794 = vector.extract %reduce_sum3A_1793[0, 0, 0] : i32 from vector<1x1x1xi32>
    %ge3A_1795 = arith.constant 5734 : i32
    %ge3A_1796 = arith.cmpi sge, %reduce_sum3A_1794, %ge3A_1795 : i32
    %select_n3A_1797 = arith.select %ge3A_1796, %or3A_1784, %select_n3A_1782 : i32
    %or3A_1798 = arith.constant 1048576 : i32
    %or3A_1799 = arith.ori %select_n3A_1797, %or3A_1798 : i32
    %xor3A_1800 = arith.constant -2147483648 : i32
    %xor3A_1801 = arith.xori %or3A_1799, %xor3A_1800 : i32
    %ge3A_1802 = vector.broadcast %xor3A_1801 : i32 to vector<64x128xi32>
    %ge3A_1803 = arith.cmpi sge, %slice3A_1630, %ge3A_1802 : vector<64x128xi32>
    %convert_element_type3A_1804 = arith.extui %ge3A_1803 : vector<64x128xi1> to vector<64x128xi32>
    %reduce_sum3A_1805 = vector.shape_cast %convert_element_type3A_1804 : vector<64x128xi32> to vector<1x64x128xi32>
    %reduce_sum3A_1806 = arith.constant dense<0> : vector<1xi32>
    %reduce_sum3A_1807 = vector.multi_reduction <add>, %reduce_sum3A_1805, %reduce_sum3A_1806 [1, 2] : vector<1x64x128xi32> to vector<1xi32>
    %reduce_sum3A_1808 = vector.shape_cast %reduce_sum3A_1807 : vector<1xi32> to vector<1x1x1xi32>
    %reduce_sum3A_1809 = vector.extract %reduce_sum3A_1808[0, 0, 0] : i32 from vector<1x1x1xi32>
    %ge3A_1810 = arith.constant 5734 : i32
    %ge3A_1811 = arith.cmpi sge, %reduce_sum3A_1809, %ge3A_1810 : i32
    %select_n3A_1812 = arith.select %ge3A_1811, %or3A_1799, %select_n3A_1797 : i32
    %or3A_1813 = arith.constant 524288 : i32
    %or3A_1814 = arith.ori %select_n3A_1812, %or3A_1813 : i32
    %xor3A_1815 = arith.constant -2147483648 : i32
    %xor3A_1816 = arith.xori %or3A_1814, %xor3A_1815 : i32
    %ge3A_1817 = vector.broadcast %xor3A_1816 : i32 to vector<64x128xi32>
    %ge3A_1818 = arith.cmpi sge, %slice3A_1630, %ge3A_1817 : vector<64x128xi32>
    %convert_element_type3A_1819 = arith.extui %ge3A_1818 : vector<64x128xi1> to vector<64x128xi32>
    %reduce_sum3A_1820 = vector.shape_cast %convert_element_type3A_1819 : vector<64x128xi32> to vector<1x64x128xi32>
    %reduce_sum3A_1821 = arith.constant dense<0> : vector<1xi32>
    %reduce_sum3A_1822 = vector.multi_reduction <add>, %reduce_sum3A_1820, %reduce_sum3A_1821 [1, 2] : vector<1x64x128xi32> to vector<1xi32>
    %reduce_sum3A_1823 = vector.shape_cast %reduce_sum3A_1822 : vector<1xi32> to vector<1x1x1xi32>
    %reduce_sum3A_1824 = vector.extract %reduce_sum3A_1823[0, 0, 0] : i32 from vector<1x1x1xi32>
    %ge3A_1825 = arith.constant 5734 : i32
    %ge3A_1826 = arith.cmpi sge, %reduce_sum3A_1824, %ge3A_1825 : i32
    %select_n3A_1827 = arith.select %ge3A_1826, %or3A_1814, %select_n3A_1812 : i32
    %or3A_1828 = arith.constant 262144 : i32
    %or3A_1829 = arith.ori %select_n3A_1827, %or3A_1828 : i32
    %xor3A_1830 = arith.constant -2147483648 : i32
    %xor3A_1831 = arith.xori %or3A_1829, %xor3A_1830 : i32
    %ge3A_1832 = vector.broadcast %xor3A_1831 : i32 to vector<64x128xi32>
    %ge3A_1833 = arith.cmpi sge, %slice3A_1630, %ge3A_1832 : vector<64x128xi32>
    %convert_element_type3A_1834 = arith.extui %ge3A_1833 : vector<64x128xi1> to vector<64x128xi32>
    %reduce_sum3A_1835 = vector.shape_cast %convert_element_type3A_1834 : vector<64x128xi32> to vector<1x64x128xi32>
    %reduce_sum3A_1836 = arith.constant dense<0> : vector<1xi32>
    %reduce_sum3A_1837 = vector.multi_reduction <add>, %reduce_sum3A_1835, %reduce_sum3A_1836 [1, 2] : vector<1x64x128xi32> to vector<1xi32>
    %reduce_sum3A_1838 = vector.shape_cast %reduce_sum3A_1837 : vector<1xi32> to vector<1x1x1xi32>
    %reduce_sum3A_1839 = vector.extract %reduce_sum3A_1838[0, 0, 0] : i32 from vector<1x1x1xi32>
    %ge3A_1840 = arith.constant 5734 : i32
    %ge3A_1841 = arith.cmpi sge, %reduce_sum3A_1839, %ge3A_1840 : i32
    %select_n3A_1842 = arith.select %ge3A_1841, %or3A_1829, %select_n3A_1827 : i32
    %or3A_1843 = arith.constant 131072 : i32
    %or3A_1844 = arith.ori %select_n3A_1842, %or3A_1843 : i32
    %xor3A_1845 = arith.constant -2147483648 : i32
    %xor3A_1846 = arith.xori %or3A_1844, %xor3A_1845 : i32
    %ge3A_1847 = vector.broadcast %xor3A_1846 : i32 to vector<64x128xi32>
    %ge3A_1848 = arith.cmpi sge, %slice3A_1630, %ge3A_1847 : vector<64x128xi32>
    %convert_element_type3A_1849 = arith.extui %ge3A_1848 : vector<64x128xi1> to vector<64x128xi32>
    %reduce_sum3A_1850 = vector.shape_cast %convert_element_type3A_1849 : vector<64x128xi32> to vector<1x64x128xi32>
    %reduce_sum3A_1851 = arith.constant dense<0> : vector<1xi32>
    %reduce_sum3A_1852 = vector.multi_reduction <add>, %reduce_sum3A_1850, %reduce_sum3A_1851 [1, 2] : vector<1x64x128xi32> to vector<1xi32>
    %reduce_sum3A_1853 = vector.shape_cast %reduce_sum3A_1852 : vector<1xi32> to vector<1x1x1xi32>
    %reduce_sum3A_1854 = vector.extract %reduce_sum3A_1853[0, 0, 0] : i32 from vector<1x1x1xi32>
    %ge3A_1855 = arith.constant 5734 : i32
    %ge3A_1856 = arith.cmpi sge, %reduce_sum3A_1854, %ge3A_1855 : i32
    %select_n3A_1857 = arith.select %ge3A_1856, %or3A_1844, %select_n3A_1842 : i32
    %or3A_1858 = arith.constant 65536 : i32
    %or3A_1859 = arith.ori %select_n3A_1857, %or3A_1858 : i32
    %xor3A_1860 = arith.constant -2147483648 : i32
    %xor3A_1861 = arith.xori %or3A_1859, %xor3A_1860 : i32
    %ge3A_1862 = vector.broadcast %xor3A_1861 : i32 to vector<64x128xi32>
    %ge3A_1863 = arith.cmpi sge, %slice3A_1630, %ge3A_1862 : vector<64x128xi32>
    %convert_element_type3A_1864 = arith.extui %ge3A_1863 : vector<64x128xi1> to vector<64x128xi32>
    %reduce_sum3A_1865 = vector.shape_cast %convert_element_type3A_1864 : vector<64x128xi32> to vector<1x64x128xi32>
    %reduce_sum3A_1866 = arith.constant dense<0> : vector<1xi32>
    %reduce_sum3A_1867 = vector.multi_reduction <add>, %reduce_sum3A_1865, %reduce_sum3A_1866 [1, 2] : vector<1x64x128xi32> to vector<1xi32>
    %reduce_sum3A_1868 = vector.shape_cast %reduce_sum3A_1867 : vector<1xi32> to vector<1x1x1xi32>
    %reduce_sum3A_1869 = vector.extract %reduce_sum3A_1868[0, 0, 0] : i32 from vector<1x1x1xi32>
    %ge3A_1870 = arith.constant 5734 : i32
    %ge3A_1871 = arith.cmpi sge, %reduce_sum3A_1869, %ge3A_1870 : i32
    %select_n3A_1872 = arith.select %ge3A_1871, %or3A_1859, %select_n3A_1857 : i32
    %or3A_1873 = arith.constant 32768 : i32
    %or3A_1874 = arith.ori %select_n3A_1872, %or3A_1873 : i32
    %xor3A_1875 = arith.constant -2147483648 : i32
    %xor3A_1876 = arith.xori %or3A_1874, %xor3A_1875 : i32
    %ge3A_1877 = vector.broadcast %xor3A_1876 : i32 to vector<64x128xi32>
    %ge3A_1878 = arith.cmpi sge, %slice3A_1630, %ge3A_1877 : vector<64x128xi32>
    %convert_element_type3A_1879 = arith.extui %ge3A_1878 : vector<64x128xi1> to vector<64x128xi32>
    %reduce_sum3A_1880 = vector.shape_cast %convert_element_type3A_1879 : vector<64x128xi32> to vector<1x64x128xi32>
    %reduce_sum3A_1881 = arith.constant dense<0> : vector<1xi32>
    %reduce_sum3A_1882 = vector.multi_reduction <add>, %reduce_sum3A_1880, %reduce_sum3A_1881 [1, 2] : vector<1x64x128xi32> to vector<1xi32>
    %reduce_sum3A_1883 = vector.shape_cast %reduce_sum3A_1882 : vector<1xi32> to vector<1x1x1xi32>
    %reduce_sum3A_1884 = vector.extract %reduce_sum3A_1883[0, 0, 0] : i32 from vector<1x1x1xi32>
    %ge3A_1885 = arith.constant 5734 : i32
    %ge3A_1886 = arith.cmpi sge, %reduce_sum3A_1884, %ge3A_1885 : i32
    %select_n3A_1887 = arith.select %ge3A_1886, %or3A_1874, %select_n3A_1872 : i32
    %or3A_1888 = arith.constant 16384 : i32
    %or3A_1889 = arith.ori %select_n3A_1887, %or3A_1888 : i32
    %xor3A_1890 = arith.constant -2147483648 : i32
    %xor3A_1891 = arith.xori %or3A_1889, %xor3A_1890 : i32
    %ge3A_1892 = vector.broadcast %xor3A_1891 : i32 to vector<64x128xi32>
    %ge3A_1893 = arith.cmpi sge, %slice3A_1630, %ge3A_1892 : vector<64x128xi32>
    %convert_element_type3A_1894 = arith.extui %ge3A_1893 : vector<64x128xi1> to vector<64x128xi32>
    %reduce_sum3A_1895 = vector.shape_cast %convert_element_type3A_1894 : vector<64x128xi32> to vector<1x64x128xi32>
    %reduce_sum3A_1896 = arith.constant dense<0> : vector<1xi32>
    %reduce_sum3A_1897 = vector.multi_reduction <add>, %reduce_sum3A_1895, %reduce_sum3A_1896 [1, 2] : vector<1x64x128xi32> to vector<1xi32>
    %reduce_sum3A_1898 = vector.shape_cast %reduce_sum3A_1897 : vector<1xi32> to vector<1x1x1xi32>
    %reduce_sum3A_1899 = vector.extract %reduce_sum3A_1898[0, 0, 0] : i32 from vector<1x1x1xi32>
    %ge3A_1900 = arith.constant 5734 : i32
    %ge3A_1901 = arith.cmpi sge, %reduce_sum3A_1899, %ge3A_1900 : i32
    %select_n3A_1902 = arith.select %ge3A_1901, %or3A_1889, %select_n3A_1887 : i32
    %or3A_1903 = arith.constant 8192 : i32
    %or3A_1904 = arith.ori %select_n3A_1902, %or3A_1903 : i32
    %xor3A_1905 = arith.constant -2147483648 : i32
    %xor3A_1906 = arith.xori %or3A_1904, %xor3A_1905 : i32
    %ge3A_1907 = vector.broadcast %xor3A_1906 : i32 to vector<64x128xi32>
    %ge3A_1908 = arith.cmpi sge, %slice3A_1630, %ge3A_1907 : vector<64x128xi32>
    %convert_element_type3A_1909 = arith.extui %ge3A_1908 : vector<64x128xi1> to vector<64x128xi32>
    %reduce_sum3A_1910 = vector.shape_cast %convert_element_type3A_1909 : vector<64x128xi32> to vector<1x64x128xi32>
    %reduce_sum3A_1911 = arith.constant dense<0> : vector<1xi32>
    %reduce_sum3A_1912 = vector.multi_reduction <add>, %reduce_sum3A_1910, %reduce_sum3A_1911 [1, 2] : vector<1x64x128xi32> to vector<1xi32>
    %reduce_sum3A_1913 = vector.shape_cast %reduce_sum3A_1912 : vector<1xi32> to vector<1x1x1xi32>
    %reduce_sum3A_1914 = vector.extract %reduce_sum3A_1913[0, 0, 0] : i32 from vector<1x1x1xi32>
    %ge3A_1915 = arith.constant 5734 : i32
    %ge3A_1916 = arith.cmpi sge, %reduce_sum3A_1914, %ge3A_1915 : i32
    %select_n3A_1917 = arith.select %ge3A_1916, %or3A_1904, %select_n3A_1902 : i32
    %or3A_1918 = arith.constant 4096 : i32
    %or3A_1919 = arith.ori %select_n3A_1917, %or3A_1918 : i32
    %xor3A_1920 = arith.constant -2147483648 : i32
    %xor3A_1921 = arith.xori %or3A_1919, %xor3A_1920 : i32
    %ge3A_1922 = vector.broadcast %xor3A_1921 : i32 to vector<64x128xi32>
    %ge3A_1923 = arith.cmpi sge, %slice3A_1630, %ge3A_1922 : vector<64x128xi32>
    %convert_element_type3A_1924 = arith.extui %ge3A_1923 : vector<64x128xi1> to vector<64x128xi32>
    %reduce_sum3A_1925 = vector.shape_cast %convert_element_type3A_1924 : vector<64x128xi32> to vector<1x64x128xi32>
    %reduce_sum3A_1926 = arith.constant dense<0> : vector<1xi32>
    %reduce_sum3A_1927 = vector.multi_reduction <add>, %reduce_sum3A_1925, %reduce_sum3A_1926 [1, 2] : vector<1x64x128xi32> to vector<1xi32>
    %reduce_sum3A_1928 = vector.shape_cast %reduce_sum3A_1927 : vector<1xi32> to vector<1x1x1xi32>
    %reduce_sum3A_1929 = vector.extract %reduce_sum3A_1928[0, 0, 0] : i32 from vector<1x1x1xi32>
    %ge3A_1930 = arith.constant 5734 : i32
    %ge3A_1931 = arith.cmpi sge, %reduce_sum3A_1929, %ge3A_1930 : i32
    %select_n3A_1932 = arith.select %ge3A_1931, %or3A_1919, %select_n3A_1917 : i32
    %or3A_1933 = arith.constant 2048 : i32
    %or3A_1934 = arith.ori %select_n3A_1932, %or3A_1933 : i32
    %xor3A_1935 = arith.constant -2147483648 : i32
    %xor3A_1936 = arith.xori %or3A_1934, %xor3A_1935 : i32
    %ge3A_1937 = vector.broadcast %xor3A_1936 : i32 to vector<64x128xi32>
    %ge3A_1938 = arith.cmpi sge, %slice3A_1630, %ge3A_1937 : vector<64x128xi32>
    %convert_element_type3A_1939 = arith.extui %ge3A_1938 : vector<64x128xi1> to vector<64x128xi32>
    %reduce_sum3A_1940 = vector.shape_cast %convert_element_type3A_1939 : vector<64x128xi32> to vector<1x64x128xi32>
    %reduce_sum3A_1941 = arith.constant dense<0> : vector<1xi32>
    %reduce_sum3A_1942 = vector.multi_reduction <add>, %reduce_sum3A_1940, %reduce_sum3A_1941 [1, 2] : vector<1x64x128xi32> to vector<1xi32>
    %reduce_sum3A_1943 = vector.shape_cast %reduce_sum3A_1942 : vector<1xi32> to vector<1x1x1xi32>
    %reduce_sum3A_1944 = vector.extract %reduce_sum3A_1943[0, 0, 0] : i32 from vector<1x1x1xi32>
    %ge3A_1945 = arith.constant 5734 : i32
    %ge3A_1946 = arith.cmpi sge, %reduce_sum3A_1944, %ge3A_1945 : i32
    %select_n3A_1947 = arith.select %ge3A_1946, %or3A_1934, %select_n3A_1932 : i32
    %or3A_1948 = arith.constant 1024 : i32
    %or3A_1949 = arith.ori %select_n3A_1947, %or3A_1948 : i32
    %xor3A_1950 = arith.constant -2147483648 : i32
    %xor3A_1951 = arith.xori %or3A_1949, %xor3A_1950 : i32
    %ge3A_1952 = vector.broadcast %xor3A_1951 : i32 to vector<64x128xi32>
    %ge3A_1953 = arith.cmpi sge, %slice3A_1630, %ge3A_1952 : vector<64x128xi32>
    %convert_element_type3A_1954 = arith.extui %ge3A_1953 : vector<64x128xi1> to vector<64x128xi32>
    %reduce_sum3A_1955 = vector.shape_cast %convert_element_type3A_1954 : vector<64x128xi32> to vector<1x64x128xi32>
    %reduce_sum3A_1956 = arith.constant dense<0> : vector<1xi32>
    %reduce_sum3A_1957 = vector.multi_reduction <add>, %reduce_sum3A_1955, %reduce_sum3A_1956 [1, 2] : vector<1x64x128xi32> to vector<1xi32>
    %reduce_sum3A_1958 = vector.shape_cast %reduce_sum3A_1957 : vector<1xi32> to vector<1x1x1xi32>
    %reduce_sum3A_1959 = vector.extract %reduce_sum3A_1958[0, 0, 0] : i32 from vector<1x1x1xi32>
    %ge3A_1960 = arith.constant 5734 : i32
    %ge3A_1961 = arith.cmpi sge, %reduce_sum3A_1959, %ge3A_1960 : i32
    %select_n3A_1962 = arith.select %ge3A_1961, %or3A_1949, %select_n3A_1947 : i32
    %or3A_1963 = arith.constant 512 : i32
    %or3A_1964 = arith.ori %select_n3A_1962, %or3A_1963 : i32
    %xor3A_1965 = arith.constant -2147483648 : i32
    %xor3A_1966 = arith.xori %or3A_1964, %xor3A_1965 : i32
    %ge3A_1967 = vector.broadcast %xor3A_1966 : i32 to vector<64x128xi32>
    %ge3A_1968 = arith.cmpi sge, %slice3A_1630, %ge3A_1967 : vector<64x128xi32>
    %convert_element_type3A_1969 = arith.extui %ge3A_1968 : vector<64x128xi1> to vector<64x128xi32>
    %reduce_sum3A_1970 = vector.shape_cast %convert_element_type3A_1969 : vector<64x128xi32> to vector<1x64x128xi32>
    %reduce_sum3A_1971 = arith.constant dense<0> : vector<1xi32>
    %reduce_sum3A_1972 = vector.multi_reduction <add>, %reduce_sum3A_1970, %reduce_sum3A_1971 [1, 2] : vector<1x64x128xi32> to vector<1xi32>
    %reduce_sum3A_1973 = vector.shape_cast %reduce_sum3A_1972 : vector<1xi32> to vector<1x1x1xi32>
    %reduce_sum3A_1974 = vector.extract %reduce_sum3A_1973[0, 0, 0] : i32 from vector<1x1x1xi32>
    %ge3A_1975 = arith.constant 5734 : i32
    %ge3A_1976 = arith.cmpi sge, %reduce_sum3A_1974, %ge3A_1975 : i32
    %select_n3A_1977 = arith.select %ge3A_1976, %or3A_1964, %select_n3A_1962 : i32
    %or3A_1978 = arith.constant 256 : i32
    %or3A_1979 = arith.ori %select_n3A_1977, %or3A_1978 : i32
    %xor3A_1980 = arith.constant -2147483648 : i32
    %xor3A_1981 = arith.xori %or3A_1979, %xor3A_1980 : i32
    %ge3A_1982 = vector.broadcast %xor3A_1981 : i32 to vector<64x128xi32>
    %ge3A_1983 = arith.cmpi sge, %slice3A_1630, %ge3A_1982 : vector<64x128xi32>
    %convert_element_type3A_1984 = arith.extui %ge3A_1983 : vector<64x128xi1> to vector<64x128xi32>
    %reduce_sum3A_1985 = vector.shape_cast %convert_element_type3A_1984 : vector<64x128xi32> to vector<1x64x128xi32>
    %reduce_sum3A_1986 = arith.constant dense<0> : vector<1xi32>
    %reduce_sum3A_1987 = vector.multi_reduction <add>, %reduce_sum3A_1985, %reduce_sum3A_1986 [1, 2] : vector<1x64x128xi32> to vector<1xi32>
    %reduce_sum3A_1988 = vector.shape_cast %reduce_sum3A_1987 : vector<1xi32> to vector<1x1x1xi32>
    %reduce_sum3A_1989 = vector.extract %reduce_sum3A_1988[0, 0, 0] : i32 from vector<1x1x1xi32>
    %ge3A_1990 = arith.constant 5734 : i32
    %ge3A_1991 = arith.cmpi sge, %reduce_sum3A_1989, %ge3A_1990 : i32
    %select_n3A_1992 = arith.select %ge3A_1991, %or3A_1979, %select_n3A_1977 : i32
    %or3A_1993 = arith.constant 128 : i32
    %or3A_1994 = arith.ori %select_n3A_1992, %or3A_1993 : i32
    %xor3A_1995 = arith.constant -2147483648 : i32
    %xor3A_1996 = arith.xori %or3A_1994, %xor3A_1995 : i32
    %ge3A_1997 = vector.broadcast %xor3A_1996 : i32 to vector<64x128xi32>
    %ge3A_1998 = arith.cmpi sge, %slice3A_1630, %ge3A_1997 : vector<64x128xi32>
    %convert_element_type3A_1999 = arith.extui %ge3A_1998 : vector<64x128xi1> to vector<64x128xi32>
    %reduce_sum3A_2000 = vector.shape_cast %convert_element_type3A_1999 : vector<64x128xi32> to vector<1x64x128xi32>
    %reduce_sum3A_2001 = arith.constant dense<0> : vector<1xi32>
    %reduce_sum3A_2002 = vector.multi_reduction <add>, %reduce_sum3A_2000, %reduce_sum3A_2001 [1, 2] : vector<1x64x128xi32> to vector<1xi32>
    %reduce_sum3A_2003 = vector.shape_cast %reduce_sum3A_2002 : vector<1xi32> to vector<1x1x1xi32>
    %reduce_sum3A_2004 = vector.extract %reduce_sum3A_2003[0, 0, 0] : i32 from vector<1x1x1xi32>
    %ge3A_2005 = arith.constant 5734 : i32
    %ge3A_2006 = arith.cmpi sge, %reduce_sum3A_2004, %ge3A_2005 : i32
    %select_n3A_2007 = arith.select %ge3A_2006, %or3A_1994, %select_n3A_1992 : i32
    %or3A_2008 = arith.constant 64 : i32
    %or3A_2009 = arith.ori %select_n3A_2007, %or3A_2008 : i32
    %xor3A_2010 = arith.constant -2147483648 : i32
    %xor3A_2011 = arith.xori %or3A_2009, %xor3A_2010 : i32
    %ge3A_2012 = vector.broadcast %xor3A_2011 : i32 to vector<64x128xi32>
    %ge3A_2013 = arith.cmpi sge, %slice3A_1630, %ge3A_2012 : vector<64x128xi32>
    %convert_element_type3A_2014 = arith.extui %ge3A_2013 : vector<64x128xi1> to vector<64x128xi32>
    %reduce_sum3A_2015 = vector.shape_cast %convert_element_type3A_2014 : vector<64x128xi32> to vector<1x64x128xi32>
    %reduce_sum3A_2016 = arith.constant dense<0> : vector<1xi32>
    %reduce_sum3A_2017 = vector.multi_reduction <add>, %reduce_sum3A_2015, %reduce_sum3A_2016 [1, 2] : vector<1x64x128xi32> to vector<1xi32>
    %reduce_sum3A_2018 = vector.shape_cast %reduce_sum3A_2017 : vector<1xi32> to vector<1x1x1xi32>
    %reduce_sum3A_2019 = vector.extract %reduce_sum3A_2018[0, 0, 0] : i32 from vector<1x1x1xi32>
    %ge3A_2020 = arith.constant 5734 : i32
    %ge3A_2021 = arith.cmpi sge, %reduce_sum3A_2019, %ge3A_2020 : i32
    %select_n3A_2022 = arith.select %ge3A_2021, %or3A_2009, %select_n3A_2007 : i32
    %or3A_2023 = arith.constant 32 : i32
    %or3A_2024 = arith.ori %select_n3A_2022, %or3A_2023 : i32
    %xor3A_2025 = arith.constant -2147483648 : i32
    %xor3A_2026 = arith.xori %or3A_2024, %xor3A_2025 : i32
    %ge3A_2027 = vector.broadcast %xor3A_2026 : i32 to vector<64x128xi32>
    %ge3A_2028 = arith.cmpi sge, %slice3A_1630, %ge3A_2027 : vector<64x128xi32>
    %convert_element_type3A_2029 = arith.extui %ge3A_2028 : vector<64x128xi1> to vector<64x128xi32>
    %reduce_sum3A_2030 = vector.shape_cast %convert_element_type3A_2029 : vector<64x128xi32> to vector<1x64x128xi32>
    %reduce_sum3A_2031 = arith.constant dense<0> : vector<1xi32>
    %reduce_sum3A_2032 = vector.multi_reduction <add>, %reduce_sum3A_2030, %reduce_sum3A_2031 [1, 2] : vector<1x64x128xi32> to vector<1xi32>
    %reduce_sum3A_2033 = vector.shape_cast %reduce_sum3A_2032 : vector<1xi32> to vector<1x1x1xi32>
    %reduce_sum3A_2034 = vector.extract %reduce_sum3A_2033[0, 0, 0] : i32 from vector<1x1x1xi32>
    %ge3A_2035 = arith.constant 5734 : i32
    %ge3A_2036 = arith.cmpi sge, %reduce_sum3A_2034, %ge3A_2035 : i32
    %select_n3A_2037 = arith.select %ge3A_2036, %or3A_2024, %select_n3A_2022 : i32
    %or3A_2038 = arith.constant 16 : i32
    %or3A_2039 = arith.ori %select_n3A_2037, %or3A_2038 : i32
    %xor3A_2040 = arith.constant -2147483648 : i32
    %xor3A_2041 = arith.xori %or3A_2039, %xor3A_2040 : i32
    %ge3A_2042 = vector.broadcast %xor3A_2041 : i32 to vector<64x128xi32>
    %ge3A_2043 = arith.cmpi sge, %slice3A_1630, %ge3A_2042 : vector<64x128xi32>
    %convert_element_type3A_2044 = arith.extui %ge3A_2043 : vector<64x128xi1> to vector<64x128xi32>
    %reduce_sum3A_2045 = vector.shape_cast %convert_element_type3A_2044 : vector<64x128xi32> to vector<1x64x128xi32>
    %reduce_sum3A_2046 = arith.constant dense<0> : vector<1xi32>
    %reduce_sum3A_2047 = vector.multi_reduction <add>, %reduce_sum3A_2045, %reduce_sum3A_2046 [1, 2] : vector<1x64x128xi32> to vector<1xi32>
    %reduce_sum3A_2048 = vector.shape_cast %reduce_sum3A_2047 : vector<1xi32> to vector<1x1x1xi32>
    %reduce_sum3A_2049 = vector.extract %reduce_sum3A_2048[0, 0, 0] : i32 from vector<1x1x1xi32>
    %ge3A_2050 = arith.constant 5734 : i32
    %ge3A_2051 = arith.cmpi sge, %reduce_sum3A_2049, %ge3A_2050 : i32
    %select_n3A_2052 = arith.select %ge3A_2051, %or3A_2039, %select_n3A_2037 : i32
    %or3A_2053 = arith.constant 8 : i32
    %or3A_2054 = arith.ori %select_n3A_2052, %or3A_2053 : i32
    %xor3A_2055 = arith.constant -2147483648 : i32
    %xor3A_2056 = arith.xori %or3A_2054, %xor3A_2055 : i32
    %ge3A_2057 = vector.broadcast %xor3A_2056 : i32 to vector<64x128xi32>
    %ge3A_2058 = arith.cmpi sge, %slice3A_1630, %ge3A_2057 : vector<64x128xi32>
    %convert_element_type3A_2059 = arith.extui %ge3A_2058 : vector<64x128xi1> to vector<64x128xi32>
    %reduce_sum3A_2060 = vector.shape_cast %convert_element_type3A_2059 : vector<64x128xi32> to vector<1x64x128xi32>
    %reduce_sum3A_2061 = arith.constant dense<0> : vector<1xi32>
    %reduce_sum3A_2062 = vector.multi_reduction <add>, %reduce_sum3A_2060, %reduce_sum3A_2061 [1, 2] : vector<1x64x128xi32> to vector<1xi32>
    %reduce_sum3A_2063 = vector.shape_cast %reduce_sum3A_2062 : vector<1xi32> to vector<1x1x1xi32>
    %reduce_sum3A_2064 = vector.extract %reduce_sum3A_2063[0, 0, 0] : i32 from vector<1x1x1xi32>
    %ge3A_2065 = arith.constant 5734 : i32
    %ge3A_2066 = arith.cmpi sge, %reduce_sum3A_2064, %ge3A_2065 : i32
    %select_n3A_2067 = arith.select %ge3A_2066, %or3A_2054, %select_n3A_2052 : i32
    %or3A_2068 = arith.constant 4 : i32
    %or3A_2069 = arith.ori %select_n3A_2067, %or3A_2068 : i32
    %xor3A_2070 = arith.constant -2147483648 : i32
    %xor3A_2071 = arith.xori %or3A_2069, %xor3A_2070 : i32
    %ge3A_2072 = vector.broadcast %xor3A_2071 : i32 to vector<64x128xi32>
    %ge3A_2073 = arith.cmpi sge, %slice3A_1630, %ge3A_2072 : vector<64x128xi32>
    %convert_element_type3A_2074 = arith.extui %ge3A_2073 : vector<64x128xi1> to vector<64x128xi32>
    %reduce_sum3A_2075 = vector.shape_cast %convert_element_type3A_2074 : vector<64x128xi32> to vector<1x64x128xi32>
    %reduce_sum3A_2076 = arith.constant dense<0> : vector<1xi32>
    %reduce_sum3A_2077 = vector.multi_reduction <add>, %reduce_sum3A_2075, %reduce_sum3A_2076 [1, 2] : vector<1x64x128xi32> to vector<1xi32>
    %reduce_sum3A_2078 = vector.shape_cast %reduce_sum3A_2077 : vector<1xi32> to vector<1x1x1xi32>
    %reduce_sum3A_2079 = vector.extract %reduce_sum3A_2078[0, 0, 0] : i32 from vector<1x1x1xi32>
    %ge3A_2080 = arith.constant 5734 : i32
    %ge3A_2081 = arith.cmpi sge, %reduce_sum3A_2079, %ge3A_2080 : i32
    %select_n3A_2082 = arith.select %ge3A_2081, %or3A_2069, %select_n3A_2067 : i32
    %or3A_2083 = arith.constant 2 : i32
    %or3A_2084 = arith.ori %select_n3A_2082, %or3A_2083 : i32
    %xor3A_2085 = arith.constant -2147483648 : i32
    %xor3A_2086 = arith.xori %or3A_2084, %xor3A_2085 : i32
    %ge3A_2087 = vector.broadcast %xor3A_2086 : i32 to vector<64x128xi32>
    %ge3A_2088 = arith.cmpi sge, %slice3A_1630, %ge3A_2087 : vector<64x128xi32>
    %convert_element_type3A_2089 = arith.extui %ge3A_2088 : vector<64x128xi1> to vector<64x128xi32>
    %reduce_sum3A_2090 = vector.shape_cast %convert_element_type3A_2089 : vector<64x128xi32> to vector<1x64x128xi32>
    %reduce_sum3A_2091 = arith.constant dense<0> : vector<1xi32>
    %reduce_sum3A_2092 = vector.multi_reduction <add>, %reduce_sum3A_2090, %reduce_sum3A_2091 [1, 2] : vector<1x64x128xi32> to vector<1xi32>
    %reduce_sum3A_2093 = vector.shape_cast %reduce_sum3A_2092 : vector<1xi32> to vector<1x1x1xi32>
    %reduce_sum3A_2094 = vector.extract %reduce_sum3A_2093[0, 0, 0] : i32 from vector<1x1x1xi32>
    %ge3A_2095 = arith.constant 5734 : i32
    %ge3A_2096 = arith.cmpi sge, %reduce_sum3A_2094, %ge3A_2095 : i32
    %select_n3A_2097 = arith.select %ge3A_2096, %or3A_2084, %select_n3A_2082 : i32
    %or3A_2098 = arith.constant 1 : i32
    %or3A_2099 = arith.ori %select_n3A_2097, %or3A_2098 : i32
    %xor3A_2100 = arith.constant -2147483648 : i32
    %xor3A_2101 = arith.xori %or3A_2099, %xor3A_2100 : i32
    %ge3A_2102 = vector.broadcast %xor3A_2101 : i32 to vector<64x128xi32>
    %ge3A_2103 = arith.cmpi sge, %slice3A_1630, %ge3A_2102 : vector<64x128xi32>
    %convert_element_type3A_2104 = arith.extui %ge3A_2103 : vector<64x128xi1> to vector<64x128xi32>
    %reduce_sum3A_2105 = vector.shape_cast %convert_element_type3A_2104 : vector<64x128xi32> to vector<1x64x128xi32>
    %reduce_sum3A_2106 = arith.constant dense<0> : vector<1xi32>
    %reduce_sum3A_2107 = vector.multi_reduction <add>, %reduce_sum3A_2105, %reduce_sum3A_2106 [1, 2] : vector<1x64x128xi32> to vector<1xi32>
    %reduce_sum3A_2108 = vector.shape_cast %reduce_sum3A_2107 : vector<1xi32> to vector<1x1x1xi32>
    %reduce_sum3A_2109 = vector.extract %reduce_sum3A_2108[0, 0, 0] : i32 from vector<1x1x1xi32>
    %ge3A_2110 = arith.constant 5734 : i32
    %ge3A_2111 = arith.cmpi sge, %reduce_sum3A_2109, %ge3A_2110 : i32
    %select_n3A_2112 = arith.select %ge3A_2111, %or3A_2099, %select_n3A_2097 : i32
    %xor3A_2113 = arith.constant -2147483648 : i32
    %xor3A_2114 = arith.xori %select_n3A_2112, %xor3A_2113 : i32
    %gt3A_2115 = vector.broadcast %xor3A_2114 : i32 to vector<64x128xi32>
    %gt3A_2116 = arith.cmpi sgt, %slice3A_1630, %gt3A_2115 : vector<64x128xi32>
    %eq3A_2117 = vector.broadcast %xor3A_2114 : i32 to vector<64x128xi32>
    %eq3A_2118 = arith.cmpi eq, %slice3A_1630, %eq3A_2117 : vector<64x128xi32>
    %convert_element_type3A_2119 = arith.extui %gt3A_2116 : vector<64x128xi1> to vector<64x128xi32>
    %reduce_sum3A_2120 = vector.shape_cast %convert_element_type3A_2119 : vector<64x128xi32> to vector<1x64x128xi32>
    %reduce_sum3A_2121 = arith.constant dense<0> : vector<1xi32>
    %reduce_sum3A_2122 = vector.multi_reduction <add>, %reduce_sum3A_2120, %reduce_sum3A_2121 [1, 2] : vector<1x64x128xi32> to vector<1xi32>
    %reduce_sum3A_2123 = vector.shape_cast %reduce_sum3A_2122 : vector<1xi32> to vector<1x1x1xi32>
    %reduce_sum3A_2124 = vector.extract %reduce_sum3A_2123[0, 0, 0] : i32 from vector<1x1x1xi32>
    %sub3A_2125 = arith.constant 5734 : i32
    %sub3A_2126 = arith.subi %sub3A_2125, %reduce_sum3A_2124 : i32
    %convert_element_type3A_2127 = arith.sitofp %sub3A_2126 : i32 to f32
    %convert_element_type3A_2128 = arith.extui %eq3A_2118 : vector<64x128xi1> to vector<64x128xi32>
    %convert_element_type3A_2129 = arith.sitofp %convert_element_type3A_2128 : vector<64x128xi32> to vector<64x128xf32>
    %iota3A_2130 = tpu.iota {dimensions = array<i32: 0>} : vector<128x128xi32>
    %iota3A_2131 = tpu.iota {dimensions = array<i32: 1>} : vector<128x128xi32>
    %le3A_2132 = arith.cmpi sle, %iota3A_2130, %iota3A_2131 : vector<128x128xi32>
    %convert_element_type3A_2133 = arith.extui %le3A_2132 : vector<128x128xi1> to vector<128x128xi32>
    %convert_element_type3A_2134 = arith.sitofp %convert_element_type3A_2133 : vector<128x128xi32> to vector<128x128xf32>
    %dot_general3A_2135 = arith.constant dense<0.000000e+00> : vector<64x128xf32>
    %dot_general3A_2136 = tpu.matmul %convert_element_type3A_2129, %convert_element_type3A_2134, %dot_general3A_2135 {dimension_numbers = #tpu.dot_dimension_numbers<[1], [0], [0], [1], [0, 0, 1, 1], [], []>, precision = #tpu.contract_precision<fp32>, transpose_lhs_hint = false} : vector<64x128xf32>, vector<128x128xf32>, vector<64x128xf32> -> vector<64x128xf32>
    %slice3A_2137 = vector.extract_strided_slice %dot_general3A_2136 {offsets = [0, 127], sizes = [64, 1], strides = [1, 1]} : vector<64x128xf32> to vector<64x1xf32>
    %broadcast_in_dim3A_2138 = vector.shape_cast %slice3A_2137 : vector<64x1xf32> to vector<64x1xf32>
    %broadcast_in_dim3A_2139 = vector.broadcast %broadcast_in_dim3A_2138 : vector<64x1xf32> to vector<64x128xf32>
    %iota3A_2140 = tpu.iota {dimensions = array<i32: 0>} : vector<64x64xi32>
    %iota3A_2141 = tpu.iota {dimensions = array<i32: 1>} : vector<64x64xi32>
    %lt3A_2142 = arith.cmpi slt, %iota3A_2141, %iota3A_2140 : vector<64x64xi32>
    %convert_element_type3A_2143 = arith.extui %lt3A_2142 : vector<64x64xi1> to vector<64x64xi32>
    %convert_element_type3A_2144 = arith.sitofp %convert_element_type3A_2143 : vector<64x64xi32> to vector<64x64xf32>
    %dot_general3A_2145 = arith.constant dense<0.000000e+00> : vector<64x128xf32>
    %dot_general3A_2146 = tpu.matmul %convert_element_type3A_2144, %broadcast_in_dim3A_2139, %dot_general3A_2145 {dimension_numbers = #tpu.dot_dimension_numbers<[1], [0], [0], [1], [0, 0, 1, 1], [], []>, precision = #tpu.contract_precision<fp32>, transpose_lhs_hint = false} : vector<64x64xf32>, vector<64x128xf32>, vector<64x128xf32> -> vector<64x128xf32>
    %add3A_2147 = arith.addf %dot_general3A_2136, %dot_general3A_2146 : vector<64x128xf32>
    %sub3A_2148 = arith.subf %add3A_2147, %convert_element_type3A_2129 : vector<64x128xf32>
    %lt3A_2149 = vector.broadcast %convert_element_type3A_2127 : f32 to vector<64x128xf32>
    %lt3A_2150 = arith.cmpf olt, %sub3A_2148, %lt3A_2149 : vector<64x128xf32>
    %and3A_2151 = arith.andi %eq3A_2118, %lt3A_2150 : vector<64x128xi1>
    %or3A_2152 = arith.ori %gt3A_2116, %and3A_2151 : vector<64x128xi1>
    %convert_element_type3A_2153 = arith.extui %or3A_2152 : vector<64x128xi1> to vector<64x128xi32>
    %convert_element_type3A_2154 = arith.sitofp %convert_element_type3A_2153 : vector<64x128xi32> to vector<64x128xf32>
    %iota3A_2155 = tpu.iota {dimensions = array<i32: 0>} : vector<128x128xi32>
    %iota3A_2156 = tpu.iota {dimensions = array<i32: 1>} : vector<128x128xi32>
    %le3A_2157 = arith.cmpi sle, %iota3A_2155, %iota3A_2156 : vector<128x128xi32>
    %convert_element_type3A_2158 = arith.extui %le3A_2157 : vector<128x128xi1> to vector<128x128xi32>
    %convert_element_type3A_2159 = arith.sitofp %convert_element_type3A_2158 : vector<128x128xi32> to vector<128x128xf32>
    %dot_general3A_2160 = arith.constant dense<0.000000e+00> : vector<64x128xf32>
    %dot_general3A_2161 = tpu.matmul %convert_element_type3A_2154, %convert_element_type3A_2159, %dot_general3A_2160 {dimension_numbers = #tpu.dot_dimension_numbers<[1], [0], [0], [1], [0, 0, 1, 1], [], []>, precision = #tpu.contract_precision<fp32>, transpose_lhs_hint = false} : vector<64x128xf32>, vector<128x128xf32>, vector<64x128xf32> -> vector<64x128xf32>
    %slice3A_2162 = vector.extract_strided_slice %dot_general3A_2161 {offsets = [0, 127], sizes = [64, 1], strides = [1, 1]} : vector<64x128xf32> to vector<64x1xf32>
    %broadcast_in_dim3A_2163 = vector.shape_cast %slice3A_2162 : vector<64x1xf32> to vector<64x1xf32>
    %broadcast_in_dim3A_2164 = vector.broadcast %broadcast_in_dim3A_2163 : vector<64x1xf32> to vector<64x128xf32>
    %iota3A_2165 = tpu.iota {dimensions = array<i32: 0>} : vector<64x64xi32>
    %iota3A_2166 = tpu.iota {dimensions = array<i32: 1>} : vector<64x64xi32>
    %lt3A_2167 = arith.cmpi slt, %iota3A_2166, %iota3A_2165 : vector<64x64xi32>
    %convert_element_type3A_2168 = arith.extui %lt3A_2167 : vector<64x64xi1> to vector<64x64xi32>
    %convert_element_type3A_2169 = arith.sitofp %convert_element_type3A_2168 : vector<64x64xi32> to vector<64x64xf32>
    %dot_general3A_2170 = arith.constant dense<0.000000e+00> : vector<64x128xf32>
    %dot_general3A_2171 = tpu.matmul %convert_element_type3A_2169, %broadcast_in_dim3A_2164, %dot_general3A_2170 {dimension_numbers = #tpu.dot_dimension_numbers<[1], [0], [0], [1], [0, 0, 1, 1], [], []>, precision = #tpu.contract_precision<fp32>, transpose_lhs_hint = false} : vector<64x64xf32>, vector<64x128xf32>, vector<64x128xf32> -> vector<64x128xf32>
    %add3A_2172 = arith.addf %dot_general3A_2161, %dot_general3A_2171 : vector<64x128xf32>
    %convert_element_type3A_2173 = arith.fptosi %add3A_2172 : vector<64x128xf32> to vector<64x128xi32>
    %swap3A_2174 = arith.constant 192 : index
    %swap3A_2175 = arith.constant 0 : index
    %swap3A_2176 = vector.load %arg1[%swap3A_2174, %swap3A_2175] : memref<256x128xi32, #tpu.memory_space<vmem>>, vector<64x128xi32>
    tpu.vector_store %arg1[%swap3A_2174, %swap3A_2175], %convert_element_type3A_2173 {strides = array<i32>} : memref<256x128xi32, #tpu.memory_space<vmem>>, vector<64x128xi32>,
    return
  }
}

</mosaic_0001>

<sc_bundles>
// kernel: kernel.5.cloned.1.call-start
scs
__scs_entry_jumppad:
0x0: {  	(pc) =	sbr.rel $0x88, $3  }
0x1: {  	(tag) =	ssettag $0x0;
	lr =	simm.s32 $0x1  }
0x2: {  	[smem:$0x3F9C] =	sst lr;
	_ =	strace $0xD0000000  }
0x3: {  	_ = 	snop  }
0x4: {  	_ = 	snop  }
0x5: {  	_ = 	snop  }
0x6: {  	_ = 	snop  }
0x7: {  	_ = 	snop  }
__scs_overlays_trampoline_lowered:
0x8: {  	[smem:$0x3FAB] =	sst s0  }
0x9: {  	[smem:$0x3FAC] =	sst s1  }
0xa: {  	[smem:$0x3FAD] =	sst s2  }
0xb: {  	[smem:$0x3FAE] =	sst s3  }
0xc: {  	[smem:$0x3FAF] =	sst s4  }
0xd: {  	[smem:$0x3FB0] =	sst s5  }
0xe: {  	[smem:$0x3FB1] =	sst s6  }
0xf: {  	[smem:$0x3FB2] =	sst s7  }
0x10: {  	[smem:$0x3FB3] =	sst s8  }
0x11: {  	[smem:$0x3FB4] =	sst s9;
	s0 =	simm.s32 @!p0 $0x0  }
0x12: {  	s1 =	sld [smem:$0x3F9A];
	s0 =	simm.s32 @p0 $0x1  }
0x13: {  	[smem:$0x3FB5] =	sst s0;
	s0 =	simm.s32 @!p1 $0x0  }
0x14: {  	s2 =	sld [smem:$0x3F99];
	s0 =	simm.s32 @p1 $0x1  }
0x15: {  	[smem:$0x3FB6] =	sst s0;
	s0 =	simm.s32 @!p2 $0x0  }
0x16: {  	s3 =	sld [smem:$0x3FDB];
	s0 =	simm.s32 @p2 $0x1  }
0x17: {  	s4 =	simm.s32 $0x1BF5;
	[smem:$0x3FB8] =	sst s0  }
0x18: {  	s0 =	sld [smem:$0x3F9B];
	_ =	swait.ge [sflag:s4], $0x0  }
0x19: {  	s7 =	sld [smem:$0x3F9C]  }
0x1a: {  	s8 =	sadd.s32 $0xFFFFE003, lr  }
0x1b: {  	s9 =	sadd.s32 $0xFFFFFEF7, lr;
	s5 =	simm.s32 $0xFFFFFFFF;
	p2 =	slt.u32 s8, $0xFFFFF086  }
0x1c: {  	p1 =	slt.u32 s9, $0xF7A;
	s5 =	simm.s32 @!p2 $0x0  }
0x1d: {  	s5 =	simm.s32 @p1 $0x1;
	p0 =	seq.s32 s7, s2  }
0x1e: {  	s7 =	smul.u32 @!p0 $0xF7A, s2;
	p2 =	seq.s32 @!p0 s5, $0x0  }
0x1f: {  	s9 =	smul.u32 $0xF7A, s1;
	s8 =	simm.s32 @!p0 $0x1BF5;
	p2 =	por !p2, p0  }
0x20: {  	[sflag:s8] =	ssyncset.s32 @!p0 $0xFFFFF086;
	s6 =	sadd.s32 @!p0 s3, s7;
	s7 =	simm.s32 @!p0 $0x108  }
0x21: {  	s3 =	sadd.s32 s3, s9;
	s6 =	sadd.s32 @!p0 $0x88, s6;
	s7 =	simm.s32 @p2 $0x1082  }
0x22: {  	[simem:s7], [sflag:s8] =	dma.local @!p0 [hbm:s6], $0xF7A  }
0x23: {  	s9 =	sor.u32 $0xD0000000, s2;
	s6 =	simm.s32 $0x108;
	_ =	swait.ge @!p0 [sflag:s8], $0x0  }
0x24: {  	s3 =	sadd.s32 $0x88, s3;
	s6 =	simm.s32 @!p1 $0x1082;
	[sflag:s4] =	ssyncset.s32 $0xFFFFF086  }
0x25: {  	[simem:s6], [sflag:s4] =	dma.local [hbm:s3], $0xF7A  }
0x26: {  	[smem:$0x3F9C] =	sst s1;
	(tag) =	ssettag s2;
	_ =	strace s9  }
0x27: {  	s1 =	sld [smem:$0x3FAC]  }
0x28: {  	s2 =	sld [smem:$0x3FAD]  }
0x29: {  	s4 =	sld [smem:$0x3FAF]  }
0x2a: {  	p0 =	seq.s32 s5, $0x0;
	s5 =	sld [smem:$0x3FB0]  }
0x2b: {  	s6 =	sld [smem:$0x3FB1]  }
0x2c: {  	s7 =	sld [smem:$0x3FB2]  }
0x2d: {  	s3 =	simm.s32 $0x108;
	s8 =	sld [smem:$0x3FB3]  }
0x2e: {  	s3 =	simm.s32 @!p0 $0x1082;
	s9 =	sld [smem:$0x3FB4]  }
0x2f: {  	lr =	sadd.s32 s0, s3;
	s0 =	sld [smem:$0x3FAB]  }
0x30: {  	s3 =	sld [smem:$0x3FAE]  }
0x31: {  	[smem:$0x3FB7] =	sst s10  }
0x32: {  	s10 =	sld [smem:$0x3FB5];
	_ =	sdelay $0x3  }
0x33: {  	p0 =	seq.s32 s10, $0x1;
	s10 =	sld [smem:$0x3FB7];
	_ =	sdelay $0x3  }
0x34: {  	[smem:$0x3FB7] =	sst s10  }
0x35: {  	s10 =	sld [smem:$0x3FB6];
	_ =	sdelay $0x3  }
0x36: {  	p1 =	seq.s32 s10, $0x1;
	s10 =	sld [smem:$0x3FB7];
	_ =	sdelay $0x3  }
0x37: {  	[smem:$0x3FB7] =	sst s10  }
0x38: {  	s10 =	sld [smem:$0x3FB8]  }
0x39: {  	_ = 	snop;
	(pc) =	sbr.ind lr, $3  }
0x3a: {  	_ = 	snop  }
0x3b: {  	_ = 	snop  }
0x3c: {  	p2 =	seq.s32 s10, $0x1;
	s10 =	sld [smem:$0x3FB7]  }
0x3d: {  	_ =	shalt  }
0x3e: {  	_ =	shalt  }
0x3f: {  	_ =	shalt  }
0x40: {  	_ =	shalt  }
0x41: {  	_ =	shalt  }
0x42: {  	_ =	shalt  }
0x43: {  	_ =	shalt  }
0x44: {  	_ =	shalt  }
0x45: {  	_ =	shalt  }
0x46: {  	_ =	shalt  }
0x47: {  	_ =	shalt  }
0x48: {  	_ =	shalt  }
0x49: {  	_ =	shalt  }
0x4a: {  	_ =	shalt  }
0x4b: {  	_ =	shalt  }
0x4c: {  	_ =	shalt  }
0x4d: {  	_ =	shalt  }
0x4e: {  	_ =	shalt  }
0x4f: {  	_ =	shalt  }
0x50: {  	_ =	shalt  }
0x51: {  	_ =	shalt  }
0x52: {  	_ =	shalt  }
0x53: {  	_ =	shalt  }
0x54: {  	_ =	shalt  }
0x55: {  	_ =	shalt  }
0x56: {  	_ =	shalt  }
0x57: {  	_ =	shalt  }
0x58: {  	_ =	shalt  }
0x59: {  	_ =	shalt  }
0x5a: {  	_ =	shalt  }
0x5b: {  	_ =	shalt  }
0x5c: {  	_ =	shalt  }
0x5d: {  	_ =	shalt  }
0x5e: {  	_ =	shalt  }
0x5f: {  	_ =	shalt  }
0x60: {  	_ =	shalt  }
0x61: {  	_ =	shalt  }
0x62: {  	_ =	shalt  }
0x63: {  	_ =	shalt  }
0x64: {  	_ =	shalt  }
0x65: {  	_ =	shalt  }
0x66: {  	_ =	shalt  }
0x67: {  	_ =	shalt  }
0x68: {  	_ =	shalt  }
0x69: {  	_ =	shalt  }
0x6a: {  	_ =	shalt  }
0x6b: {  	_ =	shalt  }
0x6c: {  	_ =	shalt  }
0x6d: {  	_ =	shalt  }
0x6e: {  	_ =	shalt  }
0x6f: {  	_ =	shalt  }
0x70: {  	_ =	shalt  }
0x71: {  	_ =	shalt  }
0x72: {  	_ =	shalt  }
0x73: {  	_ =	shalt  }
0x74: {  	_ =	shalt  }
0x75: {  	_ =	shalt  }
0x76: {  	_ =	shalt  }
0x77: {  	_ =	shalt  }
0x78: {  	_ =	shalt  }
0x79: {  	_ =	shalt  }
0x7a: {  	_ =	shalt  }
0x7b: {  	_ =	shalt  }
0x7c: {  	_ =	shalt  }
0x7d: {  	_ =	shalt  }
0x7e: {  	_ =	shalt  }
0x7f: {  	_ =	shalt  }
0x80: {  	_ =	shalt  }
0x81: {  	_ =	shalt  }
0x82: {  	_ =	shalt  }
0x83: {  	_ =	shalt  }
0x84: {  	_ =	shalt  }
0x85: {  	_ =	shalt  }
0x86: {  	_ =	shalt  }
0x87: {  	_ =	shalt  }
.Lfunc_end0:
.L_simem_size_0:
called_computation_lowered:
.L_overlay_start_0:
0x88: {  	s2 =	sld [smem:$0x3FD9]  }
0x89: {  	s3 =	sld [smem:$0x3FFE];
	_ =	sdelay $0x1  }
0x8a: {  	s1 =	srdreg.scid  }
0x8b: {  	s0 =	sand.u32 $0x1, s1  }
0x8c: {  	s14 =	sshll.u32 s0, $0xA;
	s2 =	sadd.s32 s3, s2  }
0x8d: {  	s2 =	sadd.s32 s2, s14  }
0x8e: {  	[smem:$0x3FC3] =	sst s2  }
0x8f: {  	_ = 	snop  }
0x90: {  	s2 =	sld [smem:$0x3FD0];
	_ =	sdelay $0x2  }
0x91: {  	s4 =	simm.s32 $0xA;
	s5 =	simm.s32 $0x10;
	s15 =	sld [smem:$0x3FC9]  }
0x92: {  	[smem:s5], [sflag:s4] =	dma.local [hbm:s2], $0x1  }
0x93: {  	_ =	swait.eq [sflag:s4], $0x1  }
0x94: {  	[sflag:s4] =	ssyncset.done $0x0  }
0x95: {  	[sflag:s4] =	ssyncadd.s32 $0xFFFFFFFF  }
0x96: {  	s16 =	sld [smem:$0x10];
	(tm) =	ssettm $0x1  }
0x97: {  	s17 =	sld [smem:$0x3FFB];
	_ =	sdelay $0x3  }
0x98: {  	_ =	strace s17  }
0x99: {  	s4 =	sld [smem:$0x3FFC];
	_ =	sdelay $0x3  }
0x9a: {  	_ =	strace s4  }
0x9b: {  	s4 =	sld [smem:$0x3FFD];
	_ =	sdelay $0x3  }
0x9c: {  	_ =	strace s4  }
0x9d: {  	_ =	strace $0x8FFFFFFF  }
0x9e: {  	s18 =	sld [smem:$0x3FDB];
	_ =	sdelay $0x1  }
0x9f: {  	s19 =	simm.s32 $_scs_section_size  }
0xa0: {  	s6 =	simm.s32 $_size__tile_overlayer_lowered;
	s7 =	simm.s32 $_tile_overlayer_lowered  }
0xa1: {  	s22 =	simm.s32 $0x1BFF;
	s21 =	sshll.u32 s7, $0x1;
	s4 =	sadd.s32 s19, s18  }
0xa2: {  	s8 =	simm.s32 $0x0;
	s20 =	sshll.u32 s6, $0x1;
	s6 =	sadd.s32 s21, s4  }
0xa3: {  	[timem:s8], [sflag:s22] =	dma.local [hbm:s6], s20  }
0xa4: {  	_ =	swait.ge [sflag:s22], s20  }
0xa5: {  	s5 =	ssub.s32 $0x0, s20;
	[sflag:s22] =	ssyncset.done $0x0  }
0xa6: {  	[sflag:s22] =	ssyncadd.s32 s5;
	_ =	sdelay $0x1  }
0xa7: {  	s23 =	simm.s32 $0x1B8B  }
0xa8: {  	_ =	swait.ge [sflag:s23], $0x1  }
0xa9: {  	[sflag:s23] =	ssyncset.done $0x0  }
0xaa: {  	s25 =	simm.s32 $0x1B8E;
	s24 =	sld [smem:$0x3FFE];
	[sflag:s23] =	ssyncadd.s32 $0xFFFFFFFF  }
0xab: {  	s26 =	simm.s32 $execute0_lowered;
	[smem:$0x3FD2] =	sst s25  }
0xac: {  	s6 =	sshll.u32 s26, $0x1;
	_ =	strace $0x80000046;
	[dreg:$0x1] =	wrdreg $0xFFFFFFFF  }
0xad: {  	s28 =	simm.s32 $_size_execute0_lowered;
	s4 =	sadd.s32 s4, s6;
	[dreg:$0x0] =	wrdreg $0x0  }
0xae: {  	s6 =	sshll.u32 s28, $0x1;
	[dreg:$0x2] =	wrdreg s4  }
0xaf: {  	[dreg:$0x3] =	wrdreg s6  }
0xb0: {  	[dreg:$0x4] =	wrdreg $0xC0  }
0xb1: {  	_ =	task [dreg:s8], $0x5FFFF  }
0xb2: {  	[dreg:$0x1] =	wrdreg $0xFFFFFFFF  }
0xb3: {  	[dreg:$0x0] =	wrdreg $0x60  }
0xb4: {  	[dreg:$0x2] =	wrdreg s16  }
0xb5: {  	[dreg:$0x3] =	wrdreg s15  }
0xb6: {  	[dreg:$0x4] =	wrdreg s24  }
0xb7: {  	[dreg:$0x5] =	wrdreg $0x9  }
0xb8: {  	_ =	task.clear_ibuf [dreg:s8], $0x6FFFF;
	_ =	strace $0x90000046  }
0xb9: {  	s29 =	simm.s32 $0x9;
	_ =	strace $0x80000048  }
0xba: {  	_ =	swait.ge [sflag:s29], $0x1  }
0xbb: {  	[sflag:s29] =	ssyncadd.s32 $0xFFFFFFFF  }
0xbc: {  	_ =	strace $0x90000048  }
0xbd: {  	_ =	sfence  }
0xbe: {  	s30 =	sld [smem:$0x0];
	_ =	sdelay $0x2  }
0xbf: {  	s31 =	sshll.u32 s1, $0xD;
	s1 =	sshrl.u32 s1, $0x2  }
0xc0: {  	s3 =	sand.u32 $0x4000, s31;
	s1 =	sadd.s32 s1, s30  }
0xc1: {  	s0 =	sor.u32 s3, s0;
	s1 =	sshll.u32 s1, $0x11  }
0xc2: {  	s0 =	sor.u32 s1, s0  }
0xc3: {  	s0 =	sadd.s32 $0x8F2B, s0  }
0xc4: {  	[sflag:s0] =	ssyncadd.remote.s32 $0x1  }
0xc5: {  	_ =	sfence.sel $0xFFFF  }
0xc6: {  	[dreg:$0x0] =	wrdreg $0xFFFFFFFF;
	(pc) =	sbr.abs _section_cstart, $3  }
0xc7: {  	[dreg:$0x1] =	wrdreg $0xFFFFFFFF  }
0xc8: {  	_ =	task.clear_ibuf [dreg:s8], $0x2FFFF;
	_ =	strace $0x9FFFFFFF  }
0xc9: {  	(tm) =	ssettm $0x7FFFFFFF  }
tec
execute0_lowered:
.L_overlay_start_1:
0x0: {  	(tag) =	ssettag $0x1  }
0x1: {  	s0 =	rddreg [dreg:$0x0]  }
0x2: {  	s1 =	rddreg [dreg:$0x1]  }
0x3: {  	s2 =	rddreg [dreg:$0x2]  }
0x4: {  	s6 =	stileid.u32;
	s3 =	srdreg.scid  }
0x5: {  	s4 =	sshrl.u32 s6, $0x2;
	s5 =	sand.u32 $0x1, s3;
	s29 =	sshll.u32 s6, $0x1  }
0x6: {  	s3 =	simm.s32 $0x0;
	s30 =	smul.u32 $0x86700, s4;
	s7 =	sor.u32 s5, s29  }
0x7: {  	[smem:$0x7FF] =	sst s3;
	s5 =	ssub.s32 $0x2, s5;
	s13 =	sshll.u32 s4, $0xD  }
0x8: {  	s4 =	sshll.u32 s4, $0xA;
	s8 =	smul.u32 $0x5A, s7;
	s7 =	sand.u32 $0x7, s7  }
0x9: {  	_ =	strace $0x80000047;
	s31 =	sshrl.u32 s5, $0x1;
	s0 =	sadd.s32 s0, s4  }
0xa: {  	s11 =	smul.u32 $0x2D0, s7;
	s9 =	sadd.s32 s30, s2;
	s10 =	ssub.s32 s5, s31  }
0xb: {  	p0 =	seq.s32 s7, $0x7;
	[dreg:$0x5] =	wrdreg s0;
	s2 =	sadd.s32 s8, s2  }
0xc: {  	s10 =	smax.u32 s10, $0x1;
	[dreg:$0x4] =	wrdreg s11;
	s7 =	smov.u32 s11  }
0xd: {  	s8 =	sadd.s32 $0x21AA00, s2;
	[dreg:$0x7] =	wrdreg s10;
	s7 =	simm.s32 @p0 $0x1396  }
0xe: {  	[dreg:$0x6] =	wrdreg s8;
	s31 =	sadd.s32 $0x190, s7  }
0xf: {  	[dreg:$0x16] =	wrdreg s31;
	s31 =	sadd.s32 $0x1A0, s7  }
0x10: {  	v0 =	vlaneseq.u32;
	s11 =	sadd.s32 $0x110, s7;
	[dreg:$0x17] =	wrdreg s31  }
0x11: {  	v19 =	vadd.s32 s11, v0;
	s31 =	sadd.s32 $0x1B0, s7;
	s11 =	rddreg [dreg:$0x16]  }
0x12: {  	s12 =	sadd.s32 $0x120, s7;
	[dreg:$0x18] =	wrdreg s31  }
0x13: {  	v20 =	vadd.s32 s12, v0;
	s31 =	sadd.s32 $0x1C0, s7;
	s12 =	rddreg [dreg:$0x17]  }
0x14: {  	s16 =	sadd.s32 $0x30, s7;
	[dreg:$0x13] =	wrdreg s31  }
0x15: {  	v4 =	vadd.s32 s16, v0;
	s31 =	sadd.s32 $0x1D0, s7;
	s16 =	rddreg [dreg:$0x18]  }
0x16: {  	s17 =	sadd.s32 $0x40, s7;
	[dreg:$0x14] =	wrdreg s31  }
0x17: {  	v6 =	vadd.s32 s17, v0;
	s31 =	sadd.s32 $0x1E0, s7;
	s17 =	rddreg [dreg:$0x13]  }
0x18: {  	s18 =	sadd.s32 $0x50, s7;
	[dreg:$0x15] =	wrdreg s31  }
0x19: {  	v7 =	vadd.s32 s18, v0;
	s31 =	sadd.s32 $0x1F0, s7;
	s18 =	rddreg [dreg:$0x14]  }
0x1a: {  	s19 =	sadd.s32 $0x60, s7;
	[dreg:$0x10] =	wrdreg s31  }
0x1b: {  	v8 =	vadd.s32 s19, v0;
	s31 =	sadd.s32 $0x200, s7;
	s19 =	rddreg [dreg:$0x15]  }
0x1c: {  	s14 =	sadd.s32 $0x10, s7;
	s20 =	sadd.s32 $0x70, s7;
	[dreg:$0x11] =	wrdreg s31  }
0x1d: {  	s15 =	sadd.s32 $0x20, s7;
	v9 =	vadd.s32 s20, v0;
	s31 =	sadd.s32 $0x210, s7;
	s20 =	rddreg [dreg:$0x10]  }
0x1e: {  	s21 =	sadd.s32 $0x80, s7;
	s22 =	sadd.s32 $0x90, s7;
	[dreg:$0x12] =	wrdreg s31  }
0x1f: {  	s23 =	sadd.s32 $0xA0, s7;
	v10 =	vadd.s32 s21, v0;
	s31 =	sadd.s32 $0x220, s7;
	s21 =	rddreg [dreg:$0x11]  }
0x20: {  	s0 =	sadd.s32 $0xB0, s7;
	s2 =	sadd.s32 $0xC0, s7;
	[dreg:$0xd] =	wrdreg s31  }
0x21: {  	s4 =	sadd.s32 $0xD0, s7;
	v11 =	vadd.s32 s22, v0;
	s31 =	sadd.s32 $0x230, s7;
	s22 =	rddreg [dreg:$0x12]  }
0x22: {  	v48 =	vimm.s32 $0xFFF;
	v49 =	vimm.s32 $0x0;
	s5 =	sadd.s32 $0xE0, s7;
	s6 =	sadd.s32 $0xF0, s7;
	[dreg:$0xe] =	wrdreg s31  }
0x23: {  	vm0 =	vmmov $0xffff;
	v47 =	vadd.s32 $0x1, v0;
	s8 =	sadd.s32 $0x100, s7;
	v12 =	vadd.s32 s23, v0;
	s31 =	sadd.s32 $0x240, s7;
	s23 =	rddreg [dreg:$0xd]  }
0x24: {  	v1 =	vmov s13;
	s24 =	sadd.s32 $0x130, s7;
	s25 =	sadd.s32 $0x140, s7;
	v5 =	vadd.s32 s7, v0;
	v2 =	vadd.s32 s14, v0;
	[dreg:$0xf] =	wrdreg s31  }
0x25: {  	s26 =	sadd.s32 $0x150, s7;
	v3 =	vadd.s32 s15, v0;
	v13 =	vadd.s32 s0, v0;
	v21 =	vadd.s32 s24, v0;
	s31 =	sadd.s32 $0x250, s7;
	s24 =	rddreg [dreg:$0xe]  }
0x26: {  	s28 =	sadd.s32 $0x160, s7;
	s29 =	sadd.s32 $0x170, s7;
	v14 =	vadd.s32 s2, v0;
	v15 =	vadd.s32 s4, v0;
	v16 =	vadd.s32 s5, v0;
	[dreg:$0xa] =	wrdreg s31  }
0x27: {  	s30 =	sadd.s32 $0x180, s7;
	v17 =	vadd.s32 s6, v0;
	v18 =	vadd.s32 s8, v0;
	v22 =	vadd.s32 s25, v0;
	s31 =	sadd.s32 $0x260, s7;
	s25 =	rddreg [dreg:$0xf]  }
0x28: {  	s13 =	sadd.s32 $0x2B0, s7;
	s14 =	sadd.s32 $0x290, s7;
	v23 =	vadd.s32 s26, v0;
	v24 =	vadd.s32 s28, v0;
	v25 =	vadd.s32 s29, v0;
	[dreg:$0xb] =	wrdreg s31  }
0x29: {  	s15 =	sadd.s32 $0x2C0, s7;
	v26 =	vadd.s32 s30, v0;
	v45 =	vadd.s32 s13, v0;
	v43 =	vadd.s32 s14, v0;
	s31 =	sadd.s32 $0x270, s7;
	s26 =	rddreg [dreg:$0xa]  }
0x2a: {  	v46 =	vadd.s32 s15, v0;
	v27 =	vadd.s32 s11, v0;
	v28 =	vadd.s32 s12, v0;
	[dreg:$0xc] =	wrdreg s31  }
.Ltmp0:
0x2b: {  	v29 =	vadd.s32 s16, v0;
	v30 =	vadd.s32 s17, v0;
	v31 =	vadd.s32 s18, v0;
	s31 =	sadd.s32 $0x280, s7;
	s28 =	rddreg [dreg:$0xb];
	(pc) =	sbr.rel .LBB2_1-.Ltmp0, $4  }
0x2c: {  	v32 =	vadd.s32 s19, v0;
	v33 =	vadd.s32 s20, v0;
	v34 =	vadd.s32 s21, v0;
	[dreg:$0x9] =	wrdreg s31  }
0x2d: {  	v35 =	vadd.s32 s22, v0;
	v36 =	vadd.s32 s23, v0;
	v37 =	vadd.s32 s24, v0;
	s29 =	rddreg [dreg:$0xc]  }
0x2e: {  	s10 =	sadd.s32 $0x200, s1;
	v38 =	vadd.s32 s25, v0;
	v39 =	vadd.s32 s26, v0;
	s31 =	sadd.s32 $0x2A0, s7;
	v40 =	vadd.s32 s28, v0;
	s30 =	rddreg [dreg:$0x9]  }
0x2f: {  	s0 =	simm.s32 $0x0;
	s7 =	sadd.s32 $0xE00, s9;
	s9 =	sadd.s32 $0x100, s1;
	v41 =	vadd.s32 s29, v0;
	v44 =	vadd.s32 s31, v0;
	v42 =	vadd.s32 s30, v0  }
.LBB2_8:
0x30: {  	v50 =	vadd.s32 v1, v50  }
0x31: {  	[tilespmem:s5+$0x2300] =	vst v50  }
.LBB2_9:
0x32: {  	[tilespmem:$0x2600] =	vst v5  }
0x33: {  	[tilespmem:$0x2610] =	vst v2  }
0x34: {  	[tilespmem:$0x2620] =	vst v3  }
0x35: {  	[tilespmem:$0x2680] =	vst v4  }
0x36: {  	[tilespmem:$0x2690] =	vst v6  }
0x37: {  	[tilespmem:$0x26A0] =	vst v7  }
0x38: {  	[tilespmem:$0x2700] =	vst v8  }
0x39: {  	[tilespmem:$0x2710] =	vst v9  }
0x3a: {  	[tilespmem:$0x2720] =	vst v10  }
0x3b: {  	[tilespmem:$0x2780] =	vst v11  }
0x3c: {  	[tilespmem:$0x2790] =	vst v12  }
0x3d: {  	[tilespmem:$0x27A0] =	vst v13  }
0x3e: {  	[tilespmem:$0x2800] =	vst v14  }
0x3f: {  	[tilespmem:$0x2810] =	vst v15  }
0x40: {  	[tilespmem:$0x2820] =	vst v16  }
0x41: {  	[tilespmem:$0x2880] =	vst v17  }
0x42: {  	[tilespmem:$0x2890] =	vst v18  }
0x43: {  	[tilespmem:$0x28A0] =	vst v19  }
0x44: {  	[tilespmem:$0x2900] =	vst v20  }
0x45: {  	[tilespmem:$0x2910] =	vst v21  }
0x46: {  	[tilespmem:$0x2920] =	vst v22  }
0x47: {  	[tilespmem:$0x2980] =	vst v23  }
0x48: {  	[tilespmem:$0x2990] =	vst v24  }
0x49: {  	[tilespmem:$0x29A0] =	vst v25  }
0x4a: {  	[tilespmem:$0x2A00] =	vst v26  }
0x4b: {  	[tilespmem:$0x2A10] =	vst v27  }
0x4c: {  	[tilespmem:$0x2A20] =	vst v28  }
0x4d: {  	[tilespmem:$0x2A80] =	vst v29  }
0x4e: {  	[tilespmem:$0x2A90] =	vst v30  }
0x4f: {  	[tilespmem:$0x2AA0] =	vst v31;
	v50 =	vld [tilespmem:$0x2300]  }
0x50: {  	[tilespmem:$0x2B00] =	vst v32  }
0x51: {  	[tilespmem:$0x2B10] =	vst v33  }
0x52: {  	[tilespmem:$0x2B20] =	vst v34  }
0x53: {  	[tilespmem:$0x2B80] =	vst v35  }
0x54: {  	[tilespmem:$0x2B90] =	vst v36;
	v51 =	vshrl.u32 v50, $0x3  }
0x55: {  	[tilespmem:$0x2BA0] =	vst v37;
	v51 =	vmul.u32 $0x30, v51  }
0x56: {  	[tilespmem:$0x2C00] =	vst v38;
	v50 =	vand.u32 $0x7, v50  }
0x57: {  	[tilespmem:$0x2C10] =	vst v39;
	v57 =	vshrl.u32 v0, $0x3;
	v53 =	vor.u32 v50, v51;
	v50 =	vand.u32 $0x7, v0  }
0x58: {  	[tilespmem:$0x2C20] =	vst v40;
	v51 =	vmul.u32 $0x8, v57;
	v52 =	vperm.xlane v53, v50  }
0x59: {  	[tilespmem:$0x2C80] =	vst v41  }
0x5a: {  	[tilespmem:$0x2C90] =	vst v42;
	v54 =	vadd.s32 v51, v52  }
0x5b: {  	[tilespmem:$0x2CA0] =	vst v43  }
0x5c: {  	[tilespmem:$0x2D00] =	vst v44  }
0x5d: {  	[tilespmem:$0x2D10] =	vst v45;
	v52 =	vor.u32 $0x8, v0  }
0x5e: {  	[tilespmem:$0x2D20] =	vst v46;
	s0 =	simm.s32 $0x2E00;
	v53 =	vperm.xlane v53, v52  }
0x5f: {  	[tilespmem:s0], [sflag:$0x1] =	stream.indirect_vreg.gather [hbm4b:s1+s3], $0x80, v54, vm0, $0xb8;
	[tilespmem:$0x14E00] =	vst v63  }
0x60: {  	s24 =	simm.s32 $0x3600;
	v53 =	vadd.s32 v51, v53  }
0x61: {  	[tilespmem:s24], [sflag:$0x1] =	stream.indirect_vreg.gather [hbm4b:s9+s3], $0x80, v54, vm0, $0xb8;
	[tilespmem:$0x14E00] =	vst v63  }
0x62: {  	s25 =	simm.s32 $0x3E00  }
0x63: {  	[tilespmem:s25], [sflag:$0x1] =	stream.indirect_vreg.gather [hbm4b:s10+s3], $0x80, v54, vm0, $0xb8;
	[tilespmem:$0x14E00] =	vst v63  }
0x64: {  	s26 =	simm.s32 $0x4600  }
0x65: {  	[tilespmem:s26], [sflag:$0x1] =	stream.indirect_vreg.gather [hbm4b:s1+s3], $0x80, v53, vm0, $0xb8;
	[tilespmem:$0x14E00] =	vst v63  }
0x66: {  	s28 =	simm.s32 $0x4E00  }
0x67: {  	[tilespmem:s28], [sflag:$0x1] =	stream.indirect_vreg.gather [hbm4b:s9+s3], $0x80, v53, vm0, $0xb8;
	[tilespmem:$0x14E00] =	vst v63  }
0x68: {  	s29 =	simm.s32 $0x5600  }
0x69: {  	[tilespmem:s29], [sflag:$0x1] =	stream.indirect_vreg.gather [hbm4b:s10+s3], $0x80, v53, vm0, $0xb8;
	[tilespmem:$0x14E00] =	vst v63  }
0x6a: {  	v53 =	vld [tilespmem:$0x2310];
	_ =	sdelay $0x4  }
0x6b: {  	v58 =	vshrl.u32 v53, $0x3  }
0x6c: {  	v54 =	vmul.u32 $0x30, v58  }
0x6d: {  	v53 =	vand.u32 $0x7, v53  }
0x6e: {  	v53 =	vor.u32 v53, v54  }
0x6f: {  	v54 =	vperm.xlane v53, v50;
	_ =	sdelay $0x1  }
0x70: {  	v54 =	vadd.s32 v51, v54;
	_ =	sdelay $0x3  }
0x71: {  	s30 =	simm.s32 $0x5E00;
	v53 =	vperm.xlane v53, v52  }
0x72: {  	[tilespmem:s30], [sflag:$0x1] =	stream.indirect_vreg.gather [hbm4b:s1+s3], $0x80, v54, vm0, $0xb8;
	[tilespmem:$0x14E00] =	vst v63  }
0x73: {  	s31 =	simm.s32 $0x6600;
	v53 =	vadd.s32 v51, v53  }
0x74: {  	[tilespmem:s31], [sflag:$0x1] =	stream.indirect_vreg.gather [hbm4b:s9+s3], $0x80, v54, vm0, $0xb8;
	[tilespmem:$0x14E00] =	vst v63  }
0x75: {  	s2 =	simm.s32 $0x6E00  }
0x76: {  	[tilespmem:s2], [sflag:$0x1] =	stream.indirect_vreg.gather [hbm4b:s10+s3], $0x80, v54, vm0, $0xb8;
	[tilespmem:$0x14E00] =	vst v63  }
0x77: {  	s4 =	simm.s32 $0x7600  }
0x78: {  	[tilespmem:s4], [sflag:$0x1] =	stream.indirect_vreg.gather [hbm4b:s1+s3], $0x80, v53, vm0, $0xb8;
	[tilespmem:$0x14E00] =	vst v63  }
0x79: {  	s5 =	simm.s32 $0x7E00  }
0x7a: {  	[tilespmem:s5], [sflag:$0x1] =	stream.indirect_vreg.gather [hbm4b:s9+s3], $0x80, v53, vm0, $0xb8;
	[tilespmem:$0x14E00] =	vst v63  }
0x7b: {  	s6 =	simm.s32 $0x8600  }
0x7c: {  	[tilespmem:s6], [sflag:$0x1] =	stream.indirect_vreg.gather [hbm4b:s10+s3], $0x80, v53, vm0, $0xb8;
	[tilespmem:$0x14E00] =	vst v63  }
0x7d: {  	v53 =	vld [tilespmem:$0x2320];
	_ =	sdelay $0x4  }
0x7e: {  	v59 =	vshrl.u32 v53, $0x3  }
0x7f: {  	v54 =	vmul.u32 $0x30, v59  }
0x80: {  	v53 =	vand.u32 $0x7, v53  }
0x81: {  	v53 =	vor.u32 v53, v54  }
0x82: {  	v54 =	vperm.xlane v53, v50;
	_ =	sdelay $0x1  }
0x83: {  	v54 =	vadd.s32 v51, v54;
	_ =	sdelay $0x3  }
0x84: {  	s8 =	simm.s32 $0x8E00;
	v53 =	vperm.xlane v53, v52  }
0x85: {  	[tilespmem:s8], [sflag:$0x1] =	stream.indirect_vreg.gather [hbm4b:s1+s3], $0x80, v54, vm0, $0xb8;
	[tilespmem:$0x14E00] =	vst v63  }
0x86: {  	s11 =	simm.s32 $0x9600;
	v53 =	vadd.s32 v51, v53  }
0x87: {  	[tilespmem:s11], [sflag:$0x1] =	stream.indirect_vreg.gather [hbm4b:s9+s3], $0x80, v54, vm0, $0xb8;
	[tilespmem:$0x14E00] =	vst v63  }
0x88: {  	s12 =	simm.s32 $0x9E00  }
0x89: {  	[tilespmem:s12], [sflag:$0x1] =	stream.indirect_vreg.gather [hbm4b:s10+s3], $0x80, v54, vm0, $0xb8;
	[tilespmem:$0x14E00] =	vst v63  }
0x8a: {  	s13 =	simm.s32 $0xA600  }
0x8b: {  	[tilespmem:s13], [sflag:$0x1] =	stream.indirect_vreg.gather [hbm4b:s1+s3], $0x80, v53, vm0, $0xb8;
	[tilespmem:$0x14E00] =	vst v63  }
0x8c: {  	s14 =	simm.s32 $0xAE00  }
0x8d: {  	[tilespmem:s14], [sflag:$0x1] =	stream.indirect_vreg.gather [hbm4b:s9+s3], $0x80, v53, vm0, $0xb8;
	[tilespmem:$0x14E00] =	vst v63  }
0x8e: {  	s15 =	simm.s32 $0xB600;
	s16 =	simm.s32 $0x1  }
0x8f: {  	[tilespmem:s15], [sflag:$0x1] =	stream.indirect_vreg.gather [hbm4b:s10+s3], $0x80, v53, vm0, $0xb8;
	[tilespmem:$0x14E00] =	vst v63  }
0x90: {  	_ =	swait.ge [sflag:s16], $0x9000  }
0x91: {  	[sflag:s16] =	ssyncset.done $0x0  }
0x92: {  	[sflag:s16] =	ssyncadd.s32 $0xFFFF7000  }
0x93: {  	v60 =	vld [tilespmem:$0x2330];
	_ =	sdelay $0x4  }
0x94: {  	v61 =	vshrl.u32 v60, $0x3  }
0x95: {  	v54 =	vmul.u32 $0x30, v61  }
0x96: {  	v53 =	vand.u32 $0x7, v60  }
0x97: {  	v53 =	vor.u32 v53, v54  }
0x98: {  	v54 =	vperm.xlane v53, v50;
	_ =	sdelay $0x1  }
0x99: {  	v54 =	vadd.s32 v51, v54;
	_ =	sdelay $0x3  }
0x9a: {  	s17 =	simm.s32 $0xBE00;
	v53 =	vperm.xlane v53, v52  }
0x9b: {  	[tilespmem:s17], [sflag:$0x2] =	stream.indirect_vreg.gather [hbm4b:s1+s3], $0x80, v54, vm0, $0xb8;
	[tilespmem:$0x14E00] =	vst v63  }
0x9c: {  	s5 =	simm.s32 $0xC600;
	v53 =	vadd.s32 v51, v53  }
0x9d: {  	[tilespmem:s5], [sflag:$0x2] =	stream.indirect_vreg.gather [hbm4b:s9+s3], $0x80, v54, vm0, $0xb8;
	[tilespmem:$0x14E00] =	vst v63  }
0x9e: {  	s18 =	simm.s32 $0xCE00  }
0x9f: {  	[tilespmem:s18], [sflag:$0x2] =	stream.indirect_vreg.gather [hbm4b:s10+s3], $0x80, v54, vm0, $0xb8;
	[tilespmem:$0x14E00] =	vst v63  }
0xa0: {  	s19 =	simm.s32 $0xD600  }
0xa1: {  	[tilespmem:s19], [sflag:$0x2] =	stream.indirect_vreg.gather [hbm4b:s1+s3], $0x80, v53, vm0, $0xb8;
	[tilespmem:$0x14E00] =	vst v63  }
0xa2: {  	s20 =	simm.s32 $0xDE00  }
0xa3: {  	[tilespmem:s20], [sflag:$0x2] =	stream.indirect_vreg.gather [hbm4b:s9+s3], $0x80, v53, vm0, $0xb8;
	[tilespmem:$0x14E00] =	vst v63  }
0xa4: {  	s21 =	simm.s32 $0xE600  }
0xa5: {  	[tilespmem:s21], [sflag:$0x2] =	stream.indirect_vreg.gather [hbm4b:s10+s3], $0x80, v53, vm0, $0xb8;
	[tilespmem:$0x14E00] =	vst v63  }
0xa6: {  	v53 =	vld [tilespmem:$0x2340];
	_ =	sdelay $0x4  }
0xa7: {  	v62 =	vshrl.u32 v53, $0x3  }
0xa8: {  	v54 =	vmul.u32 $0x30, v62  }
0xa9: {  	v53 =	vand.u32 $0x7, v53  }
0xaa: {  	v53 =	vor.u32 v53, v54  }
0xab: {  	v54 =	vperm.xlane v53, v50;
	_ =	sdelay $0x1  }
0xac: {  	v54 =	vadd.s32 v51, v54;
	_ =	sdelay $0x3  }
0xad: {  	s22 =	simm.s32 $0xEE00;
	v53 =	vperm.xlane v53, v52  }
0xae: {  	[tilespmem:s22], [sflag:$0x2] =	stream.indirect_vreg.gather [hbm4b:s1+s3], $0x80, v54, vm0, $0xb8;
	[tilespmem:$0x14E00] =	vst v63  }
0xaf: {  	s23 =	simm.s32 $0xF600;
	v53 =	vadd.s32 v51, v53  }
0xb0: {  	[tilespmem:s23], [sflag:$0x2] =	stream.indirect_vreg.gather [hbm4b:s9+s3], $0x80, v54, vm0, $0xb8;
	[tilespmem:$0x14E00] =	vst v63  }
0xb1: {  	s24 =	simm.s32 $0xFE00  }
0xb2: {  	[tilespmem:s24], [sflag:$0x2] =	stream.indirect_vreg.gather [hbm4b:s10+s3], $0x80, v54, vm0, $0xb8;
	[tilespmem:$0x14E00] =	vst v63  }
0xb3: {  	s25 =	simm.s32 $0x10600  }
0xb4: {  	[tilespmem:s25], [sflag:$0x2] =	stream.indirect_vreg.gather [hbm4b:s1+s3], $0x80, v53, vm0, $0xb8;
	[tilespmem:$0x14E00] =	vst v63  }
0xb5: {  	s26 =	simm.s32 $0x10E00  }
0xb6: {  	[tilespmem:s26], [sflag:$0x2] =	stream.indirect_vreg.gather [hbm4b:s9+s3], $0x80, v53, vm0, $0xb8;
	[tilespmem:$0x14E00] =	vst v63  }
0xb7: {  	s28 =	simm.s32 $0x11600  }
0xb8: {  	[tilespmem:s28], [sflag:$0x2] =	stream.indirect_vreg.gather [hbm4b:s10+s3], $0x80, v53, vm0, $0xb8;
	[tilespmem:$0x14E00] =	vst v63  }
0xb9: {  	v53 =	vld [tilespmem:$0x2350];
	_ =	sdelay $0x4  }
0xba: {  	v63 =	vshrl.u32 v53, $0x3  }
0xbb: {  	v54 =	vmul.u32 $0x30, v63  }
0xbc: {  	v53 =	vand.u32 $0x7, v53  }
0xbd: {  	v53 =	vor.u32 v53, v54  }
0xbe: {  	v54 =	vperm.xlane v53, v50;
	_ =	sdelay $0x1  }
0xbf: {  	v54 =	vadd.s32 v51, v54;
	_ =	sdelay $0x3  }
0xc0: {  	s29 =	simm.s32 $0x11E00;
	v53 =	vperm.xlane v53, v52  }
0xc1: {  	[tilespmem:s29], [sflag:$0x2] =	stream.indirect_vreg.gather [hbm4b:s1+s3], $0x80, v54, vm0, $0xb8;
	[tilespmem:$0x14E00] =	vst v63  }
0xc2: {  	s30 =	simm.s32 $0x12600;
	v53 =	vadd.s32 v51, v53  }
0xc3: {  	[tilespmem:s30], [sflag:$0x2] =	stream.indirect_vreg.gather [hbm4b:s9+s3], $0x80, v54, vm0, $0xb8;
	[tilespmem:$0x14E00] =	vst v63  }
0xc4: {  	s31 =	simm.s32 $0x12E00  }
0xc5: {  	[tilespmem:s31], [sflag:$0x2] =	stream.indirect_vreg.gather [hbm4b:s10+s3], $0x80, v54, vm0, $0xb8;
	[tilespmem:$0x14E00] =	vst v63  }
0xc6: {  	s0 =	simm.s32 $0x13600  }
0xc7: {  	[tilespmem:s0], [sflag:$0x2] =	stream.indirect_vreg.gather [hbm4b:s1+s3], $0x80, v53, vm0, $0xb8;
	[tilespmem:$0x14E00] =	vst v63  }
0xc8: {  	s2 =	simm.s32 $0x13E00  }
0xc9: {  	[tilespmem:s2], [sflag:$0x2] =	stream.indirect_vreg.gather [hbm4b:s9+s3], $0x80, v53, vm0, $0xb8;
	[tilespmem:$0x14E00] =	vst v63  }
0xca: {  	s4 =	simm.s32 $0x14600  }
0xcb: {  	[tilespmem:s4], [sflag:$0x2] =	stream.indirect_vreg.gather [hbm4b:s10+s3], $0x80, v53, vm0, $0xb8;
	[tilespmem:$0x14E00] =	vst v63  }
0xcc: {  	v53 =	vld [tilespmem:$0x2600];
	_ =	sdelay $0x4  }
0xcd: {  	v57 =	vshrl.u32 v53, $0x3  }
0xce: {  	v54 =	vmul.u32 $0x30, v57  }
0xcf: {  	v53 =	vand.u32 $0x7, v53  }
0xd0: {  	v53 =	vor.u32 v53, v54  }
0xd1: {  	v54 =	vperm.xlane v53, v50;
	_ =	sdelay $0x1  }
0xd2: {  	v54 =	vadd.s32 v51, v54;
	_ =	sdelay $0x3  }
0xd3: {  	s6 =	simm.s32 $0x2E00;
	v53 =	vperm.xlane v53, v52  }
0xd4: {  	[hbm4b:s7+s3] =	stream.indirect_vreg.scatter [tilespmem:s6], [sflag:$0x3], $0x80, v54, vm0, $0xb8;
	[tilespmem:$0x14E00] =	vst v63  }
0xd5: {  	s8 =	simm.s32 $0x3600;
	s12 =	sadd.s32 $0x100, s7;
	v53 =	vadd.s32 v51, v53  }
0xd6: {  	[hbm4b:s12+s3] =	stream.indirect_vreg.scatter [tilespmem:s8], [sflag:$0x3], $0x80, v54, vm0, $0xb8;
	[tilespmem:$0x14E00] =	vst v63  }
0xd7: {  	s14 =	simm.s32 $0x3E00;
	s5 =	sadd.s32 $0x200, s7  }
0xd8: {  	[hbm4b:s5+s3] =	stream.indirect_vreg.scatter [tilespmem:s14], [sflag:$0x3], $0x80, v54, vm0, $0xb8;
	[tilespmem:$0x14E00] =	vst v63  }
0xd9: {  	s15 =	simm.s32 $0x4600  }
0xda: {  	[hbm4b:s7+s3] =	stream.indirect_vreg.scatter [tilespmem:s15], [sflag:$0x3], $0x80, v53, vm0, $0xb8;
	[tilespmem:$0x14E00] =	vst v63  }
0xdb: {  	s16 =	simm.s32 $0x4E00  }
0xdc: {  	[hbm4b:s12+s3] =	stream.indirect_vreg.scatter [tilespmem:s16], [sflag:$0x3], $0x80, v53, vm0, $0xb8;
	[tilespmem:$0x14E00] =	vst v63  }
0xdd: {  	s17 =	simm.s32 $0x5600  }
0xde: {  	[hbm4b:s5+s3] =	stream.indirect_vreg.scatter [tilespmem:s17], [sflag:$0x3], $0x80, v53, vm0, $0xb8;
	[tilespmem:$0x14E00] =	vst v63  }
0xdf: {  	v53 =	vld [tilespmem:$0x2610];
	_ =	sdelay $0x4  }
0xe0: {  	v58 =	vshrl.u32 v53, $0x3  }
0xe1: {  	v54 =	vmul.u32 $0x30, v58  }
0xe2: {  	v53 =	vand.u32 $0x7, v53  }
0xe3: {  	v53 =	vor.u32 v53, v54  }
0xe4: {  	v54 =	vperm.xlane v53, v50;
	_ =	sdelay $0x1  }
0xe5: {  	v54 =	vadd.s32 v51, v54;
	_ =	sdelay $0x3  }
0xe6: {  	s18 =	simm.s32 $0x5E00;
	v53 =	vperm.xlane v53, v52  }
0xe7: {  	[hbm4b:s7+s3] =	stream.indirect_vreg.scatter [tilespmem:s18], [sflag:$0x3], $0x80, v54, vm0, $0xb8;
	[tilespmem:$0x14E00] =	vst v63  }
0xe8: {  	s19 =	simm.s32 $0x6600;
	v53 =	vadd.s32 v51, v53  }
0xe9: {  	[hbm4b:s12+s3] =	stream.indirect_vreg.scatter [tilespmem:s19], [sflag:$0x3], $0x80, v54, vm0, $0xb8;
	[tilespmem:$0x14E00] =	vst v63  }
0xea: {  	s20 =	simm.s32 $0x6E00  }
0xeb: {  	[hbm4b:s5+s3] =	stream.indirect_vreg.scatter [tilespmem:s20], [sflag:$0x3], $0x80, v54, vm0, $0xb8;
	[tilespmem:$0x14E00] =	vst v63  }
0xec: {  	s21 =	simm.s32 $0x7600  }
0xed: {  	[hbm4b:s7+s3] =	stream.indirect_vreg.scatter [tilespmem:s21], [sflag:$0x3], $0x80, v53, vm0, $0xb8;
	[tilespmem:$0x14E00] =	vst v63  }
0xee: {  	s22 =	simm.s32 $0x7E00  }
0xef: {  	[hbm4b:s12+s3] =	stream.indirect_vreg.scatter [tilespmem:s22], [sflag:$0x3], $0x80, v53, vm0, $0xb8;
	[tilespmem:$0x14E00] =	vst v63  }
0xf0: {  	s23 =	simm.s32 $0x8600  }
0xf1: {  	[hbm4b:s5+s3] =	stream.indirect_vreg.scatter [tilespmem:s23], [sflag:$0x3], $0x80, v53, vm0, $0xb8;
	[tilespmem:$0x14E00] =	vst v63  }
0xf2: {  	v53 =	vld [tilespmem:$0x2620];
	_ =	sdelay $0x4  }
0xf3: {  	v59 =	vshrl.u32 v53, $0x3  }
0xf4: {  	v54 =	vmul.u32 $0x30, v59  }
0xf5: {  	v53 =	vand.u32 $0x7, v53  }
0xf6: {  	v53 =	vor.u32 v53, v54  }
0xf7: {  	v54 =	vperm.xlane v53, v50;
	_ =	sdelay $0x1  }
0xf8: {  	v54 =	vadd.s32 v51, v54;
	_ =	sdelay $0x3  }
0xf9: {  	s24 =	simm.s32 $0x8E00;
	v53 =	vperm.xlane v53, v52  }
0xfa: {  	[hbm4b:s7+s3] =	stream.indirect_vreg.scatter [tilespmem:s24], [sflag:$0x3], $0x80, v54, vm0, $0xb8;
	[tilespmem:$0x14E00] =	vst v63  }
0xfb: {  	s25 =	simm.s32 $0x9600;
	v53 =	vadd.s32 v51, v53  }
0xfc: {  	[hbm4b:s12+s3] =	stream.indirect_vreg.scatter [tilespmem:s25], [sflag:$0x3], $0x80, v54, vm0, $0xb8;
	[tilespmem:$0x14E00] =	vst v63  }
0xfd: {  	s26 =	simm.s32 $0x9E00  }
0xfe: {  	[hbm4b:s5+s3] =	stream.indirect_vreg.scatter [tilespmem:s26], [sflag:$0x3], $0x80, v54, vm0, $0xb8;
	[tilespmem:$0x14E00] =	vst v63  }
0xff: {  	s28 =	simm.s32 $0xA600  }
0x100: {  	[hbm4b:s7+s3] =	stream.indirect_vreg.scatter [tilespmem:s28], [sflag:$0x3], $0x80, v53, vm0, $0xb8;
	[tilespmem:$0x14E00] =	vst v63  }
0x101: {  	s29 =	simm.s32 $0xAE00  }
0x102: {  	[hbm4b:s12+s3] =	stream.indirect_vreg.scatter [tilespmem:s29], [sflag:$0x3], $0x80, v53, vm0, $0xb8;
	[tilespmem:$0x14E00] =	vst v63  }
0x103: {  	s13 =	simm.s32 $0xB600;
	s2 =	simm.s32 $0x2  }
0x104: {  	[hbm4b:s5+s3] =	stream.indirect_vreg.scatter [tilespmem:s13], [sflag:$0x3], $0x80, v53, vm0, $0xb8;
	[tilespmem:$0x14E00] =	vst v63  }
0x105: {  	_ =	swait.ge [sflag:s2], $0x9000  }
0x106: {  	[sflag:s2] =	ssyncset.done $0x0  }
0x107: {  	s11 =	simm.s32 $0x3;
	[sflag:s2] =	ssyncadd.s32 $0xFFFF7000  }
0x108: {  	_ =	swait.ge [sflag:s11], $0x9000  }
0x109: {  	[sflag:s11] =	ssyncset.done $0x0  }
0x10a: {  	[sflag:s11] =	ssyncadd.s32 $0xFFFF7000  }
0x10b: {  	v60 =	vld [tilespmem:$0x2360];
	_ =	sdelay $0x4  }
0x10c: {  	v61 =	vshrl.u32 v60, $0x3  }
0x10d: {  	v54 =	vmul.u32 $0x30, v61  }
0x10e: {  	v53 =	vand.u32 $0x7, v60  }
0x10f: {  	v53 =	vor.u32 v53, v54  }
0x110: {  	v54 =	vperm.xlane v53, v50;
	_ =	sdelay $0x1  }
0x111: {  	v54 =	vadd.s32 v51, v54;
	_ =	sdelay $0x3  }
0x112: {  	v53 =	vperm.xlane v53, v52  }
0x113: {  	[tilespmem:s6], [sflag:$0x1] =	stream.indirect_vreg.gather [hbm4b:s1+s3], $0x80, v54, vm0, $0xb8;
	[tilespmem:$0x14E00] =	vst v63  }
0x114: {  	v53 =	vadd.s32 v51, v53  }
0x115: {  	[tilespmem:s8], [sflag:$0x1] =	stream.indirect_vreg.gather [hbm4b:s9+s3], $0x80, v54, vm0, $0xb8;
	[tilespmem:$0x14E00] =	vst v63  }
0x116: {  	_ = 	snop  }
0x117: {  	[tilespmem:s14], [sflag:$0x1] =	stream.indirect_vreg.gather [hbm4b:s10+s3], $0x80, v54, vm0, $0xb8;
	[tilespmem:$0x14E00] =	vst v63  }
0x118: {  	_ = 	snop  }
0x119: {  	[tilespmem:s15], [sflag:$0x1] =	stream.indirect_vreg.gather [hbm4b:s1+s3], $0x80, v53, vm0, $0xb8;
	[tilespmem:$0x14E00] =	vst v63  }
0x11a: {  	_ = 	snop  }
0x11b: {  	[tilespmem:s16], [sflag:$0x1] =	stream.indirect_vreg.gather [hbm4b:s9+s3], $0x80, v53, vm0, $0xb8;
	[tilespmem:$0x14E00] =	vst v63  }
0x11c: {  	_ = 	snop  }
0x11d: {  	[tilespmem:s17], [sflag:$0x1] =	stream.indirect_vreg.gather [hbm4b:s10+s3], $0x80, v53, vm0, $0xb8;
	[tilespmem:$0x14E00] =	vst v63  }
0x11e: {  	v53 =	vld [tilespmem:$0x2370];
	_ =	sdelay $0x4  }
0x11f: {  	v62 =	vshrl.u32 v53, $0x3  }
0x120: {  	v54 =	vmul.u32 $0x30, v62  }
0x121: {  	v53 =	vand.u32 $0x7, v53  }
0x122: {  	v53 =	vor.u32 v53, v54  }
0x123: {  	v54 =	vperm.xlane v53, v50;
	_ =	sdelay $0x1  }
0x124: {  	v54 =	vadd.s32 v51, v54;
	_ =	sdelay $0x3  }
0x125: {  	v53 =	vperm.xlane v53, v52  }
0x126: {  	[tilespmem:s18], [sflag:$0x1] =	stream.indirect_vreg.gather [hbm4b:s1+s3], $0x80, v54, vm0, $0xb8;
	[tilespmem:$0x14E00] =	vst v63  }
0x127: {  	v53 =	vadd.s32 v51, v53  }
0x128: {  	[tilespmem:s19], [sflag:$0x1] =	stream.indirect_vreg.gather [hbm4b:s9+s3], $0x80, v54, vm0, $0xb8;
	[tilespmem:$0x14E00] =	vst v63  }
0x129: {  	_ = 	snop  }
0x12a: {  	[tilespmem:s20], [sflag:$0x1] =	stream.indirect_vreg.gather [hbm4b:s10+s3], $0x80, v54, vm0, $0xb8;
	[tilespmem:$0x14E00] =	vst v63  }
0x12b: {  	_ = 	snop  }
0x12c: {  	[tilespmem:s21], [sflag:$0x1] =	stream.indirect_vreg.gather [hbm4b:s1+s3], $0x80, v53, vm0, $0xb8;
	[tilespmem:$0x14E00] =	vst v63  }
0x12d: {  	_ = 	snop  }
0x12e: {  	[tilespmem:s22], [sflag:$0x1] =	stream.indirect_vreg.gather [hbm4b:s9+s3], $0x80, v53, vm0, $0xb8;
	[tilespmem:$0x14E00] =	vst v63  }
0x12f: {  	_ = 	snop  }
0x130: {  	[tilespmem:s23], [sflag:$0x1] =	stream.indirect_vreg.gather [hbm4b:s10+s3], $0x80, v53, vm0, $0xb8;
	[tilespmem:$0x14E00] =	vst v63  }
0x131: {  	v53 =	vld [tilespmem:$0x2380];
	_ =	sdelay $0x4  }
0x132: {  	v63 =	vshrl.u32 v53, $0x3  }
0x133: {  	v54 =	vmul.u32 $0x30, v63  }
0x134: {  	v53 =	vand.u32 $0x7, v53  }
0x135: {  	v53 =	vor.u32 v53, v54  }
0x136: {  	v54 =	vperm.xlane v53, v50;
	_ =	sdelay $0x1  }
0x137: {  	v54 =	vadd.s32 v51, v54;
	_ =	sdelay $0x3  }
0x138: {  	v53 =	vperm.xlane v53, v52  }
0x139: {  	[tilespmem:s24], [sflag:$0x1] =	stream.indirect_vreg.gather [hbm4b:s1+s3], $0x80, v54, vm0, $0xb8;
	[tilespmem:$0x14E00] =	vst v63  }
0x13a: {  	v53 =	vadd.s32 v51, v53  }
0x13b: {  	[tilespmem:s25], [sflag:$0x1] =	stream.indirect_vreg.gather [hbm4b:s9+s3], $0x80, v54, vm0, $0xb8;
	[tilespmem:$0x14E00] =	vst v63  }
0x13c: {  	_ = 	snop  }
0x13d: {  	[tilespmem:s26], [sflag:$0x1] =	stream.indirect_vreg.gather [hbm4b:s10+s3], $0x80, v54, vm0, $0xb8;
	[tilespmem:$0x14E00] =	vst v63  }
0x13e: {  	_ = 	snop  }
0x13f: {  	[tilespmem:s28], [sflag:$0x1] =	stream.indirect_vreg.gather [hbm4b:s1+s3], $0x80, v53, vm0, $0xb8;
	[tilespmem:$0x14E00] =	vst v63  }
0x140: {  	_ = 	snop  }
0x141: {  	[tilespmem:s29], [sflag:$0x1] =	stream.indirect_vreg.gather [hbm4b:s9+s3], $0x80, v53, vm0, $0xb8;
	[tilespmem:$0x14E00] =	vst v63  }
0x142: {  	_ = 	snop  }
0x143: {  	[tilespmem:s13], [sflag:$0x1] =	stream.indirect_vreg.gather [hbm4b:s10+s3], $0x80, v53, vm0, $0xb8;
	[tilespmem:$0x14E00] =	vst v63  }
0x144: {  	v53 =	vld [tilespmem:$0x2680];
	_ =	sdelay $0x4  }
0x145: {  	v57 =	vshrl.u32 v53, $0x3  }
0x146: {  	v54 =	vmul.u32 $0x30, v57  }
0x147: {  	v53 =	vand.u32 $0x7, v53  }
0x148: {  	v53 =	vor.u32 v53, v54  }
0x149: {  	v54 =	vperm.xlane v53, v50;
	_ =	sdelay $0x1  }
0x14a: {  	v54 =	vadd.s32 v51, v54;
	_ =	sdelay $0x3  }
0x14b: {  	s20 =	simm.s32 $0xBE00;
	v53 =	vperm.xlane v53, v52  }
0x14c: {  	[hbm4b:s7+s3] =	stream.indirect_vreg.scatter [tilespmem:s20], [sflag:$0x4], $0x80, v54, vm0, $0xb8;
	[tilespmem:$0x14E00] =	vst v63  }
0x14d: {  	s4 =	simm.s32 $0xC600;
	v53 =	vadd.s32 v51, v53  }
0x14e: {  	[hbm4b:s12+s3] =	stream.indirect_vreg.scatter [tilespmem:s4], [sflag:$0x4], $0x80, v54, vm0, $0xb8;
	[tilespmem:$0x14E00] =	vst v63  }
0x14f: {  	s21 =	simm.s32 $0xCE00  }
0x150: {  	[hbm4b:s5+s3] =	stream.indirect_vreg.scatter [tilespmem:s21], [sflag:$0x4], $0x80, v54, vm0, $0xb8;
	[tilespmem:$0x14E00] =	vst v63  }
0x151: {  	s6 =	simm.s32 $0xD600  }
0x152: {  	[hbm4b:s7+s3] =	stream.indirect_vreg.scatter [tilespmem:s6], [sflag:$0x4], $0x80, v53, vm0, $0xb8;
	[tilespmem:$0x14E00] =	vst v63  }
0x153: {  	s11 =	simm.s32 $0xDE00  }
0x154: {  	[hbm4b:s12+s3] =	stream.indirect_vreg.scatter [tilespmem:s11], [sflag:$0x4], $0x80, v53, vm0, $0xb8;
	[tilespmem:$0x14E00] =	vst v63  }
0x155: {  	s22 =	simm.s32 $0xE600  }
0x156: {  	[hbm4b:s5+s3] =	stream.indirect_vreg.scatter [tilespmem:s22], [sflag:$0x4], $0x80, v53, vm0, $0xb8;
	[tilespmem:$0x14E00] =	vst v63  }
0x157: {  	v53 =	vld [tilespmem:$0x2690];
	_ =	sdelay $0x4  }
0x158: {  	v58 =	vshrl.u32 v53, $0x3  }
0x159: {  	v54 =	vmul.u32 $0x30, v58  }
0x15a: {  	v53 =	vand.u32 $0x7, v53  }
0x15b: {  	v53 =	vor.u32 v53, v54  }
0x15c: {  	v54 =	vperm.xlane v53, v50;
	_ =	sdelay $0x1  }
0x15d: {  	v54 =	vadd.s32 v51, v54;
	_ =	sdelay $0x3  }
0x15e: {  	s23 =	simm.s32 $0xEE00;
	v53 =	vperm.xlane v53, v52  }
0x15f: {  	[hbm4b:s7+s3] =	stream.indirect_vreg.scatter [tilespmem:s23], [sflag:$0x4], $0x80, v54, vm0, $0xb8;
	[tilespmem:$0x14E00] =	vst v63  }
0x160: {  	s0 =	simm.s32 $0xF600;
	v53 =	vadd.s32 v51, v53  }
0x161: {  	[hbm4b:s12+s3] =	stream.indirect_vreg.scatter [tilespmem:s0], [sflag:$0x4], $0x80, v54, vm0, $0xb8;
	[tilespmem:$0x14E00] =	vst v63  }
0x162: {  	s8 =	simm.s32 $0xFE00  }
0x163: {  	[hbm4b:s5+s3] =	stream.indirect_vreg.scatter [tilespmem:s8], [sflag:$0x4], $0x80, v54, vm0, $0xb8;
	[tilespmem:$0x14E00] =	vst v63  }
0x164: {  	s14 =	simm.s32 $0x10600  }
0x165: {  	[hbm4b:s7+s3] =	stream.indirect_vreg.scatter [tilespmem:s14], [sflag:$0x4], $0x80, v53, vm0, $0xb8;
	[tilespmem:$0x14E00] =	vst v63  }
0x166: {  	s15 =	simm.s32 $0x10E00  }
0x167: {  	[hbm4b:s12+s3] =	stream.indirect_vreg.scatter [tilespmem:s15], [sflag:$0x4], $0x80, v53, vm0, $0xb8;
	[tilespmem:$0x14E00] =	vst v63  }
0x168: {  	s16 =	simm.s32 $0x11600  }
0x169: {  	[hbm4b:s5+s3] =	stream.indirect_vreg.scatter [tilespmem:s16], [sflag:$0x4], $0x80, v53, vm0, $0xb8;
	[tilespmem:$0x14E00] =	vst v63  }
0x16a: {  	v53 =	vld [tilespmem:$0x26A0];
	_ =	sdelay $0x4  }
0x16b: {  	v59 =	vshrl.u32 v53, $0x3  }
0x16c: {  	v54 =	vmul.u32 $0x30, v59  }
0x16d: {  	v53 =	vand.u32 $0x7, v53  }
0x16e: {  	v53 =	vor.u32 v53, v54  }
0x16f: {  	v54 =	vperm.xlane v53, v50;
	_ =	sdelay $0x1  }
0x170: {  	v54 =	vadd.s32 v51, v54;
	_ =	sdelay $0x3  }
0x171: {  	s17 =	simm.s32 $0x11E00;
	v53 =	vperm.xlane v53, v52  }
0x172: {  	[hbm4b:s7+s3] =	stream.indirect_vreg.scatter [tilespmem:s17], [sflag:$0x4], $0x80, v54, vm0, $0xb8;
	[tilespmem:$0x14E00] =	vst v63  }
0x173: {  	s18 =	simm.s32 $0x12600;
	v53 =	vadd.s32 v51, v53  }
0x174: {  	[hbm4b:s12+s3] =	stream.indirect_vreg.scatter [tilespmem:s18], [sflag:$0x4], $0x80, v54, vm0, $0xb8;
	[tilespmem:$0x14E00] =	vst v63  }
0x175: {  	s24 =	simm.s32 $0x12E00  }
0x176: {  	[hbm4b:s5+s3] =	stream.indirect_vreg.scatter [tilespmem:s24], [sflag:$0x4], $0x80, v54, vm0, $0xb8;
	[tilespmem:$0x14E00] =	vst v63  }
0x177: {  	s28 =	simm.s32 $0x13600  }
0x178: {  	[hbm4b:s7+s3] =	stream.indirect_vreg.scatter [tilespmem:s28], [sflag:$0x4], $0x80, v53, vm0, $0xb8;
	[tilespmem:$0x14E00] =	vst v63  }
0x179: {  	s29 =	simm.s32 $0x13E00  }
0x17a: {  	[hbm4b:s12+s3] =	stream.indirect_vreg.scatter [tilespmem:s29], [sflag:$0x4], $0x80, v53, vm0, $0xb8;
	[tilespmem:$0x14E00] =	vst v63  }
0x17b: {  	s30 =	simm.s32 $0x14600;
	s31 =	simm.s32 $0x1  }
0x17c: {  	[hbm4b:s5+s3] =	stream.indirect_vreg.scatter [tilespmem:s30], [sflag:$0x4], $0x80, v53, vm0, $0xb8;
	[tilespmem:$0x14E00] =	vst v63  }
0x17d: {  	_ =	swait.ge [sflag:s31], $0x9000  }
0x17e: {  	[sflag:s31] =	ssyncset.done $0x0  }
0x17f: {  	s2 =	simm.s32 $0x4;
	[sflag:s31] =	ssyncadd.s32 $0xFFFF7000  }
0x180: {  	_ =	swait.ge [sflag:s2], $0x9000  }
0x181: {  	[sflag:s2] =	ssyncset.done $0x0  }
0x182: {  	[sflag:s2] =	ssyncadd.s32 $0xFFFF7000  }
0x183: {  	v60 =	vld [tilespmem:$0x2390];
	_ =	sdelay $0x4  }
0x184: {  	v61 =	vshrl.u32 v60, $0x3  }
0x185: {  	v54 =	vmul.u32 $0x30, v61  }
0x186: {  	v53 =	vand.u32 $0x7, v60  }
0x187: {  	v53 =	vor.u32 v53, v54  }
0x188: {  	v54 =	vperm.xlane v53, v50;
	_ =	sdelay $0x1  }
0x189: {  	v54 =	vadd.s32 v51, v54;
	_ =	sdelay $0x3  }
0x18a: {  	v53 =	vperm.xlane v53, v52  }
0x18b: {  	[tilespmem:s20], [sflag:$0x2] =	stream.indirect_vreg.gather [hbm4b:s1+s3], $0x80, v54, vm0, $0xb8;
	[tilespmem:$0x14E00] =	vst v63  }
0x18c: {  	v53 =	vadd.s32 v51, v53  }
0x18d: {  	[tilespmem:s4], [sflag:$0x2] =	stream.indirect_vreg.gather [hbm4b:s9+s3], $0x80, v54, vm0, $0xb8;
	[tilespmem:$0x14E00] =	vst v63  }
0x18e: {  	_ = 	snop  }
0x18f: {  	[tilespmem:s21], [sflag:$0x2] =	stream.indirect_vreg.gather [hbm4b:s10+s3], $0x80, v54, vm0, $0xb8;
	[tilespmem:$0x14E00] =	vst v63  }
0x190: {  	_ = 	snop  }
0x191: {  	[tilespmem:s6], [sflag:$0x2] =	stream.indirect_vreg.gather [hbm4b:s1+s3], $0x80, v53, vm0, $0xb8;
	[tilespmem:$0x14E00] =	vst v63  }
0x192: {  	_ = 	snop  }
0x193: {  	[tilespmem:s11], [sflag:$0x2] =	stream.indirect_vreg.gather [hbm4b:s9+s3], $0x80, v53, vm0, $0xb8;
	[tilespmem:$0x14E00] =	vst v63  }
0x194: {  	_ = 	snop  }
0x195: {  	[tilespmem:s22], [sflag:$0x2] =	stream.indirect_vreg.gather [hbm4b:s10+s3], $0x80, v53, vm0, $0xb8;
	[tilespmem:$0x14E00] =	vst v63  }
0x196: {  	v53 =	vld [tilespmem:$0x23A0];
	_ =	sdelay $0x4  }
0x197: {  	v62 =	vshrl.u32 v53, $0x3  }
0x198: {  	v54 =	vmul.u32 $0x30, v62  }
0x199: {  	v53 =	vand.u32 $0x7, v53  }
0x19a: {  	v53 =	vor.u32 v53, v54  }
0x19b: {  	v54 =	vperm.xlane v53, v50;
	_ =	sdelay $0x1  }
0x19c: {  	v54 =	vadd.s32 v51, v54;
	_ =	sdelay $0x3  }
0x19d: {  	v53 =	vperm.xlane v53, v52  }
0x19e: {  	[tilespmem:s23], [sflag:$0x2] =	stream.indirect_vreg.gather [hbm4b:s1+s3], $0x80, v54, vm0, $0xb8;
	[tilespmem:$0x14E00] =	vst v63  }
0x19f: {  	v53 =	vadd.s32 v51, v53  }
0x1a0: {  	[tilespmem:s0], [sflag:$0x2] =	stream.indirect_vreg.gather [hbm4b:s9+s3], $0x80, v54, vm0, $0xb8;
	[tilespmem:$0x14E00] =	vst v63  }
0x1a1: {  	_ = 	snop  }
0x1a2: {  	[tilespmem:s8], [sflag:$0x2] =	stream.indirect_vreg.gather [hbm4b:s10+s3], $0x80, v54, vm0, $0xb8;
	[tilespmem:$0x14E00] =	vst v63  }
0x1a3: {  	_ = 	snop  }
0x1a4: {  	[tilespmem:s14], [sflag:$0x2] =	stream.indirect_vreg.gather [hbm4b:s1+s3], $0x80, v53, vm0, $0xb8;
	[tilespmem:$0x14E00] =	vst v63  }
0x1a5: {  	_ = 	snop  }
0x1a6: {  	[tilespmem:s15], [sflag:$0x2] =	stream.indirect_vreg.gather [hbm4b:s9+s3], $0x80, v53, vm0, $0xb8;
	[tilespmem:$0x14E00] =	vst v63  }
0x1a7: {  	_ = 	snop  }
0x1a8: {  	[tilespmem:s16], [sflag:$0x2] =	stream.indirect_vreg.gather [hbm4b:s10+s3], $0x80, v53, vm0, $0xb8;
	[tilespmem:$0x14E00] =	vst v63  }
0x1a9: {  	v53 =	vld [tilespmem:$0x23B0];
	_ =	sdelay $0x4  }
0x1aa: {  	v63 =	vshrl.u32 v53, $0x3  }
0x1ab: {  	v54 =	vmul.u32 $0x30, v63  }
0x1ac: {  	v53 =	vand.u32 $0x7, v53  }
0x1ad: {  	v53 =	vor.u32 v53, v54  }
0x1ae: {  	v54 =	vperm.xlane v53, v50;
	_ =	sdelay $0x1  }
0x1af: {  	v54 =	vadd.s32 v51, v54;
	_ =	sdelay $0x3  }
0x1b0: {  	v53 =	vperm.xlane v53, v52  }
0x1b1: {  	[tilespmem:s17], [sflag:$0x2] =	stream.indirect_vreg.gather [hbm4b:s1+s3], $0x80, v54, vm0, $0xb8;
	[tilespmem:$0x14E00] =	vst v63  }
0x1b2: {  	v53 =	vadd.s32 v51, v53  }
0x1b3: {  	[tilespmem:s18], [sflag:$0x2] =	stream.indirect_vreg.gather [hbm4b:s9+s3], $0x80, v54, vm0, $0xb8;
	[tilespmem:$0x14E00] =	vst v63  }
0x1b4: {  	_ = 	snop  }
0x1b5: {  	[tilespmem:s24], [sflag:$0x2] =	stream.indirect_vreg.gather [hbm4b:s10+s3], $0x80, v54, vm0, $0xb8;
	[tilespmem:$0x14E00] =	vst v63  }
0x1b6: {  	_ = 	snop  }
0x1b7: {  	[tilespmem:s28], [sflag:$0x2] =	stream.indirect_vreg.gather [hbm4b:s1+s3], $0x80, v53, vm0, $0xb8;
	[tilespmem:$0x14E00] =	vst v63  }
0x1b8: {  	_ = 	snop  }
0x1b9: {  	[tilespmem:s29], [sflag:$0x2] =	stream.indirect_vreg.gather [hbm4b:s9+s3], $0x80, v53, vm0, $0xb8;
	[tilespmem:$0x14E00] =	vst v63  }
0x1ba: {  	_ = 	snop  }
0x1bb: {  	[tilespmem:s30], [sflag:$0x2] =	stream.indirect_vreg.gather [hbm4b:s10+s3], $0x80, v53, vm0, $0xb8;
	[tilespmem:$0x14E00] =	vst v63  }
0x1bc: {  	v53 =	vld [tilespmem:$0x2700];
	_ =	sdelay $0x4  }
0x1bd: {  	v57 =	vshrl.u32 v53, $0x3  }
0x1be: {  	v54 =	vmul.u32 $0x30, v57  }
0x1bf: {  	v53 =	vand.u32 $0x7, v53  }
0x1c0: {  	v53 =	vor.u32 v53, v54  }
0x1c1: {  	v54 =	vperm.xlane v53, v50;
	_ =	sdelay $0x1  }
0x1c2: {  	v54 =	vadd.s32 v51, v54;
	_ =	sdelay $0x3  }
0x1c3: {  	s23 =	simm.s32 $0x2E00;
	v53 =	vperm.xlane v53, v52  }
0x1c4: {  	[hbm4b:s7+s3] =	stream.indirect_vreg.scatter [tilespmem:s23], [sflag:$0x3], $0x80, v54, vm0, $0xb8;
	[tilespmem:$0x14E00] =	vst v63  }
0x1c5: {  	s8 =	simm.s32 $0x3600;
	v53 =	vadd.s32 v51, v53  }
0x1c6: {  	[hbm4b:s12+s3] =	stream.indirect_vreg.scatter [tilespmem:s8], [sflag:$0x3], $0x80, v54, vm0, $0xb8;
	[tilespmem:$0x14E00] =	vst v63  }
0x1c7: {  	s14 =	simm.s32 $0x3E00  }
0x1c8: {  	[hbm4b:s5+s3] =	stream.indirect_vreg.scatter [tilespmem:s14], [sflag:$0x3], $0x80, v54, vm0, $0xb8;
	[tilespmem:$0x14E00] =	vst v63  }
0x1c9: {  	s15 =	simm.s32 $0x4600  }
0x1ca: {  	[hbm4b:s7+s3] =	stream.indirect_vreg.scatter [tilespmem:s15], [sflag:$0x3], $0x80, v53, vm0, $0xb8;
	[tilespmem:$0x14E00] =	vst v63  }
0x1cb: {  	s16 =	simm.s32 $0x4E00  }
0x1cc: {  	[hbm4b:s12+s3] =	stream.indirect_vreg.scatter [tilespmem:s16], [sflag:$0x3], $0x80, v53, vm0, $0xb8;
	[tilespmem:$0x14E00] =	vst v63  }
0x1cd: {  	s17 =	simm.s32 $0x5600  }
0x1ce: {  	[hbm4b:s5+s3] =	stream.indirect_vreg.scatter [tilespmem:s17], [sflag:$0x3], $0x80, v53, vm0, $0xb8;
	[tilespmem:$0x14E00] =	vst v63  }
0x1cf: {  	v53 =	vld [tilespmem:$0x2710];
	_ =	sdelay $0x4  }
0x1d0: {  	v58 =	vshrl.u32 v53, $0x3  }
0x1d1: {  	v54 =	vmul.u32 $0x30, v58  }
0x1d2: {  	v53 =	vand.u32 $0x7, v53  }
0x1d3: {  	v53 =	vor.u32 v53, v54  }
0x1d4: {  	v54 =	vperm.xlane v53, v50;
	_ =	sdelay $0x1  }
0x1d5: {  	v54 =	vadd.s32 v51, v54;
	_ =	sdelay $0x3  }
0x1d6: {  	s18 =	simm.s32 $0x5E00;
	v53 =	vperm.xlane v53, v52  }
0x1d7: {  	[hbm4b:s7+s3] =	stream.indirect_vreg.scatter [tilespmem:s18], [sflag:$0x3], $0x80, v54, vm0, $0xb8;
	[tilespmem:$0x14E00] =	vst v63  }
0x1d8: {  	s19 =	simm.s32 $0x6600;
	v53 =	vadd.s32 v51, v53  }
0x1d9: {  	[hbm4b:s12+s3] =	stream.indirect_vreg.scatter [tilespmem:s19], [sflag:$0x3], $0x80, v54, vm0, $0xb8;
	[tilespmem:$0x14E00] =	vst v63  }
0x1da: {  	s20 =	simm.s32 $0x6E00  }
0x1db: {  	[hbm4b:s5+s3] =	stream.indirect_vreg.scatter [tilespmem:s20], [sflag:$0x3], $0x80, v54, vm0, $0xb8;
	[tilespmem:$0x14E00] =	vst v63  }
0x1dc: {  	s21 =	simm.s32 $0x7600  }
0x1dd: {  	[hbm4b:s7+s3] =	stream.indirect_vreg.scatter [tilespmem:s21], [sflag:$0x3], $0x80, v53, vm0, $0xb8;
	[tilespmem:$0x14E00] =	vst v63  }
0x1de: {  	s22 =	simm.s32 $0x7E00  }
0x1df: {  	[hbm4b:s12+s3] =	stream.indirect_vreg.scatter [tilespmem:s22], [sflag:$0x3], $0x80, v53, vm0, $0xb8;
	[tilespmem:$0x14E00] =	vst v63  }
0x1e0: {  	s26 =	simm.s32 $0x8600  }
0x1e1: {  	[hbm4b:s5+s3] =	stream.indirect_vreg.scatter [tilespmem:s26], [sflag:$0x3], $0x80, v53, vm0, $0xb8;
	[tilespmem:$0x14E00] =	vst v63  }
0x1e2: {  	v53 =	vld [tilespmem:$0x2720];
	_ =	sdelay $0x4  }
0x1e3: {  	v59 =	vshrl.u32 v53, $0x3  }
0x1e4: {  	v54 =	vmul.u32 $0x30, v59  }
0x1e5: {  	v53 =	vand.u32 $0x7, v53  }
0x1e6: {  	v53 =	vor.u32 v53, v54  }
0x1e7: {  	v54 =	vperm.xlane v53, v50;
	_ =	sdelay $0x1  }
0x1e8: {  	v54 =	vadd.s32 v51, v54;
	_ =	sdelay $0x3  }
0x1e9: {  	s0 =	simm.s32 $0x8E00;
	v53 =	vperm.xlane v53, v52  }
0x1ea: {  	[hbm4b:s7+s3] =	stream.indirect_vreg.scatter [tilespmem:s0], [sflag:$0x3], $0x80, v54, vm0, $0xb8;
	[tilespmem:$0x14E00] =	vst v63  }
0x1eb: {  	s4 =	simm.s32 $0x9600;
	v53 =	vadd.s32 v51, v53  }
0x1ec: {  	[hbm4b:s12+s3] =	stream.indirect_vreg.scatter [tilespmem:s4], [sflag:$0x3], $0x80, v54, vm0, $0xb8;
	[tilespmem:$0x14E00] =	vst v63  }
0x1ed: {  	s6 =	simm.s32 $0x9E00  }
0x1ee: {  	[hbm4b:s5+s3] =	stream.indirect_vreg.scatter [tilespmem:s6], [sflag:$0x3], $0x80, v54, vm0, $0xb8;
	[tilespmem:$0x14E00] =	vst v63  }
0x1ef: {  	s30 =	simm.s32 $0xA600  }
0x1f0: {  	[hbm4b:s7+s3] =	stream.indirect_vreg.scatter [tilespmem:s30], [sflag:$0x3], $0x80, v53, vm0, $0xb8;
	[tilespmem:$0x14E00] =	vst v63  }
0x1f1: {  	s31 =	simm.s32 $0xAE00  }
0x1f2: {  	[hbm4b:s12+s3] =	stream.indirect_vreg.scatter [tilespmem:s31], [sflag:$0x3], $0x80, v53, vm0, $0xb8;
	[tilespmem:$0x14E00] =	vst v63  }
0x1f3: {  	s11 =	simm.s32 $0xB600;
	s24 =	simm.s32 $0x2  }
0x1f4: {  	[hbm4b:s5+s3] =	stream.indirect_vreg.scatter [tilespmem:s11], [sflag:$0x3], $0x80, v53, vm0, $0xb8;
	[tilespmem:$0x14E00] =	vst v63  }
0x1f5: {  	_ =	swait.ge [sflag:s24], $0x9000  }
0x1f6: {  	[sflag:s24] =	ssyncset.done $0x0  }
0x1f7: {  	s25 =	simm.s32 $0x3;
	[sflag:s24] =	ssyncadd.s32 $0xFFFF7000  }
0x1f8: {  	_ =	swait.ge [sflag:s25], $0x9000  }
0x1f9: {  	[sflag:s25] =	ssyncset.done $0x0  }
0x1fa: {  	[sflag:s25] =	ssyncadd.s32 $0xFFFF7000  }
0x1fb: {  	v60 =	vld [tilespmem:$0x23C0];
	_ =	sdelay $0x4  }
0x1fc: {  	v61 =	vshrl.u32 v60, $0x3  }
0x1fd: {  	v54 =	vmul.u32 $0x30, v61  }
0x1fe: {  	v53 =	vand.u32 $0x7, v60  }
0x1ff: {  	v53 =	vor.u32 v53, v54  }
0x200: {  	v54 =	vperm.xlane v53, v50;
	_ =	sdelay $0x1  }
0x201: {  	v54 =	vadd.s32 v51, v54;
	_ =	sdelay $0x3  }
0x202: {  	v53 =	vperm.xlane v53, v52  }
0x203: {  	[tilespmem:s23], [sflag:$0x1] =	stream.indirect_vreg.gather [hbm4b:s1+s3], $0x80, v54, vm0, $0xb8;
	[tilespmem:$0x14E00] =	vst v63  }
0x204: {  	v53 =	vadd.s32 v51, v53  }
0x205: {  	[tilespmem:s8], [sflag:$0x1] =	stream.indirect_vreg.gather [hbm4b:s9+s3], $0x80, v54, vm0, $0xb8;
	[tilespmem:$0x14E00] =	vst v63  }
0x206: {  	_ = 	snop  }
0x207: {  	[tilespmem:s14], [sflag:$0x1] =	stream.indirect_vreg.gather [hbm4b:s10+s3], $0x80, v54, vm0, $0xb8;
	[tilespmem:$0x14E00] =	vst v63  }
0x208: {  	_ = 	snop  }
0x209: {  	[tilespmem:s15], [sflag:$0x1] =	stream.indirect_vreg.gather [hbm4b:s1+s3], $0x80, v53, vm0, $0xb8;
	[tilespmem:$0x14E00] =	vst v63  }
0x20a: {  	_ = 	snop  }
0x20b: {  	[tilespmem:s16], [sflag:$0x1] =	stream.indirect_vreg.gather [hbm4b:s9+s3], $0x80, v53, vm0, $0xb8;
	[tilespmem:$0x14E00] =	vst v63  }
0x20c: {  	_ = 	snop  }
0x20d: {  	[tilespmem:s17], [sflag:$0x1] =	stream.indirect_vreg.gather [hbm4b:s10+s3], $0x80, v53, vm0, $0xb8;
	[tilespmem:$0x14E00] =	vst v63  }
0x20e: {  	v53 =	vld [tilespmem:$0x23D0];
	_ =	sdelay $0x4  }
0x20f: {  	v62 =	vshrl.u32 v53, $0x3  }
0x210: {  	v54 =	vmul.u32 $0x30, v62  }
0x211: {  	v53 =	vand.u32 $0x7, v53  }
0x212: {  	v53 =	vor.u32 v53, v54  }
0x213: {  	v54 =	vperm.xlane v53, v50;
	_ =	sdelay $0x1  }
0x214: {  	v54 =	vadd.s32 v51, v54;
	_ =	sdelay $0x3  }
0x215: {  	v53 =	vperm.xlane v53, v52  }
0x216: {  	[tilespmem:s18], [sflag:$0x1] =	stream.indirect_vreg.gather [hbm4b:s1+s3], $0x80, v54, vm0, $0xb8;
	[tilespmem:$0x14E00] =	vst v63  }
0x217: {  	v53 =	vadd.s32 v51, v53  }
0x218: {  	[tilespmem:s19], [sflag:$0x1] =	stream.indirect_vreg.gather [hbm4b:s9+s3], $0x80, v54, vm0, $0xb8;
	[tilespmem:$0x14E00] =	vst v63  }
0x219: {  	_ = 	snop  }
0x21a: {  	[tilespmem:s20], [sflag:$0x1] =	stream.indirect_vreg.gather [hbm4b:s10+s3], $0x80, v54, vm0, $0xb8;
	[tilespmem:$0x14E00] =	vst v63  }
0x21b: {  	_ = 	snop  }
0x21c: {  	[tilespmem:s21], [sflag:$0x1] =	stream.indirect_vreg.gather [hbm4b:s1+s3], $0x80, v53, vm0, $0xb8;
	[tilespmem:$0x14E00] =	vst v63  }
0x21d: {  	_ = 	snop  }
0x21e: {  	[tilespmem:s22], [sflag:$0x1] =	stream.indirect_vreg.gather [hbm4b:s9+s3], $0x80, v53, vm0, $0xb8;
	[tilespmem:$0x14E00] =	vst v63  }
0x21f: {  	_ = 	snop  }
0x220: {  	[tilespmem:s26], [sflag:$0x1] =	stream.indirect_vreg.gather [hbm4b:s10+s3], $0x80, v53, vm0, $0xb8;
	[tilespmem:$0x14E00] =	vst v63  }
0x221: {  	v53 =	vld [tilespmem:$0x23E0];
	_ =	sdelay $0x4  }
0x222: {  	v63 =	vshrl.u32 v53, $0x3  }
0x223: {  	v54 =	vmul.u32 $0x30, v63  }
0x224: {  	v53 =	vand.u32 $0x7, v53  }
0x225: {  	v53 =	vor.u32 v53, v54  }
0x226: {  	v54 =	vperm.xlane v53, v50;
	_ =	sdelay $0x1  }
0x227: {  	v54 =	vadd.s32 v51, v54;
	_ =	sdelay $0x3  }
0x228: {  	v53 =	vperm.xlane v53, v52  }
0x229: {  	[tilespmem:s0], [sflag:$0x1] =	stream.indirect_vreg.gather [hbm4b:s1+s3], $0x80, v54, vm0, $0xb8;
	[tilespmem:$0x14E00] =	vst v63  }
0x22a: {  	v53 =	vadd.s32 v51, v53  }
0x22b: {  	[tilespmem:s4], [sflag:$0x1] =	stream.indirect_vreg.gather [hbm4b:s9+s3], $0x80, v54, vm0, $0xb8;
	[tilespmem:$0x14E00] =	vst v63  }
0x22c: {  	_ = 	snop  }
0x22d: {  	[tilespmem:s6], [sflag:$0x1] =	stream.indirect_vreg.gather [hbm4b:s10+s3], $0x80, v54, vm0, $0xb8;
	[tilespmem:$0x14E00] =	vst v63  }
0x22e: {  	_ = 	snop  }
0x22f: {  	[tilespmem:s30], [sflag:$0x1] =	stream.indirect_vreg.gather [hbm4b:s1+s3], $0x80, v53, vm0, $0xb8;
	[tilespmem:$0x14E00] =	vst v63  }
0x230: {  	_ = 	snop  }
0x231: {  	[tilespmem:s31], [sflag:$0x1] =	stream.indirect_vreg.gather [hbm4b:s9+s3], $0x80, v53, vm0, $0xb8;
	[tilespmem:$0x14E00] =	vst v63  }
0x232: {  	_ = 	snop  }
0x233: {  	[tilespmem:s11], [sflag:$0x1] =	stream.indirect_vreg.gather [hbm4b:s10+s3], $0x80, v53, vm0, $0xb8;
	[tilespmem:$0x14E00] =	vst v63  }
0x234: {  	v53 =	vld [tilespmem:$0x2780];
	_ =	sdelay $0x4  }
0x235: {  	v57 =	vshrl.u32 v53, $0x3  }
0x236: {  	v54 =	vmul.u32 $0x30, v57  }
0x237: {  	v53 =	vand.u32 $0x7, v53  }
0x238: {  	v53 =	vor.u32 v53, v54  }
0x239: {  	v54 =	vperm.xlane v53, v50;
	_ =	sdelay $0x1  }
0x23a: {  	v54 =	vadd.s32 v51, v54;
	_ =	sdelay $0x3  }
0x23b: {  	s26 =	simm.s32 $0xBE00;
	v53 =	vperm.xlane v53, v52  }
0x23c: {  	[hbm4b:s7+s3] =	stream.indirect_vreg.scatter [tilespmem:s26], [sflag:$0x4], $0x80, v54, vm0, $0xb8;
	[tilespmem:$0x14E00] =	vst v63  }
0x23d: {  	s16 =	simm.s32 $0xC600;
	v53 =	vadd.s32 v51, v53  }
0x23e: {  	[hbm4b:s12+s3] =	stream.indirect_vreg.scatter [tilespmem:s16], [sflag:$0x4], $0x80, v54, vm0, $0xb8;
	[tilespmem:$0x14E00] =	vst v63  }
0x23f: {  	s13 =	simm.s32 $0xCE00  }
0x240: {  	[hbm4b:s5+s3] =	stream.indirect_vreg.scatter [tilespmem:s13], [sflag:$0x4], $0x80, v54, vm0, $0xb8;
	[tilespmem:$0x14E00] =	vst v63  }
0x241: {  	s17 =	simm.s32 $0xD600  }
0x242: {  	[hbm4b:s7+s3] =	stream.indirect_vreg.scatter [tilespmem:s17], [sflag:$0x4], $0x80, v53, vm0, $0xb8;
	[tilespmem:$0x14E00] =	vst v63  }
0x243: {  	s18 =	simm.s32 $0xDE00  }
0x244: {  	[hbm4b:s12+s3] =	stream.indirect_vreg.scatter [tilespmem:s18], [sflag:$0x4], $0x80, v53, vm0, $0xb8;
	[tilespmem:$0x14E00] =	vst v63  }
0x245: {  	s19 =	simm.s32 $0xE600  }
0x246: {  	[hbm4b:s5+s3] =	stream.indirect_vreg.scatter [tilespmem:s19], [sflag:$0x4], $0x80, v53, vm0, $0xb8;
	[tilespmem:$0x14E00] =	vst v63  }
0x247: {  	v53 =	vld [tilespmem:$0x2790];
	_ =	sdelay $0x4  }
0x248: {  	v58 =	vshrl.u32 v53, $0x3  }
0x249: {  	v54 =	vmul.u32 $0x30, v58  }
0x24a: {  	v53 =	vand.u32 $0x7, v53  }
0x24b: {  	v53 =	vor.u32 v53, v54  }
0x24c: {  	v54 =	vperm.xlane v53, v50;
	_ =	sdelay $0x1  }
0x24d: {  	v54 =	vadd.s32 v51, v54;
	_ =	sdelay $0x3  }
0x24e: {  	s20 =	simm.s32 $0xEE00;
	v53 =	vperm.xlane v53, v52  }
0x24f: {  	[hbm4b:s7+s3] =	stream.indirect_vreg.scatter [tilespmem:s20], [sflag:$0x4], $0x80, v54, vm0, $0xb8;
	[tilespmem:$0x14E00] =	vst v63  }
0x250: {  	s2 =	simm.s32 $0xF600;
	v53 =	vadd.s32 v51, v53  }
0x251: {  	[hbm4b:s12+s3] =	stream.indirect_vreg.scatter [tilespmem:s2], [sflag:$0x4], $0x80, v54, vm0, $0xb8;
	[tilespmem:$0x14E00] =	vst v63  }
0x252: {  	s4 =	simm.s32 $0xFE00  }
0x253: {  	[hbm4b:s5+s3] =	stream.indirect_vreg.scatter [tilespmem:s4], [sflag:$0x4], $0x80, v54, vm0, $0xb8;
	[tilespmem:$0x14E00] =	vst v63  }
0x254: {  	s6 =	simm.s32 $0x10600  }
0x255: {  	[hbm4b:s7+s3] =	stream.indirect_vreg.scatter [tilespmem:s6], [sflag:$0x4], $0x80, v53, vm0, $0xb8;
	[tilespmem:$0x14E00] =	vst v63  }
0x256: {  	s8 =	simm.s32 $0x10E00  }
0x257: {  	[hbm4b:s12+s3] =	stream.indirect_vreg.scatter [tilespmem:s8], [sflag:$0x4], $0x80, v53, vm0, $0xb8;
	[tilespmem:$0x14E00] =	vst v63  }
0x258: {  	s11 =	simm.s32 $0x11600  }
0x259: {  	[hbm4b:s5+s3] =	stream.indirect_vreg.scatter [tilespmem:s11], [sflag:$0x4], $0x80, v53, vm0, $0xb8;
	[tilespmem:$0x14E00] =	vst v63  }
0x25a: {  	v53 =	vld [tilespmem:$0x27A0];
	_ =	sdelay $0x4  }
0x25b: {  	v59 =	vshrl.u32 v53, $0x3  }
0x25c: {  	v54 =	vmul.u32 $0x30, v59  }
0x25d: {  	v53 =	vand.u32 $0x7, v53  }
0x25e: {  	v53 =	vor.u32 v53, v54  }
0x25f: {  	v54 =	vperm.xlane v53, v50;
	_ =	sdelay $0x1  }
0x260: {  	v54 =	vadd.s32 v51, v54;
	_ =	sdelay $0x3  }
0x261: {  	s14 =	simm.s32 $0x11E00;
	v53 =	vperm.xlane v53, v52  }
0x262: {  	[hbm4b:s7+s3] =	stream.indirect_vreg.scatter [tilespmem:s14], [sflag:$0x4], $0x80, v54, vm0, $0xb8;
	[tilespmem:$0x14E00] =	vst v63  }
0x263: {  	s15 =	simm.s32 $0x12600;
	v53 =	vadd.s32 v51, v53  }
0x264: {  	[hbm4b:s12+s3] =	stream.indirect_vreg.scatter [tilespmem:s15], [sflag:$0x4], $0x80, v54, vm0, $0xb8;
	[tilespmem:$0x14E00] =	vst v63  }
0x265: {  	s21 =	simm.s32 $0x12E00  }
0x266: {  	[hbm4b:s5+s3] =	stream.indirect_vreg.scatter [tilespmem:s21], [sflag:$0x4], $0x80, v54, vm0, $0xb8;
	[tilespmem:$0x14E00] =	vst v63  }
0x267: {  	s23 =	simm.s32 $0x13600  }
0x268: {  	[hbm4b:s7+s3] =	stream.indirect_vreg.scatter [tilespmem:s23], [sflag:$0x4], $0x80, v53, vm0, $0xb8;
	[tilespmem:$0x14E00] =	vst v63  }
0x269: {  	s24 =	simm.s32 $0x13E00  }
0x26a: {  	[hbm4b:s12+s3] =	stream.indirect_vreg.scatter [tilespmem:s24], [sflag:$0x4], $0x80, v53, vm0, $0xb8;
	[tilespmem:$0x14E00] =	vst v63  }
0x26b: {  	s25 =	simm.s32 $0x14600;
	s30 =	simm.s32 $0x1  }
0x26c: {  	[hbm4b:s5+s3] =	stream.indirect_vreg.scatter [tilespmem:s25], [sflag:$0x4], $0x80, v53, vm0, $0xb8;
	[tilespmem:$0x14E00] =	vst v63  }
0x26d: {  	_ =	swait.ge [sflag:s30], $0x9000  }
0x26e: {  	[sflag:s30] =	ssyncset.done $0x0  }
0x26f: {  	s31 =	simm.s32 $0x4;
	[sflag:s30] =	ssyncadd.s32 $0xFFFF7000  }
0x270: {  	_ =	swait.ge [sflag:s31], $0x9000  }
0x271: {  	[sflag:s31] =	ssyncset.done $0x0  }
0x272: {  	[sflag:s31] =	ssyncadd.s32 $0xFFFF7000  }
0x273: {  	v60 =	vld [tilespmem:$0x23F0];
	_ =	sdelay $0x4  }
0x274: {  	v61 =	vshrl.u32 v60, $0x3  }
0x275: {  	v54 =	vmul.u32 $0x30, v61  }
0x276: {  	v53 =	vand.u32 $0x7, v60  }
0x277: {  	v53 =	vor.u32 v53, v54  }
0x278: {  	v54 =	vperm.xlane v53, v50;
	_ =	sdelay $0x1  }
0x279: {  	v54 =	vadd.s32 v51, v54;
	_ =	sdelay $0x3  }
0x27a: {  	v53 =	vperm.xlane v53, v52  }
0x27b: {  	[tilespmem:s26], [sflag:$0x2] =	stream.indirect_vreg.gather [hbm4b:s1+s3], $0x80, v54, vm0, $0xb8;
	[tilespmem:$0x14E00] =	vst v63  }
0x27c: {  	v53 =	vadd.s32 v51, v53  }
0x27d: {  	[tilespmem:s16], [sflag:$0x2] =	stream.indirect_vreg.gather [hbm4b:s9+s3], $0x80, v54, vm0, $0xb8;
	[tilespmem:$0x14E00] =	vst v63  }
0x27e: {  	_ = 	snop  }
0x27f: {  	[tilespmem:s13], [sflag:$0x2] =	stream.indirect_vreg.gather [hbm4b:s10+s3], $0x80, v54, vm0, $0xb8;
	[tilespmem:$0x14E00] =	vst v63  }
0x280: {  	_ = 	snop  }
0x281: {  	[tilespmem:s17], [sflag:$0x2] =	stream.indirect_vreg.gather [hbm4b:s1+s3], $0x80, v53, vm0, $0xb8;
	[tilespmem:$0x14E00] =	vst v63  }
0x282: {  	_ = 	snop  }
0x283: {  	[tilespmem:s18], [sflag:$0x2] =	stream.indirect_vreg.gather [hbm4b:s9+s3], $0x80, v53, vm0, $0xb8;
	[tilespmem:$0x14E00] =	vst v63  }
0x284: {  	_ = 	snop  }
0x285: {  	[tilespmem:s19], [sflag:$0x2] =	stream.indirect_vreg.gather [hbm4b:s10+s3], $0x80, v53, vm0, $0xb8;
	[tilespmem:$0x14E00] =	vst v63  }
0x286: {  	v53 =	vld [tilespmem:$0x2400];
	_ =	sdelay $0x4  }
0x287: {  	v62 =	vshrl.u32 v53, $0x3  }
0x288: {  	v54 =	vmul.u32 $0x30, v62  }
0x289: {  	v53 =	vand.u32 $0x7, v53  }
0x28a: {  	v53 =	vor.u32 v53, v54  }
0x28b: {  	v54 =	vperm.xlane v53, v50;
	_ =	sdelay $0x1  }
0x28c: {  	v54 =	vadd.s32 v51, v54;
	_ =	sdelay $0x3  }
0x28d: {  	v53 =	vperm.xlane v53, v52  }
0x28e: {  	[tilespmem:s20], [sflag:$0x2] =	stream.indirect_vreg.gather [hbm4b:s1+s3], $0x80, v54, vm0, $0xb8;
	[tilespmem:$0x14E00] =	vst v63  }
0x28f: {  	v53 =	vadd.s32 v51, v53  }
0x290: {  	[tilespmem:s2], [sflag:$0x2] =	stream.indirect_vreg.gather [hbm4b:s9+s3], $0x80, v54, vm0, $0xb8;
	[tilespmem:$0x14E00] =	vst v63  }
0x291: {  	_ = 	snop  }
0x292: {  	[tilespmem:s4], [sflag:$0x2] =	stream.indirect_vreg.gather [hbm4b:s10+s3], $0x80, v54, vm0, $0xb8;
	[tilespmem:$0x14E00] =	vst v63  }
0x293: {  	_ = 	snop  }
0x294: {  	[tilespmem:s6], [sflag:$0x2] =	stream.indirect_vreg.gather [hbm4b:s1+s3], $0x80, v53, vm0, $0xb8;
	[tilespmem:$0x14E00] =	vst v63  }
0x295: {  	_ = 	snop  }
0x296: {  	[tilespmem:s8], [sflag:$0x2] =	stream.indirect_vreg.gather [hbm4b:s9+s3], $0x80, v53, vm0, $0xb8;
	[tilespmem:$0x14E00] =	vst v63  }
0x297: {  	_ = 	snop  }
0x298: {  	[tilespmem:s11], [sflag:$0x2] =	stream.indirect_vreg.gather [hbm4b:s10+s3], $0x80, v53, vm0, $0xb8;
	[tilespmem:$0x14E00] =	vst v63  }
0x299: {  	v53 =	vld [tilespmem:$0x2410];
	_ =	sdelay $0x4  }
0x29a: {  	v63 =	vshrl.u32 v53, $0x3  }
0x29b: {  	v54 =	vmul.u32 $0x30, v63  }
0x29c: {  	v53 =	vand.u32 $0x7, v53  }
0x29d: {  	v53 =	vor.u32 v53, v54  }
0x29e: {  	v54 =	vperm.xlane v53, v50;
	_ =	sdelay $0x1  }
0x29f: {  	v54 =	vadd.s32 v51, v54;
	_ =	sdelay $0x3  }
0x2a0: {  	v53 =	vperm.xlane v53, v52  }
0x2a1: {  	[tilespmem:s14], [sflag:$0x2] =	stream.indirect_vreg.gather [hbm4b:s1+s3], $0x80, v54, vm0, $0xb8;
	[tilespmem:$0x14E00] =	vst v63  }
0x2a2: {  	v53 =	vadd.s32 v51, v53  }
0x2a3: {  	[tilespmem:s15], [sflag:$0x2] =	stream.indirect_vreg.gather [hbm4b:s9+s3], $0x80, v54, vm0, $0xb8;
	[tilespmem:$0x14E00] =	vst v63  }
0x2a4: {  	_ = 	snop  }
0x2a5: {  	[tilespmem:s21], [sflag:$0x2] =	stream.indirect_vreg.gather [hbm4b:s10+s3], $0x80, v54, vm0, $0xb8;
	[tilespmem:$0x14E00] =	vst v63  }
0x2a6: {  	_ = 	snop  }
0x2a7: {  	[tilespmem:s23], [sflag:$0x2] =	stream.indirect_vreg.gather [hbm4b:s1+s3], $0x80, v53, vm0, $0xb8;
	[tilespmem:$0x14E00] =	vst v63  }
0x2a8: {  	_ = 	snop  }
0x2a9: {  	[tilespmem:s24], [sflag:$0x2] =	stream.indirect_vreg.gather [hbm4b:s9+s3], $0x80, v53, vm0, $0xb8;
	[tilespmem:$0x14E00] =	vst v63  }
0x2aa: {  	_ = 	snop  }
0x2ab: {  	[tilespmem:s25], [sflag:$0x2] =	stream.indirect_vreg.gather [hbm4b:s10+s3], $0x80, v53, vm0, $0xb8;
	[tilespmem:$0x14E00] =	vst v63  }
0x2ac: {  	v53 =	vld [tilespmem:$0x2800];
	_ =	sdelay $0x4  }
0x2ad: {  	v57 =	vshrl.u32 v53, $0x3  }
0x2ae: {  	v54 =	vmul.u32 $0x30, v57  }
0x2af: {  	v53 =	vand.u32 $0x7, v53  }
0x2b0: {  	v53 =	vor.u32 v53, v54  }
0x2b1: {  	v54 =	vperm.xlane v53, v50;
	_ =	sdelay $0x1  }
0x2b2: {  	v54 =	vadd.s32 v51, v54;
	_ =	sdelay $0x3  }
0x2b3: {  	s6 =	simm.s32 $0x2E00;
	v53 =	vperm.xlane v53, v52  }
0x2b4: {  	[hbm4b:s7+s3] =	stream.indirect_vreg.scatter [tilespmem:s6], [sflag:$0x3], $0x80, v54, vm0, $0xb8;
	[tilespmem:$0x14E00] =	vst v63  }
0x2b5: {  	s13 =	simm.s32 $0x3600;
	v53 =	vadd.s32 v51, v53  }
0x2b6: {  	[hbm4b:s12+s3] =	stream.indirect_vreg.scatter [tilespmem:s13], [sflag:$0x3], $0x80, v54, vm0, $0xb8;
	[tilespmem:$0x14E00] =	vst v63  }
0x2b7: {  	s2 =	simm.s32 $0x3E00  }
0x2b8: {  	[hbm4b:s5+s3] =	stream.indirect_vreg.scatter [tilespmem:s2], [sflag:$0x3], $0x80, v54, vm0, $0xb8;
	[tilespmem:$0x14E00] =	vst v63  }
0x2b9: {  	s4 =	simm.s32 $0x4600  }
0x2ba: {  	[hbm4b:s7+s3] =	stream.indirect_vreg.scatter [tilespmem:s4], [sflag:$0x3], $0x80, v53, vm0, $0xb8;
	[tilespmem:$0x14E00] =	vst v63  }
0x2bb: {  	s8 =	simm.s32 $0x4E00  }
0x2bc: {  	[hbm4b:s12+s3] =	stream.indirect_vreg.scatter [tilespmem:s8], [sflag:$0x3], $0x80, v53, vm0, $0xb8;
	[tilespmem:$0x14E00] =	vst v63  }
0x2bd: {  	s11 =	simm.s32 $0x5600  }
0x2be: {  	[hbm4b:s5+s3] =	stream.indirect_vreg.scatter [tilespmem:s11], [sflag:$0x3], $0x80, v53, vm0, $0xb8;
	[tilespmem:$0x14E00] =	vst v63  }
0x2bf: {  	v53 =	vld [tilespmem:$0x2810];
	_ =	sdelay $0x4  }
0x2c0: {  	v58 =	vshrl.u32 v53, $0x3  }
0x2c1: {  	v54 =	vmul.u32 $0x30, v58  }
0x2c2: {  	v53 =	vand.u32 $0x7, v53  }
0x2c3: {  	v53 =	vor.u32 v53, v54  }
0x2c4: {  	v54 =	vperm.xlane v53, v50;
	_ =	sdelay $0x1  }
0x2c5: {  	v54 =	vadd.s32 v51, v54;
	_ =	sdelay $0x3  }
0x2c6: {  	s14 =	simm.s32 $0x5E00;
	v53 =	vperm.xlane v53, v52  }
0x2c7: {  	[hbm4b:s7+s3] =	stream.indirect_vreg.scatter [tilespmem:s14], [sflag:$0x3], $0x80, v54, vm0, $0xb8;
	[tilespmem:$0x14E00] =	vst v63  }
0x2c8: {  	s15 =	simm.s32 $0x6600;
	v53 =	vadd.s32 v51, v53  }
0x2c9: {  	[hbm4b:s12+s3] =	stream.indirect_vreg.scatter [tilespmem:s15], [sflag:$0x3], $0x80, v54, vm0, $0xb8;
	[tilespmem:$0x14E00] =	vst v63  }
0x2ca: {  	s16 =	simm.s32 $0x6E00  }
0x2cb: {  	[hbm4b:s5+s3] =	stream.indirect_vreg.scatter [tilespmem:s16], [sflag:$0x3], $0x80, v54, vm0, $0xb8;
	[tilespmem:$0x14E00] =	vst v63  }
0x2cc: {  	s17 =	simm.s32 $0x7600  }
0x2cd: {  	[hbm4b:s7+s3] =	stream.indirect_vreg.scatter [tilespmem:s17], [sflag:$0x3], $0x80, v53, vm0, $0xb8;
	[tilespmem:$0x14E00] =	vst v63  }
0x2ce: {  	s18 =	simm.s32 $0x7E00  }
0x2cf: {  	[hbm4b:s12+s3] =	stream.indirect_vreg.scatter [tilespmem:s18], [sflag:$0x3], $0x80, v53, vm0, $0xb8;
	[tilespmem:$0x14E00] =	vst v63  }
0x2d0: {  	s19 =	simm.s32 $0x8600  }
0x2d1: {  	[hbm4b:s5+s3] =	stream.indirect_vreg.scatter [tilespmem:s19], [sflag:$0x3], $0x80, v53, vm0, $0xb8;
	[tilespmem:$0x14E00] =	vst v63  }
0x2d2: {  	v53 =	vld [tilespmem:$0x2820];
	_ =	sdelay $0x4  }
0x2d3: {  	v59 =	vshrl.u32 v53, $0x3  }
0x2d4: {  	v54 =	vmul.u32 $0x30, v59  }
0x2d5: {  	v53 =	vand.u32 $0x7, v53  }
0x2d6: {  	v53 =	vor.u32 v53, v54  }
0x2d7: {  	v54 =	vperm.xlane v53, v50;
	_ =	sdelay $0x1  }
0x2d8: {  	v54 =	vadd.s32 v51, v54;
	_ =	sdelay $0x3  }
0x2d9: {  	s20 =	simm.s32 $0x8E00;
	v53 =	vperm.xlane v53, v52  }
0x2da: {  	[hbm4b:s7+s3] =	stream.indirect_vreg.scatter [tilespmem:s20], [sflag:$0x3], $0x80, v54, vm0, $0xb8;
	[tilespmem:$0x14E00] =	vst v63  }
0x2db: {  	s0 =	simm.s32 $0x9600;
	v53 =	vadd.s32 v51, v53  }
0x2dc: {  	[hbm4b:s12+s3] =	stream.indirect_vreg.scatter [tilespmem:s0], [sflag:$0x3], $0x80, v54, vm0, $0xb8;
	[tilespmem:$0x14E00] =	vst v63  }
0x2dd: {  	s21 =	simm.s32 $0x9E00  }
0x2de: {  	[hbm4b:s5+s3] =	stream.indirect_vreg.scatter [tilespmem:s21], [sflag:$0x3], $0x80, v54, vm0, $0xb8;
	[tilespmem:$0x14E00] =	vst v63  }
0x2df: {  	s23 =	simm.s32 $0xA600  }
0x2e0: {  	[hbm4b:s7+s3] =	stream.indirect_vreg.scatter [tilespmem:s23], [sflag:$0x3], $0x80, v53, vm0, $0xb8;
	[tilespmem:$0x14E00] =	vst v63  }
0x2e1: {  	s24 =	simm.s32 $0xAE00  }
0x2e2: {  	[hbm4b:s12+s3] =	stream.indirect_vreg.scatter [tilespmem:s24], [sflag:$0x3], $0x80, v53, vm0, $0xb8;
	[tilespmem:$0x14E00] =	vst v63  }
0x2e3: {  	s26 =	simm.s32 $0x2;
	s25 =	simm.s32 $0xB600  }
0x2e4: {  	[hbm4b:s5+s3] =	stream.indirect_vreg.scatter [tilespmem:s25], [sflag:$0x3], $0x80, v53, vm0, $0xb8;
	[tilespmem:$0x14E00] =	vst v63  }
0x2e5: {  	_ =	swait.ge [sflag:s26], $0x9000  }
0x2e6: {  	[sflag:s26] =	ssyncset.done $0x0  }
0x2e7: {  	s31 =	simm.s32 $0x3;
	[sflag:s26] =	ssyncadd.s32 $0xFFFF7000  }
0x2e8: {  	_ =	swait.ge [sflag:s31], $0x9000  }
0x2e9: {  	[sflag:s31] =	ssyncset.done $0x0  }
0x2ea: {  	[sflag:s31] =	ssyncadd.s32 $0xFFFF7000  }
0x2eb: {  	v60 =	vld [tilespmem:$0x2420];
	_ =	sdelay $0x4  }
0x2ec: {  	v61 =	vshrl.u32 v60, $0x3  }
0x2ed: {  	v54 =	vmul.u32 $0x30, v61  }
0x2ee: {  	v53 =	vand.u32 $0x7, v60  }
0x2ef: {  	v53 =	vor.u32 v53, v54  }
0x2f0: {  	v54 =	vperm.xlane v53, v50;
	_ =	sdelay $0x1  }
0x2f1: {  	v54 =	vadd.s32 v51, v54;
	_ =	sdelay $0x3  }
0x2f2: {  	v53 =	vperm.xlane v53, v52  }
0x2f3: {  	[tilespmem:s6], [sflag:$0x1] =	stream.indirect_vreg.gather [hbm4b:s1+s3], $0x80, v54, vm0, $0xb8;
	[tilespmem:$0x14E00] =	vst v63  }
0x2f4: {  	v53 =	vadd.s32 v51, v53  }
0x2f5: {  	[tilespmem:s13], [sflag:$0x1] =	stream.indirect_vreg.gather [hbm4b:s9+s3], $0x80, v54, vm0, $0xb8;
	[tilespmem:$0x14E00] =	vst v63  }
0x2f6: {  	_ = 	snop  }
0x2f7: {  	[tilespmem:s2], [sflag:$0x1] =	stream.indirect_vreg.gather [hbm4b:s10+s3], $0x80, v54, vm0, $0xb8;
	[tilespmem:$0x14E00] =	vst v63  }
0x2f8: {  	_ = 	snop  }
0x2f9: {  	[tilespmem:s4], [sflag:$0x1] =	stream.indirect_vreg.gather [hbm4b:s1+s3], $0x80, v53, vm0, $0xb8;
	[tilespmem:$0x14E00] =	vst v63  }
0x2fa: {  	_ = 	snop  }
0x2fb: {  	[tilespmem:s8], [sflag:$0x1] =	stream.indirect_vreg.gather [hbm4b:s9+s3], $0x80, v53, vm0, $0xb8;
	[tilespmem:$0x14E00] =	vst v63  }
0x2fc: {  	_ = 	snop  }
0x2fd: {  	[tilespmem:s11], [sflag:$0x1] =	stream.indirect_vreg.gather [hbm4b:s10+s3], $0x80, v53, vm0, $0xb8;
	[tilespmem:$0x14E00] =	vst v63  }
0x2fe: {  	v53 =	vld [tilespmem:$0x2430];
	_ =	sdelay $0x4  }
0x2ff: {  	v62 =	vshrl.u32 v53, $0x3  }
0x300: {  	v54 =	vmul.u32 $0x30, v62  }
0x301: {  	v53 =	vand.u32 $0x7, v53  }
0x302: {  	v53 =	vor.u32 v53, v54  }
0x303: {  	v54 =	vperm.xlane v53, v50;
	_ =	sdelay $0x1  }
0x304: {  	v54 =	vadd.s32 v51, v54;
	_ =	sdelay $0x3  }
0x305: {  	v53 =	vperm.xlane v53, v52  }
0x306: {  	[tilespmem:s14], [sflag:$0x1] =	stream.indirect_vreg.gather [hbm4b:s1+s3], $0x80, v54, vm0, $0xb8;
	[tilespmem:$0x14E00] =	vst v63  }
0x307: {  	v53 =	vadd.s32 v51, v53  }
0x308: {  	[tilespmem:s15], [sflag:$0x1] =	stream.indirect_vreg.gather [hbm4b:s9+s3], $0x80, v54, vm0, $0xb8;
	[tilespmem:$0x14E00] =	vst v63  }
0x309: {  	_ = 	snop  }
0x30a: {  	[tilespmem:s16], [sflag:$0x1] =	stream.indirect_vreg.gather [hbm4b:s10+s3], $0x80, v54, vm0, $0xb8;
	[tilespmem:$0x14E00] =	vst v63  }
0x30b: {  	_ = 	snop  }
0x30c: {  	[tilespmem:s17], [sflag:$0x1] =	stream.indirect_vreg.gather [hbm4b:s1+s3], $0x80, v53, vm0, $0xb8;
	[tilespmem:$0x14E00] =	vst v63  }
0x30d: {  	_ = 	snop  }
0x30e: {  	[tilespmem:s18], [sflag:$0x1] =	stream.indirect_vreg.gather [hbm4b:s9+s3], $0x80, v53, vm0, $0xb8;
	[tilespmem:$0x14E00] =	vst v63  }
0x30f: {  	_ = 	snop  }
0x310: {  	[tilespmem:s19], [sflag:$0x1] =	stream.indirect_vreg.gather [hbm4b:s10+s3], $0x80, v53, vm0, $0xb8;
	[tilespmem:$0x14E00] =	vst v63  }
0x311: {  	v53 =	vld [tilespmem:$0x2440];
	_ =	sdelay $0x4  }
0x312: {  	v63 =	vshrl.u32 v53, $0x3  }
0x313: {  	v54 =	vmul.u32 $0x30, v63  }
0x314: {  	v53 =	vand.u32 $0x7, v53  }
0x315: {  	v53 =	vor.u32 v53, v54  }
0x316: {  	v54 =	vperm.xlane v53, v50;
	_ =	sdelay $0x1  }
0x317: {  	v54 =	vadd.s32 v51, v54;
	_ =	sdelay $0x3  }
0x318: {  	v53 =	vperm.xlane v53, v52  }
0x319: {  	[tilespmem:s20], [sflag:$0x1] =	stream.indirect_vreg.gather [hbm4b:s1+s3], $0x80, v54, vm0, $0xb8;
	[tilespmem:$0x14E00] =	vst v63  }
0x31a: {  	v53 =	vadd.s32 v51, v53  }
0x31b: {  	[tilespmem:s0], [sflag:$0x1] =	stream.indirect_vreg.gather [hbm4b:s9+s3], $0x80, v54, vm0, $0xb8;
	[tilespmem:$0x14E00] =	vst v63  }
0x31c: {  	_ = 	snop  }
0x31d: {  	[tilespmem:s21], [sflag:$0x1] =	stream.indirect_vreg.gather [hbm4b:s10+s3], $0x80, v54, vm0, $0xb8;
	[tilespmem:$0x14E00] =	vst v63  }
0x31e: {  	_ = 	snop  }
0x31f: {  	[tilespmem:s23], [sflag:$0x1] =	stream.indirect_vreg.gather [hbm4b:s1+s3], $0x80, v53, vm0, $0xb8;
	[tilespmem:$0x14E00] =	vst v63  }
0x320: {  	_ = 	snop  }
0x321: {  	[tilespmem:s24], [sflag:$0x1] =	stream.indirect_vreg.gather [hbm4b:s9+s3], $0x80, v53, vm0, $0xb8;
	[tilespmem:$0x14E00] =	vst v63  }
0x322: {  	_ = 	snop  }
0x323: {  	[tilespmem:s25], [sflag:$0x1] =	stream.indirect_vreg.gather [hbm4b:s10+s3], $0x80, v53, vm0, $0xb8;
	[tilespmem:$0x14E00] =	vst v63  }
0x324: {  	v53 =	vld [tilespmem:$0x2880];
	_ =	sdelay $0x4  }
0x325: {  	v57 =	vshrl.u32 v53, $0x3  }
0x326: {  	v54 =	vmul.u32 $0x30, v57  }
0x327: {  	v53 =	vand.u32 $0x7, v53  }
0x328: {  	v53 =	vor.u32 v53, v54  }
0x329: {  	v54 =	vperm.xlane v53, v50;
	_ =	sdelay $0x1  }
0x32a: {  	v54 =	vadd.s32 v51, v54;
	_ =	sdelay $0x3  }
0x32b: {  	s22 =	simm.s32 $0xBE00;
	v53 =	vperm.xlane v53, v52  }
0x32c: {  	[hbm4b:s7+s3] =	stream.indirect_vreg.scatter [tilespmem:s22], [sflag:$0x4], $0x80, v54, vm0, $0xb8;
	[tilespmem:$0x14E00] =	vst v63  }
0x32d: {  	s21 =	simm.s32 $0xC600;
	v53 =	vadd.s32 v51, v53  }
0x32e: {  	[hbm4b:s12+s3] =	stream.indirect_vreg.scatter [tilespmem:s21], [sflag:$0x4], $0x80, v54, vm0, $0xb8;
	[tilespmem:$0x14E00] =	vst v63  }
0x32f: {  	s26 =	simm.s32 $0xCE00  }
0x330: {  	[hbm4b:s5+s3] =	stream.indirect_vreg.scatter [tilespmem:s26], [sflag:$0x4], $0x80, v54, vm0, $0xb8;
	[tilespmem:$0x14E00] =	vst v63  }
0x331: {  	s15 =	simm.s32 $0xD600  }
0x332: {  	[hbm4b:s7+s3] =	stream.indirect_vreg.scatter [tilespmem:s15], [sflag:$0x4], $0x80, v53, vm0, $0xb8;
	[tilespmem:$0x14E00] =	vst v63  }
0x333: {  	s16 =	simm.s32 $0xDE00  }
0x334: {  	[hbm4b:s12+s3] =	stream.indirect_vreg.scatter [tilespmem:s16], [sflag:$0x4], $0x80, v53, vm0, $0xb8;
	[tilespmem:$0x14E00] =	vst v63  }
0x335: {  	s0 =	simm.s32 $0xE600  }
0x336: {  	[hbm4b:s5+s3] =	stream.indirect_vreg.scatter [tilespmem:s0], [sflag:$0x4], $0x80, v53, vm0, $0xb8;
	[tilespmem:$0x14E00] =	vst v63  }
0x337: {  	v53 =	vld [tilespmem:$0x2890];
	_ =	sdelay $0x4  }
0x338: {  	v58 =	vshrl.u32 v53, $0x3  }
0x339: {  	v54 =	vmul.u32 $0x30, v58  }
0x33a: {  	v53 =	vand.u32 $0x7, v53  }
0x33b: {  	v53 =	vor.u32 v53, v54  }
0x33c: {  	v54 =	vperm.xlane v53, v50;
	_ =	sdelay $0x1  }
0x33d: {  	v54 =	vadd.s32 v51, v54;
	_ =	sdelay $0x3  }
0x33e: {  	s2 =	simm.s32 $0xEE00;
	v53 =	vperm.xlane v53, v52  }
0x33f: {  	[hbm4b:s7+s3] =	stream.indirect_vreg.scatter [tilespmem:s2], [sflag:$0x4], $0x80, v54, vm0, $0xb8;
	[tilespmem:$0x14E00] =	vst v63  }
0x340: {  	s6 =	simm.s32 $0xF600;
	v53 =	vadd.s32 v51, v53  }
0x341: {  	[hbm4b:s12+s3] =	stream.indirect_vreg.scatter [tilespmem:s6], [sflag:$0x4], $0x80, v54, vm0, $0xb8;
	[tilespmem:$0x14E00] =	vst v63  }
0x342: {  	s13 =	simm.s32 $0xFE00  }
0x343: {  	[hbm4b:s5+s3] =	stream.indirect_vreg.scatter [tilespmem:s13], [sflag:$0x4], $0x80, v54, vm0, $0xb8;
	[tilespmem:$0x14E00] =	vst v63  }
0x344: {  	s17 =	simm.s32 $0x10600  }
0x345: {  	[hbm4b:s7+s3] =	stream.indirect_vreg.scatter [tilespmem:s17], [sflag:$0x4], $0x80, v53, vm0, $0xb8;
	[tilespmem:$0x14E00] =	vst v63  }
0x346: {  	s18 =	simm.s32 $0x10E00  }
0x347: {  	[hbm4b:s12+s3] =	stream.indirect_vreg.scatter [tilespmem:s18], [sflag:$0x4], $0x80, v53, vm0, $0xb8;
	[tilespmem:$0x14E00] =	vst v63  }
0x348: {  	s4 =	simm.s32 $0x11600  }
0x349: {  	[hbm4b:s5+s3] =	stream.indirect_vreg.scatter [tilespmem:s4], [sflag:$0x4], $0x80, v53, vm0, $0xb8;
	[tilespmem:$0x14E00] =	vst v63  }
0x34a: {  	v53 =	vld [tilespmem:$0x28A0];
	_ =	sdelay $0x4  }
0x34b: {  	v59 =	vshrl.u32 v53, $0x3  }
0x34c: {  	v54 =	vmul.u32 $0x30, v59  }
0x34d: {  	v53 =	vand.u32 $0x7, v53  }
0x34e: {  	v53 =	vor.u32 v53, v54  }
0x34f: {  	v54 =	vperm.xlane v53, v50;
	_ =	sdelay $0x1  }
0x350: {  	v54 =	vadd.s32 v51, v54;
	_ =	sdelay $0x3  }
0x351: {  	s8 =	simm.s32 $0x11E00;
	v53 =	vperm.xlane v53, v52  }
0x352: {  	[hbm4b:s7+s3] =	stream.indirect_vreg.scatter [tilespmem:s8], [sflag:$0x4], $0x80, v54, vm0, $0xb8;
	[tilespmem:$0x14E00] =	vst v63  }
0x353: {  	s11 =	simm.s32 $0x12600;
	v53 =	vadd.s32 v51, v53  }
0x354: {  	[hbm4b:s12+s3] =	stream.indirect_vreg.scatter [tilespmem:s11], [sflag:$0x4], $0x80, v54, vm0, $0xb8;
	[tilespmem:$0x14E00] =	vst v63  }
0x355: {  	s14 =	simm.s32 $0x12E00  }
0x356: {  	[hbm4b:s5+s3] =	stream.indirect_vreg.scatter [tilespmem:s14], [sflag:$0x4], $0x80, v54, vm0, $0xb8;
	[tilespmem:$0x14E00] =	vst v63  }
0x357: {  	s19 =	simm.s32 $0x13600  }
0x358: {  	[hbm4b:s7+s3] =	stream.indirect_vreg.scatter [tilespmem:s19], [sflag:$0x4], $0x80, v53, vm0, $0xb8;
	[tilespmem:$0x14E00] =	vst v63  }
0x359: {  	s24 =	simm.s32 $0x13E00  }
0x35a: {  	[hbm4b:s12+s3] =	stream.indirect_vreg.scatter [tilespmem:s24], [sflag:$0x4], $0x80, v53, vm0, $0xb8;
	[tilespmem:$0x14E00] =	vst v63  }
0x35b: {  	s29 =	simm.s32 $0x1;
	s25 =	simm.s32 $0x14600  }
0x35c: {  	[hbm4b:s5+s3] =	stream.indirect_vreg.scatter [tilespmem:s25], [sflag:$0x4], $0x80, v53, vm0, $0xb8;
	[tilespmem:$0x14E00] =	vst v63  }
0x35d: {  	_ =	swait.ge [sflag:s29], $0x9000  }
0x35e: {  	[sflag:s29] =	ssyncset.done $0x0  }
0x35f: {  	s30 =	simm.s32 $0x4;
	[sflag:s29] =	ssyncadd.s32 $0xFFFF7000  }
0x360: {  	_ =	swait.ge [sflag:s30], $0x9000  }
0x361: {  	[sflag:s30] =	ssyncset.done $0x0  }
0x362: {  	[sflag:s30] =	ssyncadd.s32 $0xFFFF7000  }
0x363: {  	v60 =	vld [tilespmem:$0x2450];
	_ =	sdelay $0x4  }
0x364: {  	v61 =	vshrl.u32 v60, $0x3  }
0x365: {  	v54 =	vmul.u32 $0x30, v61  }
0x366: {  	v53 =	vand.u32 $0x7, v60  }
0x367: {  	v53 =	vor.u32 v53, v54  }
0x368: {  	v54 =	vperm.xlane v53, v50;
	_ =	sdelay $0x1  }
0x369: {  	v54 =	vadd.s32 v51, v54;
	_ =	sdelay $0x3  }
0x36a: {  	v53 =	vperm.xlane v53, v52  }
0x36b: {  	[tilespmem:s22], [sflag:$0x2] =	stream.indirect_vreg.gather [hbm4b:s1+s3], $0x80, v54, vm0, $0xb8;
	[tilespmem:$0x14E00] =	vst v63  }
0x36c: {  	v53 =	vadd.s32 v51, v53  }
0x36d: {  	[tilespmem:s21], [sflag:$0x2] =	stream.indirect_vreg.gather [hbm4b:s9+s3], $0x80, v54, vm0, $0xb8;
	[tilespmem:$0x14E00] =	vst v63  }
0x36e: {  	_ = 	snop  }
0x36f: {  	[tilespmem:s26], [sflag:$0x2] =	stream.indirect_vreg.gather [hbm4b:s10+s3], $0x80, v54, vm0, $0xb8;
	[tilespmem:$0x14E00] =	vst v63  }
0x370: {  	_ = 	snop  }
0x371: {  	[tilespmem:s15], [sflag:$0x2] =	stream.indirect_vreg.gather [hbm4b:s1+s3], $0x80, v53, vm0, $0xb8;
	[tilespmem:$0x14E00] =	vst v63  }
0x372: {  	_ = 	snop  }
0x373: {  	[tilespmem:s16], [sflag:$0x2] =	stream.indirect_vreg.gather [hbm4b:s9+s3], $0x80, v53, vm0, $0xb8;
	[tilespmem:$0x14E00] =	vst v63  }
0x374: {  	_ = 	snop  }
0x375: {  	[tilespmem:s0], [sflag:$0x2] =	stream.indirect_vreg.gather [hbm4b:s10+s3], $0x80, v53, vm0, $0xb8;
	[tilespmem:$0x14E00] =	vst v63  }
0x376: {  	v53 =	vld [tilespmem:$0x2460];
	_ =	sdelay $0x4  }
0x377: {  	v62 =	vshrl.u32 v53, $0x3  }
0x378: {  	v54 =	vmul.u32 $0x30, v62  }
0x379: {  	v53 =	vand.u32 $0x7, v53  }
0x37a: {  	v53 =	vor.u32 v53, v54  }
0x37b: {  	v54 =	vperm.xlane v53, v50;
	_ =	sdelay $0x1  }
0x37c: {  	v54 =	vadd.s32 v51, v54;
	_ =	sdelay $0x3  }
0x37d: {  	v53 =	vperm.xlane v53, v52  }
0x37e: {  	[tilespmem:s2], [sflag:$0x2] =	stream.indirect_vreg.gather [hbm4b:s1+s3], $0x80, v54, vm0, $0xb8;
	[tilespmem:$0x14E00] =	vst v63  }
0x37f: {  	v53 =	vadd.s32 v51, v53  }
0x380: {  	[tilespmem:s6], [sflag:$0x2] =	stream.indirect_vreg.gather [hbm4b:s9+s3], $0x80, v54, vm0, $0xb8;
	[tilespmem:$0x14E00] =	vst v63  }
0x381: {  	_ = 	snop  }
0x382: {  	[tilespmem:s13], [sflag:$0x2] =	stream.indirect_vreg.gather [hbm4b:s10+s3], $0x80, v54, vm0, $0xb8;
	[tilespmem:$0x14E00] =	vst v63  }
0x383: {  	_ = 	snop  }
0x384: {  	[tilespmem:s17], [sflag:$0x2] =	stream.indirect_vreg.gather [hbm4b:s1+s3], $0x80, v53, vm0, $0xb8;
	[tilespmem:$0x14E00] =	vst v63  }
0x385: {  	_ = 	snop  }
0x386: {  	[tilespmem:s18], [sflag:$0x2] =	stream.indirect_vreg.gather [hbm4b:s9+s3], $0x80, v53, vm0, $0xb8;
	[tilespmem:$0x14E00] =	vst v63  }
0x387: {  	_ = 	snop  }
0x388: {  	[tilespmem:s4], [sflag:$0x2] =	stream.indirect_vreg.gather [hbm4b:s10+s3], $0x80, v53, vm0, $0xb8;
	[tilespmem:$0x14E00] =	vst v63  }
0x389: {  	v53 =	vld [tilespmem:$0x2470];
	_ =	sdelay $0x4  }
0x38a: {  	v63 =	vshrl.u32 v53, $0x3  }
0x38b: {  	v54 =	vmul.u32 $0x30, v63  }
0x38c: {  	v53 =	vand.u32 $0x7, v53  }
0x38d: {  	v53 =	vor.u32 v53, v54  }
0x38e: {  	v54 =	vperm.xlane v53, v50;
	_ =	sdelay $0x1  }
0x38f: {  	v54 =	vadd.s32 v51, v54;
	_ =	sdelay $0x3  }
0x390: {  	v53 =	vperm.xlane v53, v52  }
0x391: {  	[tilespmem:s8], [sflag:$0x2] =	stream.indirect_vreg.gather [hbm4b:s1+s3], $0x80, v54, vm0, $0xb8;
	[tilespmem:$0x14E00] =	vst v63  }
0x392: {  	v53 =	vadd.s32 v51, v53  }
0x393: {  	[tilespmem:s11], [sflag:$0x2] =	stream.indirect_vreg.gather [hbm4b:s9+s3], $0x80, v54, vm0, $0xb8;
	[tilespmem:$0x14E00] =	vst v63  }
0x394: {  	_ = 	snop  }
0x395: {  	[tilespmem:s14], [sflag:$0x2] =	stream.indirect_vreg.gather [hbm4b:s10+s3], $0x80, v54, vm0, $0xb8;
	[tilespmem:$0x14E00] =	vst v63  }
0x396: {  	_ = 	snop  }
0x397: {  	[tilespmem:s19], [sflag:$0x2] =	stream.indirect_vreg.gather [hbm4b:s1+s3], $0x80, v53, vm0, $0xb8;
	[tilespmem:$0x14E00] =	vst v63  }
0x398: {  	_ = 	snop  }
0x399: {  	[tilespmem:s24], [sflag:$0x2] =	stream.indirect_vreg.gather [hbm4b:s9+s3], $0x80, v53, vm0, $0xb8;
	[tilespmem:$0x14E00] =	vst v63  }
0x39a: {  	_ = 	snop  }
0x39b: {  	[tilespmem:s25], [sflag:$0x2] =	stream.indirect_vreg.gather [hbm4b:s10+s3], $0x80, v53, vm0, $0xb8;
	[tilespmem:$0x14E00] =	vst v63  }
0x39c: {  	v53 =	vld [tilespmem:$0x2900];
	_ =	sdelay $0x4  }
0x39d: {  	v57 =	vshrl.u32 v53, $0x3  }
0x39e: {  	v54 =	vmul.u32 $0x30, v57  }
0x39f: {  	v53 =	vand.u32 $0x7, v53  }
0x3a0: {  	v53 =	vor.u32 v53, v54  }
0x3a1: {  	v54 =	vperm.xlane v53, v50;
	_ =	sdelay $0x1  }
0x3a2: {  	v54 =	vadd.s32 v51, v54;
	_ =	sdelay $0x3  }
0x3a3: {  	s6 =	simm.s32 $0x2E00;
	v53 =	vperm.xlane v53, v52  }
0x3a4: {  	[hbm4b:s7+s3] =	stream.indirect_vreg.scatter [tilespmem:s6], [sflag:$0x3], $0x80, v54, vm0, $0xb8;
	[tilespmem:$0x14E00] =	vst v63  }
0x3a5: {  	s20 =	simm.s32 $0x3600;
	v53 =	vadd.s32 v51, v53  }
0x3a6: {  	[hbm4b:s12+s3] =	stream.indirect_vreg.scatter [tilespmem:s20], [sflag:$0x3], $0x80, v54, vm0, $0xb8;
	[tilespmem:$0x14E00] =	vst v63  }
0x3a7: {  	s13 =	simm.s32 $0x3E00  }
0x3a8: {  	[hbm4b:s5+s3] =	stream.indirect_vreg.scatter [tilespmem:s13], [sflag:$0x3], $0x80, v54, vm0, $0xb8;
	[tilespmem:$0x14E00] =	vst v63  }
0x3a9: {  	s2 =	simm.s32 $0x4600  }
0x3aa: {  	[hbm4b:s7+s3] =	stream.indirect_vreg.scatter [tilespmem:s2], [sflag:$0x3], $0x80, v53, vm0, $0xb8;
	[tilespmem:$0x14E00] =	vst v63  }
0x3ab: {  	s4 =	simm.s32 $0x4E00  }
0x3ac: {  	[hbm4b:s12+s3] =	stream.indirect_vreg.scatter [tilespmem:s4], [sflag:$0x3], $0x80, v53, vm0, $0xb8;
	[tilespmem:$0x14E00] =	vst v63  }
0x3ad: {  	s8 =	simm.s32 $0x5600  }
0x3ae: {  	[hbm4b:s5+s3] =	stream.indirect_vreg.scatter [tilespmem:s8], [sflag:$0x3], $0x80, v53, vm0, $0xb8;
	[tilespmem:$0x14E00] =	vst v63  }
0x3af: {  	v53 =	vld [tilespmem:$0x2910];
	_ =	sdelay $0x4  }
0x3b0: {  	v58 =	vshrl.u32 v53, $0x3  }
0x3b1: {  	v54 =	vmul.u32 $0x30, v58  }
0x3b2: {  	v53 =	vand.u32 $0x7, v53  }
0x3b3: {  	v53 =	vor.u32 v53, v54  }
0x3b4: {  	v54 =	vperm.xlane v53, v50;
	_ =	sdelay $0x1  }
0x3b5: {  	v54 =	vadd.s32 v51, v54;
	_ =	sdelay $0x3  }
0x3b6: {  	s11 =	simm.s32 $0x5E00;
	v53 =	vperm.xlane v53, v52  }
0x3b7: {  	[hbm4b:s7+s3] =	stream.indirect_vreg.scatter [tilespmem:s11], [sflag:$0x3], $0x80, v54, vm0, $0xb8;
	[tilespmem:$0x14E00] =	vst v63  }
0x3b8: {  	s14 =	simm.s32 $0x6600;
	v53 =	vadd.s32 v51, v53  }
0x3b9: {  	[hbm4b:s12+s3] =	stream.indirect_vreg.scatter [tilespmem:s14], [sflag:$0x3], $0x80, v54, vm0, $0xb8;
	[tilespmem:$0x14E00] =	vst v63  }
0x3ba: {  	s15 =	simm.s32 $0x6E00  }
0x3bb: {  	[hbm4b:s5+s3] =	stream.indirect_vreg.scatter [tilespmem:s15], [sflag:$0x3], $0x80, v54, vm0, $0xb8;
	[tilespmem:$0x14E00] =	vst v63  }
0x3bc: {  	s16 =	simm.s32 $0x7600  }
0x3bd: {  	[hbm4b:s7+s3] =	stream.indirect_vreg.scatter [tilespmem:s16], [sflag:$0x3], $0x80, v53, vm0, $0xb8;
	[tilespmem:$0x14E00] =	vst v63  }
0x3be: {  	s17 =	simm.s32 $0x7E00  }
0x3bf: {  	[hbm4b:s12+s3] =	stream.indirect_vreg.scatter [tilespmem:s17], [sflag:$0x3], $0x80, v53, vm0, $0xb8;
	[tilespmem:$0x14E00] =	vst v63  }
0x3c0: {  	s18 =	simm.s32 $0x8600  }
0x3c1: {  	[hbm4b:s5+s3] =	stream.indirect_vreg.scatter [tilespmem:s18], [sflag:$0x3], $0x80, v53, vm0, $0xb8;
	[tilespmem:$0x14E00] =	vst v63  }
0x3c2: {  	v53 =	vld [tilespmem:$0x2920];
	_ =	sdelay $0x4  }
0x3c3: {  	v59 =	vshrl.u32 v53, $0x3  }
0x3c4: {  	v54 =	vmul.u32 $0x30, v59  }
0x3c5: {  	v53 =	vand.u32 $0x7, v53  }
0x3c6: {  	v53 =	vor.u32 v53, v54  }
0x3c7: {  	v54 =	vperm.xlane v53, v50;
	_ =	sdelay $0x1  }
0x3c8: {  	v54 =	vadd.s32 v51, v54;
	_ =	sdelay $0x3  }
0x3c9: {  	s28 =	simm.s32 $0x8E00;
	v53 =	vperm.xlane v53, v52  }
0x3ca: {  	[hbm4b:s7+s3] =	stream.indirect_vreg.scatter [tilespmem:s28], [sflag:$0x3], $0x80, v54, vm0, $0xb8;
	[tilespmem:$0x14E00] =	vst v63  }
0x3cb: {  	s0 =	simm.s32 $0x9600;
	v53 =	vadd.s32 v51, v53  }
0x3cc: {  	[hbm4b:s12+s3] =	stream.indirect_vreg.scatter [tilespmem:s0], [sflag:$0x3], $0x80, v54, vm0, $0xb8;
	[tilespmem:$0x14E00] =	vst v63  }
0x3cd: {  	s19 =	simm.s32 $0x9E00  }
0x3ce: {  	[hbm4b:s5+s3] =	stream.indirect_vreg.scatter [tilespmem:s19], [sflag:$0x3], $0x80, v54, vm0, $0xb8;
	[tilespmem:$0x14E00] =	vst v63  }
0x3cf: {  	s22 =	simm.s32 $0xA600  }
0x3d0: {  	[hbm4b:s7+s3] =	stream.indirect_vreg.scatter [tilespmem:s22], [sflag:$0x3], $0x80, v53, vm0, $0xb8;
	[tilespmem:$0x14E00] =	vst v63  }
0x3d1: {  	s23 =	simm.s32 $0xAE00  }
0x3d2: {  	[hbm4b:s12+s3] =	stream.indirect_vreg.scatter [tilespmem:s23], [sflag:$0x3], $0x80, v53, vm0, $0xb8;
	[tilespmem:$0x14E00] =	vst v63  }
0x3d3: {  	s26 =	simm.s32 $0x2;
	s25 =	simm.s32 $0xB600  }
0x3d4: {  	[hbm4b:s5+s3] =	stream.indirect_vreg.scatter [tilespmem:s25], [sflag:$0x3], $0x80, v53, vm0, $0xb8;
	[tilespmem:$0x14E00] =	vst v63  }
0x3d5: {  	_ =	swait.ge [sflag:s26], $0x9000  }
0x3d6: {  	[sflag:s26] =	ssyncset.done $0x0  }
0x3d7: {  	s31 =	simm.s32 $0x3;
	[sflag:s26] =	ssyncadd.s32 $0xFFFF7000  }
0x3d8: {  	_ =	swait.ge [sflag:s31], $0x9000  }
0x3d9: {  	[sflag:s31] =	ssyncset.done $0x0  }
0x3da: {  	[sflag:s31] =	ssyncadd.s32 $0xFFFF7000  }
0x3db: {  	v60 =	vld [tilespmem:$0x2480];
	_ =	sdelay $0x4  }
0x3dc: {  	v61 =	vshrl.u32 v60, $0x3  }
0x3dd: {  	v54 =	vmul.u32 $0x30, v61  }
0x3de: {  	v53 =	vand.u32 $0x7, v60  }
0x3df: {  	v53 =	vor.u32 v53, v54  }
0x3e0: {  	v54 =	vperm.xlane v53, v50;
	_ =	sdelay $0x1  }
0x3e1: {  	v54 =	vadd.s32 v51, v54;
	_ =	sdelay $0x3  }
0x3e2: {  	v53 =	vperm.xlane v53, v52  }
0x3e3: {  	[tilespmem:s6], [sflag:$0x1] =	stream.indirect_vreg.gather [hbm4b:s1+s3], $0x80, v54, vm0, $0xb8;
	[tilespmem:$0x14E00] =	vst v63  }
0x3e4: {  	v53 =	vadd.s32 v51, v53  }
0x3e5: {  	[tilespmem:s20], [sflag:$0x1] =	stream.indirect_vreg.gather [hbm4b:s9+s3], $0x80, v54, vm0, $0xb8;
	[tilespmem:$0x14E00] =	vst v63  }
0x3e6: {  	_ = 	snop  }
0x3e7: {  	[tilespmem:s13], [sflag:$0x1] =	stream.indirect_vreg.gather [hbm4b:s10+s3], $0x80, v54, vm0, $0xb8;
	[tilespmem:$0x14E00] =	vst v63  }
0x3e8: {  	_ = 	snop  }
0x3e9: {  	[tilespmem:s2], [sflag:$0x1] =	stream.indirect_vreg.gather [hbm4b:s1+s3], $0x80, v53, vm0, $0xb8;
	[tilespmem:$0x14E00] =	vst v63  }
0x3ea: {  	_ = 	snop  }
0x3eb: {  	[tilespmem:s4], [sflag:$0x1] =	stream.indirect_vreg.gather [hbm4b:s9+s3], $0x80, v53, vm0, $0xb8;
	[tilespmem:$0x14E00] =	vst v63  }
0x3ec: {  	_ = 	snop  }
0x3ed: {  	[tilespmem:s8], [sflag:$0x1] =	stream.indirect_vreg.gather [hbm4b:s10+s3], $0x80, v53, vm0, $0xb8;
	[tilespmem:$0x14E00] =	vst v63  }
0x3ee: {  	v53 =	vld [tilespmem:$0x2490];
	_ =	sdelay $0x4  }
0x3ef: {  	v62 =	vshrl.u32 v53, $0x3  }
0x3f0: {  	v54 =	vmul.u32 $0x30, v62  }
0x3f1: {  	v53 =	vand.u32 $0x7, v53  }
0x3f2: {  	v53 =	vor.u32 v53, v54  }
0x3f3: {  	v54 =	vperm.xlane v53, v50;
	_ =	sdelay $0x1  }
0x3f4: {  	v54 =	vadd.s32 v51, v54;
	_ =	sdelay $0x3  }
0x3f5: {  	v53 =	vperm.xlane v53, v52  }
0x3f6: {  	[tilespmem:s11], [sflag:$0x1] =	stream.indirect_vreg.gather [hbm4b:s1+s3], $0x80, v54, vm0, $0xb8;
	[tilespmem:$0x14E00] =	vst v63  }
0x3f7: {  	v53 =	vadd.s32 v51, v53  }
0x3f8: {  	[tilespmem:s14], [sflag:$0x1] =	stream.indirect_vreg.gather [hbm4b:s9+s3], $0x80, v54, vm0, $0xb8;
	[tilespmem:$0x14E00] =	vst v63  }
0x3f9: {  	_ = 	snop  }
0x3fa: {  	[tilespmem:s15], [sflag:$0x1] =	stream.indirect_vreg.gather [hbm4b:s10+s3], $0x80, v54, vm0, $0xb8;
	[tilespmem:$0x14E00] =	vst v63  }
0x3fb: {  	_ = 	snop  }
0x3fc: {  	[tilespmem:s16], [sflag:$0x1] =	stream.indirect_vreg.gather [hbm4b:s1+s3], $0x80, v53, vm0, $0xb8;
	[tilespmem:$0x14E00] =	vst v63  }
0x3fd: {  	_ = 	snop  }
0x3fe: {  	[tilespmem:s17], [sflag:$0x1] =	stream.indirect_vreg.gather [hbm4b:s9+s3], $0x80, v53, vm0, $0xb8;
	[tilespmem:$0x14E00] =	vst v63  }
0x3ff: {  	_ = 	snop  }
0x400: {  	[tilespmem:s18], [sflag:$0x1] =	stream.indirect_vreg.gather [hbm4b:s10+s3], $0x80, v53, vm0, $0xb8;
	[tilespmem:$0x14E00] =	vst v63  }
0x401: {  	v53 =	vld [tilespmem:$0x24A0];
	_ =	sdelay $0x4  }
0x402: {  	v63 =	vshrl.u32 v53, $0x3  }
0x403: {  	v54 =	vmul.u32 $0x30, v63  }
0x404: {  	v53 =	vand.u32 $0x7, v53  }
0x405: {  	v53 =	vor.u32 v53, v54  }
0x406: {  	v54 =	vperm.xlane v53, v50;
	_ =	sdelay $0x1  }
0x407: {  	v54 =	vadd.s32 v51, v54;
	_ =	sdelay $0x3  }
0x408: {  	v53 =	vperm.xlane v53, v52  }
0x409: {  	[tilespmem:s28], [sflag:$0x1] =	stream.indirect_vreg.gather [hbm4b:s1+s3], $0x80, v54, vm0, $0xb8;
	[tilespmem:$0x14E00] =	vst v63  }
0x40a: {  	v53 =	vadd.s32 v51, v53  }
0x40b: {  	[tilespmem:s0], [sflag:$0x1] =	stream.indirect_vreg.gather [hbm4b:s9+s3], $0x80, v54, vm0, $0xb8;
	[tilespmem:$0x14E00] =	vst v63  }
0x40c: {  	_ = 	snop  }
0x40d: {  	[tilespmem:s19], [sflag:$0x1] =	stream.indirect_vreg.gather [hbm4b:s10+s3], $0x80, v54, vm0, $0xb8;
	[tilespmem:$0x14E00] =	vst v63  }
0x40e: {  	_ = 	snop  }
0x40f: {  	[tilespmem:s22], [sflag:$0x1] =	stream.indirect_vreg.gather [hbm4b:s1+s3], $0x80, v53, vm0, $0xb8;
	[tilespmem:$0x14E00] =	vst v63  }
0x410: {  	_ = 	snop  }
0x411: {  	[tilespmem:s23], [sflag:$0x1] =	stream.indirect_vreg.gather [hbm4b:s9+s3], $0x80, v53, vm0, $0xb8;
	[tilespmem:$0x14E00] =	vst v63  }
0x412: {  	_ = 	snop  }
0x413: {  	[tilespmem:s25], [sflag:$0x1] =	stream.indirect_vreg.gather [hbm4b:s10+s3], $0x80, v53, vm0, $0xb8;
	[tilespmem:$0x14E00] =	vst v63  }
0x414: {  	v53 =	vld [tilespmem:$0x2980];
	_ =	sdelay $0x4  }
0x415: {  	v57 =	vshrl.u32 v53, $0x3  }
0x416: {  	v54 =	vmul.u32 $0x30, v57  }
0x417: {  	v53 =	vand.u32 $0x7, v53  }
0x418: {  	v53 =	vor.u32 v53, v54  }
0x419: {  	v54 =	vperm.xlane v53, v50;
	_ =	sdelay $0x1  }
0x41a: {  	v54 =	vadd.s32 v51, v54;
	_ =	sdelay $0x3  }
0x41b: {  	s22 =	simm.s32 $0xBE00;
	v53 =	vperm.xlane v53, v52  }
0x41c: {  	[hbm4b:s7+s3] =	stream.indirect_vreg.scatter [tilespmem:s22], [sflag:$0x4], $0x80, v54, vm0, $0xb8;
	[tilespmem:$0x14E00] =	vst v63  }
0x41d: {  	s19 =	simm.s32 $0xC600;
	v53 =	vadd.s32 v51, v53  }
0x41e: {  	[hbm4b:s12+s3] =	stream.indirect_vreg.scatter [tilespmem:s19], [sflag:$0x4], $0x80, v54, vm0, $0xb8;
	[tilespmem:$0x14E00] =	vst v63  }
0x41f: {  	s26 =	simm.s32 $0xCE00  }
0x420: {  	[hbm4b:s5+s3] =	stream.indirect_vreg.scatter [tilespmem:s26], [sflag:$0x4], $0x80, v54, vm0, $0xb8;
	[tilespmem:$0x14E00] =	vst v63  }
0x421: {  	s25 =	simm.s32 $0xD600  }
0x422: {  	[hbm4b:s7+s3] =	stream.indirect_vreg.scatter [tilespmem:s25], [sflag:$0x4], $0x80, v53, vm0, $0xb8;
	[tilespmem:$0x14E00] =	vst v63  }
0x423: {  	s28 =	simm.s32 $0xDE00  }
0x424: {  	[hbm4b:s12+s3] =	stream.indirect_vreg.scatter [tilespmem:s28], [sflag:$0x4], $0x80, v53, vm0, $0xb8;
	[tilespmem:$0x14E00] =	vst v63  }
0x425: {  	s15 =	simm.s32 $0xE600  }
0x426: {  	[hbm4b:s5+s3] =	stream.indirect_vreg.scatter [tilespmem:s15], [sflag:$0x4], $0x80, v53, vm0, $0xb8;
	[tilespmem:$0x14E00] =	vst v63  }
0x427: {  	v53 =	vld [tilespmem:$0x2990];
	_ =	sdelay $0x4  }
0x428: {  	v58 =	vshrl.u32 v53, $0x3  }
0x429: {  	v54 =	vmul.u32 $0x30, v58  }
0x42a: {  	v53 =	vand.u32 $0x7, v53  }
0x42b: {  	v53 =	vor.u32 v53, v54  }
0x42c: {  	v54 =	vperm.xlane v53, v50;
	_ =	sdelay $0x1  }
0x42d: {  	v54 =	vadd.s32 v51, v54;
	_ =	sdelay $0x3  }
0x42e: {  	s16 =	simm.s32 $0xEE00;
	v53 =	vperm.xlane v53, v52  }
0x42f: {  	[hbm4b:s7+s3] =	stream.indirect_vreg.scatter [tilespmem:s16], [sflag:$0x4], $0x80, v54, vm0, $0xb8;
	[tilespmem:$0x14E00] =	vst v63  }
0x430: {  	s0 =	simm.s32 $0xF600;
	v53 =	vadd.s32 v51, v53  }
0x431: {  	[hbm4b:s12+s3] =	stream.indirect_vreg.scatter [tilespmem:s0], [sflag:$0x4], $0x80, v54, vm0, $0xb8;
	[tilespmem:$0x14E00] =	vst v63  }
0x432: {  	s6 =	simm.s32 $0xFE00  }
0x433: {  	[hbm4b:s5+s3] =	stream.indirect_vreg.scatter [tilespmem:s6], [sflag:$0x4], $0x80, v54, vm0, $0xb8;
	[tilespmem:$0x14E00] =	vst v63  }
0x434: {  	s13 =	simm.s32 $0x10600  }
0x435: {  	[hbm4b:s7+s3] =	stream.indirect_vreg.scatter [tilespmem:s13], [sflag:$0x4], $0x80, v53, vm0, $0xb8;
	[tilespmem:$0x14E00] =	vst v63  }
0x436: {  	s2 =	simm.s32 $0x10E00  }
0x437: {  	[hbm4b:s12+s3] =	stream.indirect_vreg.scatter [tilespmem:s2], [sflag:$0x4], $0x80, v53, vm0, $0xb8;
	[tilespmem:$0x14E00] =	vst v63  }
0x438: {  	s17 =	simm.s32 $0x11600  }
0x439: {  	[hbm4b:s5+s3] =	stream.indirect_vreg.scatter [tilespmem:s17], [sflag:$0x4], $0x80, v53, vm0, $0xb8;
	[tilespmem:$0x14E00] =	vst v63  }
0x43a: {  	v53 =	vld [tilespmem:$0x29A0];
	_ =	sdelay $0x4  }
0x43b: {  	v59 =	vshrl.u32 v53, $0x3  }
0x43c: {  	v54 =	vmul.u32 $0x30, v59  }
0x43d: {  	v53 =	vand.u32 $0x7, v53  }
0x43e: {  	v53 =	vor.u32 v53, v54  }
0x43f: {  	v54 =	vperm.xlane v53, v50;
	_ =	sdelay $0x1  }
0x440: {  	v54 =	vadd.s32 v51, v54;
	_ =	sdelay $0x3  }
0x441: {  	s18 =	simm.s32 $0x11E00;
	v53 =	vperm.xlane v53, v52  }
0x442: {  	[hbm4b:s7+s3] =	stream.indirect_vreg.scatter [tilespmem:s18], [sflag:$0x4], $0x80, v54, vm0, $0xb8;
	[tilespmem:$0x14E00] =	vst v63  }
0x443: {  	s4 =	simm.s32 $0x12600;
	v53 =	vadd.s32 v51, v53  }
0x444: {  	[hbm4b:s12+s3] =	stream.indirect_vreg.scatter [tilespmem:s4], [sflag:$0x4], $0x80, v54, vm0, $0xb8;
	[tilespmem:$0x14E00] =	vst v63  }
0x445: {  	s8 =	simm.s32 $0x12E00  }
0x446: {  	[hbm4b:s5+s3] =	stream.indirect_vreg.scatter [tilespmem:s8], [sflag:$0x4], $0x80, v54, vm0, $0xb8;
	[tilespmem:$0x14E00] =	vst v63  }
0x447: {  	s11 =	simm.s32 $0x13600  }
0x448: {  	[hbm4b:s7+s3] =	stream.indirect_vreg.scatter [tilespmem:s11], [sflag:$0x4], $0x80, v53, vm0, $0xb8;
	[tilespmem:$0x14E00] =	vst v63  }
0x449: {  	s14 =	simm.s32 $0x13E00  }
0x44a: {  	[hbm4b:s12+s3] =	stream.indirect_vreg.scatter [tilespmem:s14], [sflag:$0x4], $0x80, v53, vm0, $0xb8;
	[tilespmem:$0x14E00] =	vst v63  }
0x44b: {  	s29 =	simm.s32 $0x1;
	s20 =	simm.s32 $0x14600  }
0x44c: {  	[hbm4b:s5+s3] =	stream.indirect_vreg.scatter [tilespmem:s20], [sflag:$0x4], $0x80, v53, vm0, $0xb8;
	[tilespmem:$0x14E00] =	vst v63  }
0x44d: {  	_ =	swait.ge [sflag:s29], $0x9000  }
0x44e: {  	[sflag:s29] =	ssyncset.done $0x0  }
0x44f: {  	s30 =	simm.s32 $0x4;
	[sflag:s29] =	ssyncadd.s32 $0xFFFF7000  }
0x450: {  	_ =	swait.ge [sflag:s30], $0x9000  }
0x451: {  	[sflag:s30] =	ssyncset.done $0x0  }
0x452: {  	[sflag:s30] =	ssyncadd.s32 $0xFFFF7000  }
0x453: {  	v60 =	vld [tilespmem:$0x24B0];
	_ =	sdelay $0x4  }
0x454: {  	v61 =	vshrl.u32 v60, $0x3  }
0x455: {  	v54 =	vmul.u32 $0x30, v61  }
0x456: {  	v53 =	vand.u32 $0x7, v60  }
0x457: {  	v53 =	vor.u32 v53, v54  }
0x458: {  	v54 =	vperm.xlane v53, v50;
	_ =	sdelay $0x1  }
0x459: {  	v54 =	vadd.s32 v51, v54;
	_ =	sdelay $0x3  }
0x45a: {  	v53 =	vperm.xlane v53, v52  }
0x45b: {  	[tilespmem:s22], [sflag:$0x2] =	stream.indirect_vreg.gather [hbm4b:s1+s3], $0x80, v54, vm0, $0xb8;
	[tilespmem:$0x14E00] =	vst v63  }
0x45c: {  	v53 =	vadd.s32 v51, v53  }
0x45d: {  	[tilespmem:s19], [sflag:$0x2] =	stream.indirect_vreg.gather [hbm4b:s9+s3], $0x80, v54, vm0, $0xb8;
	[tilespmem:$0x14E00] =	vst v63  }
0x45e: {  	_ = 	snop  }
0x45f: {  	[tilespmem:s26], [sflag:$0x2] =	stream.indirect_vreg.gather [hbm4b:s10+s3], $0x80, v54, vm0, $0xb8;
	[tilespmem:$0x14E00] =	vst v63  }
0x460: {  	_ = 	snop  }
0x461: {  	[tilespmem:s25], [sflag:$0x2] =	stream.indirect_vreg.gather [hbm4b:s1+s3], $0x80, v53, vm0, $0xb8;
	[tilespmem:$0x14E00] =	vst v63  }
0x462: {  	_ = 	snop  }
0x463: {  	[tilespmem:s28], [sflag:$0x2] =	stream.indirect_vreg.gather [hbm4b:s9+s3], $0x80, v53, vm0, $0xb8;
	[tilespmem:$0x14E00] =	vst v63  }
0x464: {  	_ = 	snop  }
0x465: {  	[tilespmem:s15], [sflag:$0x2] =	stream.indirect_vreg.gather [hbm4b:s10+s3], $0x80, v53, vm0, $0xb8;
	[tilespmem:$0x14E00] =	vst v63  }
0x466: {  	v53 =	vld [tilespmem:$0x24C0];
	_ =	sdelay $0x4  }
0x467: {  	v62 =	vshrl.u32 v53, $0x3  }
0x468: {  	v54 =	vmul.u32 $0x30, v62  }
0x469: {  	v53 =	vand.u32 $0x7, v53  }
0x46a: {  	v53 =	vor.u32 v53, v54  }
0x46b: {  	v54 =	vperm.xlane v53, v50;
	_ =	sdelay $0x1  }
0x46c: {  	v54 =	vadd.s32 v51, v54;
	_ =	sdelay $0x3  }
0x46d: {  	v53 =	vperm.xlane v53, v52  }
0x46e: {  	[tilespmem:s16], [sflag:$0x2] =	stream.indirect_vreg.gather [hbm4b:s1+s3], $0x80, v54, vm0, $0xb8;
	[tilespmem:$0x14E00] =	vst v63  }
0x46f: {  	v53 =	vadd.s32 v51, v53  }
0x470: {  	[tilespmem:s0], [sflag:$0x2] =	stream.indirect_vreg.gather [hbm4b:s9+s3], $0x80, v54, vm0, $0xb8;
	[tilespmem:$0x14E00] =	vst v63  }
0x471: {  	_ = 	snop  }
0x472: {  	[tilespmem:s6], [sflag:$0x2] =	stream.indirect_vreg.gather [hbm4b:s10+s3], $0x80, v54, vm0, $0xb8;
	[tilespmem:$0x14E00] =	vst v63  }
0x473: {  	_ = 	snop  }
0x474: {  	[tilespmem:s13], [sflag:$0x2] =	stream.indirect_vreg.gather [hbm4b:s1+s3], $0x80, v53, vm0, $0xb8;
	[tilespmem:$0x14E00] =	vst v63  }
0x475: {  	_ = 	snop  }
0x476: {  	[tilespmem:s2], [sflag:$0x2] =	stream.indirect_vreg.gather [hbm4b:s9+s3], $0x80, v53, vm0, $0xb8;
	[tilespmem:$0x14E00] =	vst v63  }
0x477: {  	_ = 	snop  }
0x478: {  	[tilespmem:s17], [sflag:$0x2] =	stream.indirect_vreg.gather [hbm4b:s10+s3], $0x80, v53, vm0, $0xb8;
	[tilespmem:$0x14E00] =	vst v63  }
0x479: {  	v53 =	vld [tilespmem:$0x24D0];
	_ =	sdelay $0x4  }
0x47a: {  	v63 =	vshrl.u32 v53, $0x3  }
0x47b: {  	v54 =	vmul.u32 $0x30, v63  }
0x47c: {  	v53 =	vand.u32 $0x7, v53  }
0x47d: {  	v53 =	vor.u32 v53, v54  }
0x47e: {  	v54 =	vperm.xlane v53, v50;
	_ =	sdelay $0x1  }
0x47f: {  	v54 =	vadd.s32 v51, v54;
	_ =	sdelay $0x3  }
0x480: {  	v53 =	vperm.xlane v53, v52  }
0x481: {  	[tilespmem:s18], [sflag:$0x2] =	stream.indirect_vreg.gather [hbm4b:s1+s3], $0x80, v54, vm0, $0xb8;
	[tilespmem:$0x14E00] =	vst v63  }
0x482: {  	v53 =	vadd.s32 v51, v53  }
0x483: {  	[tilespmem:s4], [sflag:$0x2] =	stream.indirect_vreg.gather [hbm4b:s9+s3], $0x80, v54, vm0, $0xb8;
	[tilespmem:$0x14E00] =	vst v63  }
0x484: {  	_ = 	snop  }
0x485: {  	[tilespmem:s8], [sflag:$0x2] =	stream.indirect_vreg.gather [hbm4b:s10+s3], $0x80, v54, vm0, $0xb8;
	[tilespmem:$0x14E00] =	vst v63  }
0x486: {  	_ = 	snop  }
0x487: {  	[tilespmem:s11], [sflag:$0x2] =	stream.indirect_vreg.gather [hbm4b:s1+s3], $0x80, v53, vm0, $0xb8;
	[tilespmem:$0x14E00] =	vst v63  }
0x488: {  	_ = 	snop  }
0x489: {  	[tilespmem:s14], [sflag:$0x2] =	stream.indirect_vreg.gather [hbm4b:s9+s3], $0x80, v53, vm0, $0xb8;
	[tilespmem:$0x14E00] =	vst v63  }
0x48a: {  	_ = 	snop  }
0x48b: {  	[tilespmem:s20], [sflag:$0x2] =	stream.indirect_vreg.gather [hbm4b:s10+s3], $0x80, v53, vm0, $0xb8;
	[tilespmem:$0x14E00] =	vst v63  }
0x48c: {  	v53 =	vld [tilespmem:$0x2A00];
	_ =	sdelay $0x4  }
0x48d: {  	v57 =	vshrl.u32 v53, $0x3  }
0x48e: {  	v54 =	vmul.u32 $0x30, v57  }
0x48f: {  	v53 =	vand.u32 $0x7, v53  }
0x490: {  	v53 =	vor.u32 v53, v54  }
0x491: {  	v54 =	vperm.xlane v53, v50;
	_ =	sdelay $0x1  }
0x492: {  	v54 =	vadd.s32 v51, v54;
	_ =	sdelay $0x3  }
0x493: {  	s6 =	simm.s32 $0x2E00;
	v53 =	vperm.xlane v53, v52  }
0x494: {  	[hbm4b:s7+s3] =	stream.indirect_vreg.scatter [tilespmem:s6], [sflag:$0x3], $0x80, v54, vm0, $0xb8;
	[tilespmem:$0x14E00] =	vst v63  }
0x495: {  	s19 =	simm.s32 $0x3600;
	v53 =	vadd.s32 v51, v53  }
0x496: {  	[hbm4b:s12+s3] =	stream.indirect_vreg.scatter [tilespmem:s19], [sflag:$0x3], $0x80, v54, vm0, $0xb8;
	[tilespmem:$0x14E00] =	vst v63  }
0x497: {  	s13 =	simm.s32 $0x3E00  }
0x498: {  	[hbm4b:s5+s3] =	stream.indirect_vreg.scatter [tilespmem:s13], [sflag:$0x3], $0x80, v54, vm0, $0xb8;
	[tilespmem:$0x14E00] =	vst v63  }
0x499: {  	s2 =	simm.s32 $0x4600  }
0x49a: {  	[hbm4b:s7+s3] =	stream.indirect_vreg.scatter [tilespmem:s2], [sflag:$0x3], $0x80, v53, vm0, $0xb8;
	[tilespmem:$0x14E00] =	vst v63  }
0x49b: {  	s4 =	simm.s32 $0x4E00  }
0x49c: {  	[hbm4b:s12+s3] =	stream.indirect_vreg.scatter [tilespmem:s4], [sflag:$0x3], $0x80, v53, vm0, $0xb8;
	[tilespmem:$0x14E00] =	vst v63  }
0x49d: {  	s8 =	simm.s32 $0x5600  }
0x49e: {  	[hbm4b:s5+s3] =	stream.indirect_vreg.scatter [tilespmem:s8], [sflag:$0x3], $0x80, v53, vm0, $0xb8;
	[tilespmem:$0x14E00] =	vst v63  }
0x49f: {  	v53 =	vld [tilespmem:$0x2A10];
	_ =	sdelay $0x4  }
0x4a0: {  	v58 =	vshrl.u32 v53, $0x3  }
0x4a1: {  	v54 =	vmul.u32 $0x30, v58  }
0x4a2: {  	v53 =	vand.u32 $0x7, v53  }
0x4a3: {  	v53 =	vor.u32 v53, v54  }
0x4a4: {  	v54 =	vperm.xlane v53, v50;
	_ =	sdelay $0x1  }
0x4a5: {  	v54 =	vadd.s32 v51, v54;
	_ =	sdelay $0x3  }
0x4a6: {  	s11 =	simm.s32 $0x5E00;
	v53 =	vperm.xlane v53, v52  }
0x4a7: {  	[hbm4b:s7+s3] =	stream.indirect_vreg.scatter [tilespmem:s11], [sflag:$0x3], $0x80, v54, vm0, $0xb8;
	[tilespmem:$0x14E00] =	vst v63  }
0x4a8: {  	s14 =	simm.s32 $0x6600;
	v53 =	vadd.s32 v51, v53  }
0x4a9: {  	[hbm4b:s12+s3] =	stream.indirect_vreg.scatter [tilespmem:s14], [sflag:$0x3], $0x80, v54, vm0, $0xb8;
	[tilespmem:$0x14E00] =	vst v63  }
0x4aa: {  	s15 =	simm.s32 $0x6E00  }
0x4ab: {  	[hbm4b:s5+s3] =	stream.indirect_vreg.scatter [tilespmem:s15], [sflag:$0x3], $0x80, v54, vm0, $0xb8;
	[tilespmem:$0x14E00] =	vst v63  }
0x4ac: {  	s16 =	simm.s32 $0x7600  }
0x4ad: {  	[hbm4b:s7+s3] =	stream.indirect_vreg.scatter [tilespmem:s16], [sflag:$0x3], $0x80, v53, vm0, $0xb8;
	[tilespmem:$0x14E00] =	vst v63  }
0x4ae: {  	s17 =	simm.s32 $0x7E00  }
0x4af: {  	[hbm4b:s12+s3] =	stream.indirect_vreg.scatter [tilespmem:s17], [sflag:$0x3], $0x80, v53, vm0, $0xb8;
	[tilespmem:$0x14E00] =	vst v63  }
0x4b0: {  	s18 =	simm.s32 $0x8600  }
0x4b1: {  	[hbm4b:s5+s3] =	stream.indirect_vreg.scatter [tilespmem:s18], [sflag:$0x3], $0x80, v53, vm0, $0xb8;
	[tilespmem:$0x14E00] =	vst v63  }
0x4b2: {  	v53 =	vld [tilespmem:$0x2A20];
	_ =	sdelay $0x4  }
0x4b3: {  	v59 =	vshrl.u32 v53, $0x3  }
0x4b4: {  	v54 =	vmul.u32 $0x30, v59  }
0x4b5: {  	v53 =	vand.u32 $0x7, v53  }
0x4b6: {  	v53 =	vor.u32 v53, v54  }
0x4b7: {  	v54 =	vperm.xlane v53, v50;
	_ =	sdelay $0x1  }
0x4b8: {  	v54 =	vadd.s32 v51, v54;
	_ =	sdelay $0x3  }
0x4b9: {  	s29 =	simm.s32 $0x8E00;
	v53 =	vperm.xlane v53, v52  }
0x4ba: {  	[hbm4b:s7+s3] =	stream.indirect_vreg.scatter [tilespmem:s29], [sflag:$0x3], $0x80, v54, vm0, $0xb8;
	[tilespmem:$0x14E00] =	vst v63  }
0x4bb: {  	s20 =	simm.s32 $0x9600;
	v53 =	vadd.s32 v51, v53  }
0x4bc: {  	[hbm4b:s12+s3] =	stream.indirect_vreg.scatter [tilespmem:s20], [sflag:$0x3], $0x80, v54, vm0, $0xb8;
	[tilespmem:$0x14E00] =	vst v63  }
0x4bd: {  	s26 =	simm.s32 $0x9E00  }
0x4be: {  	[hbm4b:s5+s3] =	stream.indirect_vreg.scatter [tilespmem:s26], [sflag:$0x3], $0x80, v54, vm0, $0xb8;
	[tilespmem:$0x14E00] =	vst v63  }
0x4bf: {  	s0 =	simm.s32 $0xA600  }
0x4c0: {  	[hbm4b:s7+s3] =	stream.indirect_vreg.scatter [tilespmem:s0], [sflag:$0x3], $0x80, v53, vm0, $0xb8;
	[tilespmem:$0x14E00] =	vst v63  }
0x4c1: {  	s21 =	simm.s32 $0xAE00  }
0x4c2: {  	[hbm4b:s12+s3] =	stream.indirect_vreg.scatter [tilespmem:s21], [sflag:$0x3], $0x80, v53, vm0, $0xb8;
	[tilespmem:$0x14E00] =	vst v63  }
0x4c3: {  	s24 =	simm.s32 $0x2;
	s23 =	simm.s32 $0xB600  }
0x4c4: {  	[hbm4b:s5+s3] =	stream.indirect_vreg.scatter [tilespmem:s23], [sflag:$0x3], $0x80, v53, vm0, $0xb8;
	[tilespmem:$0x14E00] =	vst v63  }
0x4c5: {  	_ =	swait.ge [sflag:s24], $0x9000  }
0x4c6: {  	[sflag:s24] =	ssyncset.done $0x0  }
0x4c7: {  	[sflag:s24] =	ssyncadd.s32 $0xFFFF7000  }
0x4c8: {  	_ =	swait.ge [sflag:s31], $0x9000  }
0x4c9: {  	[sflag:s31] =	ssyncset.done $0x0  }
0x4ca: {  	[sflag:s31] =	ssyncadd.s32 $0xFFFF7000  }
0x4cb: {  	v60 =	vld [tilespmem:$0x24E0];
	_ =	sdelay $0x4  }
0x4cc: {  	v61 =	vshrl.u32 v60, $0x3  }
0x4cd: {  	v54 =	vmul.u32 $0x30, v61  }
0x4ce: {  	v53 =	vand.u32 $0x7, v60  }
0x4cf: {  	v53 =	vor.u32 v53, v54  }
0x4d0: {  	v54 =	vperm.xlane v53, v50;
	_ =	sdelay $0x1  }
0x4d1: {  	v54 =	vadd.s32 v51, v54;
	_ =	sdelay $0x3  }
0x4d2: {  	v53 =	vperm.xlane v53, v52  }
0x4d3: {  	[tilespmem:s6], [sflag:$0x1] =	stream.indirect_vreg.gather [hbm4b:s1+s3], $0x80, v54, vm0, $0xb8;
	[tilespmem:$0x14E00] =	vst v63  }
0x4d4: {  	v53 =	vadd.s32 v51, v53  }
0x4d5: {  	[tilespmem:s19], [sflag:$0x1] =	stream.indirect_vreg.gather [hbm4b:s9+s3], $0x80, v54, vm0, $0xb8;
	[tilespmem:$0x14E00] =	vst v63  }
0x4d6: {  	_ = 	snop  }
0x4d7: {  	[tilespmem:s13], [sflag:$0x1] =	stream.indirect_vreg.gather [hbm4b:s10+s3], $0x80, v54, vm0, $0xb8;
	[tilespmem:$0x14E00] =	vst v63  }
0x4d8: {  	_ = 	snop  }
0x4d9: {  	[tilespmem:s2], [sflag:$0x1] =	stream.indirect_vreg.gather [hbm4b:s1+s3], $0x80, v53, vm0, $0xb8;
	[tilespmem:$0x14E00] =	vst v63  }
0x4da: {  	_ = 	snop  }
0x4db: {  	[tilespmem:s4], [sflag:$0x1] =	stream.indirect_vreg.gather [hbm4b:s9+s3], $0x80, v53, vm0, $0xb8;
	[tilespmem:$0x14E00] =	vst v63  }
0x4dc: {  	_ = 	snop  }
0x4dd: {  	[tilespmem:s8], [sflag:$0x1] =	stream.indirect_vreg.gather [hbm4b:s10+s3], $0x80, v53, vm0, $0xb8;
	[tilespmem:$0x14E00] =	vst v63  }
0x4de: {  	v53 =	vld [tilespmem:$0x24F0];
	_ =	sdelay $0x4  }
0x4df: {  	v62 =	vshrl.u32 v53, $0x3  }
0x4e0: {  	v54 =	vmul.u32 $0x30, v62  }
0x4e1: {  	v53 =	vand.u32 $0x7, v53  }
0x4e2: {  	v53 =	vor.u32 v53, v54  }
0x4e3: {  	v54 =	vperm.xlane v53, v50;
	_ =	sdelay $0x1  }
0x4e4: {  	v54 =	vadd.s32 v51, v54;
	_ =	sdelay $0x3  }
0x4e5: {  	v53 =	vperm.xlane v53, v52  }
0x4e6: {  	[tilespmem:s11], [sflag:$0x1] =	stream.indirect_vreg.gather [hbm4b:s1+s3], $0x80, v54, vm0, $0xb8;
	[tilespmem:$0x14E00] =	vst v63  }
0x4e7: {  	v53 =	vadd.s32 v51, v53  }
0x4e8: {  	[tilespmem:s14], [sflag:$0x1] =	stream.indirect_vreg.gather [hbm4b:s9+s3], $0x80, v54, vm0, $0xb8;
	[tilespmem:$0x14E00] =	vst v63  }
0x4e9: {  	_ = 	snop  }
0x4ea: {  	[tilespmem:s15], [sflag:$0x1] =	stream.indirect_vreg.gather [hbm4b:s10+s3], $0x80, v54, vm0, $0xb8;
	[tilespmem:$0x14E00] =	vst v63  }
0x4eb: {  	_ = 	snop  }
0x4ec: {  	[tilespmem:s16], [sflag:$0x1] =	stream.indirect_vreg.gather [hbm4b:s1+s3], $0x80, v53, vm0, $0xb8;
	[tilespmem:$0x14E00] =	vst v63  }
0x4ed: {  	_ = 	snop  }
0x4ee: {  	[tilespmem:s17], [sflag:$0x1] =	stream.indirect_vreg.gather [hbm4b:s9+s3], $0x80, v53, vm0, $0xb8;
	[tilespmem:$0x14E00] =	vst v63  }
0x4ef: {  	_ = 	snop  }
0x4f0: {  	[tilespmem:s18], [sflag:$0x1] =	stream.indirect_vreg.gather [hbm4b:s10+s3], $0x80, v53, vm0, $0xb8;
	[tilespmem:$0x14E00] =	vst v63  }
0x4f1: {  	v53 =	vld [tilespmem:$0x2500];
	_ =	sdelay $0x4  }
0x4f2: {  	v63 =	vshrl.u32 v53, $0x3  }
0x4f3: {  	v54 =	vmul.u32 $0x30, v63  }
0x4f4: {  	v53 =	vand.u32 $0x7, v53  }
0x4f5: {  	v53 =	vor.u32 v53, v54  }
0x4f6: {  	v54 =	vperm.xlane v53, v50;
	_ =	sdelay $0x1  }
0x4f7: {  	v54 =	vadd.s32 v51, v54;
	_ =	sdelay $0x3  }
0x4f8: {  	v53 =	vperm.xlane v53, v52  }
0x4f9: {  	[tilespmem:s29], [sflag:$0x1] =	stream.indirect_vreg.gather [hbm4b:s1+s3], $0x80, v54, vm0, $0xb8;
	[tilespmem:$0x14E00] =	vst v63  }
0x4fa: {  	v53 =	vadd.s32 v51, v53  }
0x4fb: {  	[tilespmem:s20], [sflag:$0x1] =	stream.indirect_vreg.gather [hbm4b:s9+s3], $0x80, v54, vm0, $0xb8;
	[tilespmem:$0x14E00] =	vst v63  }
0x4fc: {  	_ = 	snop  }
0x4fd: {  	[tilespmem:s26], [sflag:$0x1] =	stream.indirect_vreg.gather [hbm4b:s10+s3], $0x80, v54, vm0, $0xb8;
	[tilespmem:$0x14E00] =	vst v63  }
0x4fe: {  	_ = 	snop  }
0x4ff: {  	[tilespmem:s0], [sflag:$0x1] =	stream.indirect_vreg.gather [hbm4b:s1+s3], $0x80, v53, vm0, $0xb8;
	[tilespmem:$0x14E00] =	vst v63  }
0x500: {  	_ = 	snop  }
0x501: {  	[tilespmem:s21], [sflag:$0x1] =	stream.indirect_vreg.gather [hbm4b:s9+s3], $0x80, v53, vm0, $0xb8;
	[tilespmem:$0x14E00] =	vst v63  }
0x502: {  	_ = 	snop  }
0x503: {  	[tilespmem:s23], [sflag:$0x1] =	stream.indirect_vreg.gather [hbm4b:s10+s3], $0x80, v53, vm0, $0xb8;
	[tilespmem:$0x14E00] =	vst v63  }
0x504: {  	v53 =	vld [tilespmem:$0x2A80];
	_ =	sdelay $0x4  }
0x505: {  	v57 =	vshrl.u32 v53, $0x3  }
0x506: {  	v54 =	vmul.u32 $0x30, v57  }
0x507: {  	v53 =	vand.u32 $0x7, v53  }
0x508: {  	v53 =	vor.u32 v53, v54  }
0x509: {  	v54 =	vperm.xlane v53, v50;
	_ =	sdelay $0x1  }
0x50a: {  	v54 =	vadd.s32 v51, v54;
	_ =	sdelay $0x3  }
0x50b: {  	s20 =	simm.s32 $0xBE00;
	v53 =	vperm.xlane v53, v52  }
0x50c: {  	[hbm4b:s7+s3] =	stream.indirect_vreg.scatter [tilespmem:s20], [sflag:$0x4], $0x80, v54, vm0, $0xb8;
	[tilespmem:$0x14E00] =	vst v63  }
0x50d: {  	s22 =	simm.s32 $0xC600;
	v53 =	vadd.s32 v51, v53  }
0x50e: {  	[hbm4b:s12+s3] =	stream.indirect_vreg.scatter [tilespmem:s22], [sflag:$0x4], $0x80, v54, vm0, $0xb8;
	[tilespmem:$0x14E00] =	vst v63  }
0x50f: {  	s24 =	simm.s32 $0xCE00  }
0x510: {  	[hbm4b:s5+s3] =	stream.indirect_vreg.scatter [tilespmem:s24], [sflag:$0x4], $0x80, v54, vm0, $0xb8;
	[tilespmem:$0x14E00] =	vst v63  }
0x511: {  	s25 =	simm.s32 $0xD600  }
0x512: {  	[hbm4b:s7+s3] =	stream.indirect_vreg.scatter [tilespmem:s25], [sflag:$0x4], $0x80, v53, vm0, $0xb8;
	[tilespmem:$0x14E00] =	vst v63  }
0x513: {  	s15 =	simm.s32 $0xDE00  }
0x514: {  	[hbm4b:s12+s3] =	stream.indirect_vreg.scatter [tilespmem:s15], [sflag:$0x4], $0x80, v53, vm0, $0xb8;
	[tilespmem:$0x14E00] =	vst v63  }
0x515: {  	s16 =	simm.s32 $0xE600  }
0x516: {  	[hbm4b:s5+s3] =	stream.indirect_vreg.scatter [tilespmem:s16], [sflag:$0x4], $0x80, v53, vm0, $0xb8;
	[tilespmem:$0x14E00] =	vst v63  }
0x517: {  	v53 =	vld [tilespmem:$0x2A90];
	_ =	sdelay $0x4  }
0x518: {  	v58 =	vshrl.u32 v53, $0x3  }
0x519: {  	v54 =	vmul.u32 $0x30, v58  }
0x51a: {  	v53 =	vand.u32 $0x7, v53  }
0x51b: {  	v53 =	vor.u32 v53, v54  }
0x51c: {  	v54 =	vperm.xlane v53, v50;
	_ =	sdelay $0x1  }
0x51d: {  	v54 =	vadd.s32 v51, v54;
	_ =	sdelay $0x3  }
0x51e: {  	s0 =	simm.s32 $0xEE00;
	v53 =	vperm.xlane v53, v52  }
0x51f: {  	[hbm4b:s7+s3] =	stream.indirect_vreg.scatter [tilespmem:s0], [sflag:$0x4], $0x80, v54, vm0, $0xb8;
	[tilespmem:$0x14E00] =	vst v63  }
0x520: {  	s6 =	simm.s32 $0xF600;
	v53 =	vadd.s32 v51, v53  }
0x521: {  	[hbm4b:s12+s3] =	stream.indirect_vreg.scatter [tilespmem:s6], [sflag:$0x4], $0x80, v54, vm0, $0xb8;
	[tilespmem:$0x14E00] =	vst v63  }
0x522: {  	s13 =	simm.s32 $0xFE00  }
0x523: {  	[hbm4b:s5+s3] =	stream.indirect_vreg.scatter [tilespmem:s13], [sflag:$0x4], $0x80, v54, vm0, $0xb8;
	[tilespmem:$0x14E00] =	vst v63  }
0x524: {  	s2 =	simm.s32 $0x10600  }
0x525: {  	[hbm4b:s7+s3] =	stream.indirect_vreg.scatter [tilespmem:s2], [sflag:$0x4], $0x80, v53, vm0, $0xb8;
	[tilespmem:$0x14E00] =	vst v63  }
0x526: {  	s17 =	simm.s32 $0x10E00  }
0x527: {  	[hbm4b:s12+s3] =	stream.indirect_vreg.scatter [tilespmem:s17], [sflag:$0x4], $0x80, v53, vm0, $0xb8;
	[tilespmem:$0x14E00] =	vst v63  }
0x528: {  	s18 =	simm.s32 $0x11600  }
0x529: {  	[hbm4b:s5+s3] =	stream.indirect_vreg.scatter [tilespmem:s18], [sflag:$0x4], $0x80, v53, vm0, $0xb8;
	[tilespmem:$0x14E00] =	vst v63  }
0x52a: {  	v53 =	vld [tilespmem:$0x2AA0];
	_ =	sdelay $0x4  }
0x52b: {  	v59 =	vshrl.u32 v53, $0x3  }
0x52c: {  	v54 =	vmul.u32 $0x30, v59  }
0x52d: {  	v53 =	vand.u32 $0x7, v53  }
0x52e: {  	v53 =	vor.u32 v53, v54  }
0x52f: {  	v54 =	vperm.xlane v53, v50;
	_ =	sdelay $0x1  }
0x530: {  	v54 =	vadd.s32 v51, v54;
	_ =	sdelay $0x3  }
0x531: {  	s4 =	simm.s32 $0x11E00;
	v53 =	vperm.xlane v53, v52  }
0x532: {  	[hbm4b:s7+s3] =	stream.indirect_vreg.scatter [tilespmem:s4], [sflag:$0x4], $0x80, v54, vm0, $0xb8;
	[tilespmem:$0x14E00] =	vst v63  }
0x533: {  	s8 =	simm.s32 $0x12600;
	v53 =	vadd.s32 v51, v53  }
0x534: {  	[hbm4b:s12+s3] =	stream.indirect_vreg.scatter [tilespmem:s8], [sflag:$0x4], $0x80, v54, vm0, $0xb8;
	[tilespmem:$0x14E00] =	vst v63  }
0x535: {  	s11 =	simm.s32 $0x12E00  }
0x536: {  	[hbm4b:s5+s3] =	stream.indirect_vreg.scatter [tilespmem:s11], [sflag:$0x4], $0x80, v54, vm0, $0xb8;
	[tilespmem:$0x14E00] =	vst v63  }
0x537: {  	s14 =	simm.s32 $0x13600  }
0x538: {  	[hbm4b:s7+s3] =	stream.indirect_vreg.scatter [tilespmem:s14], [sflag:$0x4], $0x80, v53, vm0, $0xb8;
	[tilespmem:$0x14E00] =	vst v63  }
0x539: {  	s19 =	simm.s32 $0x13E00  }
0x53a: {  	[hbm4b:s12+s3] =	stream.indirect_vreg.scatter [tilespmem:s19], [sflag:$0x4], $0x80, v53, vm0, $0xb8;
	[tilespmem:$0x14E00] =	vst v63  }
0x53b: {  	s28 =	simm.s32 $0x14600;
	s29 =	simm.s32 $0x1  }
0x53c: {  	[hbm4b:s5+s3] =	stream.indirect_vreg.scatter [tilespmem:s28], [sflag:$0x4], $0x80, v53, vm0, $0xb8;
	[tilespmem:$0x14E00] =	vst v63  }
0x53d: {  	_ =	swait.ge [sflag:s29], $0x9000  }
0x53e: {  	[sflag:s29] =	ssyncset.done $0x0  }
0x53f: {  	s30 =	simm.s32 $0x4;
	[sflag:s29] =	ssyncadd.s32 $0xFFFF7000  }
0x540: {  	_ =	swait.ge [sflag:s30], $0x9000  }
0x541: {  	[sflag:s30] =	ssyncset.done $0x0  }
0x542: {  	[sflag:s30] =	ssyncadd.s32 $0xFFFF7000  }
0x543: {  	v60 =	vld [tilespmem:$0x2510];
	_ =	sdelay $0x4  }
0x544: {  	v61 =	vshrl.u32 v60, $0x3  }
0x545: {  	v54 =	vmul.u32 $0x30, v61  }
0x546: {  	v53 =	vand.u32 $0x7, v60  }
0x547: {  	v53 =	vor.u32 v53, v54  }
0x548: {  	v54 =	vperm.xlane v53, v50;
	_ =	sdelay $0x1  }
0x549: {  	v54 =	vadd.s32 v51, v54;
	_ =	sdelay $0x3  }
0x54a: {  	v53 =	vperm.xlane v53, v52  }
0x54b: {  	[tilespmem:s20], [sflag:$0x2] =	stream.indirect_vreg.gather [hbm4b:s1+s3], $0x80, v54, vm0, $0xb8;
	[tilespmem:$0x14E00] =	vst v63  }
0x54c: {  	v53 =	vadd.s32 v51, v53  }
0x54d: {  	[tilespmem:s22], [sflag:$0x2] =	stream.indirect_vreg.gather [hbm4b:s9+s3], $0x80, v54, vm0, $0xb8;
	[tilespmem:$0x14E00] =	vst v63  }
0x54e: {  	_ = 	snop  }
0x54f: {  	[tilespmem:s24], [sflag:$0x2] =	stream.indirect_vreg.gather [hbm4b:s10+s3], $0x80, v54, vm0, $0xb8;
	[tilespmem:$0x14E00] =	vst v63  }
0x550: {  	_ = 	snop  }
0x551: {  	[tilespmem:s25], [sflag:$0x2] =	stream.indirect_vreg.gather [hbm4b:s1+s3], $0x80, v53, vm0, $0xb8;
	[tilespmem:$0x14E00] =	vst v63  }
0x552: {  	_ = 	snop  }
0x553: {  	[tilespmem:s15], [sflag:$0x2] =	stream.indirect_vreg.gather [hbm4b:s9+s3], $0x80, v53, vm0, $0xb8;
	[tilespmem:$0x14E00] =	vst v63  }
0x554: {  	_ = 	snop  }
0x555: {  	[tilespmem:s16], [sflag:$0x2] =	stream.indirect_vreg.gather [hbm4b:s10+s3], $0x80, v53, vm0, $0xb8;
	[tilespmem:$0x14E00] =	vst v63  }
0x556: {  	v53 =	vld [tilespmem:$0x2520];
	_ =	sdelay $0x4  }
0x557: {  	v62 =	vshrl.u32 v53, $0x3  }
0x558: {  	v54 =	vmul.u32 $0x30, v62  }
0x559: {  	v53 =	vand.u32 $0x7, v53  }
0x55a: {  	v53 =	vor.u32 v53, v54  }
0x55b: {  	v54 =	vperm.xlane v53, v50;
	_ =	sdelay $0x1  }
0x55c: {  	v54 =	vadd.s32 v51, v54;
	_ =	sdelay $0x3  }
0x55d: {  	v53 =	vperm.xlane v53, v52  }
0x55e: {  	[tilespmem:s0], [sflag:$0x2] =	stream.indirect_vreg.gather [hbm4b:s1+s3], $0x80, v54, vm0, $0xb8;
	[tilespmem:$0x14E00] =	vst v63  }
0x55f: {  	v53 =	vadd.s32 v51, v53  }
0x560: {  	[tilespmem:s6], [sflag:$0x2] =	stream.indirect_vreg.gather [hbm4b:s9+s3], $0x80, v54, vm0, $0xb8;
	[tilespmem:$0x14E00] =	vst v63  }
0x561: {  	_ = 	snop  }
0x562: {  	[tilespmem:s13], [sflag:$0x2] =	stream.indirect_vreg.gather [hbm4b:s10+s3], $0x80, v54, vm0, $0xb8;
	[tilespmem:$0x14E00] =	vst v63  }
0x563: {  	_ = 	snop  }
0x564: {  	[tilespmem:s2], [sflag:$0x2] =	stream.indirect_vreg.gather [hbm4b:s1+s3], $0x80, v53, vm0, $0xb8;
	[tilespmem:$0x14E00] =	vst v63  }
0x565: {  	_ = 	snop  }
0x566: {  	[tilespmem:s17], [sflag:$0x2] =	stream.indirect_vreg.gather [hbm4b:s9+s3], $0x80, v53, vm0, $0xb8;
	[tilespmem:$0x14E00] =	vst v63  }
0x567: {  	_ = 	snop  }
0x568: {  	[tilespmem:s18], [sflag:$0x2] =	stream.indirect_vreg.gather [hbm4b:s10+s3], $0x80, v53, vm0, $0xb8;
	[tilespmem:$0x14E00] =	vst v63  }
0x569: {  	v53 =	vld [tilespmem:$0x2530];
	_ =	sdelay $0x4  }
0x56a: {  	v63 =	vshrl.u32 v53, $0x3  }
0x56b: {  	v54 =	vmul.u32 $0x30, v63  }
0x56c: {  	v53 =	vand.u32 $0x7, v53  }
0x56d: {  	v53 =	vor.u32 v53, v54  }
0x56e: {  	v54 =	vperm.xlane v53, v50;
	_ =	sdelay $0x1  }
0x56f: {  	v54 =	vadd.s32 v51, v54;
	_ =	sdelay $0x3  }
0x570: {  	v53 =	vperm.xlane v53, v52  }
0x571: {  	[tilespmem:s4], [sflag:$0x2] =	stream.indirect_vreg.gather [hbm4b:s1+s3], $0x80, v54, vm0, $0xb8;
	[tilespmem:$0x14E00] =	vst v63  }
0x572: {  	v53 =	vadd.s32 v51, v53  }
0x573: {  	[tilespmem:s8], [sflag:$0x2] =	stream.indirect_vreg.gather [hbm4b:s9+s3], $0x80, v54, vm0, $0xb8;
	[tilespmem:$0x14E00] =	vst v63  }
0x574: {  	_ = 	snop  }
0x575: {  	[tilespmem:s11], [sflag:$0x2] =	stream.indirect_vreg.gather [hbm4b:s10+s3], $0x80, v54, vm0, $0xb8;
	[tilespmem:$0x14E00] =	vst v63  }
0x576: {  	_ = 	snop  }
0x577: {  	[tilespmem:s14], [sflag:$0x2] =	stream.indirect_vreg.gather [hbm4b:s1+s3], $0x80, v53, vm0, $0xb8;
	[tilespmem:$0x14E00] =	vst v63  }
0x578: {  	_ = 	snop  }
0x579: {  	[tilespmem:s19], [sflag:$0x2] =	stream.indirect_vreg.gather [hbm4b:s9+s3], $0x80, v53, vm0, $0xb8;
	[tilespmem:$0x14E00] =	vst v63  }
0x57a: {  	_ = 	snop  }
0x57b: {  	[tilespmem:s28], [sflag:$0x2] =	stream.indirect_vreg.gather [hbm4b:s10+s3], $0x80, v53, vm0, $0xb8;
	[tilespmem:$0x14E00] =	vst v63  }
0x57c: {  	v53 =	vld [tilespmem:$0x2B00];
	_ =	sdelay $0x4  }
0x57d: {  	v57 =	vshrl.u32 v53, $0x3  }
0x57e: {  	v54 =	vmul.u32 $0x30, v57  }
0x57f: {  	v53 =	vand.u32 $0x7, v53  }
0x580: {  	v53 =	vor.u32 v53, v54  }
0x581: {  	v54 =	vperm.xlane v53, v50;
	_ =	sdelay $0x1  }
0x582: {  	v54 =	vadd.s32 v51, v54;
	_ =	sdelay $0x3  }
0x583: {  	s6 =	simm.s32 $0x2E00;
	v53 =	vperm.xlane v53, v52  }
0x584: {  	[hbm4b:s7+s3] =	stream.indirect_vreg.scatter [tilespmem:s6], [sflag:$0x3], $0x80, v54, vm0, $0xb8;
	[tilespmem:$0x14E00] =	vst v63  }
0x585: {  	s20 =	simm.s32 $0x3600;
	v53 =	vadd.s32 v51, v53  }
0x586: {  	[hbm4b:s12+s3] =	stream.indirect_vreg.scatter [tilespmem:s20], [sflag:$0x3], $0x80, v54, vm0, $0xb8;
	[tilespmem:$0x14E00] =	vst v63  }
0x587: {  	s13 =	simm.s32 $0x3E00  }
0x588: {  	[hbm4b:s5+s3] =	stream.indirect_vreg.scatter [tilespmem:s13], [sflag:$0x3], $0x80, v54, vm0, $0xb8;
	[tilespmem:$0x14E00] =	vst v63  }
0x589: {  	s2 =	simm.s32 $0x4600  }
0x58a: {  	[hbm4b:s7+s3] =	stream.indirect_vreg.scatter [tilespmem:s2], [sflag:$0x3], $0x80, v53, vm0, $0xb8;
	[tilespmem:$0x14E00] =	vst v63  }
0x58b: {  	s4 =	simm.s32 $0x4E00  }
0x58c: {  	[hbm4b:s12+s3] =	stream.indirect_vreg.scatter [tilespmem:s4], [sflag:$0x3], $0x80, v53, vm0, $0xb8;
	[tilespmem:$0x14E00] =	vst v63  }
0x58d: {  	s8 =	simm.s32 $0x5600  }
0x58e: {  	[hbm4b:s5+s3] =	stream.indirect_vreg.scatter [tilespmem:s8], [sflag:$0x3], $0x80, v53, vm0, $0xb8;
	[tilespmem:$0x14E00] =	vst v63  }
0x58f: {  	v53 =	vld [tilespmem:$0x2B10];
	_ =	sdelay $0x4  }
0x590: {  	v58 =	vshrl.u32 v53, $0x3  }
0x591: {  	v54 =	vmul.u32 $0x30, v58  }
0x592: {  	v53 =	vand.u32 $0x7, v53  }
0x593: {  	v53 =	vor.u32 v53, v54  }
0x594: {  	v54 =	vperm.xlane v53, v50;
	_ =	sdelay $0x1  }
0x595: {  	v54 =	vadd.s32 v51, v54;
	_ =	sdelay $0x3  }
0x596: {  	s11 =	simm.s32 $0x5E00;
	v53 =	vperm.xlane v53, v52  }
0x597: {  	[hbm4b:s7+s3] =	stream.indirect_vreg.scatter [tilespmem:s11], [sflag:$0x3], $0x80, v54, vm0, $0xb8;
	[tilespmem:$0x14E00] =	vst v63  }
0x598: {  	s14 =	simm.s32 $0x6600;
	v53 =	vadd.s32 v51, v53  }
0x599: {  	[hbm4b:s12+s3] =	stream.indirect_vreg.scatter [tilespmem:s14], [sflag:$0x3], $0x80, v54, vm0, $0xb8;
	[tilespmem:$0x14E00] =	vst v63  }
0x59a: {  	s15 =	simm.s32 $0x6E00  }
0x59b: {  	[hbm4b:s5+s3] =	stream.indirect_vreg.scatter [tilespmem:s15], [sflag:$0x3], $0x80, v54, vm0, $0xb8;
	[tilespmem:$0x14E00] =	vst v63  }
0x59c: {  	s16 =	simm.s32 $0x7600  }
0x59d: {  	[hbm4b:s7+s3] =	stream.indirect_vreg.scatter [tilespmem:s16], [sflag:$0x3], $0x80, v53, vm0, $0xb8;
	[tilespmem:$0x14E00] =	vst v63  }
0x59e: {  	s17 =	simm.s32 $0x7E00  }
0x59f: {  	[hbm4b:s12+s3] =	stream.indirect_vreg.scatter [tilespmem:s17], [sflag:$0x3], $0x80, v53, vm0, $0xb8;
	[tilespmem:$0x14E00] =	vst v63  }
0x5a0: {  	s18 =	simm.s32 $0x8600  }
0x5a1: {  	[hbm4b:s5+s3] =	stream.indirect_vreg.scatter [tilespmem:s18], [sflag:$0x3], $0x80, v53, vm0, $0xb8;
	[tilespmem:$0x14E00] =	vst v63  }
0x5a2: {  	v53 =	vld [tilespmem:$0x2B20];
	_ =	sdelay $0x4  }
0x5a3: {  	v59 =	vshrl.u32 v53, $0x3  }
0x5a4: {  	v54 =	vmul.u32 $0x30, v59  }
0x5a5: {  	v53 =	vand.u32 $0x7, v53  }
0x5a6: {  	v53 =	vor.u32 v53, v54  }
0x5a7: {  	v54 =	vperm.xlane v53, v50;
	_ =	sdelay $0x1  }
0x5a8: {  	v54 =	vadd.s32 v51, v54;
	_ =	sdelay $0x3  }
0x5a9: {  	s30 =	simm.s32 $0x8E00;
	v53 =	vperm.xlane v53, v52  }
0x5aa: {  	[hbm4b:s7+s3] =	stream.indirect_vreg.scatter [tilespmem:s30], [sflag:$0x3], $0x80, v54, vm0, $0xb8;
	[tilespmem:$0x14E00] =	vst v63  }
0x5ab: {  	s19 =	simm.s32 $0x9600;
	v53 =	vadd.s32 v51, v53  }
0x5ac: {  	[hbm4b:s12+s3] =	stream.indirect_vreg.scatter [tilespmem:s19], [sflag:$0x3], $0x80, v54, vm0, $0xb8;
	[tilespmem:$0x14E00] =	vst v63  }
0x5ad: {  	s22 =	simm.s32 $0x9E00  }
0x5ae: {  	[hbm4b:s5+s3] =	stream.indirect_vreg.scatter [tilespmem:s22], [sflag:$0x3], $0x80, v54, vm0, $0xb8;
	[tilespmem:$0x14E00] =	vst v63  }
0x5af: {  	s0 =	simm.s32 $0xA600  }
0x5b0: {  	[hbm4b:s7+s3] =	stream.indirect_vreg.scatter [tilespmem:s0], [sflag:$0x3], $0x80, v53, vm0, $0xb8;
	[tilespmem:$0x14E00] =	vst v63  }
0x5b1: {  	s23 =	simm.s32 $0xAE00  }
0x5b2: {  	[hbm4b:s12+s3] =	stream.indirect_vreg.scatter [tilespmem:s23], [sflag:$0x3], $0x80, v53, vm0, $0xb8;
	[tilespmem:$0x14E00] =	vst v63  }
0x5b3: {  	s24 =	simm.s32 $0xB600;
	s25 =	simm.s32 $0x2  }
0x5b4: {  	[hbm4b:s5+s3] =	stream.indirect_vreg.scatter [tilespmem:s24], [sflag:$0x3], $0x80, v53, vm0, $0xb8;
	[tilespmem:$0x14E00] =	vst v63  }
0x5b5: {  	_ =	swait.ge [sflag:s25], $0x9000  }
0x5b6: {  	[sflag:s25] =	ssyncset.done $0x0  }
0x5b7: {  	[sflag:s25] =	ssyncadd.s32 $0xFFFF7000  }
0x5b8: {  	_ =	swait.ge [sflag:s31], $0x9000  }
0x5b9: {  	[sflag:s31] =	ssyncset.done $0x0  }
0x5ba: {  	[sflag:s31] =	ssyncadd.s32 $0xFFFF7000  }
0x5bb: {  	v60 =	vld [tilespmem:$0x2540];
	_ =	sdelay $0x4  }
0x5bc: {  	v61 =	vshrl.u32 v60, $0x3  }
0x5bd: {  	v54 =	vmul.u32 $0x30, v61  }
0x5be: {  	v53 =	vand.u32 $0x7, v60  }
0x5bf: {  	v53 =	vor.u32 v53, v54  }
0x5c0: {  	v54 =	vperm.xlane v53, v50;
	_ =	sdelay $0x1  }
0x5c1: {  	v54 =	vadd.s32 v51, v54;
	_ =	sdelay $0x3  }
0x5c2: {  	v53 =	vperm.xlane v53, v52  }
0x5c3: {  	[tilespmem:s6], [sflag:$0x1] =	stream.indirect_vreg.gather [hbm4b:s1+s3], $0x80, v54, vm0, $0xb8;
	[tilespmem:$0x14E00] =	vst v63  }
0x5c4: {  	v53 =	vadd.s32 v51, v53  }
0x5c5: {  	[tilespmem:s20], [sflag:$0x1] =	stream.indirect_vreg.gather [hbm4b:s9+s3], $0x80, v54, vm0, $0xb8;
	[tilespmem:$0x14E00] =	vst v63  }
0x5c6: {  	_ = 	snop  }
0x5c7: {  	[tilespmem:s13], [sflag:$0x1] =	stream.indirect_vreg.gather [hbm4b:s10+s3], $0x80, v54, vm0, $0xb8;
	[tilespmem:$0x14E00] =	vst v63  }
0x5c8: {  	_ = 	snop  }
0x5c9: {  	[tilespmem:s2], [sflag:$0x1] =	stream.indirect_vreg.gather [hbm4b:s1+s3], $0x80, v53, vm0, $0xb8;
	[tilespmem:$0x14E00] =	vst v63  }
0x5ca: {  	_ = 	snop  }
0x5cb: {  	[tilespmem:s4], [sflag:$0x1] =	stream.indirect_vreg.gather [hbm4b:s9+s3], $0x80, v53, vm0, $0xb8;
	[tilespmem:$0x14E00] =	vst v63  }
0x5cc: {  	_ = 	snop  }
0x5cd: {  	[tilespmem:s8], [sflag:$0x1] =	stream.indirect_vreg.gather [hbm4b:s10+s3], $0x80, v53, vm0, $0xb8;
	[tilespmem:$0x14E00] =	vst v63  }
0x5ce: {  	v53 =	vld [tilespmem:$0x2550];
	_ =	sdelay $0x4  }
0x5cf: {  	v62 =	vshrl.u32 v53, $0x3  }
0x5d0: {  	v54 =	vmul.u32 $0x30, v62  }
0x5d1: {  	v53 =	vand.u32 $0x7, v53  }
0x5d2: {  	v53 =	vor.u32 v53, v54  }
0x5d3: {  	v54 =	vperm.xlane v53, v50;
	_ =	sdelay $0x1  }
0x5d4: {  	v54 =	vadd.s32 v51, v54;
	_ =	sdelay $0x3  }
0x5d5: {  	v53 =	vperm.xlane v53, v52  }
0x5d6: {  	[tilespmem:s11], [sflag:$0x1] =	stream.indirect_vreg.gather [hbm4b:s1+s3], $0x80, v54, vm0, $0xb8;
	[tilespmem:$0x14E00] =	vst v63  }
0x5d7: {  	v53 =	vadd.s32 v51, v53  }
0x5d8: {  	[tilespmem:s14], [sflag:$0x1] =	stream.indirect_vreg.gather [hbm4b:s9+s3], $0x80, v54, vm0, $0xb8;
	[tilespmem:$0x14E00] =	vst v63  }
0x5d9: {  	_ = 	snop  }
0x5da: {  	[tilespmem:s15], [sflag:$0x1] =	stream.indirect_vreg.gather [hbm4b:s10+s3], $0x80, v54, vm0, $0xb8;
	[tilespmem:$0x14E00] =	vst v63  }
0x5db: {  	_ = 	snop  }
0x5dc: {  	[tilespmem:s16], [sflag:$0x1] =	stream.indirect_vreg.gather [hbm4b:s1+s3], $0x80, v53, vm0, $0xb8;
	[tilespmem:$0x14E00] =	vst v63  }
0x5dd: {  	_ = 	snop  }
0x5de: {  	[tilespmem:s17], [sflag:$0x1] =	stream.indirect_vreg.gather [hbm4b:s9+s3], $0x80, v53, vm0, $0xb8;
	[tilespmem:$0x14E00] =	vst v63  }
0x5df: {  	_ = 	snop  }
0x5e0: {  	[tilespmem:s18], [sflag:$0x1] =	stream.indirect_vreg.gather [hbm4b:s10+s3], $0x80, v53, vm0, $0xb8;
	[tilespmem:$0x14E00] =	vst v63  }
0x5e1: {  	v53 =	vld [tilespmem:$0x2560];
	_ =	sdelay $0x4  }
0x5e2: {  	v63 =	vshrl.u32 v53, $0x3  }
0x5e3: {  	v54 =	vmul.u32 $0x30, v63  }
0x5e4: {  	v53 =	vand.u32 $0x7, v53  }
0x5e5: {  	v53 =	vor.u32 v53, v54  }
0x5e6: {  	v54 =	vperm.xlane v53, v50;
	_ =	sdelay $0x1  }
0x5e7: {  	v54 =	vadd.s32 v51, v54;
	_ =	sdelay $0x3  }
0x5e8: {  	v53 =	vperm.xlane v53, v52  }
0x5e9: {  	[tilespmem:s30], [sflag:$0x1] =	stream.indirect_vreg.gather [hbm4b:s1+s3], $0x80, v54, vm0, $0xb8;
	[tilespmem:$0x14E00] =	vst v63  }
0x5ea: {  	v53 =	vadd.s32 v51, v53  }
0x5eb: {  	[tilespmem:s19], [sflag:$0x1] =	stream.indirect_vreg.gather [hbm4b:s9+s3], $0x80, v54, vm0, $0xb8;
	[tilespmem:$0x14E00] =	vst v63  }
0x5ec: {  	_ = 	snop  }
0x5ed: {  	[tilespmem:s22], [sflag:$0x1] =	stream.indirect_vreg.gather [hbm4b:s10+s3], $0x80, v54, vm0, $0xb8;
	[tilespmem:$0x14E00] =	vst v63  }
0x5ee: {  	_ = 	snop  }
0x5ef: {  	[tilespmem:s0], [sflag:$0x1] =	stream.indirect_vreg.gather [hbm4b:s1+s3], $0x80, v53, vm0, $0xb8;
	[tilespmem:$0x14E00] =	vst v63  }
0x5f0: {  	_ = 	snop  }
0x5f1: {  	[tilespmem:s23], [sflag:$0x1] =	stream.indirect_vreg.gather [hbm4b:s9+s3], $0x80, v53, vm0, $0xb8;
	[tilespmem:$0x14E00] =	vst v63  }
0x5f2: {  	_ = 	snop  }
0x5f3: {  	[tilespmem:s24], [sflag:$0x1] =	stream.indirect_vreg.gather [hbm4b:s10+s3], $0x80, v53, vm0, $0xb8;
	[tilespmem:$0x14E00] =	vst v63  }
0x5f4: {  	v53 =	vld [tilespmem:$0x2B80];
	_ =	sdelay $0x4  }
0x5f5: {  	v57 =	vshrl.u32 v53, $0x3  }
0x5f6: {  	v54 =	vmul.u32 $0x30, v57  }
0x5f7: {  	v53 =	vand.u32 $0x7, v53  }
0x5f8: {  	v53 =	vor.u32 v53, v54  }
0x5f9: {  	v54 =	vperm.xlane v53, v50;
	_ =	sdelay $0x1  }
0x5fa: {  	v54 =	vadd.s32 v51, v54;
	_ =	sdelay $0x3  }
0x5fb: {  	s24 =	simm.s32 $0xBE00;
	v53 =	vperm.xlane v53, v52  }
0x5fc: {  	[hbm4b:s7+s3] =	stream.indirect_vreg.scatter [tilespmem:s24], [sflag:$0x4], $0x80, v54, vm0, $0xb8;
	[tilespmem:$0x14E00] =	vst v63  }
0x5fd: {  	s0 =	simm.s32 $0xC600;
	v53 =	vadd.s32 v51, v53  }
0x5fe: {  	[hbm4b:s12+s3] =	stream.indirect_vreg.scatter [tilespmem:s0], [sflag:$0x4], $0x80, v54, vm0, $0xb8;
	[tilespmem:$0x14E00] =	vst v63  }
0x5ff: {  	s17 =	simm.s32 $0xCE00  }
0x600: {  	[hbm4b:s5+s3] =	stream.indirect_vreg.scatter [tilespmem:s17], [sflag:$0x4], $0x80, v54, vm0, $0xb8;
	[tilespmem:$0x14E00] =	vst v63  }
0x601: {  	s6 =	simm.s32 $0xD600  }
0x602: {  	[hbm4b:s7+s3] =	stream.indirect_vreg.scatter [tilespmem:s6], [sflag:$0x4], $0x80, v53, vm0, $0xb8;
	[tilespmem:$0x14E00] =	vst v63  }
0x603: {  	s13 =	simm.s32 $0xDE00  }
0x604: {  	[hbm4b:s12+s3] =	stream.indirect_vreg.scatter [tilespmem:s13], [sflag:$0x4], $0x80, v53, vm0, $0xb8;
	[tilespmem:$0x14E00] =	vst v63  }
0x605: {  	s18 =	simm.s32 $0xE600  }
0x606: {  	[hbm4b:s5+s3] =	stream.indirect_vreg.scatter [tilespmem:s18], [sflag:$0x4], $0x80, v53, vm0, $0xb8;
	[tilespmem:$0x14E00] =	vst v63  }
0x607: {  	v53 =	vld [tilespmem:$0x2B90];
	_ =	sdelay $0x4  }
0x608: {  	v58 =	vshrl.u32 v53, $0x3  }
0x609: {  	v54 =	vmul.u32 $0x30, v58  }
0x60a: {  	v53 =	vand.u32 $0x7, v53  }
0x60b: {  	v53 =	vor.u32 v53, v54  }
0x60c: {  	v54 =	vperm.xlane v53, v50;
	_ =	sdelay $0x1  }
0x60d: {  	v54 =	vadd.s32 v51, v54;
	_ =	sdelay $0x3  }
0x60e: {  	s20 =	simm.s32 $0xEE00;
	v53 =	vperm.xlane v53, v52  }
0x60f: {  	[hbm4b:s7+s3] =	stream.indirect_vreg.scatter [tilespmem:s20], [sflag:$0x4], $0x80, v54, vm0, $0xb8;
	[tilespmem:$0x14E00] =	vst v63  }
0x610: {  	s19 =	simm.s32 $0xF600;
	v53 =	vadd.s32 v51, v53  }
0x611: {  	[hbm4b:s12+s3] =	stream.indirect_vreg.scatter [tilespmem:s19], [sflag:$0x4], $0x80, v54, vm0, $0xb8;
	[tilespmem:$0x14E00] =	vst v63  }
0x612: {  	s2 =	simm.s32 $0xFE00  }
0x613: {  	[hbm4b:s5+s3] =	stream.indirect_vreg.scatter [tilespmem:s2], [sflag:$0x4], $0x80, v54, vm0, $0xb8;
	[tilespmem:$0x14E00] =	vst v63  }
0x614: {  	s4 =	simm.s32 $0x10600  }
0x615: {  	[hbm4b:s7+s3] =	stream.indirect_vreg.scatter [tilespmem:s4], [sflag:$0x4], $0x80, v53, vm0, $0xb8;
	[tilespmem:$0x14E00] =	vst v63  }
0x616: {  	s8 =	simm.s32 $0x10E00  }
0x617: {  	[hbm4b:s12+s3] =	stream.indirect_vreg.scatter [tilespmem:s8], [sflag:$0x4], $0x80, v53, vm0, $0xb8;
	[tilespmem:$0x14E00] =	vst v63  }
0x618: {  	s21 =	simm.s32 $0x11600  }
0x619: {  	[hbm4b:s5+s3] =	stream.indirect_vreg.scatter [tilespmem:s21], [sflag:$0x4], $0x80, v53, vm0, $0xb8;
	[tilespmem:$0x14E00] =	vst v63  }
0x61a: {  	v53 =	vld [tilespmem:$0x2BA0];
	_ =	sdelay $0x4  }
0x61b: {  	v59 =	vshrl.u32 v53, $0x3  }
0x61c: {  	v54 =	vmul.u32 $0x30, v59  }
0x61d: {  	v53 =	vand.u32 $0x7, v53  }
0x61e: {  	v53 =	vor.u32 v53, v54  }
0x61f: {  	v54 =	vperm.xlane v53, v50;
	_ =	sdelay $0x1  }
0x620: {  	v54 =	vadd.s32 v51, v54;
	_ =	sdelay $0x3  }
0x621: {  	s22 =	simm.s32 $0x11E00;
	v53 =	vperm.xlane v53, v52  }
0x622: {  	[hbm4b:s7+s3] =	stream.indirect_vreg.scatter [tilespmem:s22], [sflag:$0x4], $0x80, v54, vm0, $0xb8;
	[tilespmem:$0x14E00] =	vst v63  }
0x623: {  	s11 =	simm.s32 $0x12600;
	v53 =	vadd.s32 v51, v53  }
0x624: {  	[hbm4b:s12+s3] =	stream.indirect_vreg.scatter [tilespmem:s11], [sflag:$0x4], $0x80, v54, vm0, $0xb8;
	[tilespmem:$0x14E00] =	vst v63  }
0x625: {  	s14 =	simm.s32 $0x12E00  }
0x626: {  	[hbm4b:s5+s3] =	stream.indirect_vreg.scatter [tilespmem:s14], [sflag:$0x4], $0x80, v54, vm0, $0xb8;
	[tilespmem:$0x14E00] =	vst v63  }
0x627: {  	s15 =	simm.s32 $0x13600  }
0x628: {  	[hbm4b:s7+s3] =	stream.indirect_vreg.scatter [tilespmem:s15], [sflag:$0x4], $0x80, v53, vm0, $0xb8;
	[tilespmem:$0x14E00] =	vst v63  }
0x629: {  	s16 =	simm.s32 $0x13E00  }
0x62a: {  	[hbm4b:s12+s3] =	stream.indirect_vreg.scatter [tilespmem:s16], [sflag:$0x4], $0x80, v53, vm0, $0xb8;
	[tilespmem:$0x14E00] =	vst v63  }
0x62b: {  	s26 =	simm.s32 $0x1;
	s23 =	simm.s32 $0x14600  }
0x62c: {  	[hbm4b:s5+s3] =	stream.indirect_vreg.scatter [tilespmem:s23], [sflag:$0x4], $0x80, v53, vm0, $0xb8;
	[tilespmem:$0x14E00] =	vst v63  }
0x62d: {  	_ =	swait.ge [sflag:s26], $0x9000  }
0x62e: {  	[sflag:s26] =	ssyncset.done $0x0  }
0x62f: {  	s28 =	simm.s32 $0x4;
	[sflag:s26] =	ssyncadd.s32 $0xFFFF7000  }
0x630: {  	_ =	swait.ge [sflag:s28], $0x9000  }
0x631: {  	[sflag:s28] =	ssyncset.done $0x0  }
0x632: {  	[sflag:s28] =	ssyncadd.s32 $0xFFFF7000  }
0x633: {  	v60 =	vld [tilespmem:$0x2570];
	_ =	sdelay $0x4  }
0x634: {  	v61 =	vshrl.u32 v60, $0x3  }
0x635: {  	v54 =	vmul.u32 $0x30, v61  }
0x636: {  	v53 =	vand.u32 $0x7, v60  }
0x637: {  	v53 =	vor.u32 v53, v54  }
0x638: {  	v54 =	vperm.xlane v53, v50;
	_ =	sdelay $0x1  }
0x639: {  	v54 =	vadd.s32 v51, v54;
	_ =	sdelay $0x3  }
0x63a: {  	v53 =	vperm.xlane v53, v52  }
0x63b: {  	[tilespmem:s24], [sflag:$0x2] =	stream.indirect_vreg.gather [hbm4b:s1+s3], $0x80, v54, vm0, $0xb8;
	[tilespmem:$0x14E00] =	vst v63  }
0x63c: {  	v53 =	vadd.s32 v51, v53  }
0x63d: {  	[tilespmem:s0], [sflag:$0x2] =	stream.indirect_vreg.gather [hbm4b:s9+s3], $0x80, v54, vm0, $0xb8;
	[tilespmem:$0x14E00] =	vst v63  }
0x63e: {  	_ = 	snop  }
0x63f: {  	[tilespmem:s17], [sflag:$0x2] =	stream.indirect_vreg.gather [hbm4b:s10+s3], $0x80, v54, vm0, $0xb8;
	[tilespmem:$0x14E00] =	vst v63  }
0x640: {  	_ = 	snop  }
0x641: {  	[tilespmem:s6], [sflag:$0x2] =	stream.indirect_vreg.gather [hbm4b:s1+s3], $0x80, v53, vm0, $0xb8;
	[tilespmem:$0x14E00] =	vst v63  }
0x642: {  	_ = 	snop  }
0x643: {  	[tilespmem:s13], [sflag:$0x2] =	stream.indirect_vreg.gather [hbm4b:s9+s3], $0x80, v53, vm0, $0xb8;
	[tilespmem:$0x14E00] =	vst v63  }
0x644: {  	_ = 	snop  }
0x645: {  	[tilespmem:s18], [sflag:$0x2] =	stream.indirect_vreg.gather [hbm4b:s10+s3], $0x80, v53, vm0, $0xb8;
	[tilespmem:$0x14E00] =	vst v63  }
0x646: {  	v53 =	vld [tilespmem:$0x2580];
	_ =	sdelay $0x4  }
0x647: {  	v62 =	vshrl.u32 v53, $0x3  }
0x648: {  	v54 =	vmul.u32 $0x30, v62  }
0x649: {  	v53 =	vand.u32 $0x7, v53  }
0x64a: {  	v53 =	vor.u32 v53, v54  }
0x64b: {  	v54 =	vperm.xlane v53, v50;
	_ =	sdelay $0x1  }
0x64c: {  	v54 =	vadd.s32 v51, v54;
	_ =	sdelay $0x3  }
0x64d: {  	v53 =	vperm.xlane v53, v52  }
0x64e: {  	[tilespmem:s20], [sflag:$0x2] =	stream.indirect_vreg.gather [hbm4b:s1+s3], $0x80, v54, vm0, $0xb8;
	[tilespmem:$0x14E00] =	vst v63  }
0x64f: {  	v53 =	vadd.s32 v51, v53  }
0x650: {  	[tilespmem:s19], [sflag:$0x2] =	stream.indirect_vreg.gather [hbm4b:s9+s3], $0x80, v54, vm0, $0xb8;
	[tilespmem:$0x14E00] =	vst v63  }
0x651: {  	_ = 	snop  }
0x652: {  	[tilespmem:s2], [sflag:$0x2] =	stream.indirect_vreg.gather [hbm4b:s10+s3], $0x80, v54, vm0, $0xb8;
	[tilespmem:$0x14E00] =	vst v63  }
0x653: {  	_ = 	snop  }
0x654: {  	[tilespmem:s4], [sflag:$0x2] =	stream.indirect_vreg.gather [hbm4b:s1+s3], $0x80, v53, vm0, $0xb8;
	[tilespmem:$0x14E00] =	vst v63  }
0x655: {  	_ = 	snop  }
0x656: {  	[tilespmem:s8], [sflag:$0x2] =	stream.indirect_vreg.gather [hbm4b:s9+s3], $0x80, v53, vm0, $0xb8;
	[tilespmem:$0x14E00] =	vst v63  }
0x657: {  	_ = 	snop  }
0x658: {  	[tilespmem:s21], [sflag:$0x2] =	stream.indirect_vreg.gather [hbm4b:s10+s3], $0x80, v53, vm0, $0xb8;
	[tilespmem:$0x14E00] =	vst v63  }
0x659: {  	v53 =	vld [tilespmem:$0x2590];
	_ =	sdelay $0x4  }
0x65a: {  	v63 =	vshrl.u32 v53, $0x3  }
0x65b: {  	v54 =	vmul.u32 $0x30, v63  }
0x65c: {  	v53 =	vand.u32 $0x7, v53  }
0x65d: {  	v53 =	vor.u32 v53, v54  }
0x65e: {  	v54 =	vperm.xlane v53, v50;
	_ =	sdelay $0x1  }
0x65f: {  	v54 =	vadd.s32 v51, v54;
	_ =	sdelay $0x3  }
0x660: {  	v53 =	vperm.xlane v53, v52  }
0x661: {  	[tilespmem:s22], [sflag:$0x2] =	stream.indirect_vreg.gather [hbm4b:s1+s3], $0x80, v54, vm0, $0xb8;
	[tilespmem:$0x14E00] =	vst v63  }
0x662: {  	v53 =	vadd.s32 v51, v53  }
0x663: {  	[tilespmem:s11], [sflag:$0x2] =	stream.indirect_vreg.gather [hbm4b:s9+s3], $0x80, v54, vm0, $0xb8;
	[tilespmem:$0x14E00] =	vst v63  }
0x664: {  	_ = 	snop  }
0x665: {  	[tilespmem:s14], [sflag:$0x2] =	stream.indirect_vreg.gather [hbm4b:s10+s3], $0x80, v54, vm0, $0xb8;
	[tilespmem:$0x14E00] =	vst v63  }
0x666: {  	_ = 	snop  }
0x667: {  	[tilespmem:s15], [sflag:$0x2] =	stream.indirect_vreg.gather [hbm4b:s1+s3], $0x80, v53, vm0, $0xb8;
	[tilespmem:$0x14E00] =	vst v63  }
0x668: {  	_ = 	snop  }
0x669: {  	[tilespmem:s16], [sflag:$0x2] =	stream.indirect_vreg.gather [hbm4b:s9+s3], $0x80, v53, vm0, $0xb8;
	[tilespmem:$0x14E00] =	vst v63  }
0x66a: {  	_ = 	snop  }
0x66b: {  	[tilespmem:s23], [sflag:$0x2] =	stream.indirect_vreg.gather [hbm4b:s10+s3], $0x80, v53, vm0, $0xb8;
	[tilespmem:$0x14E00] =	vst v63  }
0x66c: {  	v53 =	vld [tilespmem:$0x2C00];
	_ =	sdelay $0x4  }
0x66d: {  	v57 =	vshrl.u32 v53, $0x3  }
0x66e: {  	v54 =	vmul.u32 $0x30, v57  }
0x66f: {  	v53 =	vand.u32 $0x7, v53  }
0x670: {  	v53 =	vor.u32 v53, v54  }
0x671: {  	v54 =	vperm.xlane v53, v50;
	_ =	sdelay $0x1  }
0x672: {  	v54 =	vadd.s32 v51, v54;
	_ =	sdelay $0x3  }
0x673: {  	s23 =	simm.s32 $0x2E00;
	v53 =	vperm.xlane v53, v52  }
0x674: {  	[hbm4b:s7+s3] =	stream.indirect_vreg.scatter [tilespmem:s23], [sflag:$0x3], $0x80, v54, vm0, $0xb8;
	[tilespmem:$0x14E00] =	vst v63  }
0x675: {  	s17 =	simm.s32 $0x3600;
	v53 =	vadd.s32 v51, v53  }
0x676: {  	[hbm4b:s12+s3] =	stream.indirect_vreg.scatter [tilespmem:s17], [sflag:$0x3], $0x80, v54, vm0, $0xb8;
	[tilespmem:$0x14E00] =	vst v63  }
0x677: {  	s24 =	simm.s32 $0x3E00  }
0x678: {  	[hbm4b:s5+s3] =	stream.indirect_vreg.scatter [tilespmem:s24], [sflag:$0x3], $0x80, v54, vm0, $0xb8;
	[tilespmem:$0x14E00] =	vst v63  }
0x679: {  	s0 =	simm.s32 $0x4600  }
0x67a: {  	[hbm4b:s7+s3] =	stream.indirect_vreg.scatter [tilespmem:s0], [sflag:$0x3], $0x80, v53, vm0, $0xb8;
	[tilespmem:$0x14E00] =	vst v63  }
0x67b: {  	s2 =	simm.s32 $0x4E00  }
0x67c: {  	[hbm4b:s12+s3] =	stream.indirect_vreg.scatter [tilespmem:s2], [sflag:$0x3], $0x80, v53, vm0, $0xb8;
	[tilespmem:$0x14E00] =	vst v63  }
0x67d: {  	s4 =	simm.s32 $0x5600  }
0x67e: {  	[hbm4b:s5+s3] =	stream.indirect_vreg.scatter [tilespmem:s4], [sflag:$0x3], $0x80, v53, vm0, $0xb8;
	[tilespmem:$0x14E00] =	vst v63  }
0x67f: {  	v53 =	vld [tilespmem:$0x2C10];
	_ =	sdelay $0x4  }
0x680: {  	v58 =	vshrl.u32 v53, $0x3  }
0x681: {  	v54 =	vmul.u32 $0x30, v58  }
0x682: {  	v53 =	vand.u32 $0x7, v53  }
0x683: {  	v53 =	vor.u32 v53, v54  }
0x684: {  	v54 =	vperm.xlane v53, v50;
	_ =	sdelay $0x1  }
0x685: {  	v54 =	vadd.s32 v51, v54;
	_ =	sdelay $0x3  }
0x686: {  	s6 =	simm.s32 $0x5E00;
	v53 =	vperm.xlane v53, v52  }
0x687: {  	[hbm4b:s7+s3] =	stream.indirect_vreg.scatter [tilespmem:s6], [sflag:$0x3], $0x80, v54, vm0, $0xb8;
	[tilespmem:$0x14E00] =	vst v63  }
0x688: {  	s8 =	simm.s32 $0x6600;
	v53 =	vadd.s32 v51, v53  }
0x689: {  	[hbm4b:s12+s3] =	stream.indirect_vreg.scatter [tilespmem:s8], [sflag:$0x3], $0x80, v54, vm0, $0xb8;
	[tilespmem:$0x14E00] =	vst v63  }
0x68a: {  	s11 =	simm.s32 $0x6E00  }
0x68b: {  	[hbm4b:s5+s3] =	stream.indirect_vreg.scatter [tilespmem:s11], [sflag:$0x3], $0x80, v54, vm0, $0xb8;
	[tilespmem:$0x14E00] =	vst v63  }
0x68c: {  	s13 =	simm.s32 $0x7600  }
0x68d: {  	[hbm4b:s7+s3] =	stream.indirect_vreg.scatter [tilespmem:s13], [sflag:$0x3], $0x80, v53, vm0, $0xb8;
	[tilespmem:$0x14E00] =	vst v63  }
0x68e: {  	s14 =	simm.s32 $0x7E00  }
0x68f: {  	[hbm4b:s12+s3] =	stream.indirect_vreg.scatter [tilespmem:s14], [sflag:$0x3], $0x80, v53, vm0, $0xb8;
	[tilespmem:$0x14E00] =	vst v63  }
0x690: {  	s15 =	simm.s32 $0x8600  }
0x691: {  	[hbm4b:s5+s3] =	stream.indirect_vreg.scatter [tilespmem:s15], [sflag:$0x3], $0x80, v53, vm0, $0xb8;
	[tilespmem:$0x14E00] =	vst v63  }
0x692: {  	v53 =	vld [tilespmem:$0x2C20];
	_ =	sdelay $0x4  }
0x693: {  	v59 =	vshrl.u32 v53, $0x3  }
0x694: {  	v54 =	vmul.u32 $0x30, v59  }
0x695: {  	v53 =	vand.u32 $0x7, v53  }
0x696: {  	v53 =	vor.u32 v53, v54  }
0x697: {  	v54 =	vperm.xlane v53, v50;
	_ =	sdelay $0x1  }
0x698: {  	v54 =	vadd.s32 v51, v54;
	_ =	sdelay $0x3  }
0x699: {  	s30 =	simm.s32 $0x8E00;
	v53 =	vperm.xlane v53, v52  }
0x69a: {  	[hbm4b:s7+s3] =	stream.indirect_vreg.scatter [tilespmem:s30], [sflag:$0x3], $0x80, v54, vm0, $0xb8;
	[tilespmem:$0x14E00] =	vst v63  }
0x69b: {  	s19 =	simm.s32 $0x9600;
	v53 =	vadd.s32 v51, v53  }
0x69c: {  	[hbm4b:s12+s3] =	stream.indirect_vreg.scatter [tilespmem:s19], [sflag:$0x3], $0x80, v54, vm0, $0xb8;
	[tilespmem:$0x14E00] =	vst v63  }
0x69d: {  	s16 =	simm.s32 $0x9E00  }
0x69e: {  	[hbm4b:s5+s3] =	stream.indirect_vreg.scatter [tilespmem:s16], [sflag:$0x3], $0x80, v54, vm0, $0xb8;
	[tilespmem:$0x14E00] =	vst v63  }
0x69f: {  	s29 =	simm.s32 $0xA600  }
0x6a0: {  	[hbm4b:s7+s3] =	stream.indirect_vreg.scatter [tilespmem:s29], [sflag:$0x3], $0x80, v53, vm0, $0xb8;
	[tilespmem:$0x14E00] =	vst v63  }
0x6a1: {  	s18 =	simm.s32 $0xAE00  }
0x6a2: {  	[hbm4b:s12+s3] =	stream.indirect_vreg.scatter [tilespmem:s18], [sflag:$0x3], $0x80, v53, vm0, $0xb8;
	[tilespmem:$0x14E00] =	vst v63  }
0x6a3: {  	s25 =	simm.s32 $0x2;
	s22 =	simm.s32 $0xB600  }
0x6a4: {  	[hbm4b:s5+s3] =	stream.indirect_vreg.scatter [tilespmem:s22], [sflag:$0x3], $0x80, v53, vm0, $0xb8;
	[tilespmem:$0x14E00] =	vst v63  }
0x6a5: {  	_ =	swait.ge [sflag:s25], $0x9000  }
0x6a6: {  	[sflag:s25] =	ssyncset.done $0x0  }
0x6a7: {  	[sflag:s25] =	ssyncadd.s32 $0xFFFF7000  }
0x6a8: {  	_ =	swait.ge [sflag:s31], $0x9000  }
0x6a9: {  	[sflag:s31] =	ssyncset.done $0x0  }
0x6aa: {  	[sflag:s31] =	ssyncadd.s32 $0xFFFF7000  }
0x6ab: {  	v60 =	vld [tilespmem:$0x25A0];
	_ =	sdelay $0x4  }
0x6ac: {  	v61 =	vshrl.u32 v60, $0x3  }
0x6ad: {  	v54 =	vmul.u32 $0x30, v61  }
0x6ae: {  	v53 =	vand.u32 $0x7, v60  }
0x6af: {  	v53 =	vor.u32 v53, v54  }
0x6b0: {  	v54 =	vperm.xlane v53, v50;
	_ =	sdelay $0x1  }
0x6b1: {  	v54 =	vadd.s32 v51, v54;
	_ =	sdelay $0x3  }
0x6b2: {  	v53 =	vperm.xlane v53, v52  }
0x6b3: {  	[tilespmem:s23], [sflag:$0x1] =	stream.indirect_vreg.gather [hbm4b:s1+s3], $0x80, v54, vm0, $0xb8;
	[tilespmem:$0x14E00] =	vst v63  }
0x6b4: {  	v53 =	vadd.s32 v51, v53  }
0x6b5: {  	[tilespmem:s17], [sflag:$0x1] =	stream.indirect_vreg.gather [hbm4b:s9+s3], $0x80, v54, vm0, $0xb8;
	[tilespmem:$0x14E00] =	vst v63  }
0x6b6: {  	_ = 	snop  }
0x6b7: {  	[tilespmem:s24], [sflag:$0x1] =	stream.indirect_vreg.gather [hbm4b:s10+s3], $0x80, v54, vm0, $0xb8;
	[tilespmem:$0x14E00] =	vst v63  }
0x6b8: {  	_ = 	snop  }
0x6b9: {  	[tilespmem:s0], [sflag:$0x1] =	stream.indirect_vreg.gather [hbm4b:s1+s3], $0x80, v53, vm0, $0xb8;
	[tilespmem:$0x14E00] =	vst v63  }
0x6ba: {  	_ = 	snop  }
0x6bb: {  	[tilespmem:s2], [sflag:$0x1] =	stream.indirect_vreg.gather [hbm4b:s9+s3], $0x80, v53, vm0, $0xb8;
	[tilespmem:$0x14E00] =	vst v63  }
0x6bc: {  	_ = 	snop  }
0x6bd: {  	[tilespmem:s4], [sflag:$0x1] =	stream.indirect_vreg.gather [hbm4b:s10+s3], $0x80, v53, vm0, $0xb8;
	[tilespmem:$0x14E00] =	vst v63  }
0x6be: {  	v53 =	vld [tilespmem:$0x25B0];
	_ =	sdelay $0x4  }
0x6bf: {  	v62 =	vshrl.u32 v53, $0x3  }
0x6c0: {  	v54 =	vmul.u32 $0x30, v62  }
0x6c1: {  	v53 =	vand.u32 $0x7, v53  }
0x6c2: {  	v53 =	vor.u32 v53, v54  }
0x6c3: {  	v54 =	vperm.xlane v53, v50;
	_ =	sdelay $0x1  }
0x6c4: {  	v54 =	vadd.s32 v51, v54;
	_ =	sdelay $0x3  }
0x6c5: {  	v53 =	vperm.xlane v53, v52  }
0x6c6: {  	[tilespmem:s6], [sflag:$0x1] =	stream.indirect_vreg.gather [hbm4b:s1+s3], $0x80, v54, vm0, $0xb8;
	[tilespmem:$0x14E00] =	vst v63  }
0x6c7: {  	v53 =	vadd.s32 v51, v53  }
0x6c8: {  	[tilespmem:s8], [sflag:$0x1] =	stream.indirect_vreg.gather [hbm4b:s9+s3], $0x80, v54, vm0, $0xb8;
	[tilespmem:$0x14E00] =	vst v63  }
0x6c9: {  	_ = 	snop  }
0x6ca: {  	[tilespmem:s11], [sflag:$0x1] =	stream.indirect_vreg.gather [hbm4b:s10+s3], $0x80, v54, vm0, $0xb8;
	[tilespmem:$0x14E00] =	vst v63  }
0x6cb: {  	_ = 	snop  }
0x6cc: {  	[tilespmem:s13], [sflag:$0x1] =	stream.indirect_vreg.gather [hbm4b:s1+s3], $0x80, v53, vm0, $0xb8;
	[tilespmem:$0x14E00] =	vst v63  }
0x6cd: {  	_ = 	snop  }
0x6ce: {  	[tilespmem:s14], [sflag:$0x1] =	stream.indirect_vreg.gather [hbm4b:s9+s3], $0x80, v53, vm0, $0xb8;
	[tilespmem:$0x14E00] =	vst v63  }
0x6cf: {  	_ = 	snop  }
0x6d0: {  	[tilespmem:s15], [sflag:$0x1] =	stream.indirect_vreg.gather [hbm4b:s10+s3], $0x80, v53, vm0, $0xb8;
	[tilespmem:$0x14E00] =	vst v63  }
0x6d1: {  	v53 =	vld [tilespmem:$0x25C0];
	_ =	sdelay $0x4  }
0x6d2: {  	v63 =	vshrl.u32 v53, $0x3  }
0x6d3: {  	v54 =	vmul.u32 $0x30, v63  }
0x6d4: {  	v53 =	vand.u32 $0x7, v53  }
0x6d5: {  	v53 =	vor.u32 v53, v54  }
0x6d6: {  	v54 =	vperm.xlane v53, v50;
	_ =	sdelay $0x1  }
0x6d7: {  	v54 =	vadd.s32 v51, v54;
	_ =	sdelay $0x3  }
0x6d8: {  	v53 =	vperm.xlane v53, v52  }
0x6d9: {  	[tilespmem:s30], [sflag:$0x1] =	stream.indirect_vreg.gather [hbm4b:s1+s3], $0x80, v54, vm0, $0xb8;
	[tilespmem:$0x14E00] =	vst v63  }
0x6da: {  	v53 =	vadd.s32 v51, v53  }
0x6db: {  	[tilespmem:s19], [sflag:$0x1] =	stream.indirect_vreg.gather [hbm4b:s9+s3], $0x80, v54, vm0, $0xb8;
	[tilespmem:$0x14E00] =	vst v63  }
0x6dc: {  	_ = 	snop  }
0x6dd: {  	[tilespmem:s16], [sflag:$0x1] =	stream.indirect_vreg.gather [hbm4b:s10+s3], $0x80, v54, vm0, $0xb8;
	[tilespmem:$0x14E00] =	vst v63  }
0x6de: {  	_ = 	snop  }
0x6df: {  	[tilespmem:s29], [sflag:$0x1] =	stream.indirect_vreg.gather [hbm4b:s1+s3], $0x80, v53, vm0, $0xb8;
	[tilespmem:$0x14E00] =	vst v63  }
0x6e0: {  	_ = 	snop  }
0x6e1: {  	[tilespmem:s18], [sflag:$0x1] =	stream.indirect_vreg.gather [hbm4b:s9+s3], $0x80, v53, vm0, $0xb8;
	[tilespmem:$0x14E00] =	vst v63  }
0x6e2: {  	_ = 	snop  }
0x6e3: {  	[tilespmem:s22], [sflag:$0x1] =	stream.indirect_vreg.gather [hbm4b:s10+s3], $0x80, v53, vm0, $0xb8;
	[tilespmem:$0x14E00] =	vst v63  }
0x6e4: {  	v53 =	vld [tilespmem:$0x2C80];
	_ =	sdelay $0x4  }
0x6e5: {  	v57 =	vshrl.u32 v53, $0x3  }
0x6e6: {  	v54 =	vmul.u32 $0x30, v57  }
0x6e7: {  	v53 =	vand.u32 $0x7, v53  }
0x6e8: {  	v53 =	vor.u32 v53, v54  }
0x6e9: {  	v54 =	vperm.xlane v53, v50;
	_ =	sdelay $0x1  }
0x6ea: {  	v54 =	vadd.s32 v51, v54;
	_ =	sdelay $0x3  }
0x6eb: {  	s18 =	simm.s32 $0xBE00;
	v53 =	vperm.xlane v53, v52  }
0x6ec: {  	[hbm4b:s7+s3] =	stream.indirect_vreg.scatter [tilespmem:s18], [sflag:$0x4], $0x80, v54, vm0, $0xb8;
	[tilespmem:$0x14E00] =	vst v63  }
0x6ed: {  	v53 =	vadd.s32 v51, v53;
	s18 =	simm.s32 $0xC600  }
0x6ee: {  	[hbm4b:s12+s3] =	stream.indirect_vreg.scatter [tilespmem:s18], [sflag:$0x4], $0x80, v54, vm0, $0xb8;
	[tilespmem:$0x14E00] =	vst v63  }
0x6ef: {  	s18 =	simm.s32 $0xCE00  }
0x6f0: {  	[hbm4b:s5+s3] =	stream.indirect_vreg.scatter [tilespmem:s18], [sflag:$0x4], $0x80, v54, vm0, $0xb8;
	[tilespmem:$0x14E00] =	vst v63  }
0x6f1: {  	s18 =	simm.s32 $0xD600  }
0x6f2: {  	[hbm4b:s7+s3] =	stream.indirect_vreg.scatter [tilespmem:s18], [sflag:$0x4], $0x80, v53, vm0, $0xb8;
	[tilespmem:$0x14E00] =	vst v63  }
0x6f3: {  	s18 =	simm.s32 $0xDE00  }
0x6f4: {  	[hbm4b:s12+s3] =	stream.indirect_vreg.scatter [tilespmem:s18], [sflag:$0x4], $0x80, v53, vm0, $0xb8;
	[tilespmem:$0x14E00] =	vst v63  }
0x6f5: {  	s18 =	simm.s32 $0xE600  }
0x6f6: {  	[hbm4b:s5+s3] =	stream.indirect_vreg.scatter [tilespmem:s18], [sflag:$0x4], $0x80, v53, vm0, $0xb8;
	[tilespmem:$0x14E00] =	vst v63  }
0x6f7: {  	v53 =	vld [tilespmem:$0x2C90];
	_ =	sdelay $0x4  }
0x6f8: {  	v58 =	vshrl.u32 v53, $0x3  }
0x6f9: {  	v54 =	vmul.u32 $0x30, v58  }
0x6fa: {  	v53 =	vand.u32 $0x7, v53  }
0x6fb: {  	v53 =	vor.u32 v53, v54  }
0x6fc: {  	v54 =	vperm.xlane v53, v50;
	_ =	sdelay $0x1  }
0x6fd: {  	v54 =	vadd.s32 v51, v54;
	_ =	sdelay $0x3  }
0x6fe: {  	s18 =	simm.s32 $0xEE00;
	v53 =	vperm.xlane v53, v52  }
0x6ff: {  	[hbm4b:s7+s3] =	stream.indirect_vreg.scatter [tilespmem:s18], [sflag:$0x4], $0x80, v54, vm0, $0xb8;
	[tilespmem:$0x14E00] =	vst v63  }
0x700: {  	v53 =	vadd.s32 v51, v53;
	s18 =	simm.s32 $0xF600  }
0x701: {  	[hbm4b:s12+s3] =	stream.indirect_vreg.scatter [tilespmem:s18], [sflag:$0x4], $0x80, v54, vm0, $0xb8;
	[tilespmem:$0x14E00] =	vst v63  }
0x702: {  	s18 =	simm.s32 $0xFE00  }
0x703: {  	[hbm4b:s5+s3] =	stream.indirect_vreg.scatter [tilespmem:s18], [sflag:$0x4], $0x80, v54, vm0, $0xb8;
	[tilespmem:$0x14E00] =	vst v63  }
0x704: {  	s18 =	simm.s32 $0x10600  }
0x705: {  	[hbm4b:s7+s3] =	stream.indirect_vreg.scatter [tilespmem:s18], [sflag:$0x4], $0x80, v53, vm0, $0xb8;
	[tilespmem:$0x14E00] =	vst v63  }
0x706: {  	s18 =	simm.s32 $0x10E00  }
0x707: {  	[hbm4b:s12+s3] =	stream.indirect_vreg.scatter [tilespmem:s18], [sflag:$0x4], $0x80, v53, vm0, $0xb8;
	[tilespmem:$0x14E00] =	vst v63  }
0x708: {  	s20 =	simm.s32 $0x11600  }
0x709: {  	[hbm4b:s5+s3] =	stream.indirect_vreg.scatter [tilespmem:s20], [sflag:$0x4], $0x80, v53, vm0, $0xb8;
	[tilespmem:$0x14E00] =	vst v63  }
0x70a: {  	v53 =	vld [tilespmem:$0x2CA0];
	_ =	sdelay $0x4  }
0x70b: {  	v59 =	vshrl.u32 v53, $0x3  }
0x70c: {  	v54 =	vmul.u32 $0x30, v59  }
0x70d: {  	v53 =	vand.u32 $0x7, v53  }
0x70e: {  	v53 =	vor.u32 v53, v54  }
0x70f: {  	v54 =	vperm.xlane v53, v50;
	_ =	sdelay $0x1  }
0x710: {  	v54 =	vadd.s32 v51, v54;
	_ =	sdelay $0x3  }
0x711: {  	s21 =	simm.s32 $0x11E00;
	v53 =	vperm.xlane v53, v52  }
0x712: {  	[hbm4b:s7+s3] =	stream.indirect_vreg.scatter [tilespmem:s21], [sflag:$0x4], $0x80, v54, vm0, $0xb8;
	[tilespmem:$0x14E00] =	vst v63  }
0x713: {  	v53 =	vadd.s32 v51, v53;
	s21 =	simm.s32 $0x12600  }
0x714: {  	[hbm4b:s12+s3] =	stream.indirect_vreg.scatter [tilespmem:s21], [sflag:$0x4], $0x80, v54, vm0, $0xb8;
	[tilespmem:$0x14E00] =	vst v63  }
0x715: {  	s20 =	simm.s32 $0x12E00  }
0x716: {  	[hbm4b:s5+s3] =	stream.indirect_vreg.scatter [tilespmem:s20], [sflag:$0x4], $0x80, v54, vm0, $0xb8;
	[tilespmem:$0x14E00] =	vst v63  }
0x717: {  	s21 =	simm.s32 $0x13600  }
0x718: {  	[hbm4b:s7+s3] =	stream.indirect_vreg.scatter [tilespmem:s21], [sflag:$0x4], $0x80, v53, vm0, $0xb8;
	[tilespmem:$0x14E00] =	vst v63  }
0x719: {  	s20 =	simm.s32 $0x13E00  }
0x71a: {  	[hbm4b:s12+s3] =	stream.indirect_vreg.scatter [tilespmem:s20], [sflag:$0x4], $0x80, v53, vm0, $0xb8;
	[tilespmem:$0x14E00] =	vst v63  }
0x71b: {  	s21 =	simm.s32 $0x14600  }
0x71c: {  	[hbm4b:s5+s3] =	stream.indirect_vreg.scatter [tilespmem:s21], [sflag:$0x4], $0x80, v53, vm0, $0xb8;
	[tilespmem:$0x14E00] =	vst v63  }
0x71d: {  	_ =	swait.ge [sflag:s26], $0x9000  }
0x71e: {  	[sflag:s26] =	ssyncset.done $0x0  }
0x71f: {  	[sflag:s26] =	ssyncadd.s32 $0xFFFF7000  }
0x720: {  	v60 =	vld [tilespmem:$0x2D00];
	_ =	sdelay $0x4  }
0x721: {  	v61 =	vshrl.u32 v60, $0x3  }
0x722: {  	v54 =	vmul.u32 $0x30, v61  }
0x723: {  	v53 =	vand.u32 $0x7, v60  }
0x724: {  	v53 =	vor.u32 v53, v54  }
0x725: {  	v54 =	vperm.xlane v53, v50;
	_ =	sdelay $0x1  }
0x726: {  	v54 =	vadd.s32 v51, v54;
	_ =	sdelay $0x3  }
0x727: {  	s23 =	simm.s32 $0x2E00;
	v53 =	vperm.xlane v53, v52  }
0x728: {  	[hbm4b:s7+s3] =	stream.indirect_vreg.scatter [tilespmem:s23], [sflag:$0x3], $0x80, v54, vm0, $0xb8;
	[tilespmem:$0x14E00] =	vst v63  }
0x729: {  	s17 =	simm.s32 $0x3600;
	v53 =	vadd.s32 v51, v53  }
0x72a: {  	[hbm4b:s12+s3] =	stream.indirect_vreg.scatter [tilespmem:s17], [sflag:$0x3], $0x80, v54, vm0, $0xb8;
	[tilespmem:$0x14E00] =	vst v63  }
0x72b: {  	s24 =	simm.s32 $0x3E00  }
0x72c: {  	[hbm4b:s5+s3] =	stream.indirect_vreg.scatter [tilespmem:s24], [sflag:$0x3], $0x80, v54, vm0, $0xb8;
	[tilespmem:$0x14E00] =	vst v63  }
0x72d: {  	s25 =	simm.s32 $0x4600  }
0x72e: {  	[hbm4b:s7+s3] =	stream.indirect_vreg.scatter [tilespmem:s25], [sflag:$0x3], $0x80, v53, vm0, $0xb8;
	[tilespmem:$0x14E00] =	vst v63  }
0x72f: {  	s0 =	simm.s32 $0x4E00  }
0x730: {  	[hbm4b:s12+s3] =	stream.indirect_vreg.scatter [tilespmem:s0], [sflag:$0x3], $0x80, v53, vm0, $0xb8;
	[tilespmem:$0x14E00] =	vst v63  }
0x731: {  	s2 =	simm.s32 $0x5600  }
0x732: {  	[hbm4b:s5+s3] =	stream.indirect_vreg.scatter [tilespmem:s2], [sflag:$0x3], $0x80, v53, vm0, $0xb8;
	[tilespmem:$0x14E00] =	vst v63  }
0x733: {  	v53 =	vld [tilespmem:$0x2D10];
	_ =	sdelay $0x4  }
0x734: {  	v62 =	vshrl.u32 v53, $0x3  }
0x735: {  	v54 =	vmul.u32 $0x30, v62  }
0x736: {  	v53 =	vand.u32 $0x7, v53  }
0x737: {  	v53 =	vor.u32 v53, v54  }
0x738: {  	v54 =	vperm.xlane v53, v50;
	_ =	sdelay $0x1  }
0x739: {  	v54 =	vadd.s32 v51, v54;
	_ =	sdelay $0x3  }
0x73a: {  	s4 =	simm.s32 $0x5E00;
	v53 =	vperm.xlane v53, v52  }
0x73b: {  	[hbm4b:s7+s3] =	stream.indirect_vreg.scatter [tilespmem:s4], [sflag:$0x3], $0x80, v54, vm0, $0xb8;
	[tilespmem:$0x14E00] =	vst v63  }
0x73c: {  	s6 =	simm.s32 $0x6600;
	v53 =	vadd.s32 v51, v53  }
0x73d: {  	[hbm4b:s12+s3] =	stream.indirect_vreg.scatter [tilespmem:s6], [sflag:$0x3], $0x80, v54, vm0, $0xb8;
	[tilespmem:$0x14E00] =	vst v63  }
0x73e: {  	s8 =	simm.s32 $0x6E00  }
0x73f: {  	[hbm4b:s5+s3] =	stream.indirect_vreg.scatter [tilespmem:s8], [sflag:$0x3], $0x80, v54, vm0, $0xb8;
	[tilespmem:$0x14E00] =	vst v63  }
0x740: {  	s11 =	simm.s32 $0x7600  }
0x741: {  	[hbm4b:s7+s3] =	stream.indirect_vreg.scatter [tilespmem:s11], [sflag:$0x3], $0x80, v53, vm0, $0xb8;
	[tilespmem:$0x14E00] =	vst v63  }
0x742: {  	s13 =	simm.s32 $0x7E00  }
0x743: {  	[hbm4b:s12+s3] =	stream.indirect_vreg.scatter [tilespmem:s13], [sflag:$0x3], $0x80, v53, vm0, $0xb8;
	[tilespmem:$0x14E00] =	vst v63  }
0x744: {  	s14 =	simm.s32 $0x8600  }
0x745: {  	[hbm4b:s5+s3] =	stream.indirect_vreg.scatter [tilespmem:s14], [sflag:$0x3], $0x80, v53, vm0, $0xb8;
	[tilespmem:$0x14E00] =	vst v63  }
0x746: {  	v53 =	vld [tilespmem:$0x2D20];
	_ =	sdelay $0x4  }
0x747: {  	v63 =	vshrl.u32 v53, $0x3  }
0x748: {  	v54 =	vmul.u32 $0x30, v63  }
0x749: {  	v53 =	vand.u32 $0x7, v53  }
0x74a: {  	v53 =	vor.u32 v53, v54  }
0x74b: {  	v50 =	vperm.xlane v53, v50;
	_ =	sdelay $0x1  }
0x74c: {  	v50 =	vadd.s32 v51, v50;
	_ =	sdelay $0x3  }
0x74d: {  	v52 =	vperm.xlane v53, v52  }
0x74e: {  	[hbm4b:s7+s3] =	stream.indirect_vreg.scatter [tilespmem:s30], [sflag:$0x3], $0x80, v50, vm0, $0xb8;
	[tilespmem:$0x14E00] =	vst v63  }
0x74f: {  	s19 =	simm.s32 $0x9600;
	v51 =	vadd.s32 v51, v52  }
0x750: {  	[hbm4b:s12+s3] =	stream.indirect_vreg.scatter [tilespmem:s19], [sflag:$0x3], $0x80, v50, vm0, $0xb8;
	[tilespmem:$0x14E00] =	vst v63  }
0x751: {  	s15 =	simm.s32 $0x9E00  }
0x752: {  	[hbm4b:s5+s3] =	stream.indirect_vreg.scatter [tilespmem:s15], [sflag:$0x3], $0x80, v50, vm0, $0xb8;
	[tilespmem:$0x14E00] =	vst v63  }
0x753: {  	_ = 	snop  }
0x754: {  	[hbm4b:s7+s3] =	stream.indirect_vreg.scatter [tilespmem:s29], [sflag:$0x3], $0x80, v51, vm0, $0xb8;
	[tilespmem:$0x14E00] =	vst v63  }
0x755: {  	s16 =	simm.s32 $0xAE00  }
0x756: {  	[hbm4b:s12+s3] =	stream.indirect_vreg.scatter [tilespmem:s16], [sflag:$0x3], $0x80, v51, vm0, $0xb8;
	[tilespmem:$0x14E00] =	vst v63  }
0x757: {  	s28 =	simm.s32 $0x4;
	s22 =	simm.s32 $0xB600  }
0x758: {  	[hbm4b:s5+s3] =	stream.indirect_vreg.scatter [tilespmem:s22], [sflag:$0x3], $0x80, v51, vm0, $0xb8;
	[tilespmem:$0x14E00] =	vst v63  }
0x759: {  	_ =	swait.ge [sflag:s28], $0x9000  }
0x75a: {  	[sflag:s28] =	ssyncset.done $0x0  }
0x75b: {  	[sflag:s28] =	ssyncadd.s32 $0xFFFF7000  }
0x75c: {  	_ =	swait.ge [sflag:s31], $0x9000  }
0x75d: {  	s29 =	rddreg [dreg:$0x8]  }
0x75e: {  	s30 =	rddreg [dreg:$0x7];
	s0 =	sadd.s32 $0x1, s29  }
0x75f: {  	p1 =	sne.s32 s0, s30  }
.Ltmp1:
0x760: {  	_ = 	snop;
	(pc) =	sbr.rel @!p1 .LBB2_10-.Ltmp1, $3  }
0x761: {  	_ =	sdelay $0x1  }
0x762: {  	[sflag:s31] =	ssyncset.done $0x0  }
0x763: {  	[sflag:s31] =	ssyncadd.s32 $0xFFFF7000  }
.LBB2_1:
0x764: {  	s5 =	rddreg [dreg:$0x5];
	s31 =	simm.s32 $0x5  }
0x765: {  	[tilespmem:s3], [sflag:$0x5] =	stream.linear.gather [hbm4b:s5+s3], $0x2000, $0x38;
	[tilespmem:$0x14E00] =	vst v63  }
0x766: {  	_ =	swait.ge [sflag:s31], $0x2000  }
0x767: {  	[sflag:s31] =	ssyncset.done $0x0  }
0x768: {  	s12 =	simm.s32 $0x0;
	s5 =	rddreg [dreg:$0x4];
	[sflag:s31] =	ssyncadd.s32 $0xFFFFE000  }
.LBB2_2:
0x769: {  	v50 =	vld.idx.msk [tilespmem:v48+s3+$0x0], $0xffff;
	_ =	sdelay $0x3  }
0x76a: {  	v51 =	vadd.s32 s5, v47  }
0x76b: {  	vm1 =	vlt.s32 v50, v51  }
0x76c: {  	v50 =	vsel vm1, $0x1000, v49  }
0x76d: {  	v52 =	vor.u32 $0x7FF, v50;
	_ =	sdelay $0x4  }
0x76e: {  	v52 =	vld.idx.msk [tilespmem:v52+s3+$0x0], $0xffff;
	_ =	sdelay $0x4  }
0x76f: {  	vm1 =	vlt.s32 v52, v51  }
0x770: {  	v52 =	vsel vm1, $0x800, v49  }
0x771: {  	v50 =	vor.u32 v50, v52  }
0x772: {  	v52 =	vor.u32 $0x3FF, v50;
	_ =	sdelay $0x4  }
0x773: {  	v52 =	vld.idx.msk [tilespmem:v52+s3+$0x0], $0xffff;
	_ =	sdelay $0x4  }
0x774: {  	vm1 =	vlt.s32 v52, v51  }
0x775: {  	v52 =	vsel vm1, $0x400, v49  }
0x776: {  	v50 =	vor.u32 v52, v50  }
0x777: {  	v52 =	vor.u32 $0x1FF, v50;
	_ =	sdelay $0x4  }
0x778: {  	v52 =	vld.idx.msk [tilespmem:v52+s3+$0x0], $0xffff;
	_ =	sdelay $0x4  }
0x779: {  	vm1 =	vlt.s32 v52, v51  }
0x77a: {  	v52 =	vsel vm1, $0x200, v49  }
0x77b: {  	v50 =	vor.u32 v52, v50  }
0x77c: {  	v52 =	vor.u32 $0xFF, v50;
	_ =	sdelay $0x4  }
0x77d: {  	v52 =	vld.idx.msk [tilespmem:v52+s3+$0x0], $0xffff;
	_ =	sdelay $0x4  }
0x77e: {  	vm1 =	vlt.s32 v52, v51  }
0x77f: {  	v52 =	vsel vm1, $0x100, v49  }
0x780: {  	v50 =	vor.u32 v52, v50  }
0x781: {  	v52 =	vor.u32 $0x7F, v50;
	_ =	sdelay $0x4  }
0x782: {  	v52 =	vld.idx.msk [tilespmem:v52+s3+$0x0], $0xffff;
	_ =	sdelay $0x4  }
0x783: {  	vm1 =	vlt.s32 v52, v51  }
0x784: {  	v52 =	vsel vm1, $0x80, v49  }
0x785: {  	v50 =	vor.u32 v52, v50  }
0x786: {  	v52 =	vor.u32 $0x3F, v50;
	_ =	sdelay $0x4  }
0x787: {  	v52 =	vld.idx.msk [tilespmem:v52+s3+$0x0], $0xffff;
	_ =	sdelay $0x4  }
0x788: {  	vm1 =	vlt.s32 v52, v51  }
0x789: {  	v52 =	vsel vm1, $0x40, v49  }
0x78a: {  	v50 =	vor.u32 v52, v50  }
0x78b: {  	v52 =	vadd.s32 $0x1F, v50;
	_ =	sdelay $0x4  }
0x78c: {  	v52 =	vld.idx.msk [tilespmem:v52+s3+$0x0], $0xffff;
	_ =	sdelay $0x4  }
0x78d: {  	vm1 =	vlt.s32 v52, v51  }
0x78e: {  	v52 =	vsel vm1, $0x20, v49  }
0x78f: {  	v50 =	vadd.s32 v52, v50  }
0x790: {  	v52 =	vadd.s32 $0xF, v50;
	_ =	sdelay $0x4  }
0x791: {  	v52 =	vld.idx.msk [tilespmem:v52+s3+$0x0], $0xffff;
	_ =	sdelay $0x4  }
0x792: {  	vm1 =	vlt.s32 v52, v51  }
0x793: {  	v52 =	vsel vm1, $0x10, v49  }
0x794: {  	v50 =	vadd.s32 v52, v50  }
0x795: {  	v52 =	vadd.s32 $0x7, v50;
	_ =	sdelay $0x4  }
0x796: {  	v52 =	vld.idx.msk [tilespmem:v52+s3+$0x0], $0xffff;
	_ =	sdelay $0x4  }
0x797: {  	vm1 =	vlt.s32 v52, v51  }
0x798: {  	v52 =	vsel vm1, $0x8, v49  }
0x799: {  	v50 =	vadd.s32 v52, v50  }
0x79a: {  	v52 =	vadd.s32 $0x3, v50;
	_ =	sdelay $0x4  }
0x79b: {  	v52 =	vld.idx.msk [tilespmem:v52+s3+$0x0], $0xffff;
	_ =	sdelay $0x4  }
0x79c: {  	vm1 =	vlt.s32 v52, v51  }
0x79d: {  	v52 =	vsel vm1, $0x4, v49  }
0x79e: {  	v50 =	vadd.s32 v52, v50  }
0x79f: {  	v52 =	vadd.s32 $0x1, v50;
	_ =	sdelay $0x4  }
0x7a0: {  	v52 =	vld.idx.msk [tilespmem:v52+s3+$0x0], $0xffff;
	_ =	sdelay $0x4  }
0x7a1: {  	vm1 =	vlt.s32 v52, v51  }
0x7a2: {  	v52 =	vsel vm1, $0x2, v49  }
0x7a3: {  	v50 =	vadd.s32 v52, v50;
	_ =	sdelay $0x4  }
0x7a4: {  	v52 =	vld.idx.msk [tilespmem:v50+s3+$0x0], $0xffff;
	_ =	sdelay $0x2  }
0x7a5: {  	p1 =	sne.s32 s12, $0xB00  }
.Ltmp2:
0x7a6: {  	_ = 	snop;
	(pc) =	sbr.rel @p1 .LBB2_2-.Ltmp2, $4  }
0x7a7: {  	vm1 =	vlt.s32 v52, v51  }
0x7a8: {  	v51 =	vsel vm1, $0x1, v49  }
0x7a9: {  	s6 =	sshra.s32 s12, $0x2;
	v50 =	vadd.s32 v51, v50  }
0x7aa: {  	s5 =	sadd.s32 $0x10, s5;
	s12 =	sadd.s32 $0x40, s12;
	[tilespmem:s6+$0x2000] =	vst v50  }
0x7ab: {  	s5 =	simm.s32 $0x0;
	s6 =	rddreg [dreg:$0x6]  }
.Ltmp3:
0x7ac: {  	s12 =	simm.s32 $0x2000;
	s31 =	simm.s32 $0x5;
	(pc) =	sbr.rel @!p0 .LBB2_6-.Ltmp3, $4  }
0x7ad: {  	[hbm4b:s6+s5] =	stream.linear.scatter [tilespmem:s12], [sflag:$0x5], $0x2D0, $0x38;
	[tilespmem:$0x14E00] =	vst v63  }
0x7ae: {  	_ =	swait.ge [sflag:s31], $0x2D0  }
0x7af: {  	[sflag:s31] =	ssyncset.done $0x0  }
0x7b0: {  	[dreg:$0x8] =	wrdreg s0;
	[sflag:s31] =	ssyncadd.s32 $0xFFFFFD30  }
0x7b1: {  	s5 =	simm.s32 $0x1396;
	s12 =	simm.s32 $0x2300  }
.LBB2_5:
0x7b2: {  	v50 =	vld.idx.msk [tilespmem:v48+s3+$0x0], $0xffff;
	_ =	sdelay $0x3  }
0x7b3: {  	v51 =	vadd.s32 s5, v47  }
0x7b4: {  	vm1 =	vlt.s32 v50, v51  }
0x7b5: {  	v50 =	vsel vm1, $0x1000, v49  }
0x7b6: {  	v52 =	vor.u32 $0x7FF, v50;
	_ =	sdelay $0x4  }
0x7b7: {  	v52 =	vld.idx.msk [tilespmem:v52+s3+$0x0], $0xffff;
	_ =	sdelay $0x4  }
0x7b8: {  	vm1 =	vlt.s32 v52, v51  }
0x7b9: {  	v52 =	vsel vm1, $0x800, v49  }
0x7ba: {  	v50 =	vor.u32 v50, v52  }
0x7bb: {  	v52 =	vor.u32 $0x3FF, v50;
	_ =	sdelay $0x4  }
0x7bc: {  	v52 =	vld.idx.msk [tilespmem:v52+s3+$0x0], $0xffff;
	_ =	sdelay $0x4  }
0x7bd: {  	vm1 =	vlt.s32 v52, v51  }
0x7be: {  	v52 =	vsel vm1, $0x400, v49  }
0x7bf: {  	v50 =	vor.u32 v52, v50  }
0x7c0: {  	v52 =	vor.u32 $0x1FF, v50;
	_ =	sdelay $0x4  }
0x7c1: {  	v52 =	vld.idx.msk [tilespmem:v52+s3+$0x0], $0xffff;
	_ =	sdelay $0x4  }
0x7c2: {  	vm1 =	vlt.s32 v52, v51  }
0x7c3: {  	v52 =	vsel vm1, $0x200, v49  }
0x7c4: {  	v50 =	vor.u32 v52, v50  }
0x7c5: {  	v52 =	vor.u32 $0xFF, v50;
	_ =	sdelay $0x4  }
0x7c6: {  	v52 =	vld.idx.msk [tilespmem:v52+s3+$0x0], $0xffff;
	_ =	sdelay $0x4  }
0x7c7: {  	vm1 =	vlt.s32 v52, v51  }
0x7c8: {  	v52 =	vsel vm1, $0x100, v49  }
0x7c9: {  	v50 =	vor.u32 v52, v50  }
0x7ca: {  	v52 =	vor.u32 $0x7F, v50;
	_ =	sdelay $0x4  }
0x7cb: {  	v52 =	vld.idx.msk [tilespmem:v52+s3+$0x0], $0xffff;
	_ =	sdelay $0x4  }
0x7cc: {  	vm1 =	vlt.s32 v52, v51  }
0x7cd: {  	v52 =	vsel vm1, $0x80, v49  }
0x7ce: {  	v50 =	vor.u32 v52, v50  }
0x7cf: {  	v52 =	vor.u32 $0x3F, v50;
	_ =	sdelay $0x4  }
0x7d0: {  	v52 =	vld.idx.msk [tilespmem:v52+s3+$0x0], $0xffff;
	_ =	sdelay $0x4  }
0x7d1: {  	vm1 =	vlt.s32 v52, v51  }
0x7d2: {  	v52 =	vsel vm1, $0x40, v49  }
0x7d3: {  	v50 =	vor.u32 v52, v50  }
0x7d4: {  	v52 =	vadd.s32 $0x1F, v50;
	_ =	sdelay $0x4  }
0x7d5: {  	v52 =	vld.idx.msk [tilespmem:v52+s3+$0x0], $0xffff;
	_ =	sdelay $0x4  }
0x7d6: {  	vm1 =	vlt.s32 v52, v51  }
0x7d7: {  	v52 =	vsel vm1, $0x20, v49  }
0x7d8: {  	v50 =	vadd.s32 v52, v50  }
0x7d9: {  	v52 =	vadd.s32 $0xF, v50;
	_ =	sdelay $0x4  }
0x7da: {  	v52 =	vld.idx.msk [tilespmem:v52+s3+$0x0], $0xffff;
	_ =	sdelay $0x4  }
0x7db: {  	vm1 =	vlt.s32 v52, v51  }
0x7dc: {  	v52 =	vsel vm1, $0x10, v49  }
0x7dd: {  	v50 =	vadd.s32 v52, v50  }
0x7de: {  	v52 =	vadd.s32 $0x7, v50;
	_ =	sdelay $0x4  }
0x7df: {  	v52 =	vld.idx.msk [tilespmem:v52+s3+$0x0], $0xffff;
	_ =	sdelay $0x4  }
0x7e0: {  	vm1 =	vlt.s32 v52, v51  }
0x7e1: {  	v52 =	vsel vm1, $0x8, v49  }
0x7e2: {  	v50 =	vadd.s32 v52, v50  }
0x7e3: {  	v52 =	vadd.s32 $0x3, v50;
	_ =	sdelay $0x4  }
0x7e4: {  	v52 =	vld.idx.msk [tilespmem:v52+s3+$0x0], $0xffff;
	_ =	sdelay $0x4  }
0x7e5: {  	vm1 =	vlt.s32 v52, v51  }
0x7e6: {  	v52 =	vsel vm1, $0x4, v49  }
0x7e7: {  	v50 =	vadd.s32 v52, v50  }
0x7e8: {  	v52 =	vadd.s32 $0x1, v50;
	_ =	sdelay $0x4  }
0x7e9: {  	v52 =	vld.idx.msk [tilespmem:v52+s3+$0x0], $0xffff;
	_ =	sdelay $0x4  }
0x7ea: {  	vm1 =	vlt.s32 v52, v51  }
0x7eb: {  	v52 =	vsel vm1, $0x2, v49  }
0x7ec: {  	v50 =	vadd.s32 v52, v50;
	_ =	sdelay $0x4  }
0x7ed: {  	v52 =	vld.idx.msk [tilespmem:v50+s3+$0x0], $0xffff;
	_ =	sdelay $0x3  }
0x7ee: {  	p1 =	sne.s32 s5, $0x1656  }
.Ltmp4:
0x7ef: {  	vm1 =	vlt.s32 v52, v51;
	(pc) =	sbr.rel @p1 .LBB2_5-.Ltmp4, $4  }
0x7f0: {  	v51 =	vsel vm1, $0x1, v49  }
0x7f1: {  	v51 =	vor.u32 v51, v1  }
0x7f2: {  	v50 =	vadd.s32 v50, v51  }
0x7f3: {  	s5 =	sadd.s32 $0x10, s5;
	[tilespmem:s12+$0x0] =	vst v50;
	s12 =	sadd.s32 $0x10, s12  }
.Ltmp5:
0x7f4: {  	_ = 	snop;
	(pc) =	sbr.rel .LBB2_9-.Ltmp5, $1  }
0x7f5: {  	_ =	sdelay $0x3  }
.LBB2_6:
0x7f6: {  	s5 =	simm.s32 $0x0  }
0x7f7: {  	s12 =	simm.s32 $0x40;
	v50 =	vld [tilespmem:s5+$0x2000]  }
.LBB2_7:
0x7f8: {  	p1 =	seq.s32 s12, $0xB00  }
.Ltmp6:
0x7f9: {  	_ = 	snop;
	(pc) =	sbr.rel @!p1 .LBB2_7-.Ltmp6, $3  }
0x7fa: {  	_ =	sdelay $0x1  }
0x7fb: {  	s6 =	sshra.s32 s12, $0x2;
	s12 =	sadd.s32 $0x40, s12;
	v51 =	vadd.s32 v1, v50  }
0x7fc: {  	v50 =	vld [tilespmem:s6+$0x2000];
	[tilespmem:s5+$0x2300] =	vst v51;
	s5 =	smov.u32 s6  }
.Ltmp7:
0x7fd: {  	_ = 	snop;
	(pc) =	sbr.rel .LBB2_8-.Ltmp7, $1  }
0x7fe: {  	_ =	sdelay $0x3  }
.LBB2_10:
0x7ff: {  	_ =	sfence.sel $0x180000  }
0x800: {  	[bflag:$0x0] =	sbarrier.arrive $0xFFFF  }
0x801: {  	_ =	strace $0x90000047  }
0x802: {  	s0 =	stileid.u32;
	[bflag:$0x2] =	sbarrier.arrive $0xFFFF  }
0x803: {  	p0 =	sne.s32 s0, $0x0;
	s0 =	rddreg [dreg:$0x3]  }
0x804: {  	s0 =	sadd.s32 @!p0 $0x100000, s0  }
0x805: {  	[sflag:s0] =	ssyncadd.tile.s32 @!p0 $0x1;
	_ =	shalt  }
.Lfunc_end2:
_tile_overlayer_lowered:
.L_overlay_start_2:
0x806: {  	(tag) =	ssettag $0x2  }
0x807: {  	s0 =	rddreg [dreg:$0x0];
	s2 =	stileid.u32  }
0x808: {  	s1 =	rddreg [dreg:$0x1];
	p0 =	sne.s32 s2, $0x0  }
0x809: {  	s3 =	rddreg [dreg:$0x2];
	[bflag:$0x3] =	sbarrier.arrive $0xFFFF;
	s2 =	simm.s32 @!p0 $0x1C05  }
0x80a: {  	[timem:s3], [sflag:s2] =	dma.local @!p0 [hbm:s0], s1  }
0x80b: {  	s0 =	simm.s32 @!p0 $0x5  }
0x80c: {  	_ =	swait.ge @!p0 [sflag:s0], s1  }
0x80d: {  	s1 =	ssub.s32 @!p0 $0x0, s1;
	[sflag:s0] =	ssyncset.done @!p0 $0x0  }
0x80e: {  	[sflag:s0] =	ssyncadd.s32 @!p0 s1  }
0x80f: {  	[bflag:$0x3] =	sbarrier.arrive $0xFFFF  }
0x810: {  	_ =	shalt  }

</sc_bundles>
